<compile_context>
chip_gen: v7x
topology: tpu7x:2x2x1
jax: 0.10.2.dev20260603
libtpu: 0.0.44.dev20260713+nightly
codegen_flags: <defaults>
</compile_context>

<pallas_src>
import functools

import jax
import jax.numpy as jnp
from jax import lax
from jax.experimental import pallas as pl
from jax.experimental.pallas import tpu as pltpu
from jax.experimental.pallas import tpu_sc as plsc

BATCH = 16384
RANK = 32
NC, NS, L = 2, 16, 16
NW = NC * NS
BPW = BATCH // NW
HALF = BPW // 2


def _cp_body(idx_hbm, lamb_hbm, f0_hbm, f1_hbm, f2_hbm, out_hbm,
             i_v, g0_v, g1_v, g2_v, lamb_v, out_v, sem0, sem1, sem2, sem3):
    wid = lax.axis_index("s") * NC + lax.axis_index("c")
    base = wid * BPW

    pltpu.sync_copy(idx_hbm.at[:, pl.ds(base, BPW)], i_v)

    QTR = BPW // 4
    copies = []
    for q in range(4):
        sl = pl.ds(q * QTR, QTR)
        for k, (f_hbm, g_v) in enumerate(
                ((f0_hbm, g0_v), (f1_hbm, g1_v), (f2_hbm, g2_v))):
            c = pltpu.make_async_copy(f_hbm.at[i_v.at[k, sl]], g_v.at[sl],
                                      (sem0, sem1, sem2, sem3)[q])
            c.start()
            copies.append(c)

    pltpu.sync_copy(lamb_hbm, lamb_v)
    lam = [plsc.load_gather(lamb_v, [jnp.full((L,), j, jnp.int32)])
           for j in range(RANK)]
    lanes = lax.iota(jnp.int32, L)

    def group(g, carry):
        rows = lanes + g * L
        accs = [jnp.zeros((L,), jnp.float32) for _ in range(4)]
        for j in range(RANK):
            col = jnp.full((L,), j, jnp.int32)
            v0 = plsc.load_gather(g0_v, [rows, col])
            v1 = plsc.load_gather(g1_v, [rows, col])
            v2 = plsc.load_gather(g2_v, [rows, col])
            accs[j % 4] = accs[j % 4] + (v0 * v1) * (v2 * lam[j])
        out_v[pl.ds(g * L, L)] = (accs[0] + accs[1]) + (accs[2] + accs[3])
        return carry

    for q in range(4):
        for c in copies[3 * q: 3 * q + 3]:
            c.wait()
        lax.fori_loop(q * (QTR // L), (q + 1) * (QTR // L), group, 0)

    pltpu.sync_copy(out_v, out_hbm.at[pl.ds(base, BPW)])


_cp_kernel = functools.partial(
    pl.kernel,
    out_type=jax.ShapeDtypeStruct((BATCH,), jnp.float32),
    mesh=plsc.VectorSubcoreMesh(core_axis_name="c", subcore_axis_name="s",
                                num_cores=NC, num_subcores=NS),
    compiler_params=pltpu.CompilerParams(needs_layout_passes=False,
                                         use_tc_tiling_on_sc=False),
    scratch_types=[
        pltpu.VMEM((3, BPW), jnp.int32),
        pltpu.VMEM((BPW, RANK), jnp.float32),
        pltpu.VMEM((BPW, RANK), jnp.float32),
        pltpu.VMEM((BPW, RANK), jnp.float32),
        pltpu.VMEM((RANK,), jnp.float32),
        pltpu.VMEM((BPW,), jnp.float32),
        pltpu.SemaphoreType.DMA,
        pltpu.SemaphoreType.DMA,
        pltpu.SemaphoreType.DMA,
        pltpu.SemaphoreType.DMA,
    ],
)(_cp_body)


def kernel(input, lamb, f0, f1, f2):
    idx_t = input.astype(jnp.int32).T
    return _cp_kernel(idx_t, lamb, f0, f1, f2)

# --- scband reference (transcript-rebuilt; emitter-appended) ---
"""Pipeline reference for scband-cp-39582418600045 (READ-ONLY COPY).

The authoritative reference and input builder live on the scoring server;
editing this copy changes nothing except your own understanding.
"""

import jax, jax.numpy as jnp
import numpy as np

SIZE = [100000, 100000, 100000]
RANK = 32
BATCH = 16384

def setup_inputs(seed: int = 0) -> dict:
    key = jax.random.key(seed)
    k_idx, k0, k1, k2 = jax.random.split(key, 4)
    idx = jax.random.randint(k_idx, (BATCH, 3), 0, SIZE[0])
    # factors initialized uniform [0,1) as in torch init.uniform_
    f0 = jax.random.uniform(k0, (SIZE[0], RANK), dtype=jnp.float32)
    f1 = jax.random.uniform(k1, (SIZE[1], RANK), dtype=jnp.float32)
    f2 = jax.random.uniform(k2, (SIZE[2], RANK), dtype=jnp.float32)
    lamb = jnp.ones((RANK,), dtype=jnp.float32)
    return {"input": idx, "lamb": lamb, "f0": f0, "f1": f1, "f2": f2}

def reference(input, lamb, f0, f1, f2):
    # CP tensor entry evaluation:
    # vals[b] = sum_j lamb[j] * prod_k factors[k][input[b,k], j]
    g0 = jnp.take(f0, input[:, 0], axis=0)  # [B, R]
    g1 = jnp.take(f1, input[:, 1], axis=0)  # [B, R]
    g2 = jnp.take(f2, input[:, 2], axis=0)  # [B, R]
    prod = g0 * g1 * g2                      # [B, R]
    vals = jnp.sum(prod * lamb[None, :], axis=-1)  # [B]
    return vals

if __name__ == "__main__":
    import jax
    _d = setup_inputs()
    print(jax.jit(kernel)(*tuple(_d.values())))

</pallas_src>

<mosaic_0001>
#map = affine_map<(d0, d1) -> (0, 0)>
#map1 = affine_map<(d0, d1) -> (0)>
module attributes {stable_mosaic.version = 14 : i64} {
  func.func @_cp_body(%arg0: i32, %arg1: i32, %arg2: memref<3x16384xi32, #tpu.memory_space<hbm>>, %arg3: memref<32xf32, #tpu.memory_space<hbm>>, %arg4: memref<100000x32xf32, #tpu.memory_space<hbm>>, %arg5: memref<100000x32xf32, #tpu.memory_space<hbm>>, %arg6: memref<100000x32xf32, #tpu.memory_space<hbm>>, %arg7: memref<16384xf32, #tpu.memory_space<hbm>>, %arg8: memref<3x512xi32, #tpu.memory_space<vmem>>, %arg9: memref<512x32xf32, #tpu.memory_space<vmem>>, %arg10: memref<512x32xf32, #tpu.memory_space<vmem>>, %arg11: memref<512x32xf32, #tpu.memory_space<vmem>>, %arg12: memref<32xf32, #tpu.memory_space<vmem>>, %arg13: memref<512xf32, #tpu.memory_space<vmem>>, %arg14: memref<!tpu.dma_semaphore, #tpu.memory_space<semaphore_mem>>, %arg15: memref<!tpu.dma_semaphore, #tpu.memory_space<semaphore_mem>>, %arg16: memref<!tpu.dma_semaphore, #tpu.memory_space<semaphore_mem>>, %arg17: memref<!tpu.dma_semaphore, #tpu.memory_space<semaphore_mem>>) attributes {dimension_semantics = [#tpu.dimension_semantics<core_parallel>, #tpu.dimension_semantics<subcore_parallel>], iteration_bounds = array<i64: 2, 16>, scalar_prefetch = 0 : i64, scratch_operands = 10 : i64, tpu.core_type = #tpu.core_type<sc_vector_subcore>, window_params = [{transform_indices = #map}, {transform_indices = #map1}, {transform_indices = #map}, {transform_indices = #map}, {transform_indices = #map}, {transform_indices = #map1}]} {
    %mul3A = arith.constant 2 : i32
    %mul3A_0 = arith.muli %arg1, %mul3A : i32
    %add3A = arith.addi %mul3A_0, %arg0 : i32
    %mul3A_1 = arith.constant 512 : i32
    %mul3A_2 = arith.muli %add3A, %mul3A_1 : i32
    "tpu.region"() ({
      %run_scoped3A = tpu.sem_alloc : memref<!tpu.dma_semaphore, #tpu.memory_space<semaphore_mem>>
      %dma_start3A_358 = arith.constant 0 : i32
      %dma_start3A_359 = tpu.memref_slice %arg2[%dma_start3A_358, %mul3A_2] : memref<3x16384xi32, #tpu.memory_space<hbm>> -> memref<3x512xi32, #tpu.memory_space<hbm>>
      %dma_start3A_360 = arith.constant 0 : i32
      %dma_start3A_361 = tpu.memref_slice %arg2[%dma_start3A_360, %mul3A_2] : memref<3x16384xi32, #tpu.memory_space<hbm>> -> memref<3x512xi32, #tpu.memory_space<hbm>>
      tpu.enqueue_dma source(%dma_start3A_361 : memref<3x512xi32, #tpu.memory_space<hbm>>) target(%arg8 : memref<3x512xi32, #tpu.memory_space<vmem>>) target_semaphore(%run_scoped3A : memref<!tpu.dma_semaphore, #tpu.memory_space<semaphore_mem>>)
      %dma_wait3A_362 = arith.constant 0 : i32
      %dma_wait3A_363 = tpu.memref_slice %arg2[%dma_wait3A_362, %mul3A_2] : memref<3x16384xi32, #tpu.memory_space<hbm>> -> memref<3x512xi32, #tpu.memory_space<hbm>>
      %dma_wait3A_364 = arith.constant 0 : i32
      %dma_wait3A_365 = tpu.memref_slice %arg2[%dma_wait3A_364, %mul3A_2] : memref<3x16384xi32, #tpu.memory_space<hbm>> -> memref<3x512xi32, #tpu.memory_space<hbm>>
      tpu.wait_dma2 semaphore(%run_scoped3A : memref<!tpu.dma_semaphore, #tpu.memory_space<semaphore_mem>>) src(%dma_wait3A_365 : memref<3x512xi32, #tpu.memory_space<hbm>>) dst(%arg8 : memref<3x512xi32, #tpu.memory_space<vmem>>)
      tpu.yield
    }) : () -> ()
    %dma_start3A = arith.constant 0 : i32
    %dma_start3A_3 = arith.constant 0 : i32
    %dma_start3A_4 = arith.constant 0 : i32
    %dma_start3A_5 = tpu.memref_slice %arg9[%dma_start3A_3, %dma_start3A_4] : memref<512x32xf32, #tpu.memory_space<vmem>> -> memref<128x32xf32, #tpu.memory_space<vmem>>
    %dma_start3A_6 = arith.constant 0 : i32
    %dma_start3A_7 = tpu.memref_slice %arg8[%dma_start3A, %dma_start3A_6] : memref<3x512xi32, #tpu.memory_space<vmem>> -> memref<1x128xi32, #tpu.memory_space<vmem>>
    %dma_start3A_8 = tpu.memref_squeeze %dma_start3A_7 : memref<1x128xi32, #tpu.memory_space<vmem>> -> memref<128xi32, #tpu.memory_space<vmem>>
    %dma_start3A_9 = arith.constant 0 : i32
    %dma_start3A_10 = arith.constant 0 : i32
    %dma_start3A_11 = tpu.memref_slice %arg4[%dma_start3A_9, %dma_start3A_10] : memref<100000x32xf32, #tpu.memory_space<hbm>> -> memref<100000x32xf32, #tpu.memory_space<hbm>>
    tpu.enqueue_indirect_dma source(%dma_start3A_11 : memref<100000x32xf32, #tpu.memory_space<hbm>>) target(%dma_start3A_5 : memref<128x32xf32, #tpu.memory_space<vmem>>) offsets(%dma_start3A_8 : memref<128xi32, #tpu.memory_space<vmem>>) semaphore(%arg14 : memref<!tpu.dma_semaphore, #tpu.memory_space<semaphore_mem>>)
    %dma_start3A_12 = arith.constant 1 : i32
    %dma_start3A_13 = arith.constant 0 : i32
    %dma_start3A_14 = arith.constant 0 : i32
    %dma_start3A_15 = tpu.memref_slice %arg10[%dma_start3A_13, %dma_start3A_14] : memref<512x32xf32, #tpu.memory_space<vmem>> -> memref<128x32xf32, #tpu.memory_space<vmem>>
    %dma_start3A_16 = arith.constant 0 : i32
    %dma_start3A_17 = tpu.memref_slice %arg8[%dma_start3A_12, %dma_start3A_16] : memref<3x512xi32, #tpu.memory_space<vmem>> -> memref<1x128xi32, #tpu.memory_space<vmem>>
    %dma_start3A_18 = tpu.memref_squeeze %dma_start3A_17 : memref<1x128xi32, #tpu.memory_space<vmem>> -> memref<128xi32, #tpu.memory_space<vmem>>
    %dma_start3A_19 = arith.constant 0 : i32
    %dma_start3A_20 = arith.constant 0 : i32
    %dma_start3A_21 = tpu.memref_slice %arg5[%dma_start3A_19, %dma_start3A_20] : memref<100000x32xf32, #tpu.memory_space<hbm>> -> memref<100000x32xf32, #tpu.memory_space<hbm>>
    tpu.enqueue_indirect_dma source(%dma_start3A_21 : memref<100000x32xf32, #tpu.memory_space<hbm>>) target(%dma_start3A_15 : memref<128x32xf32, #tpu.memory_space<vmem>>) offsets(%dma_start3A_18 : memref<128xi32, #tpu.memory_space<vmem>>) semaphore(%arg14 : memref<!tpu.dma_semaphore, #tpu.memory_space<semaphore_mem>>)
    %dma_start3A_22 = arith.constant 2 : i32
    %dma_start3A_23 = arith.constant 0 : i32
    %dma_start3A_24 = arith.constant 0 : i32
    %dma_start3A_25 = tpu.memref_slice %arg11[%dma_start3A_23, %dma_start3A_24] : memref<512x32xf32, #tpu.memory_space<vmem>> -> memref<128x32xf32, #tpu.memory_space<vmem>>
    %dma_start3A_26 = arith.constant 0 : i32
    %dma_start3A_27 = tpu.memref_slice %arg8[%dma_start3A_22, %dma_start3A_26] : memref<3x512xi32, #tpu.memory_space<vmem>> -> memref<1x128xi32, #tpu.memory_space<vmem>>
    %dma_start3A_28 = tpu.memref_squeeze %dma_start3A_27 : memref<1x128xi32, #tpu.memory_space<vmem>> -> memref<128xi32, #tpu.memory_space<vmem>>
    %dma_start3A_29 = arith.constant 0 : i32
    %dma_start3A_30 = arith.constant 0 : i32
    %dma_start3A_31 = tpu.memref_slice %arg6[%dma_start3A_29, %dma_start3A_30] : memref<100000x32xf32, #tpu.memory_space<hbm>> -> memref<100000x32xf32, #tpu.memory_space<hbm>>
    tpu.enqueue_indirect_dma source(%dma_start3A_31 : memref<100000x32xf32, #tpu.memory_space<hbm>>) target(%dma_start3A_25 : memref<128x32xf32, #tpu.memory_space<vmem>>) offsets(%dma_start3A_28 : memref<128xi32, #tpu.memory_space<vmem>>) semaphore(%arg14 : memref<!tpu.dma_semaphore, #tpu.memory_space<semaphore_mem>>)
    %dma_start3A_32 = arith.constant 0 : i32
    %dma_start3A_33 = arith.constant 128 : i32
    %dma_start3A_34 = arith.constant 0 : i32
    %dma_start3A_35 = tpu.memref_slice %arg9[%dma_start3A_33, %dma_start3A_34] : memref<512x32xf32, #tpu.memory_space<vmem>> -> memref<128x32xf32, #tpu.memory_space<vmem>>
    %dma_start3A_36 = arith.constant 128 : i32
    %dma_start3A_37 = tpu.memref_slice %arg8[%dma_start3A_32, %dma_start3A_36] : memref<3x512xi32, #tpu.memory_space<vmem>> -> memref<1x128xi32, #tpu.memory_space<vmem>>
    %dma_start3A_38 = tpu.memref_squeeze %dma_start3A_37 : memref<1x128xi32, #tpu.memory_space<vmem>> -> memref<128xi32, #tpu.memory_space<vmem>>
    %dma_start3A_39 = arith.constant 0 : i32
    %dma_start3A_40 = arith.constant 0 : i32
    %dma_start3A_41 = tpu.memref_slice %arg4[%dma_start3A_39, %dma_start3A_40] : memref<100000x32xf32, #tpu.memory_space<hbm>> -> memref<100000x32xf32, #tpu.memory_space<hbm>>
    tpu.enqueue_indirect_dma source(%dma_start3A_41 : memref<100000x32xf32, #tpu.memory_space<hbm>>) target(%dma_start3A_35 : memref<128x32xf32, #tpu.memory_space<vmem>>) offsets(%dma_start3A_38 : memref<128xi32, #tpu.memory_space<vmem>>) semaphore(%arg15 : memref<!tpu.dma_semaphore, #tpu.memory_space<semaphore_mem>>)
    %dma_start3A_42 = arith.constant 1 : i32
    %dma_start3A_43 = arith.constant 128 : i32
    %dma_start3A_44 = arith.constant 0 : i32
    %dma_start3A_45 = tpu.memref_slice %arg10[%dma_start3A_43, %dma_start3A_44] : memref<512x32xf32, #tpu.memory_space<vmem>> -> memref<128x32xf32, #tpu.memory_space<vmem>>
    %dma_start3A_46 = arith.constant 128 : i32
    %dma_start3A_47 = tpu.memref_slice %arg8[%dma_start3A_42, %dma_start3A_46] : memref<3x512xi32, #tpu.memory_space<vmem>> -> memref<1x128xi32, #tpu.memory_space<vmem>>
    %dma_start3A_48 = tpu.memref_squeeze %dma_start3A_47 : memref<1x128xi32, #tpu.memory_space<vmem>> -> memref<128xi32, #tpu.memory_space<vmem>>
    %dma_start3A_49 = arith.constant 0 : i32
    %dma_start3A_50 = arith.constant 0 : i32
    %dma_start3A_51 = tpu.memref_slice %arg5[%dma_start3A_49, %dma_start3A_50] : memref<100000x32xf32, #tpu.memory_space<hbm>> -> memref<100000x32xf32, #tpu.memory_space<hbm>>
    tpu.enqueue_indirect_dma source(%dma_start3A_51 : memref<100000x32xf32, #tpu.memory_space<hbm>>) target(%dma_start3A_45 : memref<128x32xf32, #tpu.memory_space<vmem>>) offsets(%dma_start3A_48 : memref<128xi32, #tpu.memory_space<vmem>>) semaphore(%arg15 : memref<!tpu.dma_semaphore, #tpu.memory_space<semaphore_mem>>)
    %dma_start3A_52 = arith.constant 2 : i32
    %dma_start3A_53 = arith.constant 128 : i32
    %dma_start3A_54 = arith.constant 0 : i32
    %dma_start3A_55 = tpu.memref_slice %arg11[%dma_start3A_53, %dma_start3A_54] : memref<512x32xf32, #tpu.memory_space<vmem>> -> memref<128x32xf32, #tpu.memory_space<vmem>>
    %dma_start3A_56 = arith.constant 128 : i32
    %dma_start3A_57 = tpu.memref_slice %arg8[%dma_start3A_52, %dma_start3A_56] : memref<3x512xi32, #tpu.memory_space<vmem>> -> memref<1x128xi32, #tpu.memory_space<vmem>>
    %dma_start3A_58 = tpu.memref_squeeze %dma_start3A_57 : memref<1x128xi32, #tpu.memory_space<vmem>> -> memref<128xi32, #tpu.memory_space<vmem>>
    %dma_start3A_59 = arith.constant 0 : i32
    %dma_start3A_60 = arith.constant 0 : i32
    %dma_start3A_61 = tpu.memref_slice %arg6[%dma_start3A_59, %dma_start3A_60] : memref<100000x32xf32, #tpu.memory_space<hbm>> -> memref<100000x32xf32, #tpu.memory_space<hbm>>
    tpu.enqueue_indirect_dma source(%dma_start3A_61 : memref<100000x32xf32, #tpu.memory_space<hbm>>) target(%dma_start3A_55 : memref<128x32xf32, #tpu.memory_space<vmem>>) offsets(%dma_start3A_58 : memref<128xi32, #tpu.memory_space<vmem>>) semaphore(%arg15 : memref<!tpu.dma_semaphore, #tpu.memory_space<semaphore_mem>>)
    %dma_start3A_62 = arith.constant 0 : i32
    %dma_start3A_63 = arith.constant 256 : i32
    %dma_start3A_64 = arith.constant 0 : i32
    %dma_start3A_65 = tpu.memref_slice %arg9[%dma_start3A_63, %dma_start3A_64] : memref<512x32xf32, #tpu.memory_space<vmem>> -> memref<128x32xf32, #tpu.memory_space<vmem>>
    %dma_start3A_66 = arith.constant 256 : i32
    %dma_start3A_67 = tpu.memref_slice %arg8[%dma_start3A_62, %dma_start3A_66] : memref<3x512xi32, #tpu.memory_space<vmem>> -> memref<1x128xi32, #tpu.memory_space<vmem>>
    %dma_start3A_68 = tpu.memref_squeeze %dma_start3A_67 : memref<1x128xi32, #tpu.memory_space<vmem>> -> memref<128xi32, #tpu.memory_space<vmem>>
    %dma_start3A_69 = arith.constant 0 : i32
    %dma_start3A_70 = arith.constant 0 : i32
    %dma_start3A_71 = tpu.memref_slice %arg4[%dma_start3A_69, %dma_start3A_70] : memref<100000x32xf32, #tpu.memory_space<hbm>> -> memref<100000x32xf32, #tpu.memory_space<hbm>>
    tpu.enqueue_indirect_dma source(%dma_start3A_71 : memref<100000x32xf32, #tpu.memory_space<hbm>>) target(%dma_start3A_65 : memref<128x32xf32, #tpu.memory_space<vmem>>) offsets(%dma_start3A_68 : memref<128xi32, #tpu.memory_space<vmem>>) semaphore(%arg16 : memref<!tpu.dma_semaphore, #tpu.memory_space<semaphore_mem>>)
    %dma_start3A_72 = arith.constant 1 : i32
    %dma_start3A_73 = arith.constant 256 : i32
    %dma_start3A_74 = arith.constant 0 : i32
    %dma_start3A_75 = tpu.memref_slice %arg10[%dma_start3A_73, %dma_start3A_74] : memref<512x32xf32, #tpu.memory_space<vmem>> -> memref<128x32xf32, #tpu.memory_space<vmem>>
    %dma_start3A_76 = arith.constant 256 : i32
    %dma_start3A_77 = tpu.memref_slice %arg8[%dma_start3A_72, %dma_start3A_76] : memref<3x512xi32, #tpu.memory_space<vmem>> -> memref<1x128xi32, #tpu.memory_space<vmem>>
    %dma_start3A_78 = tpu.memref_squeeze %dma_start3A_77 : memref<1x128xi32, #tpu.memory_space<vmem>> -> memref<128xi32, #tpu.memory_space<vmem>>
    %dma_start3A_79 = arith.constant 0 : i32
    %dma_start3A_80 = arith.constant 0 : i32
    %dma_start3A_81 = tpu.memref_slice %arg5[%dma_start3A_79, %dma_start3A_80] : memref<100000x32xf32, #tpu.memory_space<hbm>> -> memref<100000x32xf32, #tpu.memory_space<hbm>>
    tpu.enqueue_indirect_dma source(%dma_start3A_81 : memref<100000x32xf32, #tpu.memory_space<hbm>>) target(%dma_start3A_75 : memref<128x32xf32, #tpu.memory_space<vmem>>) offsets(%dma_start3A_78 : memref<128xi32, #tpu.memory_space<vmem>>) semaphore(%arg16 : memref<!tpu.dma_semaphore, #tpu.memory_space<semaphore_mem>>)
    %dma_start3A_82 = arith.constant 2 : i32
    %dma_start3A_83 = arith.constant 256 : i32
    %dma_start3A_84 = arith.constant 0 : i32
    %dma_start3A_85 = tpu.memref_slice %arg11[%dma_start3A_83, %dma_start3A_84] : memref<512x32xf32, #tpu.memory_space<vmem>> -> memref<128x32xf32, #tpu.memory_space<vmem>>
    %dma_start3A_86 = arith.constant 256 : i32
    %dma_start3A_87 = tpu.memref_slice %arg8[%dma_start3A_82, %dma_start3A_86] : memref<3x512xi32, #tpu.memory_space<vmem>> -> memref<1x128xi32, #tpu.memory_space<vmem>>
    %dma_start3A_88 = tpu.memref_squeeze %dma_start3A_87 : memref<1x128xi32, #tpu.memory_space<vmem>> -> memref<128xi32, #tpu.memory_space<vmem>>
    %dma_start3A_89 = arith.constant 0 : i32
    %dma_start3A_90 = arith.constant 0 : i32
    %dma_start3A_91 = tpu.memref_slice %arg6[%dma_start3A_89, %dma_start3A_90] : memref<100000x32xf32, #tpu.memory_space<hbm>> -> memref<100000x32xf32, #tpu.memory_space<hbm>>
    tpu.enqueue_indirect_dma source(%dma_start3A_91 : memref<100000x32xf32, #tpu.memory_space<hbm>>) target(%dma_start3A_85 : memref<128x32xf32, #tpu.memory_space<vmem>>) offsets(%dma_start3A_88 : memref<128xi32, #tpu.memory_space<vmem>>) semaphore(%arg16 : memref<!tpu.dma_semaphore, #tpu.memory_space<semaphore_mem>>)
    %dma_start3A_92 = arith.constant 0 : i32
    %dma_start3A_93 = arith.constant 384 : i32
    %dma_start3A_94 = arith.constant 0 : i32
    %dma_start3A_95 = tpu.memref_slice %arg9[%dma_start3A_93, %dma_start3A_94] : memref<512x32xf32, #tpu.memory_space<vmem>> -> memref<128x32xf32, #tpu.memory_space<vmem>>
    %dma_start3A_96 = arith.constant 384 : i32
    %dma_start3A_97 = tpu.memref_slice %arg8[%dma_start3A_92, %dma_start3A_96] : memref<3x512xi32, #tpu.memory_space<vmem>> -> memref<1x128xi32, #tpu.memory_space<vmem>>
    %dma_start3A_98 = tpu.memref_squeeze %dma_start3A_97 : memref<1x128xi32, #tpu.memory_space<vmem>> -> memref<128xi32, #tpu.memory_space<vmem>>
    %dma_start3A_99 = arith.constant 0 : i32
    %dma_start3A_100 = arith.constant 0 : i32
    %dma_start3A_101 = tpu.memref_slice %arg4[%dma_start3A_99, %dma_start3A_100] : memref<100000x32xf32, #tpu.memory_space<hbm>> -> memref<100000x32xf32, #tpu.memory_space<hbm>>
    tpu.enqueue_indirect_dma source(%dma_start3A_101 : memref<100000x32xf32, #tpu.memory_space<hbm>>) target(%dma_start3A_95 : memref<128x32xf32, #tpu.memory_space<vmem>>) offsets(%dma_start3A_98 : memref<128xi32, #tpu.memory_space<vmem>>) semaphore(%arg17 : memref<!tpu.dma_semaphore, #tpu.memory_space<semaphore_mem>>)
    %dma_start3A_102 = arith.constant 1 : i32
    %dma_start3A_103 = arith.constant 384 : i32
    %dma_start3A_104 = arith.constant 0 : i32
    %dma_start3A_105 = tpu.memref_slice %arg10[%dma_start3A_103, %dma_start3A_104] : memref<512x32xf32, #tpu.memory_space<vmem>> -> memref<128x32xf32, #tpu.memory_space<vmem>>
    %dma_start3A_106 = arith.constant 384 : i32
    %dma_start3A_107 = tpu.memref_slice %arg8[%dma_start3A_102, %dma_start3A_106] : memref<3x512xi32, #tpu.memory_space<vmem>> -> memref<1x128xi32, #tpu.memory_space<vmem>>
    %dma_start3A_108 = tpu.memref_squeeze %dma_start3A_107 : memref<1x128xi32, #tpu.memory_space<vmem>> -> memref<128xi32, #tpu.memory_space<vmem>>
    %dma_start3A_109 = arith.constant 0 : i32
    %dma_start3A_110 = arith.constant 0 : i32
    %dma_start3A_111 = tpu.memref_slice %arg5[%dma_start3A_109, %dma_start3A_110] : memref<100000x32xf32, #tpu.memory_space<hbm>> -> memref<100000x32xf32, #tpu.memory_space<hbm>>
    tpu.enqueue_indirect_dma source(%dma_start3A_111 : memref<100000x32xf32, #tpu.memory_space<hbm>>) target(%dma_start3A_105 : memref<128x32xf32, #tpu.memory_space<vmem>>) offsets(%dma_start3A_108 : memref<128xi32, #tpu.memory_space<vmem>>) semaphore(%arg17 : memref<!tpu.dma_semaphore, #tpu.memory_space<semaphore_mem>>)
    %dma_start3A_112 = arith.constant 2 : i32
    %dma_start3A_113 = arith.constant 384 : i32
    %dma_start3A_114 = arith.constant 0 : i32
    %dma_start3A_115 = tpu.memref_slice %arg11[%dma_start3A_113, %dma_start3A_114] : memref<512x32xf32, #tpu.memory_space<vmem>> -> memref<128x32xf32, #tpu.memory_space<vmem>>
    %dma_start3A_116 = arith.constant 384 : i32
    %dma_start3A_117 = tpu.memref_slice %arg8[%dma_start3A_112, %dma_start3A_116] : memref<3x512xi32, #tpu.memory_space<vmem>> -> memref<1x128xi32, #tpu.memory_space<vmem>>
    %dma_start3A_118 = tpu.memref_squeeze %dma_start3A_117 : memref<1x128xi32, #tpu.memory_space<vmem>> -> memref<128xi32, #tpu.memory_space<vmem>>
    %dma_start3A_119 = arith.constant 0 : i32
    %dma_start3A_120 = arith.constant 0 : i32
    %dma_start3A_121 = tpu.memref_slice %arg6[%dma_start3A_119, %dma_start3A_120] : memref<100000x32xf32, #tpu.memory_space<hbm>> -> memref<100000x32xf32, #tpu.memory_space<hbm>>
    tpu.enqueue_indirect_dma source(%dma_start3A_121 : memref<100000x32xf32, #tpu.memory_space<hbm>>) target(%dma_start3A_115 : memref<128x32xf32, #tpu.memory_space<vmem>>) offsets(%dma_start3A_118 : memref<128xi32, #tpu.memory_space<vmem>>) semaphore(%arg17 : memref<!tpu.dma_semaphore, #tpu.memory_space<semaphore_mem>>)
    "tpu.region"() ({
      %run_scoped3A = tpu.sem_alloc : memref<!tpu.dma_semaphore, #tpu.memory_space<semaphore_mem>>
      tpu.enqueue_dma source(%arg3 : memref<32xf32, #tpu.memory_space<hbm>>) target(%arg12 : memref<32xf32, #tpu.memory_space<vmem>>) target_semaphore(%run_scoped3A : memref<!tpu.dma_semaphore, #tpu.memory_space<semaphore_mem>>)
      tpu.wait_dma2 semaphore(%run_scoped3A : memref<!tpu.dma_semaphore, #tpu.memory_space<semaphore_mem>>) src(%arg3 : memref<32xf32, #tpu.memory_space<hbm>>) dst(%arg12 : memref<32xf32, #tpu.memory_space<vmem>>)
      tpu.yield
    }) : () -> ()
    %broadcast_in_dim3A = arith.constant 0 : i32
    %broadcast_in_dim3A_122 = vector.broadcast %broadcast_in_dim3A : i32 to vector<16xi32>
    %gather3A = tpu.vector_load_idx %arg12[%broadcast_in_dim3A_122] : memref<32xf32, #tpu.memory_space<vmem>>[vector<16xi32>], vector<16xf32>,
    %broadcast_in_dim3A_123 = arith.constant 1 : i32
    %broadcast_in_dim3A_124 = vector.broadcast %broadcast_in_dim3A_123 : i32 to vector<16xi32>
    %gather3A_125 = tpu.vector_load_idx %arg12[%broadcast_in_dim3A_124] : memref<32xf32, #tpu.memory_space<vmem>>[vector<16xi32>], vector<16xf32>,
    %broadcast_in_dim3A_126 = arith.constant 2 : i32
    %broadcast_in_dim3A_127 = vector.broadcast %broadcast_in_dim3A_126 : i32 to vector<16xi32>
    %gather3A_128 = tpu.vector_load_idx %arg12[%broadcast_in_dim3A_127] : memref<32xf32, #tpu.memory_space<vmem>>[vector<16xi32>], vector<16xf32>,
    %broadcast_in_dim3A_129 = arith.constant 3 : i32
    %broadcast_in_dim3A_130 = vector.broadcast %broadcast_in_dim3A_129 : i32 to vector<16xi32>
    %gather3A_131 = tpu.vector_load_idx %arg12[%broadcast_in_dim3A_130] : memref<32xf32, #tpu.memory_space<vmem>>[vector<16xi32>], vector<16xf32>,
    %broadcast_in_dim3A_132 = arith.constant 4 : i32
    %broadcast_in_dim3A_133 = vector.broadcast %broadcast_in_dim3A_132 : i32 to vector<16xi32>
    %gather3A_134 = tpu.vector_load_idx %arg12[%broadcast_in_dim3A_133] : memref<32xf32, #tpu.memory_space<vmem>>[vector<16xi32>], vector<16xf32>,
    %broadcast_in_dim3A_135 = arith.constant 5 : i32
    %broadcast_in_dim3A_136 = vector.broadcast %broadcast_in_dim3A_135 : i32 to vector<16xi32>
    %gather3A_137 = tpu.vector_load_idx %arg12[%broadcast_in_dim3A_136] : memref<32xf32, #tpu.memory_space<vmem>>[vector<16xi32>], vector<16xf32>,
    %broadcast_in_dim3A_138 = arith.constant 6 : i32
    %broadcast_in_dim3A_139 = vector.broadcast %broadcast_in_dim3A_138 : i32 to vector<16xi32>
    %gather3A_140 = tpu.vector_load_idx %arg12[%broadcast_in_dim3A_139] : memref<32xf32, #tpu.memory_space<vmem>>[vector<16xi32>], vector<16xf32>,
    %broadcast_in_dim3A_141 = arith.constant 7 : i32
    %broadcast_in_dim3A_142 = vector.broadcast %broadcast_in_dim3A_141 : i32 to vector<16xi32>
    %gather3A_143 = tpu.vector_load_idx %arg12[%broadcast_in_dim3A_142] : memref<32xf32, #tpu.memory_space<vmem>>[vector<16xi32>], vector<16xf32>,
    %broadcast_in_dim3A_144 = arith.constant 8 : i32
    %broadcast_in_dim3A_145 = vector.broadcast %broadcast_in_dim3A_144 : i32 to vector<16xi32>
    %gather3A_146 = tpu.vector_load_idx %arg12[%broadcast_in_dim3A_145] : memref<32xf32, #tpu.memory_space<vmem>>[vector<16xi32>], vector<16xf32>,
    %broadcast_in_dim3A_147 = arith.constant 9 : i32
    %broadcast_in_dim3A_148 = vector.broadcast %broadcast_in_dim3A_147 : i32 to vector<16xi32>
    %gather3A_149 = tpu.vector_load_idx %arg12[%broadcast_in_dim3A_148] : memref<32xf32, #tpu.memory_space<vmem>>[vector<16xi32>], vector<16xf32>,
    %broadcast_in_dim3A_150 = arith.constant 10 : i32
    %broadcast_in_dim3A_151 = vector.broadcast %broadcast_in_dim3A_150 : i32 to vector<16xi32>
    %gather3A_152 = tpu.vector_load_idx %arg12[%broadcast_in_dim3A_151] : memref<32xf32, #tpu.memory_space<vmem>>[vector<16xi32>], vector<16xf32>,
    %broadcast_in_dim3A_153 = arith.constant 11 : i32
    %broadcast_in_dim3A_154 = vector.broadcast %broadcast_in_dim3A_153 : i32 to vector<16xi32>
    %gather3A_155 = tpu.vector_load_idx %arg12[%broadcast_in_dim3A_154] : memref<32xf32, #tpu.memory_space<vmem>>[vector<16xi32>], vector<16xf32>,
    %broadcast_in_dim3A_156 = arith.constant 12 : i32
    %broadcast_in_dim3A_157 = vector.broadcast %broadcast_in_dim3A_156 : i32 to vector<16xi32>
    %gather3A_158 = tpu.vector_load_idx %arg12[%broadcast_in_dim3A_157] : memref<32xf32, #tpu.memory_space<vmem>>[vector<16xi32>], vector<16xf32>,
    %broadcast_in_dim3A_159 = arith.constant 13 : i32
    %broadcast_in_dim3A_160 = vector.broadcast %broadcast_in_dim3A_159 : i32 to vector<16xi32>
    %gather3A_161 = tpu.vector_load_idx %arg12[%broadcast_in_dim3A_160] : memref<32xf32, #tpu.memory_space<vmem>>[vector<16xi32>], vector<16xf32>,
    %broadcast_in_dim3A_162 = arith.constant 14 : i32
    %broadcast_in_dim3A_163 = vector.broadcast %broadcast_in_dim3A_162 : i32 to vector<16xi32>
    %gather3A_164 = tpu.vector_load_idx %arg12[%broadcast_in_dim3A_163] : memref<32xf32, #tpu.memory_space<vmem>>[vector<16xi32>], vector<16xf32>,
    %broadcast_in_dim3A_165 = arith.constant 15 : i32
    %broadcast_in_dim3A_166 = vector.broadcast %broadcast_in_dim3A_165 : i32 to vector<16xi32>
    %gather3A_167 = tpu.vector_load_idx %arg12[%broadcast_in_dim3A_166] : memref<32xf32, #tpu.memory_space<vmem>>[vector<16xi32>], vector<16xf32>,
    %broadcast_in_dim3A_168 = arith.constant 16 : i32
    %broadcast_in_dim3A_169 = vector.broadcast %broadcast_in_dim3A_168 : i32 to vector<16xi32>
    %gather3A_170 = tpu.vector_load_idx %arg12[%broadcast_in_dim3A_169] : memref<32xf32, #tpu.memory_space<vmem>>[vector<16xi32>], vector<16xf32>,
    %broadcast_in_dim3A_171 = arith.constant 17 : i32
    %broadcast_in_dim3A_172 = vector.broadcast %broadcast_in_dim3A_171 : i32 to vector<16xi32>
    %gather3A_173 = tpu.vector_load_idx %arg12[%broadcast_in_dim3A_172] : memref<32xf32, #tpu.memory_space<vmem>>[vector<16xi32>], vector<16xf32>,
    %broadcast_in_dim3A_174 = arith.constant 18 : i32
    %broadcast_in_dim3A_175 = vector.broadcast %broadcast_in_dim3A_174 : i32 to vector<16xi32>
    %gather3A_176 = tpu.vector_load_idx %arg12[%broadcast_in_dim3A_175] : memref<32xf32, #tpu.memory_space<vmem>>[vector<16xi32>], vector<16xf32>,
    %broadcast_in_dim3A_177 = arith.constant 19 : i32
    %broadcast_in_dim3A_178 = vector.broadcast %broadcast_in_dim3A_177 : i32 to vector<16xi32>
    %gather3A_179 = tpu.vector_load_idx %arg12[%broadcast_in_dim3A_178] : memref<32xf32, #tpu.memory_space<vmem>>[vector<16xi32>], vector<16xf32>,
    %broadcast_in_dim3A_180 = arith.constant 20 : i32
    %broadcast_in_dim3A_181 = vector.broadcast %broadcast_in_dim3A_180 : i32 to vector<16xi32>
    %gather3A_182 = tpu.vector_load_idx %arg12[%broadcast_in_dim3A_181] : memref<32xf32, #tpu.memory_space<vmem>>[vector<16xi32>], vector<16xf32>,
    %broadcast_in_dim3A_183 = arith.constant 21 : i32
    %broadcast_in_dim3A_184 = vector.broadcast %broadcast_in_dim3A_183 : i32 to vector<16xi32>
    %gather3A_185 = tpu.vector_load_idx %arg12[%broadcast_in_dim3A_184] : memref<32xf32, #tpu.memory_space<vmem>>[vector<16xi32>], vector<16xf32>,
    %broadcast_in_dim3A_186 = arith.constant 22 : i32
    %broadcast_in_dim3A_187 = vector.broadcast %broadcast_in_dim3A_186 : i32 to vector<16xi32>
    %gather3A_188 = tpu.vector_load_idx %arg12[%broadcast_in_dim3A_187] : memref<32xf32, #tpu.memory_space<vmem>>[vector<16xi32>], vector<16xf32>,
    %broadcast_in_dim3A_189 = arith.constant 23 : i32
    %broadcast_in_dim3A_190 = vector.broadcast %broadcast_in_dim3A_189 : i32 to vector<16xi32>
    %gather3A_191 = tpu.vector_load_idx %arg12[%broadcast_in_dim3A_190] : memref<32xf32, #tpu.memory_space<vmem>>[vector<16xi32>], vector<16xf32>,
    %broadcast_in_dim3A_192 = arith.constant 24 : i32
    %broadcast_in_dim3A_193 = vector.broadcast %broadcast_in_dim3A_192 : i32 to vector<16xi32>
    %gather3A_194 = tpu.vector_load_idx %arg12[%broadcast_in_dim3A_193] : memref<32xf32, #tpu.memory_space<vmem>>[vector<16xi32>], vector<16xf32>,
    %broadcast_in_dim3A_195 = arith.constant 25 : i32
    %broadcast_in_dim3A_196 = vector.broadcast %broadcast_in_dim3A_195 : i32 to vector<16xi32>
    %gather3A_197 = tpu.vector_load_idx %arg12[%broadcast_in_dim3A_196] : memref<32xf32, #tpu.memory_space<vmem>>[vector<16xi32>], vector<16xf32>,
    %broadcast_in_dim3A_198 = arith.constant 26 : i32
    %broadcast_in_dim3A_199 = vector.broadcast %broadcast_in_dim3A_198 : i32 to vector<16xi32>
    %gather3A_200 = tpu.vector_load_idx %arg12[%broadcast_in_dim3A_199] : memref<32xf32, #tpu.memory_space<vmem>>[vector<16xi32>], vector<16xf32>,
    %broadcast_in_dim3A_201 = arith.constant 27 : i32
    %broadcast_in_dim3A_202 = vector.broadcast %broadcast_in_dim3A_201 : i32 to vector<16xi32>
    %gather3A_203 = tpu.vector_load_idx %arg12[%broadcast_in_dim3A_202] : memref<32xf32, #tpu.memory_space<vmem>>[vector<16xi32>], vector<16xf32>,
    %broadcast_in_dim3A_204 = arith.constant 28 : i32
    %broadcast_in_dim3A_205 = vector.broadcast %broadcast_in_dim3A_204 : i32 to vector<16xi32>
    %gather3A_206 = tpu.vector_load_idx %arg12[%broadcast_in_dim3A_205] : memref<32xf32, #tpu.memory_space<vmem>>[vector<16xi32>], vector<16xf32>,
    %broadcast_in_dim3A_207 = arith.constant 29 : i32
    %broadcast_in_dim3A_208 = vector.broadcast %broadcast_in_dim3A_207 : i32 to vector<16xi32>
    %gather3A_209 = tpu.vector_load_idx %arg12[%broadcast_in_dim3A_208] : memref<32xf32, #tpu.memory_space<vmem>>[vector<16xi32>], vector<16xf32>,
    %broadcast_in_dim3A_210 = arith.constant 30 : i32
    %broadcast_in_dim3A_211 = vector.broadcast %broadcast_in_dim3A_210 : i32 to vector<16xi32>
    %gather3A_212 = tpu.vector_load_idx %arg12[%broadcast_in_dim3A_211] : memref<32xf32, #tpu.memory_space<vmem>>[vector<16xi32>], vector<16xf32>,
    %broadcast_in_dim3A_213 = arith.constant 31 : i32
    %broadcast_in_dim3A_214 = vector.broadcast %broadcast_in_dim3A_213 : i32 to vector<16xi32>
    %gather3A_215 = tpu.vector_load_idx %arg12[%broadcast_in_dim3A_214] : memref<32xf32, #tpu.memory_space<vmem>>[vector<16xi32>], vector<16xf32>,
    %iota3A = tpu.iota {dimensions = array<i32: 0>} : vector<16xi32>
    %dma_wait3A = arith.constant 0 : i32
    %dma_wait3A_216 = arith.constant 0 : i32
    %dma_wait3A_217 = arith.constant 0 : i32
    %dma_wait3A_218 = tpu.memref_slice %arg9[%dma_wait3A_216, %dma_wait3A_217] : memref<512x32xf32, #tpu.memory_space<vmem>> -> memref<128x32xf32, #tpu.memory_space<vmem>>
    %dma_wait3A_219 = arith.constant 0 : i32
    %dma_wait3A_220 = tpu.memref_slice %arg8[%dma_wait3A, %dma_wait3A_219] : memref<3x512xi32, #tpu.memory_space<vmem>> -> memref<1x128xi32, #tpu.memory_space<vmem>>
    %dma_wait3A_221 = tpu.memref_squeeze %dma_wait3A_220 : memref<1x128xi32, #tpu.memory_space<vmem>> -> memref<128xi32, #tpu.memory_space<vmem>>
    %dma_wait3A_222 = arith.constant 0 : i32
    %dma_wait3A_223 = arith.constant 0 : i32
    %dma_wait3A_224 = tpu.memref_slice %arg4[%dma_wait3A_222, %dma_wait3A_223] : memref<100000x32xf32, #tpu.memory_space<hbm>> -> memref<100000x32xf32, #tpu.memory_space<hbm>>
    tpu.wait_indirect_dma semaphore(%arg14 : memref<!tpu.dma_semaphore, #tpu.memory_space<semaphore_mem>>) src(%dma_wait3A_224 : memref<100000x32xf32, #tpu.memory_space<hbm>>) dst(%dma_wait3A_218 : memref<128x32xf32, #tpu.memory_space<vmem>>)
    %dma_wait3A_225 = arith.constant 1 : i32
    %dma_wait3A_226 = arith.constant 0 : i32
    %dma_wait3A_227 = arith.constant 0 : i32
    %dma_wait3A_228 = tpu.memref_slice %arg10[%dma_wait3A_226, %dma_wait3A_227] : memref<512x32xf32, #tpu.memory_space<vmem>> -> memref<128x32xf32, #tpu.memory_space<vmem>>
    %dma_wait3A_229 = arith.constant 0 : i32
    %dma_wait3A_230 = tpu.memref_slice %arg8[%dma_wait3A_225, %dma_wait3A_229] : memref<3x512xi32, #tpu.memory_space<vmem>> -> memref<1x128xi32, #tpu.memory_space<vmem>>
    %dma_wait3A_231 = tpu.memref_squeeze %dma_wait3A_230 : memref<1x128xi32, #tpu.memory_space<vmem>> -> memref<128xi32, #tpu.memory_space<vmem>>
    %dma_wait3A_232 = arith.constant 0 : i32
    %dma_wait3A_233 = arith.constant 0 : i32
    %dma_wait3A_234 = tpu.memref_slice %arg5[%dma_wait3A_232, %dma_wait3A_233] : memref<100000x32xf32, #tpu.memory_space<hbm>> -> memref<100000x32xf32, #tpu.memory_space<hbm>>
    tpu.wait_indirect_dma semaphore(%arg14 : memref<!tpu.dma_semaphore, #tpu.memory_space<semaphore_mem>>) src(%dma_wait3A_234 : memref<100000x32xf32, #tpu.memory_space<hbm>>) dst(%dma_wait3A_228 : memref<128x32xf32, #tpu.memory_space<vmem>>)
    %dma_wait3A_235 = arith.constant 2 : i32
    %dma_wait3A_236 = arith.constant 0 : i32
    %dma_wait3A_237 = arith.constant 0 : i32
    %dma_wait3A_238 = tpu.memref_slice %arg11[%dma_wait3A_236, %dma_wait3A_237] : memref<512x32xf32, #tpu.memory_space<vmem>> -> memref<128x32xf32, #tpu.memory_space<vmem>>
    %dma_wait3A_239 = arith.constant 0 : i32
    %dma_wait3A_240 = tpu.memref_slice %arg8[%dma_wait3A_235, %dma_wait3A_239] : memref<3x512xi32, #tpu.memory_space<vmem>> -> memref<1x128xi32, #tpu.memory_space<vmem>>
    %dma_wait3A_241 = tpu.memref_squeeze %dma_wait3A_240 : memref<1x128xi32, #tpu.memory_space<vmem>> -> memref<128xi32, #tpu.memory_space<vmem>>
    %dma_wait3A_242 = arith.constant 0 : i32
    %dma_wait3A_243 = arith.constant 0 : i32
    %dma_wait3A_244 = tpu.memref_slice %arg6[%dma_wait3A_242, %dma_wait3A_243] : memref<100000x32xf32, #tpu.memory_space<hbm>> -> memref<100000x32xf32, #tpu.memory_space<hbm>>
    tpu.wait_indirect_dma semaphore(%arg14 : memref<!tpu.dma_semaphore, #tpu.memory_space<semaphore_mem>>) src(%dma_wait3A_244 : memref<100000x32xf32, #tpu.memory_space<hbm>>) dst(%dma_wait3A_238 : memref<128x32xf32, #tpu.memory_space<vmem>>)
    %scan3A = arith.constant 0 : i32
    %scan3A_245 = arith.constant 0 : i32
    %scan3A_246 = arith.constant 8 : i32
    %scan3A_247 = arith.addi %scan3A_245, %scan3A_246 : i32
    %scan3A_248 = arith.constant 1 : i32
    scf.for %scan3A_358 = %scan3A_245 to %scan3A_247 step %scan3A_248  : i32 {
      %mul3A_359 = arith.constant 16 : i32
      %mul3A_360 = arith.muli %scan3A_358, %mul3A_359 : i32
      %add3A_361 = vector.broadcast %mul3A_360 : i32 to vector<16xi32>
      %add3A_362 = arith.addi %iota3A, %add3A_361 : vector<16xi32>
      %broadcast_in_dim3A_363 = arith.constant 0.000000e+00 : f32
      %broadcast_in_dim3A_364 = vector.broadcast %broadcast_in_dim3A_363 : f32 to vector<16xf32>
      %broadcast_in_dim3A_365 = arith.constant 0.000000e+00 : f32
      %broadcast_in_dim3A_366 = vector.broadcast %broadcast_in_dim3A_365 : f32 to vector<16xf32>
      %broadcast_in_dim3A_367 = arith.constant 0.000000e+00 : f32
      %broadcast_in_dim3A_368 = vector.broadcast %broadcast_in_dim3A_367 : f32 to vector<16xf32>
      %broadcast_in_dim3A_369 = arith.constant 0.000000e+00 : f32
      %broadcast_in_dim3A_370 = vector.broadcast %broadcast_in_dim3A_369 : f32 to vector<16xf32>
      %broadcast_in_dim3A_371 = arith.constant 0 : i32
      %broadcast_in_dim3A_372 = vector.broadcast %broadcast_in_dim3A_371 : i32 to vector<16xi32>
      %gather3A_373 = tpu.vector_load_idx %arg9[%add3A_362, %broadcast_in_dim3A_372] : memref<512x32xf32, #tpu.memory_space<vmem>>[vector<16xi32>, vector<16xi32>], vector<16xf32>,
      %gather3A_374 = tpu.vector_load_idx %arg10[%add3A_362, %broadcast_in_dim3A_372] : memref<512x32xf32, #tpu.memory_space<vmem>>[vector<16xi32>, vector<16xi32>], vector<16xf32>,
      %gather3A_375 = tpu.vector_load_idx %arg11[%add3A_362, %broadcast_in_dim3A_372] : memref<512x32xf32, #tpu.memory_space<vmem>>[vector<16xi32>, vector<16xi32>], vector<16xf32>,
      %mul3A_376 = arith.mulf %gather3A_373, %gather3A_374 : vector<16xf32>
      %mul3A_377 = arith.mulf %gather3A_375, %gather3A : vector<16xf32>
      %mul3A_378 = arith.mulf %mul3A_376, %mul3A_377 : vector<16xf32>
      %add3A_379 = arith.addf %broadcast_in_dim3A_364, %mul3A_378 : vector<16xf32>
      %broadcast_in_dim3A_380 = arith.constant 1 : i32
      %broadcast_in_dim3A_381 = vector.broadcast %broadcast_in_dim3A_380 : i32 to vector<16xi32>
      %gather3A_382 = tpu.vector_load_idx %arg9[%add3A_362, %broadcast_in_dim3A_381] : memref<512x32xf32, #tpu.memory_space<vmem>>[vector<16xi32>, vector<16xi32>], vector<16xf32>,
      %gather3A_383 = tpu.vector_load_idx %arg10[%add3A_362, %broadcast_in_dim3A_381] : memref<512x32xf32, #tpu.memory_space<vmem>>[vector<16xi32>, vector<16xi32>], vector<16xf32>,
      %gather3A_384 = tpu.vector_load_idx %arg11[%add3A_362, %broadcast_in_dim3A_381] : memref<512x32xf32, #tpu.memory_space<vmem>>[vector<16xi32>, vector<16xi32>], vector<16xf32>,
      %mul3A_385 = arith.mulf %gather3A_382, %gather3A_383 : vector<16xf32>
      %mul3A_386 = arith.mulf %gather3A_384, %gather3A_125 : vector<16xf32>
      %mul3A_387 = arith.mulf %mul3A_385, %mul3A_386 : vector<16xf32>
      %add3A_388 = arith.addf %broadcast_in_dim3A_366, %mul3A_387 : vector<16xf32>
      %broadcast_in_dim3A_389 = arith.constant 2 : i32
      %broadcast_in_dim3A_390 = vector.broadcast %broadcast_in_dim3A_389 : i32 to vector<16xi32>
      %gather3A_391 = tpu.vector_load_idx %arg9[%add3A_362, %broadcast_in_dim3A_390] : memref<512x32xf32, #tpu.memory_space<vmem>>[vector<16xi32>, vector<16xi32>], vector<16xf32>,
      %gather3A_392 = tpu.vector_load_idx %arg10[%add3A_362, %broadcast_in_dim3A_390] : memref<512x32xf32, #tpu.memory_space<vmem>>[vector<16xi32>, vector<16xi32>], vector<16xf32>,
      %gather3A_393 = tpu.vector_load_idx %arg11[%add3A_362, %broadcast_in_dim3A_390] : memref<512x32xf32, #tpu.memory_space<vmem>>[vector<16xi32>, vector<16xi32>], vector<16xf32>,
      %mul3A_394 = arith.mulf %gather3A_391, %gather3A_392 : vector<16xf32>
      %mul3A_395 = arith.mulf %gather3A_393, %gather3A_128 : vector<16xf32>
      %mul3A_396 = arith.mulf %mul3A_394, %mul3A_395 : vector<16xf32>
      %add3A_397 = arith.addf %broadcast_in_dim3A_368, %mul3A_396 : vector<16xf32>
      %broadcast_in_dim3A_398 = arith.constant 3 : i32
      %broadcast_in_dim3A_399 = vector.broadcast %broadcast_in_dim3A_398 : i32 to vector<16xi32>
      %gather3A_400 = tpu.vector_load_idx %arg9[%add3A_362, %broadcast_in_dim3A_399] : memref<512x32xf32, #tpu.memory_space<vmem>>[vector<16xi32>, vector<16xi32>], vector<16xf32>,
      %gather3A_401 = tpu.vector_load_idx %arg10[%add3A_362, %broadcast_in_dim3A_399] : memref<512x32xf32, #tpu.memory_space<vmem>>[vector<16xi32>, vector<16xi32>], vector<16xf32>,
      %gather3A_402 = tpu.vector_load_idx %arg11[%add3A_362, %broadcast_in_dim3A_399] : memref<512x32xf32, #tpu.memory_space<vmem>>[vector<16xi32>, vector<16xi32>], vector<16xf32>,
      %mul3A_403 = arith.mulf %gather3A_400, %gather3A_401 : vector<16xf32>
      %mul3A_404 = arith.mulf %gather3A_402, %gather3A_131 : vector<16xf32>
      %mul3A_405 = arith.mulf %mul3A_403, %mul3A_404 : vector<16xf32>
      %add3A_406 = arith.addf %broadcast_in_dim3A_370, %mul3A_405 : vector<16xf32>
      %broadcast_in_dim3A_407 = arith.constant 4 : i32
      %broadcast_in_dim3A_408 = vector.broadcast %broadcast_in_dim3A_407 : i32 to vector<16xi32>
      %gather3A_409 = tpu.vector_load_idx %arg9[%add3A_362, %broadcast_in_dim3A_408] : memref<512x32xf32, #tpu.memory_space<vmem>>[vector<16xi32>, vector<16xi32>], vector<16xf32>,
      %gather3A_410 = tpu.vector_load_idx %arg10[%add3A_362, %broadcast_in_dim3A_408] : memref<512x32xf32, #tpu.memory_space<vmem>>[vector<16xi32>, vector<16xi32>], vector<16xf32>,
      %gather3A_411 = tpu.vector_load_idx %arg11[%add3A_362, %broadcast_in_dim3A_408] : memref<512x32xf32, #tpu.memory_space<vmem>>[vector<16xi32>, vector<16xi32>], vector<16xf32>,
      %mul3A_412 = arith.mulf %gather3A_409, %gather3A_410 : vector<16xf32>
      %mul3A_413 = arith.mulf %gather3A_411, %gather3A_134 : vector<16xf32>
      %mul3A_414 = arith.mulf %mul3A_412, %mul3A_413 : vector<16xf32>
      %add3A_415 = arith.addf %add3A_379, %mul3A_414 : vector<16xf32>
      %broadcast_in_dim3A_416 = arith.constant 5 : i32
      %broadcast_in_dim3A_417 = vector.broadcast %broadcast_in_dim3A_416 : i32 to vector<16xi32>
      %gather3A_418 = tpu.vector_load_idx %arg9[%add3A_362, %broadcast_in_dim3A_417] : memref<512x32xf32, #tpu.memory_space<vmem>>[vector<16xi32>, vector<16xi32>], vector<16xf32>,
      %gather3A_419 = tpu.vector_load_idx %arg10[%add3A_362, %broadcast_in_dim3A_417] : memref<512x32xf32, #tpu.memory_space<vmem>>[vector<16xi32>, vector<16xi32>], vector<16xf32>,
      %gather3A_420 = tpu.vector_load_idx %arg11[%add3A_362, %broadcast_in_dim3A_417] : memref<512x32xf32, #tpu.memory_space<vmem>>[vector<16xi32>, vector<16xi32>], vector<16xf32>,
      %mul3A_421 = arith.mulf %gather3A_418, %gather3A_419 : vector<16xf32>
      %mul3A_422 = arith.mulf %gather3A_420, %gather3A_137 : vector<16xf32>
      %mul3A_423 = arith.mulf %mul3A_421, %mul3A_422 : vector<16xf32>
      %add3A_424 = arith.addf %add3A_388, %mul3A_423 : vector<16xf32>
      %broadcast_in_dim3A_425 = arith.constant 6 : i32
      %broadcast_in_dim3A_426 = vector.broadcast %broadcast_in_dim3A_425 : i32 to vector<16xi32>
      %gather3A_427 = tpu.vector_load_idx %arg9[%add3A_362, %broadcast_in_dim3A_426] : memref<512x32xf32, #tpu.memory_space<vmem>>[vector<16xi32>, vector<16xi32>], vector<16xf32>,
      %gather3A_428 = tpu.vector_load_idx %arg10[%add3A_362, %broadcast_in_dim3A_426] : memref<512x32xf32, #tpu.memory_space<vmem>>[vector<16xi32>, vector<16xi32>], vector<16xf32>,
      %gather3A_429 = tpu.vector_load_idx %arg11[%add3A_362, %broadcast_in_dim3A_426] : memref<512x32xf32, #tpu.memory_space<vmem>>[vector<16xi32>, vector<16xi32>], vector<16xf32>,
      %mul3A_430 = arith.mulf %gather3A_427, %gather3A_428 : vector<16xf32>
      %mul3A_431 = arith.mulf %gather3A_429, %gather3A_140 : vector<16xf32>
      %mul3A_432 = arith.mulf %mul3A_430, %mul3A_431 : vector<16xf32>
      %add3A_433 = arith.addf %add3A_397, %mul3A_432 : vector<16xf32>
      %broadcast_in_dim3A_434 = arith.constant 7 : i32
      %broadcast_in_dim3A_435 = vector.broadcast %broadcast_in_dim3A_434 : i32 to vector<16xi32>
      %gather3A_436 = tpu.vector_load_idx %arg9[%add3A_362, %broadcast_in_dim3A_435] : memref<512x32xf32, #tpu.memory_space<vmem>>[vector<16xi32>, vector<16xi32>], vector<16xf32>,
      %gather3A_437 = tpu.vector_load_idx %arg10[%add3A_362, %broadcast_in_dim3A_435] : memref<512x32xf32, #tpu.memory_space<vmem>>[vector<16xi32>, vector<16xi32>], vector<16xf32>,
      %gather3A_438 = tpu.vector_load_idx %arg11[%add3A_362, %broadcast_in_dim3A_435] : memref<512x32xf32, #tpu.memory_space<vmem>>[vector<16xi32>, vector<16xi32>], vector<16xf32>,
      %mul3A_439 = arith.mulf %gather3A_436, %gather3A_437 : vector<16xf32>
      %mul3A_440 = arith.mulf %gather3A_438, %gather3A_143 : vector<16xf32>
      %mul3A_441 = arith.mulf %mul3A_439, %mul3A_440 : vector<16xf32>
      %add3A_442 = arith.addf %add3A_406, %mul3A_441 : vector<16xf32>
      %broadcast_in_dim3A_443 = arith.constant 8 : i32
      %broadcast_in_dim3A_444 = vector.broadcast %broadcast_in_dim3A_443 : i32 to vector<16xi32>
      %gather3A_445 = tpu.vector_load_idx %arg9[%add3A_362, %broadcast_in_dim3A_444] : memref<512x32xf32, #tpu.memory_space<vmem>>[vector<16xi32>, vector<16xi32>], vector<16xf32>,
      %gather3A_446 = tpu.vector_load_idx %arg10[%add3A_362, %broadcast_in_dim3A_444] : memref<512x32xf32, #tpu.memory_space<vmem>>[vector<16xi32>, vector<16xi32>], vector<16xf32>,
      %gather3A_447 = tpu.vector_load_idx %arg11[%add3A_362, %broadcast_in_dim3A_444] : memref<512x32xf32, #tpu.memory_space<vmem>>[vector<16xi32>, vector<16xi32>], vector<16xf32>,
      %mul3A_448 = arith.mulf %gather3A_445, %gather3A_446 : vector<16xf32>
      %mul3A_449 = arith.mulf %gather3A_447, %gather3A_146 : vector<16xf32>
      %mul3A_450 = arith.mulf %mul3A_448, %mul3A_449 : vector<16xf32>
      %add3A_451 = arith.addf %add3A_415, %mul3A_450 : vector<16xf32>
      %broadcast_in_dim3A_452 = arith.constant 9 : i32
      %broadcast_in_dim3A_453 = vector.broadcast %broadcast_in_dim3A_452 : i32 to vector<16xi32>
      %gather3A_454 = tpu.vector_load_idx %arg9[%add3A_362, %broadcast_in_dim3A_453] : memref<512x32xf32, #tpu.memory_space<vmem>>[vector<16xi32>, vector<16xi32>], vector<16xf32>,
      %gather3A_455 = tpu.vector_load_idx %arg10[%add3A_362, %broadcast_in_dim3A_453] : memref<512x32xf32, #tpu.memory_space<vmem>>[vector<16xi32>, vector<16xi32>], vector<16xf32>,
      %gather3A_456 = tpu.vector_load_idx %arg11[%add3A_362, %broadcast_in_dim3A_453] : memref<512x32xf32, #tpu.memory_space<vmem>>[vector<16xi32>, vector<16xi32>], vector<16xf32>,
      %mul3A_457 = arith.mulf %gather3A_454, %gather3A_455 : vector<16xf32>
      %mul3A_458 = arith.mulf %gather3A_456, %gather3A_149 : vector<16xf32>
      %mul3A_459 = arith.mulf %mul3A_457, %mul3A_458 : vector<16xf32>
      %add3A_460 = arith.addf %add3A_424, %mul3A_459 : vector<16xf32>
      %broadcast_in_dim3A_461 = arith.constant 10 : i32
      %broadcast_in_dim3A_462 = vector.broadcast %broadcast_in_dim3A_461 : i32 to vector<16xi32>
      %gather3A_463 = tpu.vector_load_idx %arg9[%add3A_362, %broadcast_in_dim3A_462] : memref<512x32xf32, #tpu.memory_space<vmem>>[vector<16xi32>, vector<16xi32>], vector<16xf32>,
      %gather3A_464 = tpu.vector_load_idx %arg10[%add3A_362, %broadcast_in_dim3A_462] : memref<512x32xf32, #tpu.memory_space<vmem>>[vector<16xi32>, vector<16xi32>], vector<16xf32>,
      %gather3A_465 = tpu.vector_load_idx %arg11[%add3A_362, %broadcast_in_dim3A_462] : memref<512x32xf32, #tpu.memory_space<vmem>>[vector<16xi32>, vector<16xi32>], vector<16xf32>,
      %mul3A_466 = arith.mulf %gather3A_463, %gather3A_464 : vector<16xf32>
      %mul3A_467 = arith.mulf %gather3A_465, %gather3A_152 : vector<16xf32>
      %mul3A_468 = arith.mulf %mul3A_466, %mul3A_467 : vector<16xf32>
      %add3A_469 = arith.addf %add3A_433, %mul3A_468 : vector<16xf32>
      %broadcast_in_dim3A_470 = arith.constant 11 : i32
      %broadcast_in_dim3A_471 = vector.broadcast %broadcast_in_dim3A_470 : i32 to vector<16xi32>
      %gather3A_472 = tpu.vector_load_idx %arg9[%add3A_362, %broadcast_in_dim3A_471] : memref<512x32xf32, #tpu.memory_space<vmem>>[vector<16xi32>, vector<16xi32>], vector<16xf32>,
      %gather3A_473 = tpu.vector_load_idx %arg10[%add3A_362, %broadcast_in_dim3A_471] : memref<512x32xf32, #tpu.memory_space<vmem>>[vector<16xi32>, vector<16xi32>], vector<16xf32>,
      %gather3A_474 = tpu.vector_load_idx %arg11[%add3A_362, %broadcast_in_dim3A_471] : memref<512x32xf32, #tpu.memory_space<vmem>>[vector<16xi32>, vector<16xi32>], vector<16xf32>,
      %mul3A_475 = arith.mulf %gather3A_472, %gather3A_473 : vector<16xf32>
      %mul3A_476 = arith.mulf %gather3A_474, %gather3A_155 : vector<16xf32>
      %mul3A_477 = arith.mulf %mul3A_475, %mul3A_476 : vector<16xf32>
      %add3A_478 = arith.addf %add3A_442, %mul3A_477 : vector<16xf32>
      %broadcast_in_dim3A_479 = arith.constant 12 : i32
      %broadcast_in_dim3A_480 = vector.broadcast %broadcast_in_dim3A_479 : i32 to vector<16xi32>
      %gather3A_481 = tpu.vector_load_idx %arg9[%add3A_362, %broadcast_in_dim3A_480] : memref<512x32xf32, #tpu.memory_space<vmem>>[vector<16xi32>, vector<16xi32>], vector<16xf32>,
      %gather3A_482 = tpu.vector_load_idx %arg10[%add3A_362, %broadcast_in_dim3A_480] : memref<512x32xf32, #tpu.memory_space<vmem>>[vector<16xi32>, vector<16xi32>], vector<16xf32>,
      %gather3A_483 = tpu.vector_load_idx %arg11[%add3A_362, %broadcast_in_dim3A_480] : memref<512x32xf32, #tpu.memory_space<vmem>>[vector<16xi32>, vector<16xi32>], vector<16xf32>,
      %mul3A_484 = arith.mulf %gather3A_481, %gather3A_482 : vector<16xf32>
      %mul3A_485 = arith.mulf %gather3A_483, %gather3A_158 : vector<16xf32>
      %mul3A_486 = arith.mulf %mul3A_484, %mul3A_485 : vector<16xf32>
      %add3A_487 = arith.addf %add3A_451, %mul3A_486 : vector<16xf32>
      %broadcast_in_dim3A_488 = arith.constant 13 : i32
      %broadcast_in_dim3A_489 = vector.broadcast %broadcast_in_dim3A_488 : i32 to vector<16xi32>
      %gather3A_490 = tpu.vector_load_idx %arg9[%add3A_362, %broadcast_in_dim3A_489] : memref<512x32xf32, #tpu.memory_space<vmem>>[vector<16xi32>, vector<16xi32>], vector<16xf32>,
      %gather3A_491 = tpu.vector_load_idx %arg10[%add3A_362, %broadcast_in_dim3A_489] : memref<512x32xf32, #tpu.memory_space<vmem>>[vector<16xi32>, vector<16xi32>], vector<16xf32>,
      %gather3A_492 = tpu.vector_load_idx %arg11[%add3A_362, %broadcast_in_dim3A_489] : memref<512x32xf32, #tpu.memory_space<vmem>>[vector<16xi32>, vector<16xi32>], vector<16xf32>,
      %mul3A_493 = arith.mulf %gather3A_490, %gather3A_491 : vector<16xf32>
      %mul3A_494 = arith.mulf %gather3A_492, %gather3A_161 : vector<16xf32>
      %mul3A_495 = arith.mulf %mul3A_493, %mul3A_494 : vector<16xf32>
      %add3A_496 = arith.addf %add3A_460, %mul3A_495 : vector<16xf32>
      %broadcast_in_dim3A_497 = arith.constant 14 : i32
      %broadcast_in_dim3A_498 = vector.broadcast %broadcast_in_dim3A_497 : i32 to vector<16xi32>
      %gather3A_499 = tpu.vector_load_idx %arg9[%add3A_362, %broadcast_in_dim3A_498] : memref<512x32xf32, #tpu.memory_space<vmem>>[vector<16xi32>, vector<16xi32>], vector<16xf32>,
      %gather3A_500 = tpu.vector_load_idx %arg10[%add3A_362, %broadcast_in_dim3A_498] : memref<512x32xf32, #tpu.memory_space<vmem>>[vector<16xi32>, vector<16xi32>], vector<16xf32>,
      %gather3A_501 = tpu.vector_load_idx %arg11[%add3A_362, %broadcast_in_dim3A_498] : memref<512x32xf32, #tpu.memory_space<vmem>>[vector<16xi32>, vector<16xi32>], vector<16xf32>,
      %mul3A_502 = arith.mulf %gather3A_499, %gather3A_500 : vector<16xf32>
      %mul3A_503 = arith.mulf %gather3A_501, %gather3A_164 : vector<16xf32>
      %mul3A_504 = arith.mulf %mul3A_502, %mul3A_503 : vector<16xf32>
      %add3A_505 = arith.addf %add3A_469, %mul3A_504 : vector<16xf32>
      %broadcast_in_dim3A_506 = arith.constant 15 : i32
      %broadcast_in_dim3A_507 = vector.broadcast %broadcast_in_dim3A_506 : i32 to vector<16xi32>
      %gather3A_508 = tpu.vector_load_idx %arg9[%add3A_362, %broadcast_in_dim3A_507] : memref<512x32xf32, #tpu.memory_space<vmem>>[vector<16xi32>, vector<16xi32>], vector<16xf32>,
      %gather3A_509 = tpu.vector_load_idx %arg10[%add3A_362, %broadcast_in_dim3A_507] : memref<512x32xf32, #tpu.memory_space<vmem>>[vector<16xi32>, vector<16xi32>], vector<16xf32>,
      %gather3A_510 = tpu.vector_load_idx %arg11[%add3A_362, %broadcast_in_dim3A_507] : memref<512x32xf32, #tpu.memory_space<vmem>>[vector<16xi32>, vector<16xi32>], vector<16xf32>,
      %mul3A_511 = arith.mulf %gather3A_508, %gather3A_509 : vector<16xf32>
      %mul3A_512 = arith.mulf %gather3A_510, %gather3A_167 : vector<16xf32>
      %mul3A_513 = arith.mulf %mul3A_511, %mul3A_512 : vector<16xf32>
      %add3A_514 = arith.addf %add3A_478, %mul3A_513 : vector<16xf32>
      %broadcast_in_dim3A_515 = arith.constant 16 : i32
      %broadcast_in_dim3A_516 = vector.broadcast %broadcast_in_dim3A_515 : i32 to vector<16xi32>
      %gather3A_517 = tpu.vector_load_idx %arg9[%add3A_362, %broadcast_in_dim3A_516] : memref<512x32xf32, #tpu.memory_space<vmem>>[vector<16xi32>, vector<16xi32>], vector<16xf32>,
      %gather3A_518 = tpu.vector_load_idx %arg10[%add3A_362, %broadcast_in_dim3A_516] : memref<512x32xf32, #tpu.memory_space<vmem>>[vector<16xi32>, vector<16xi32>], vector<16xf32>,
      %gather3A_519 = tpu.vector_load_idx %arg11[%add3A_362, %broadcast_in_dim3A_516] : memref<512x32xf32, #tpu.memory_space<vmem>>[vector<16xi32>, vector<16xi32>], vector<16xf32>,
      %mul3A_520 = arith.mulf %gather3A_517, %gather3A_518 : vector<16xf32>
      %mul3A_521 = arith.mulf %gather3A_519, %gather3A_170 : vector<16xf32>
      %mul3A_522 = arith.mulf %mul3A_520, %mul3A_521 : vector<16xf32>
      %add3A_523 = arith.addf %add3A_487, %mul3A_522 : vector<16xf32>
      %broadcast_in_dim3A_524 = arith.constant 17 : i32
      %broadcast_in_dim3A_525 = vector.broadcast %broadcast_in_dim3A_524 : i32 to vector<16xi32>
      %gather3A_526 = tpu.vector_load_idx %arg9[%add3A_362, %broadcast_in_dim3A_525] : memref<512x32xf32, #tpu.memory_space<vmem>>[vector<16xi32>, vector<16xi32>], vector<16xf32>,
      %gather3A_527 = tpu.vector_load_idx %arg10[%add3A_362, %broadcast_in_dim3A_525] : memref<512x32xf32, #tpu.memory_space<vmem>>[vector<16xi32>, vector<16xi32>], vector<16xf32>,
      %gather3A_528 = tpu.vector_load_idx %arg11[%add3A_362, %broadcast_in_dim3A_525] : memref<512x32xf32, #tpu.memory_space<vmem>>[vector<16xi32>, vector<16xi32>], vector<16xf32>,
      %mul3A_529 = arith.mulf %gather3A_526, %gather3A_527 : vector<16xf32>
      %mul3A_530 = arith.mulf %gather3A_528, %gather3A_173 : vector<16xf32>
      %mul3A_531 = arith.mulf %mul3A_529, %mul3A_530 : vector<16xf32>
      %add3A_532 = arith.addf %add3A_496, %mul3A_531 : vector<16xf32>
      %broadcast_in_dim3A_533 = arith.constant 18 : i32
      %broadcast_in_dim3A_534 = vector.broadcast %broadcast_in_dim3A_533 : i32 to vector<16xi32>
      %gather3A_535 = tpu.vector_load_idx %arg9[%add3A_362, %broadcast_in_dim3A_534] : memref<512x32xf32, #tpu.memory_space<vmem>>[vector<16xi32>, vector<16xi32>], vector<16xf32>,
      %gather3A_536 = tpu.vector_load_idx %arg10[%add3A_362, %broadcast_in_dim3A_534] : memref<512x32xf32, #tpu.memory_space<vmem>>[vector<16xi32>, vector<16xi32>], vector<16xf32>,
      %gather3A_537 = tpu.vector_load_idx %arg11[%add3A_362, %broadcast_in_dim3A_534] : memref<512x32xf32, #tpu.memory_space<vmem>>[vector<16xi32>, vector<16xi32>], vector<16xf32>,
      %mul3A_538 = arith.mulf %gather3A_535, %gather3A_536 : vector<16xf32>
      %mul3A_539 = arith.mulf %gather3A_537, %gather3A_176 : vector<16xf32>
      %mul3A_540 = arith.mulf %mul3A_538, %mul3A_539 : vector<16xf32>
      %add3A_541 = arith.addf %add3A_505, %mul3A_540 : vector<16xf32>
      %broadcast_in_dim3A_542 = arith.constant 19 : i32
      %broadcast_in_dim3A_543 = vector.broadcast %broadcast_in_dim3A_542 : i32 to vector<16xi32>
      %gather3A_544 = tpu.vector_load_idx %arg9[%add3A_362, %broadcast_in_dim3A_543] : memref<512x32xf32, #tpu.memory_space<vmem>>[vector<16xi32>, vector<16xi32>], vector<16xf32>,
      %gather3A_545 = tpu.vector_load_idx %arg10[%add3A_362, %broadcast_in_dim3A_543] : memref<512x32xf32, #tpu.memory_space<vmem>>[vector<16xi32>, vector<16xi32>], vector<16xf32>,
      %gather3A_546 = tpu.vector_load_idx %arg11[%add3A_362, %broadcast_in_dim3A_543] : memref<512x32xf32, #tpu.memory_space<vmem>>[vector<16xi32>, vector<16xi32>], vector<16xf32>,
      %mul3A_547 = arith.mulf %gather3A_544, %gather3A_545 : vector<16xf32>
      %mul3A_548 = arith.mulf %gather3A_546, %gather3A_179 : vector<16xf32>
      %mul3A_549 = arith.mulf %mul3A_547, %mul3A_548 : vector<16xf32>
      %add3A_550 = arith.addf %add3A_514, %mul3A_549 : vector<16xf32>
      %broadcast_in_dim3A_551 = arith.constant 20 : i32
      %broadcast_in_dim3A_552 = vector.broadcast %broadcast_in_dim3A_551 : i32 to vector<16xi32>
      %gather3A_553 = tpu.vector_load_idx %arg9[%add3A_362, %broadcast_in_dim3A_552] : memref<512x32xf32, #tpu.memory_space<vmem>>[vector<16xi32>, vector<16xi32>], vector<16xf32>,
      %gather3A_554 = tpu.vector_load_idx %arg10[%add3A_362, %broadcast_in_dim3A_552] : memref<512x32xf32, #tpu.memory_space<vmem>>[vector<16xi32>, vector<16xi32>], vector<16xf32>,
      %gather3A_555 = tpu.vector_load_idx %arg11[%add3A_362, %broadcast_in_dim3A_552] : memref<512x32xf32, #tpu.memory_space<vmem>>[vector<16xi32>, vector<16xi32>], vector<16xf32>,
      %mul3A_556 = arith.mulf %gather3A_553, %gather3A_554 : vector<16xf32>
      %mul3A_557 = arith.mulf %gather3A_555, %gather3A_182 : vector<16xf32>
      %mul3A_558 = arith.mulf %mul3A_556, %mul3A_557 : vector<16xf32>
      %add3A_559 = arith.addf %add3A_523, %mul3A_558 : vector<16xf32>
      %broadcast_in_dim3A_560 = arith.constant 21 : i32
      %broadcast_in_dim3A_561 = vector.broadcast %broadcast_in_dim3A_560 : i32 to vector<16xi32>
      %gather3A_562 = tpu.vector_load_idx %arg9[%add3A_362, %broadcast_in_dim3A_561] : memref<512x32xf32, #tpu.memory_space<vmem>>[vector<16xi32>, vector<16xi32>], vector<16xf32>,
      %gather3A_563 = tpu.vector_load_idx %arg10[%add3A_362, %broadcast_in_dim3A_561] : memref<512x32xf32, #tpu.memory_space<vmem>>[vector<16xi32>, vector<16xi32>], vector<16xf32>,
      %gather3A_564 = tpu.vector_load_idx %arg11[%add3A_362, %broadcast_in_dim3A_561] : memref<512x32xf32, #tpu.memory_space<vmem>>[vector<16xi32>, vector<16xi32>], vector<16xf32>,
      %mul3A_565 = arith.mulf %gather3A_562, %gather3A_563 : vector<16xf32>
      %mul3A_566 = arith.mulf %gather3A_564, %gather3A_185 : vector<16xf32>
      %mul3A_567 = arith.mulf %mul3A_565, %mul3A_566 : vector<16xf32>
      %add3A_568 = arith.addf %add3A_532, %mul3A_567 : vector<16xf32>
      %broadcast_in_dim3A_569 = arith.constant 22 : i32
      %broadcast_in_dim3A_570 = vector.broadcast %broadcast_in_dim3A_569 : i32 to vector<16xi32>
      %gather3A_571 = tpu.vector_load_idx %arg9[%add3A_362, %broadcast_in_dim3A_570] : memref<512x32xf32, #tpu.memory_space<vmem>>[vector<16xi32>, vector<16xi32>], vector<16xf32>,
      %gather3A_572 = tpu.vector_load_idx %arg10[%add3A_362, %broadcast_in_dim3A_570] : memref<512x32xf32, #tpu.memory_space<vmem>>[vector<16xi32>, vector<16xi32>], vector<16xf32>,
      %gather3A_573 = tpu.vector_load_idx %arg11[%add3A_362, %broadcast_in_dim3A_570] : memref<512x32xf32, #tpu.memory_space<vmem>>[vector<16xi32>, vector<16xi32>], vector<16xf32>,
      %mul3A_574 = arith.mulf %gather3A_571, %gather3A_572 : vector<16xf32>
      %mul3A_575 = arith.mulf %gather3A_573, %gather3A_188 : vector<16xf32>
      %mul3A_576 = arith.mulf %mul3A_574, %mul3A_575 : vector<16xf32>
      %add3A_577 = arith.addf %add3A_541, %mul3A_576 : vector<16xf32>
      %broadcast_in_dim3A_578 = arith.constant 23 : i32
      %broadcast_in_dim3A_579 = vector.broadcast %broadcast_in_dim3A_578 : i32 to vector<16xi32>
      %gather3A_580 = tpu.vector_load_idx %arg9[%add3A_362, %broadcast_in_dim3A_579] : memref<512x32xf32, #tpu.memory_space<vmem>>[vector<16xi32>, vector<16xi32>], vector<16xf32>,
      %gather3A_581 = tpu.vector_load_idx %arg10[%add3A_362, %broadcast_in_dim3A_579] : memref<512x32xf32, #tpu.memory_space<vmem>>[vector<16xi32>, vector<16xi32>], vector<16xf32>,
      %gather3A_582 = tpu.vector_load_idx %arg11[%add3A_362, %broadcast_in_dim3A_579] : memref<512x32xf32, #tpu.memory_space<vmem>>[vector<16xi32>, vector<16xi32>], vector<16xf32>,
      %mul3A_583 = arith.mulf %gather3A_580, %gather3A_581 : vector<16xf32>
      %mul3A_584 = arith.mulf %gather3A_582, %gather3A_191 : vector<16xf32>
      %mul3A_585 = arith.mulf %mul3A_583, %mul3A_584 : vector<16xf32>
      %add3A_586 = arith.addf %add3A_550, %mul3A_585 : vector<16xf32>
      %broadcast_in_dim3A_587 = arith.constant 24 : i32
      %broadcast_in_dim3A_588 = vector.broadcast %broadcast_in_dim3A_587 : i32 to vector<16xi32>
      %gather3A_589 = tpu.vector_load_idx %arg9[%add3A_362, %broadcast_in_dim3A_588] : memref<512x32xf32, #tpu.memory_space<vmem>>[vector<16xi32>, vector<16xi32>], vector<16xf32>,
      %gather3A_590 = tpu.vector_load_idx %arg10[%add3A_362, %broadcast_in_dim3A_588] : memref<512x32xf32, #tpu.memory_space<vmem>>[vector<16xi32>, vector<16xi32>], vector<16xf32>,
      %gather3A_591 = tpu.vector_load_idx %arg11[%add3A_362, %broadcast_in_dim3A_588] : memref<512x32xf32, #tpu.memory_space<vmem>>[vector<16xi32>, vector<16xi32>], vector<16xf32>,
      %mul3A_592 = arith.mulf %gather3A_589, %gather3A_590 : vector<16xf32>
      %mul3A_593 = arith.mulf %gather3A_591, %gather3A_194 : vector<16xf32>
      %mul3A_594 = arith.mulf %mul3A_592, %mul3A_593 : vector<16xf32>
      %add3A_595 = arith.addf %add3A_559, %mul3A_594 : vector<16xf32>
      %broadcast_in_dim3A_596 = arith.constant 25 : i32
      %broadcast_in_dim3A_597 = vector.broadcast %broadcast_in_dim3A_596 : i32 to vector<16xi32>
      %gather3A_598 = tpu.vector_load_idx %arg9[%add3A_362, %broadcast_in_dim3A_597] : memref<512x32xf32, #tpu.memory_space<vmem>>[vector<16xi32>, vector<16xi32>], vector<16xf32>,
      %gather3A_599 = tpu.vector_load_idx %arg10[%add3A_362, %broadcast_in_dim3A_597] : memref<512x32xf32, #tpu.memory_space<vmem>>[vector<16xi32>, vector<16xi32>], vector<16xf32>,
      %gather3A_600 = tpu.vector_load_idx %arg11[%add3A_362, %broadcast_in_dim3A_597] : memref<512x32xf32, #tpu.memory_space<vmem>>[vector<16xi32>, vector<16xi32>], vector<16xf32>,
      %mul3A_601 = arith.mulf %gather3A_598, %gather3A_599 : vector<16xf32>
      %mul3A_602 = arith.mulf %gather3A_600, %gather3A_197 : vector<16xf32>
      %mul3A_603 = arith.mulf %mul3A_601, %mul3A_602 : vector<16xf32>
      %add3A_604 = arith.addf %add3A_568, %mul3A_603 : vector<16xf32>
      %broadcast_in_dim3A_605 = arith.constant 26 : i32
      %broadcast_in_dim3A_606 = vector.broadcast %broadcast_in_dim3A_605 : i32 to vector<16xi32>
      %gather3A_607 = tpu.vector_load_idx %arg9[%add3A_362, %broadcast_in_dim3A_606] : memref<512x32xf32, #tpu.memory_space<vmem>>[vector<16xi32>, vector<16xi32>], vector<16xf32>,
      %gather3A_608 = tpu.vector_load_idx %arg10[%add3A_362, %broadcast_in_dim3A_606] : memref<512x32xf32, #tpu.memory_space<vmem>>[vector<16xi32>, vector<16xi32>], vector<16xf32>,
      %gather3A_609 = tpu.vector_load_idx %arg11[%add3A_362, %broadcast_in_dim3A_606] : memref<512x32xf32, #tpu.memory_space<vmem>>[vector<16xi32>, vector<16xi32>], vector<16xf32>,
      %mul3A_610 = arith.mulf %gather3A_607, %gather3A_608 : vector<16xf32>
      %mul3A_611 = arith.mulf %gather3A_609, %gather3A_200 : vector<16xf32>
      %mul3A_612 = arith.mulf %mul3A_610, %mul3A_611 : vector<16xf32>
      %add3A_613 = arith.addf %add3A_577, %mul3A_612 : vector<16xf32>
      %broadcast_in_dim3A_614 = arith.constant 27 : i32
      %broadcast_in_dim3A_615 = vector.broadcast %broadcast_in_dim3A_614 : i32 to vector<16xi32>
      %gather3A_616 = tpu.vector_load_idx %arg9[%add3A_362, %broadcast_in_dim3A_615] : memref<512x32xf32, #tpu.memory_space<vmem>>[vector<16xi32>, vector<16xi32>], vector<16xf32>,
      %gather3A_617 = tpu.vector_load_idx %arg10[%add3A_362, %broadcast_in_dim3A_615] : memref<512x32xf32, #tpu.memory_space<vmem>>[vector<16xi32>, vector<16xi32>], vector<16xf32>,
      %gather3A_618 = tpu.vector_load_idx %arg11[%add3A_362, %broadcast_in_dim3A_615] : memref<512x32xf32, #tpu.memory_space<vmem>>[vector<16xi32>, vector<16xi32>], vector<16xf32>,
      %mul3A_619 = arith.mulf %gather3A_616, %gather3A_617 : vector<16xf32>
      %mul3A_620 = arith.mulf %gather3A_618, %gather3A_203 : vector<16xf32>
      %mul3A_621 = arith.mulf %mul3A_619, %mul3A_620 : vector<16xf32>
      %add3A_622 = arith.addf %add3A_586, %mul3A_621 : vector<16xf32>
      %broadcast_in_dim3A_623 = arith.constant 28 : i32
      %broadcast_in_dim3A_624 = vector.broadcast %broadcast_in_dim3A_623 : i32 to vector<16xi32>
      %gather3A_625 = tpu.vector_load_idx %arg9[%add3A_362, %broadcast_in_dim3A_624] : memref<512x32xf32, #tpu.memory_space<vmem>>[vector<16xi32>, vector<16xi32>], vector<16xf32>,
      %gather3A_626 = tpu.vector_load_idx %arg10[%add3A_362, %broadcast_in_dim3A_624] : memref<512x32xf32, #tpu.memory_space<vmem>>[vector<16xi32>, vector<16xi32>], vector<16xf32>,
      %gather3A_627 = tpu.vector_load_idx %arg11[%add3A_362, %broadcast_in_dim3A_624] : memref<512x32xf32, #tpu.memory_space<vmem>>[vector<16xi32>, vector<16xi32>], vector<16xf32>,
      %mul3A_628 = arith.mulf %gather3A_625, %gather3A_626 : vector<16xf32>
      %mul3A_629 = arith.mulf %gather3A_627, %gather3A_206 : vector<16xf32>
      %mul3A_630 = arith.mulf %mul3A_628, %mul3A_629 : vector<16xf32>
      %add3A_631 = arith.addf %add3A_595, %mul3A_630 : vector<16xf32>
      %broadcast_in_dim3A_632 = arith.constant 29 : i32
      %broadcast_in_dim3A_633 = vector.broadcast %broadcast_in_dim3A_632 : i32 to vector<16xi32>
      %gather3A_634 = tpu.vector_load_idx %arg9[%add3A_362, %broadcast_in_dim3A_633] : memref<512x32xf32, #tpu.memory_space<vmem>>[vector<16xi32>, vector<16xi32>], vector<16xf32>,
      %gather3A_635 = tpu.vector_load_idx %arg10[%add3A_362, %broadcast_in_dim3A_633] : memref<512x32xf32, #tpu.memory_space<vmem>>[vector<16xi32>, vector<16xi32>], vector<16xf32>,
      %gather3A_636 = tpu.vector_load_idx %arg11[%add3A_362, %broadcast_in_dim3A_633] : memref<512x32xf32, #tpu.memory_space<vmem>>[vector<16xi32>, vector<16xi32>], vector<16xf32>,
      %mul3A_637 = arith.mulf %gather3A_634, %gather3A_635 : vector<16xf32>
      %mul3A_638 = arith.mulf %gather3A_636, %gather3A_209 : vector<16xf32>
      %mul3A_639 = arith.mulf %mul3A_637, %mul3A_638 : vector<16xf32>
      %add3A_640 = arith.addf %add3A_604, %mul3A_639 : vector<16xf32>
      %broadcast_in_dim3A_641 = arith.constant 30 : i32
      %broadcast_in_dim3A_642 = vector.broadcast %broadcast_in_dim3A_641 : i32 to vector<16xi32>
      %gather3A_643 = tpu.vector_load_idx %arg9[%add3A_362, %broadcast_in_dim3A_642] : memref<512x32xf32, #tpu.memory_space<vmem>>[vector<16xi32>, vector<16xi32>], vector<16xf32>,
      %gather3A_644 = tpu.vector_load_idx %arg10[%add3A_362, %broadcast_in_dim3A_642] : memref<512x32xf32, #tpu.memory_space<vmem>>[vector<16xi32>, vector<16xi32>], vector<16xf32>,
      %gather3A_645 = tpu.vector_load_idx %arg11[%add3A_362, %broadcast_in_dim3A_642] : memref<512x32xf32, #tpu.memory_space<vmem>>[vector<16xi32>, vector<16xi32>], vector<16xf32>,
      %mul3A_646 = arith.mulf %gather3A_643, %gather3A_644 : vector<16xf32>
      %mul3A_647 = arith.mulf %gather3A_645, %gather3A_212 : vector<16xf32>
      %mul3A_648 = arith.mulf %mul3A_646, %mul3A_647 : vector<16xf32>
      %add3A_649 = arith.addf %add3A_613, %mul3A_648 : vector<16xf32>
      %broadcast_in_dim3A_650 = arith.constant 31 : i32
      %broadcast_in_dim3A_651 = vector.broadcast %broadcast_in_dim3A_650 : i32 to vector<16xi32>
      %gather3A_652 = tpu.vector_load_idx %arg9[%add3A_362, %broadcast_in_dim3A_651] : memref<512x32xf32, #tpu.memory_space<vmem>>[vector<16xi32>, vector<16xi32>], vector<16xf32>,
      %gather3A_653 = tpu.vector_load_idx %arg10[%add3A_362, %broadcast_in_dim3A_651] : memref<512x32xf32, #tpu.memory_space<vmem>>[vector<16xi32>, vector<16xi32>], vector<16xf32>,
      %gather3A_654 = tpu.vector_load_idx %arg11[%add3A_362, %broadcast_in_dim3A_651] : memref<512x32xf32, #tpu.memory_space<vmem>>[vector<16xi32>, vector<16xi32>], vector<16xf32>,
      %mul3A_655 = arith.mulf %gather3A_652, %gather3A_653 : vector<16xf32>
      %mul3A_656 = arith.mulf %gather3A_654, %gather3A_215 : vector<16xf32>
      %mul3A_657 = arith.mulf %mul3A_655, %mul3A_656 : vector<16xf32>
      %add3A_658 = arith.addf %add3A_622, %mul3A_657 : vector<16xf32>
      %add3A_659 = arith.addf %add3A_631, %add3A_640 : vector<16xf32>
      %add3A_660 = arith.addf %add3A_649, %add3A_658 : vector<16xf32>
      %add3A_661 = arith.addf %add3A_659, %add3A_660 : vector<16xf32>
      %mul3A_662 = arith.constant 16 : i32
      %mul3A_663 = arith.muli %scan3A_358, %mul3A_662 : i32
      %swap3A = arith.index_cast %mul3A_663 : i32 to index
      %swap3A_664 = tpu.vector_load %arg13[%swap3A] {strides = array<i32>} : memref<512xf32, #tpu.memory_space<vmem>>, vector<16xf32>,
      tpu.vector_store %arg13[%swap3A], %add3A_661 {strides = array<i32>} : memref<512xf32, #tpu.memory_space<vmem>>, vector<16xf32>,
    }
    %scan3A_249 = arith.constant 8 : i32
    %dma_wait3A_250 = arith.constant 0 : i32
    %dma_wait3A_251 = arith.constant 128 : i32
    %dma_wait3A_252 = arith.constant 0 : i32
    %dma_wait3A_253 = tpu.memref_slice %arg9[%dma_wait3A_251, %dma_wait3A_252] : memref<512x32xf32, #tpu.memory_space<vmem>> -> memref<128x32xf32, #tpu.memory_space<vmem>>
    %dma_wait3A_254 = arith.constant 128 : i32
    %dma_wait3A_255 = tpu.memref_slice %arg8[%dma_wait3A_250, %dma_wait3A_254] : memref<3x512xi32, #tpu.memory_space<vmem>> -> memref<1x128xi32, #tpu.memory_space<vmem>>
    %dma_wait3A_256 = tpu.memref_squeeze %dma_wait3A_255 : memref<1x128xi32, #tpu.memory_space<vmem>> -> memref<128xi32, #tpu.memory_space<vmem>>
    %dma_wait3A_257 = arith.constant 0 : i32
    %dma_wait3A_258 = arith.constant 0 : i32
    %dma_wait3A_259 = tpu.memref_slice %arg4[%dma_wait3A_257, %dma_wait3A_258] : memref<100000x32xf32, #tpu.memory_space<hbm>> -> memref<100000x32xf32, #tpu.memory_space<hbm>>
    tpu.wait_indirect_dma semaphore(%arg15 : memref<!tpu.dma_semaphore, #tpu.memory_space<semaphore_mem>>) src(%dma_wait3A_259 : memref<100000x32xf32, #tpu.memory_space<hbm>>) dst(%dma_wait3A_253 : memref<128x32xf32, #tpu.memory_space<vmem>>)
    %dma_wait3A_260 = arith.constant 1 : i32
    %dma_wait3A_261 = arith.constant 128 : i32
    %dma_wait3A_262 = arith.constant 0 : i32
    %dma_wait3A_263 = tpu.memref_slice %arg10[%dma_wait3A_261, %dma_wait3A_262] : memref<512x32xf32, #tpu.memory_space<vmem>> -> memref<128x32xf32, #tpu.memory_space<vmem>>
    %dma_wait3A_264 = arith.constant 128 : i32
    %dma_wait3A_265 = tpu.memref_slice %arg8[%dma_wait3A_260, %dma_wait3A_264] : memref<3x512xi32, #tpu.memory_space<vmem>> -> memref<1x128xi32, #tpu.memory_space<vmem>>
    %dma_wait3A_266 = tpu.memref_squeeze %dma_wait3A_265 : memref<1x128xi32, #tpu.memory_space<vmem>> -> memref<128xi32, #tpu.memory_space<vmem>>
    %dma_wait3A_267 = arith.constant 0 : i32
    %dma_wait3A_268 = arith.constant 0 : i32
    %dma_wait3A_269 = tpu.memref_slice %arg5[%dma_wait3A_267, %dma_wait3A_268] : memref<100000x32xf32, #tpu.memory_space<hbm>> -> memref<100000x32xf32, #tpu.memory_space<hbm>>
    tpu.wait_indirect_dma semaphore(%arg15 : memref<!tpu.dma_semaphore, #tpu.memory_space<semaphore_mem>>) src(%dma_wait3A_269 : memref<100000x32xf32, #tpu.memory_space<hbm>>) dst(%dma_wait3A_263 : memref<128x32xf32, #tpu.memory_space<vmem>>)
    %dma_wait3A_270 = arith.constant 2 : i32
    %dma_wait3A_271 = arith.constant 128 : i32
    %dma_wait3A_272 = arith.constant 0 : i32
    %dma_wait3A_273 = tpu.memref_slice %arg11[%dma_wait3A_271, %dma_wait3A_272] : memref<512x32xf32, #tpu.memory_space<vmem>> -> memref<128x32xf32, #tpu.memory_space<vmem>>
    %dma_wait3A_274 = arith.constant 128 : i32
    %dma_wait3A_275 = tpu.memref_slice %arg8[%dma_wait3A_270, %dma_wait3A_274] : memref<3x512xi32, #tpu.memory_space<vmem>> -> memref<1x128xi32, #tpu.memory_space<vmem>>
    %dma_wait3A_276 = tpu.memref_squeeze %dma_wait3A_275 : memref<1x128xi32, #tpu.memory_space<vmem>> -> memref<128xi32, #tpu.memory_space<vmem>>
    %dma_wait3A_277 = arith.constant 0 : i32
    %dma_wait3A_278 = arith.constant 0 : i32
    %dma_wait3A_279 = tpu.memref_slice %arg6[%dma_wait3A_277, %dma_wait3A_278] : memref<100000x32xf32, #tpu.memory_space<hbm>> -> memref<100000x32xf32, #tpu.memory_space<hbm>>
    tpu.wait_indirect_dma semaphore(%arg15 : memref<!tpu.dma_semaphore, #tpu.memory_space<semaphore_mem>>) src(%dma_wait3A_279 : memref<100000x32xf32, #tpu.memory_space<hbm>>) dst(%dma_wait3A_273 : memref<128x32xf32, #tpu.memory_space<vmem>>)
    %scan3A_280 = arith.constant 0 : i32
    %scan3A_281 = arith.constant 8 : i32
    %scan3A_282 = arith.constant 8 : i32
    %scan3A_283 = arith.addi %scan3A_281, %scan3A_282 : i32
    %scan3A_284 = arith.constant 1 : i32
    scf.for %scan3A_358 = %scan3A_281 to %scan3A_283 step %scan3A_284  : i32 {
      %mul3A_359 = arith.constant 16 : i32
      %mul3A_360 = arith.muli %scan3A_358, %mul3A_359 : i32
      %add3A_361 = vector.broadcast %mul3A_360 : i32 to vector<16xi32>
      %add3A_362 = arith.addi %iota3A, %add3A_361 : vector<16xi32>
      %broadcast_in_dim3A_363 = arith.constant 0.000000e+00 : f32
      %broadcast_in_dim3A_364 = vector.broadcast %broadcast_in_dim3A_363 : f32 to vector<16xf32>
      %broadcast_in_dim3A_365 = arith.constant 0.000000e+00 : f32
      %broadcast_in_dim3A_366 = vector.broadcast %broadcast_in_dim3A_365 : f32 to vector<16xf32>
      %broadcast_in_dim3A_367 = arith.constant 0.000000e+00 : f32
      %broadcast_in_dim3A_368 = vector.broadcast %broadcast_in_dim3A_367 : f32 to vector<16xf32>
      %broadcast_in_dim3A_369 = arith.constant 0.000000e+00 : f32
      %broadcast_in_dim3A_370 = vector.broadcast %broadcast_in_dim3A_369 : f32 to vector<16xf32>
      %broadcast_in_dim3A_371 = arith.constant 0 : i32
      %broadcast_in_dim3A_372 = vector.broadcast %broadcast_in_dim3A_371 : i32 to vector<16xi32>
      %gather3A_373 = tpu.vector_load_idx %arg9[%add3A_362, %broadcast_in_dim3A_372] : memref<512x32xf32, #tpu.memory_space<vmem>>[vector<16xi32>, vector<16xi32>], vector<16xf32>,
      %gather3A_374 = tpu.vector_load_idx %arg10[%add3A_362, %broadcast_in_dim3A_372] : memref<512x32xf32, #tpu.memory_space<vmem>>[vector<16xi32>, vector<16xi32>], vector<16xf32>,
      %gather3A_375 = tpu.vector_load_idx %arg11[%add3A_362, %broadcast_in_dim3A_372] : memref<512x32xf32, #tpu.memory_space<vmem>>[vector<16xi32>, vector<16xi32>], vector<16xf32>,
      %mul3A_376 = arith.mulf %gather3A_373, %gather3A_374 : vector<16xf32>
      %mul3A_377 = arith.mulf %gather3A_375, %gather3A : vector<16xf32>
      %mul3A_378 = arith.mulf %mul3A_376, %mul3A_377 : vector<16xf32>
      %add3A_379 = arith.addf %broadcast_in_dim3A_364, %mul3A_378 : vector<16xf32>
      %broadcast_in_dim3A_380 = arith.constant 1 : i32
      %broadcast_in_dim3A_381 = vector.broadcast %broadcast_in_dim3A_380 : i32 to vector<16xi32>
      %gather3A_382 = tpu.vector_load_idx %arg9[%add3A_362, %broadcast_in_dim3A_381] : memref<512x32xf32, #tpu.memory_space<vmem>>[vector<16xi32>, vector<16xi32>], vector<16xf32>,
      %gather3A_383 = tpu.vector_load_idx %arg10[%add3A_362, %broadcast_in_dim3A_381] : memref<512x32xf32, #tpu.memory_space<vmem>>[vector<16xi32>, vector<16xi32>], vector<16xf32>,
      %gather3A_384 = tpu.vector_load_idx %arg11[%add3A_362, %broadcast_in_dim3A_381] : memref<512x32xf32, #tpu.memory_space<vmem>>[vector<16xi32>, vector<16xi32>], vector<16xf32>,
      %mul3A_385 = arith.mulf %gather3A_382, %gather3A_383 : vector<16xf32>
      %mul3A_386 = arith.mulf %gather3A_384, %gather3A_125 : vector<16xf32>
      %mul3A_387 = arith.mulf %mul3A_385, %mul3A_386 : vector<16xf32>
      %add3A_388 = arith.addf %broadcast_in_dim3A_366, %mul3A_387 : vector<16xf32>
      %broadcast_in_dim3A_389 = arith.constant 2 : i32
      %broadcast_in_dim3A_390 = vector.broadcast %broadcast_in_dim3A_389 : i32 to vector<16xi32>
      %gather3A_391 = tpu.vector_load_idx %arg9[%add3A_362, %broadcast_in_dim3A_390] : memref<512x32xf32, #tpu.memory_space<vmem>>[vector<16xi32>, vector<16xi32>], vector<16xf32>,
      %gather3A_392 = tpu.vector_load_idx %arg10[%add3A_362, %broadcast_in_dim3A_390] : memref<512x32xf32, #tpu.memory_space<vmem>>[vector<16xi32>, vector<16xi32>], vector<16xf32>,
      %gather3A_393 = tpu.vector_load_idx %arg11[%add3A_362, %broadcast_in_dim3A_390] : memref<512x32xf32, #tpu.memory_space<vmem>>[vector<16xi32>, vector<16xi32>], vector<16xf32>,
      %mul3A_394 = arith.mulf %gather3A_391, %gather3A_392 : vector<16xf32>
      %mul3A_395 = arith.mulf %gather3A_393, %gather3A_128 : vector<16xf32>
      %mul3A_396 = arith.mulf %mul3A_394, %mul3A_395 : vector<16xf32>
      %add3A_397 = arith.addf %broadcast_in_dim3A_368, %mul3A_396 : vector<16xf32>
      %broadcast_in_dim3A_398 = arith.constant 3 : i32
      %broadcast_in_dim3A_399 = vector.broadcast %broadcast_in_dim3A_398 : i32 to vector<16xi32>
      %gather3A_400 = tpu.vector_load_idx %arg9[%add3A_362, %broadcast_in_dim3A_399] : memref<512x32xf32, #tpu.memory_space<vmem>>[vector<16xi32>, vector<16xi32>], vector<16xf32>,
      %gather3A_401 = tpu.vector_load_idx %arg10[%add3A_362, %broadcast_in_dim3A_399] : memref<512x32xf32, #tpu.memory_space<vmem>>[vector<16xi32>, vector<16xi32>], vector<16xf32>,
      %gather3A_402 = tpu.vector_load_idx %arg11[%add3A_362, %broadcast_in_dim3A_399] : memref<512x32xf32, #tpu.memory_space<vmem>>[vector<16xi32>, vector<16xi32>], vector<16xf32>,
      %mul3A_403 = arith.mulf %gather3A_400, %gather3A_401 : vector<16xf32>
      %mul3A_404 = arith.mulf %gather3A_402, %gather3A_131 : vector<16xf32>
      %mul3A_405 = arith.mulf %mul3A_403, %mul3A_404 : vector<16xf32>
      %add3A_406 = arith.addf %broadcast_in_dim3A_370, %mul3A_405 : vector<16xf32>
      %broadcast_in_dim3A_407 = arith.constant 4 : i32
      %broadcast_in_dim3A_408 = vector.broadcast %broadcast_in_dim3A_407 : i32 to vector<16xi32>
      %gather3A_409 = tpu.vector_load_idx %arg9[%add3A_362, %broadcast_in_dim3A_408] : memref<512x32xf32, #tpu.memory_space<vmem>>[vector<16xi32>, vector<16xi32>], vector<16xf32>,
      %gather3A_410 = tpu.vector_load_idx %arg10[%add3A_362, %broadcast_in_dim3A_408] : memref<512x32xf32, #tpu.memory_space<vmem>>[vector<16xi32>, vector<16xi32>], vector<16xf32>,
      %gather3A_411 = tpu.vector_load_idx %arg11[%add3A_362, %broadcast_in_dim3A_408] : memref<512x32xf32, #tpu.memory_space<vmem>>[vector<16xi32>, vector<16xi32>], vector<16xf32>,
      %mul3A_412 = arith.mulf %gather3A_409, %gather3A_410 : vector<16xf32>
      %mul3A_413 = arith.mulf %gather3A_411, %gather3A_134 : vector<16xf32>
      %mul3A_414 = arith.mulf %mul3A_412, %mul3A_413 : vector<16xf32>
      %add3A_415 = arith.addf %add3A_379, %mul3A_414 : vector<16xf32>
      %broadcast_in_dim3A_416 = arith.constant 5 : i32
      %broadcast_in_dim3A_417 = vector.broadcast %broadcast_in_dim3A_416 : i32 to vector<16xi32>
      %gather3A_418 = tpu.vector_load_idx %arg9[%add3A_362, %broadcast_in_dim3A_417] : memref<512x32xf32, #tpu.memory_space<vmem>>[vector<16xi32>, vector<16xi32>], vector<16xf32>,
      %gather3A_419 = tpu.vector_load_idx %arg10[%add3A_362, %broadcast_in_dim3A_417] : memref<512x32xf32, #tpu.memory_space<vmem>>[vector<16xi32>, vector<16xi32>], vector<16xf32>,
      %gather3A_420 = tpu.vector_load_idx %arg11[%add3A_362, %broadcast_in_dim3A_417] : memref<512x32xf32, #tpu.memory_space<vmem>>[vector<16xi32>, vector<16xi32>], vector<16xf32>,
      %mul3A_421 = arith.mulf %gather3A_418, %gather3A_419 : vector<16xf32>
      %mul3A_422 = arith.mulf %gather3A_420, %gather3A_137 : vector<16xf32>
      %mul3A_423 = arith.mulf %mul3A_421, %mul3A_422 : vector<16xf32>
      %add3A_424 = arith.addf %add3A_388, %mul3A_423 : vector<16xf32>
      %broadcast_in_dim3A_425 = arith.constant 6 : i32
      %broadcast_in_dim3A_426 = vector.broadcast %broadcast_in_dim3A_425 : i32 to vector<16xi32>
      %gather3A_427 = tpu.vector_load_idx %arg9[%add3A_362, %broadcast_in_dim3A_426] : memref<512x32xf32, #tpu.memory_space<vmem>>[vector<16xi32>, vector<16xi32>], vector<16xf32>,
      %gather3A_428 = tpu.vector_load_idx %arg10[%add3A_362, %broadcast_in_dim3A_426] : memref<512x32xf32, #tpu.memory_space<vmem>>[vector<16xi32>, vector<16xi32>], vector<16xf32>,
      %gather3A_429 = tpu.vector_load_idx %arg11[%add3A_362, %broadcast_in_dim3A_426] : memref<512x32xf32, #tpu.memory_space<vmem>>[vector<16xi32>, vector<16xi32>], vector<16xf32>,
      %mul3A_430 = arith.mulf %gather3A_427, %gather3A_428 : vector<16xf32>
      %mul3A_431 = arith.mulf %gather3A_429, %gather3A_140 : vector<16xf32>
      %mul3A_432 = arith.mulf %mul3A_430, %mul3A_431 : vector<16xf32>
      %add3A_433 = arith.addf %add3A_397, %mul3A_432 : vector<16xf32>
      %broadcast_in_dim3A_434 = arith.constant 7 : i32
      %broadcast_in_dim3A_435 = vector.broadcast %broadcast_in_dim3A_434 : i32 to vector<16xi32>
      %gather3A_436 = tpu.vector_load_idx %arg9[%add3A_362, %broadcast_in_dim3A_435] : memref<512x32xf32, #tpu.memory_space<vmem>>[vector<16xi32>, vector<16xi32>], vector<16xf32>,
      %gather3A_437 = tpu.vector_load_idx %arg10[%add3A_362, %broadcast_in_dim3A_435] : memref<512x32xf32, #tpu.memory_space<vmem>>[vector<16xi32>, vector<16xi32>], vector<16xf32>,
      %gather3A_438 = tpu.vector_load_idx %arg11[%add3A_362, %broadcast_in_dim3A_435] : memref<512x32xf32, #tpu.memory_space<vmem>>[vector<16xi32>, vector<16xi32>], vector<16xf32>,
      %mul3A_439 = arith.mulf %gather3A_436, %gather3A_437 : vector<16xf32>
      %mul3A_440 = arith.mulf %gather3A_438, %gather3A_143 : vector<16xf32>
      %mul3A_441 = arith.mulf %mul3A_439, %mul3A_440 : vector<16xf32>
      %add3A_442 = arith.addf %add3A_406, %mul3A_441 : vector<16xf32>
      %broadcast_in_dim3A_443 = arith.constant 8 : i32
      %broadcast_in_dim3A_444 = vector.broadcast %broadcast_in_dim3A_443 : i32 to vector<16xi32>
      %gather3A_445 = tpu.vector_load_idx %arg9[%add3A_362, %broadcast_in_dim3A_444] : memref<512x32xf32, #tpu.memory_space<vmem>>[vector<16xi32>, vector<16xi32>], vector<16xf32>,
      %gather3A_446 = tpu.vector_load_idx %arg10[%add3A_362, %broadcast_in_dim3A_444] : memref<512x32xf32, #tpu.memory_space<vmem>>[vector<16xi32>, vector<16xi32>], vector<16xf32>,
      %gather3A_447 = tpu.vector_load_idx %arg11[%add3A_362, %broadcast_in_dim3A_444] : memref<512x32xf32, #tpu.memory_space<vmem>>[vector<16xi32>, vector<16xi32>], vector<16xf32>,
      %mul3A_448 = arith.mulf %gather3A_445, %gather3A_446 : vector<16xf32>
      %mul3A_449 = arith.mulf %gather3A_447, %gather3A_146 : vector<16xf32>
      %mul3A_450 = arith.mulf %mul3A_448, %mul3A_449 : vector<16xf32>
      %add3A_451 = arith.addf %add3A_415, %mul3A_450 : vector<16xf32>
      %broadcast_in_dim3A_452 = arith.constant 9 : i32
      %broadcast_in_dim3A_453 = vector.broadcast %broadcast_in_dim3A_452 : i32 to vector<16xi32>
      %gather3A_454 = tpu.vector_load_idx %arg9[%add3A_362, %broadcast_in_dim3A_453] : memref<512x32xf32, #tpu.memory_space<vmem>>[vector<16xi32>, vector<16xi32>], vector<16xf32>,
      %gather3A_455 = tpu.vector_load_idx %arg10[%add3A_362, %broadcast_in_dim3A_453] : memref<512x32xf32, #tpu.memory_space<vmem>>[vector<16xi32>, vector<16xi32>], vector<16xf32>,
      %gather3A_456 = tpu.vector_load_idx %arg11[%add3A_362, %broadcast_in_dim3A_453] : memref<512x32xf32, #tpu.memory_space<vmem>>[vector<16xi32>, vector<16xi32>], vector<16xf32>,
      %mul3A_457 = arith.mulf %gather3A_454, %gather3A_455 : vector<16xf32>
      %mul3A_458 = arith.mulf %gather3A_456, %gather3A_149 : vector<16xf32>
      %mul3A_459 = arith.mulf %mul3A_457, %mul3A_458 : vector<16xf32>
      %add3A_460 = arith.addf %add3A_424, %mul3A_459 : vector<16xf32>
      %broadcast_in_dim3A_461 = arith.constant 10 : i32
      %broadcast_in_dim3A_462 = vector.broadcast %broadcast_in_dim3A_461 : i32 to vector<16xi32>
      %gather3A_463 = tpu.vector_load_idx %arg9[%add3A_362, %broadcast_in_dim3A_462] : memref<512x32xf32, #tpu.memory_space<vmem>>[vector<16xi32>, vector<16xi32>], vector<16xf32>,
      %gather3A_464 = tpu.vector_load_idx %arg10[%add3A_362, %broadcast_in_dim3A_462] : memref<512x32xf32, #tpu.memory_space<vmem>>[vector<16xi32>, vector<16xi32>], vector<16xf32>,
      %gather3A_465 = tpu.vector_load_idx %arg11[%add3A_362, %broadcast_in_dim3A_462] : memref<512x32xf32, #tpu.memory_space<vmem>>[vector<16xi32>, vector<16xi32>], vector<16xf32>,
      %mul3A_466 = arith.mulf %gather3A_463, %gather3A_464 : vector<16xf32>
      %mul3A_467 = arith.mulf %gather3A_465, %gather3A_152 : vector<16xf32>
      %mul3A_468 = arith.mulf %mul3A_466, %mul3A_467 : vector<16xf32>
      %add3A_469 = arith.addf %add3A_433, %mul3A_468 : vector<16xf32>
      %broadcast_in_dim3A_470 = arith.constant 11 : i32
      %broadcast_in_dim3A_471 = vector.broadcast %broadcast_in_dim3A_470 : i32 to vector<16xi32>
      %gather3A_472 = tpu.vector_load_idx %arg9[%add3A_362, %broadcast_in_dim3A_471] : memref<512x32xf32, #tpu.memory_space<vmem>>[vector<16xi32>, vector<16xi32>], vector<16xf32>,
      %gather3A_473 = tpu.vector_load_idx %arg10[%add3A_362, %broadcast_in_dim3A_471] : memref<512x32xf32, #tpu.memory_space<vmem>>[vector<16xi32>, vector<16xi32>], vector<16xf32>,
      %gather3A_474 = tpu.vector_load_idx %arg11[%add3A_362, %broadcast_in_dim3A_471] : memref<512x32xf32, #tpu.memory_space<vmem>>[vector<16xi32>, vector<16xi32>], vector<16xf32>,
      %mul3A_475 = arith.mulf %gather3A_472, %gather3A_473 : vector<16xf32>
      %mul3A_476 = arith.mulf %gather3A_474, %gather3A_155 : vector<16xf32>
      %mul3A_477 = arith.mulf %mul3A_475, %mul3A_476 : vector<16xf32>
      %add3A_478 = arith.addf %add3A_442, %mul3A_477 : vector<16xf32>
      %broadcast_in_dim3A_479 = arith.constant 12 : i32
      %broadcast_in_dim3A_480 = vector.broadcast %broadcast_in_dim3A_479 : i32 to vector<16xi32>
      %gather3A_481 = tpu.vector_load_idx %arg9[%add3A_362, %broadcast_in_dim3A_480] : memref<512x32xf32, #tpu.memory_space<vmem>>[vector<16xi32>, vector<16xi32>], vector<16xf32>,
      %gather3A_482 = tpu.vector_load_idx %arg10[%add3A_362, %broadcast_in_dim3A_480] : memref<512x32xf32, #tpu.memory_space<vmem>>[vector<16xi32>, vector<16xi32>], vector<16xf32>,
      %gather3A_483 = tpu.vector_load_idx %arg11[%add3A_362, %broadcast_in_dim3A_480] : memref<512x32xf32, #tpu.memory_space<vmem>>[vector<16xi32>, vector<16xi32>], vector<16xf32>,
      %mul3A_484 = arith.mulf %gather3A_481, %gather3A_482 : vector<16xf32>
      %mul3A_485 = arith.mulf %gather3A_483, %gather3A_158 : vector<16xf32>
      %mul3A_486 = arith.mulf %mul3A_484, %mul3A_485 : vector<16xf32>
      %add3A_487 = arith.addf %add3A_451, %mul3A_486 : vector<16xf32>
      %broadcast_in_dim3A_488 = arith.constant 13 : i32
      %broadcast_in_dim3A_489 = vector.broadcast %broadcast_in_dim3A_488 : i32 to vector<16xi32>
      %gather3A_490 = tpu.vector_load_idx %arg9[%add3A_362, %broadcast_in_dim3A_489] : memref<512x32xf32, #tpu.memory_space<vmem>>[vector<16xi32>, vector<16xi32>], vector<16xf32>,
      %gather3A_491 = tpu.vector_load_idx %arg10[%add3A_362, %broadcast_in_dim3A_489] : memref<512x32xf32, #tpu.memory_space<vmem>>[vector<16xi32>, vector<16xi32>], vector<16xf32>,
      %gather3A_492 = tpu.vector_load_idx %arg11[%add3A_362, %broadcast_in_dim3A_489] : memref<512x32xf32, #tpu.memory_space<vmem>>[vector<16xi32>, vector<16xi32>], vector<16xf32>,
      %mul3A_493 = arith.mulf %gather3A_490, %gather3A_491 : vector<16xf32>
      %mul3A_494 = arith.mulf %gather3A_492, %gather3A_161 : vector<16xf32>
      %mul3A_495 = arith.mulf %mul3A_493, %mul3A_494 : vector<16xf32>
      %add3A_496 = arith.addf %add3A_460, %mul3A_495 : vector<16xf32>
      %broadcast_in_dim3A_497 = arith.constant 14 : i32
      %broadcast_in_dim3A_498 = vector.broadcast %broadcast_in_dim3A_497 : i32 to vector<16xi32>
      %gather3A_499 = tpu.vector_load_idx %arg9[%add3A_362, %broadcast_in_dim3A_498] : memref<512x32xf32, #tpu.memory_space<vmem>>[vector<16xi32>, vector<16xi32>], vector<16xf32>,
      %gather3A_500 = tpu.vector_load_idx %arg10[%add3A_362, %broadcast_in_dim3A_498] : memref<512x32xf32, #tpu.memory_space<vmem>>[vector<16xi32>, vector<16xi32>], vector<16xf32>,
      %gather3A_501 = tpu.vector_load_idx %arg11[%add3A_362, %broadcast_in_dim3A_498] : memref<512x32xf32, #tpu.memory_space<vmem>>[vector<16xi32>, vector<16xi32>], vector<16xf32>,
      %mul3A_502 = arith.mulf %gather3A_499, %gather3A_500 : vector<16xf32>
      %mul3A_503 = arith.mulf %gather3A_501, %gather3A_164 : vector<16xf32>
      %mul3A_504 = arith.mulf %mul3A_502, %mul3A_503 : vector<16xf32>
      %add3A_505 = arith.addf %add3A_469, %mul3A_504 : vector<16xf32>
      %broadcast_in_dim3A_506 = arith.constant 15 : i32
      %broadcast_in_dim3A_507 = vector.broadcast %broadcast_in_dim3A_506 : i32 to vector<16xi32>
      %gather3A_508 = tpu.vector_load_idx %arg9[%add3A_362, %broadcast_in_dim3A_507] : memref<512x32xf32, #tpu.memory_space<vmem>>[vector<16xi32>, vector<16xi32>], vector<16xf32>,
      %gather3A_509 = tpu.vector_load_idx %arg10[%add3A_362, %broadcast_in_dim3A_507] : memref<512x32xf32, #tpu.memory_space<vmem>>[vector<16xi32>, vector<16xi32>], vector<16xf32>,
      %gather3A_510 = tpu.vector_load_idx %arg11[%add3A_362, %broadcast_in_dim3A_507] : memref<512x32xf32, #tpu.memory_space<vmem>>[vector<16xi32>, vector<16xi32>], vector<16xf32>,
      %mul3A_511 = arith.mulf %gather3A_508, %gather3A_509 : vector<16xf32>
      %mul3A_512 = arith.mulf %gather3A_510, %gather3A_167 : vector<16xf32>
      %mul3A_513 = arith.mulf %mul3A_511, %mul3A_512 : vector<16xf32>
      %add3A_514 = arith.addf %add3A_478, %mul3A_513 : vector<16xf32>
      %broadcast_in_dim3A_515 = arith.constant 16 : i32
      %broadcast_in_dim3A_516 = vector.broadcast %broadcast_in_dim3A_515 : i32 to vector<16xi32>
      %gather3A_517 = tpu.vector_load_idx %arg9[%add3A_362, %broadcast_in_dim3A_516] : memref<512x32xf32, #tpu.memory_space<vmem>>[vector<16xi32>, vector<16xi32>], vector<16xf32>,
      %gather3A_518 = tpu.vector_load_idx %arg10[%add3A_362, %broadcast_in_dim3A_516] : memref<512x32xf32, #tpu.memory_space<vmem>>[vector<16xi32>, vector<16xi32>], vector<16xf32>,
      %gather3A_519 = tpu.vector_load_idx %arg11[%add3A_362, %broadcast_in_dim3A_516] : memref<512x32xf32, #tpu.memory_space<vmem>>[vector<16xi32>, vector<16xi32>], vector<16xf32>,
      %mul3A_520 = arith.mulf %gather3A_517, %gather3A_518 : vector<16xf32>
      %mul3A_521 = arith.mulf %gather3A_519, %gather3A_170 : vector<16xf32>
      %mul3A_522 = arith.mulf %mul3A_520, %mul3A_521 : vector<16xf32>
      %add3A_523 = arith.addf %add3A_487, %mul3A_522 : vector<16xf32>
      %broadcast_in_dim3A_524 = arith.constant 17 : i32
      %broadcast_in_dim3A_525 = vector.broadcast %broadcast_in_dim3A_524 : i32 to vector<16xi32>
      %gather3A_526 = tpu.vector_load_idx %arg9[%add3A_362, %broadcast_in_dim3A_525] : memref<512x32xf32, #tpu.memory_space<vmem>>[vector<16xi32>, vector<16xi32>], vector<16xf32>,
      %gather3A_527 = tpu.vector_load_idx %arg10[%add3A_362, %broadcast_in_dim3A_525] : memref<512x32xf32, #tpu.memory_space<vmem>>[vector<16xi32>, vector<16xi32>], vector<16xf32>,
      %gather3A_528 = tpu.vector_load_idx %arg11[%add3A_362, %broadcast_in_dim3A_525] : memref<512x32xf32, #tpu.memory_space<vmem>>[vector<16xi32>, vector<16xi32>], vector<16xf32>,
      %mul3A_529 = arith.mulf %gather3A_526, %gather3A_527 : vector<16xf32>
      %mul3A_530 = arith.mulf %gather3A_528, %gather3A_173 : vector<16xf32>
      %mul3A_531 = arith.mulf %mul3A_529, %mul3A_530 : vector<16xf32>
      %add3A_532 = arith.addf %add3A_496, %mul3A_531 : vector<16xf32>
      %broadcast_in_dim3A_533 = arith.constant 18 : i32
      %broadcast_in_dim3A_534 = vector.broadcast %broadcast_in_dim3A_533 : i32 to vector<16xi32>
      %gather3A_535 = tpu.vector_load_idx %arg9[%add3A_362, %broadcast_in_dim3A_534] : memref<512x32xf32, #tpu.memory_space<vmem>>[vector<16xi32>, vector<16xi32>], vector<16xf32>,
      %gather3A_536 = tpu.vector_load_idx %arg10[%add3A_362, %broadcast_in_dim3A_534] : memref<512x32xf32, #tpu.memory_space<vmem>>[vector<16xi32>, vector<16xi32>], vector<16xf32>,
      %gather3A_537 = tpu.vector_load_idx %arg11[%add3A_362, %broadcast_in_dim3A_534] : memref<512x32xf32, #tpu.memory_space<vmem>>[vector<16xi32>, vector<16xi32>], vector<16xf32>,
      %mul3A_538 = arith.mulf %gather3A_535, %gather3A_536 : vector<16xf32>
      %mul3A_539 = arith.mulf %gather3A_537, %gather3A_176 : vector<16xf32>
      %mul3A_540 = arith.mulf %mul3A_538, %mul3A_539 : vector<16xf32>
      %add3A_541 = arith.addf %add3A_505, %mul3A_540 : vector<16xf32>
      %broadcast_in_dim3A_542 = arith.constant 19 : i32
      %broadcast_in_dim3A_543 = vector.broadcast %broadcast_in_dim3A_542 : i32 to vector<16xi32>
      %gather3A_544 = tpu.vector_load_idx %arg9[%add3A_362, %broadcast_in_dim3A_543] : memref<512x32xf32, #tpu.memory_space<vmem>>[vector<16xi32>, vector<16xi32>], vector<16xf32>,
      %gather3A_545 = tpu.vector_load_idx %arg10[%add3A_362, %broadcast_in_dim3A_543] : memref<512x32xf32, #tpu.memory_space<vmem>>[vector<16xi32>, vector<16xi32>], vector<16xf32>,
      %gather3A_546 = tpu.vector_load_idx %arg11[%add3A_362, %broadcast_in_dim3A_543] : memref<512x32xf32, #tpu.memory_space<vmem>>[vector<16xi32>, vector<16xi32>], vector<16xf32>,
      %mul3A_547 = arith.mulf %gather3A_544, %gather3A_545 : vector<16xf32>
      %mul3A_548 = arith.mulf %gather3A_546, %gather3A_179 : vector<16xf32>
      %mul3A_549 = arith.mulf %mul3A_547, %mul3A_548 : vector<16xf32>
      %add3A_550 = arith.addf %add3A_514, %mul3A_549 : vector<16xf32>
      %broadcast_in_dim3A_551 = arith.constant 20 : i32
      %broadcast_in_dim3A_552 = vector.broadcast %broadcast_in_dim3A_551 : i32 to vector<16xi32>
      %gather3A_553 = tpu.vector_load_idx %arg9[%add3A_362, %broadcast_in_dim3A_552] : memref<512x32xf32, #tpu.memory_space<vmem>>[vector<16xi32>, vector<16xi32>], vector<16xf32>,
      %gather3A_554 = tpu.vector_load_idx %arg10[%add3A_362, %broadcast_in_dim3A_552] : memref<512x32xf32, #tpu.memory_space<vmem>>[vector<16xi32>, vector<16xi32>], vector<16xf32>,
      %gather3A_555 = tpu.vector_load_idx %arg11[%add3A_362, %broadcast_in_dim3A_552] : memref<512x32xf32, #tpu.memory_space<vmem>>[vector<16xi32>, vector<16xi32>], vector<16xf32>,
      %mul3A_556 = arith.mulf %gather3A_553, %gather3A_554 : vector<16xf32>
      %mul3A_557 = arith.mulf %gather3A_555, %gather3A_182 : vector<16xf32>
      %mul3A_558 = arith.mulf %mul3A_556, %mul3A_557 : vector<16xf32>
      %add3A_559 = arith.addf %add3A_523, %mul3A_558 : vector<16xf32>
      %broadcast_in_dim3A_560 = arith.constant 21 : i32
      %broadcast_in_dim3A_561 = vector.broadcast %broadcast_in_dim3A_560 : i32 to vector<16xi32>
      %gather3A_562 = tpu.vector_load_idx %arg9[%add3A_362, %broadcast_in_dim3A_561] : memref<512x32xf32, #tpu.memory_space<vmem>>[vector<16xi32>, vector<16xi32>], vector<16xf32>,
      %gather3A_563 = tpu.vector_load_idx %arg10[%add3A_362, %broadcast_in_dim3A_561] : memref<512x32xf32, #tpu.memory_space<vmem>>[vector<16xi32>, vector<16xi32>], vector<16xf32>,
      %gather3A_564 = tpu.vector_load_idx %arg11[%add3A_362, %broadcast_in_dim3A_561] : memref<512x32xf32, #tpu.memory_space<vmem>>[vector<16xi32>, vector<16xi32>], vector<16xf32>,
      %mul3A_565 = arith.mulf %gather3A_562, %gather3A_563 : vector<16xf32>
      %mul3A_566 = arith.mulf %gather3A_564, %gather3A_185 : vector<16xf32>
      %mul3A_567 = arith.mulf %mul3A_565, %mul3A_566 : vector<16xf32>
      %add3A_568 = arith.addf %add3A_532, %mul3A_567 : vector<16xf32>
      %broadcast_in_dim3A_569 = arith.constant 22 : i32
      %broadcast_in_dim3A_570 = vector.broadcast %broadcast_in_dim3A_569 : i32 to vector<16xi32>
      %gather3A_571 = tpu.vector_load_idx %arg9[%add3A_362, %broadcast_in_dim3A_570] : memref<512x32xf32, #tpu.memory_space<vmem>>[vector<16xi32>, vector<16xi32>], vector<16xf32>,
      %gather3A_572 = tpu.vector_load_idx %arg10[%add3A_362, %broadcast_in_dim3A_570] : memref<512x32xf32, #tpu.memory_space<vmem>>[vector<16xi32>, vector<16xi32>], vector<16xf32>,
      %gather3A_573 = tpu.vector_load_idx %arg11[%add3A_362, %broadcast_in_dim3A_570] : memref<512x32xf32, #tpu.memory_space<vmem>>[vector<16xi32>, vector<16xi32>], vector<16xf32>,
      %mul3A_574 = arith.mulf %gather3A_571, %gather3A_572 : vector<16xf32>
      %mul3A_575 = arith.mulf %gather3A_573, %gather3A_188 : vector<16xf32>
      %mul3A_576 = arith.mulf %mul3A_574, %mul3A_575 : vector<16xf32>
      %add3A_577 = arith.addf %add3A_541, %mul3A_576 : vector<16xf32>
      %broadcast_in_dim3A_578 = arith.constant 23 : i32
      %broadcast_in_dim3A_579 = vector.broadcast %broadcast_in_dim3A_578 : i32 to vector<16xi32>
      %gather3A_580 = tpu.vector_load_idx %arg9[%add3A_362, %broadcast_in_dim3A_579] : memref<512x32xf32, #tpu.memory_space<vmem>>[vector<16xi32>, vector<16xi32>], vector<16xf32>,
      %gather3A_581 = tpu.vector_load_idx %arg10[%add3A_362, %broadcast_in_dim3A_579] : memref<512x32xf32, #tpu.memory_space<vmem>>[vector<16xi32>, vector<16xi32>], vector<16xf32>,
      %gather3A_582 = tpu.vector_load_idx %arg11[%add3A_362, %broadcast_in_dim3A_579] : memref<512x32xf32, #tpu.memory_space<vmem>>[vector<16xi32>, vector<16xi32>], vector<16xf32>,
      %mul3A_583 = arith.mulf %gather3A_580, %gather3A_581 : vector<16xf32>
      %mul3A_584 = arith.mulf %gather3A_582, %gather3A_191 : vector<16xf32>
      %mul3A_585 = arith.mulf %mul3A_583, %mul3A_584 : vector<16xf32>
      %add3A_586 = arith.addf %add3A_550, %mul3A_585 : vector<16xf32>
      %broadcast_in_dim3A_587 = arith.constant 24 : i32
      %broadcast_in_dim3A_588 = vector.broadcast %broadcast_in_dim3A_587 : i32 to vector<16xi32>
      %gather3A_589 = tpu.vector_load_idx %arg9[%add3A_362, %broadcast_in_dim3A_588] : memref<512x32xf32, #tpu.memory_space<vmem>>[vector<16xi32>, vector<16xi32>], vector<16xf32>,
      %gather3A_590 = tpu.vector_load_idx %arg10[%add3A_362, %broadcast_in_dim3A_588] : memref<512x32xf32, #tpu.memory_space<vmem>>[vector<16xi32>, vector<16xi32>], vector<16xf32>,
      %gather3A_591 = tpu.vector_load_idx %arg11[%add3A_362, %broadcast_in_dim3A_588] : memref<512x32xf32, #tpu.memory_space<vmem>>[vector<16xi32>, vector<16xi32>], vector<16xf32>,
      %mul3A_592 = arith.mulf %gather3A_589, %gather3A_590 : vector<16xf32>
      %mul3A_593 = arith.mulf %gather3A_591, %gather3A_194 : vector<16xf32>
      %mul3A_594 = arith.mulf %mul3A_592, %mul3A_593 : vector<16xf32>
      %add3A_595 = arith.addf %add3A_559, %mul3A_594 : vector<16xf32>
      %broadcast_in_dim3A_596 = arith.constant 25 : i32
      %broadcast_in_dim3A_597 = vector.broadcast %broadcast_in_dim3A_596 : i32 to vector<16xi32>
      %gather3A_598 = tpu.vector_load_idx %arg9[%add3A_362, %broadcast_in_dim3A_597] : memref<512x32xf32, #tpu.memory_space<vmem>>[vector<16xi32>, vector<16xi32>], vector<16xf32>,
      %gather3A_599 = tpu.vector_load_idx %arg10[%add3A_362, %broadcast_in_dim3A_597] : memref<512x32xf32, #tpu.memory_space<vmem>>[vector<16xi32>, vector<16xi32>], vector<16xf32>,
      %gather3A_600 = tpu.vector_load_idx %arg11[%add3A_362, %broadcast_in_dim3A_597] : memref<512x32xf32, #tpu.memory_space<vmem>>[vector<16xi32>, vector<16xi32>], vector<16xf32>,
      %mul3A_601 = arith.mulf %gather3A_598, %gather3A_599 : vector<16xf32>
      %mul3A_602 = arith.mulf %gather3A_600, %gather3A_197 : vector<16xf32>
      %mul3A_603 = arith.mulf %mul3A_601, %mul3A_602 : vector<16xf32>
      %add3A_604 = arith.addf %add3A_568, %mul3A_603 : vector<16xf32>
      %broadcast_in_dim3A_605 = arith.constant 26 : i32
      %broadcast_in_dim3A_606 = vector.broadcast %broadcast_in_dim3A_605 : i32 to vector<16xi32>
      %gather3A_607 = tpu.vector_load_idx %arg9[%add3A_362, %broadcast_in_dim3A_606] : memref<512x32xf32, #tpu.memory_space<vmem>>[vector<16xi32>, vector<16xi32>], vector<16xf32>,
      %gather3A_608 = tpu.vector_load_idx %arg10[%add3A_362, %broadcast_in_dim3A_606] : memref<512x32xf32, #tpu.memory_space<vmem>>[vector<16xi32>, vector<16xi32>], vector<16xf32>,
      %gather3A_609 = tpu.vector_load_idx %arg11[%add3A_362, %broadcast_in_dim3A_606] : memref<512x32xf32, #tpu.memory_space<vmem>>[vector<16xi32>, vector<16xi32>], vector<16xf32>,
      %mul3A_610 = arith.mulf %gather3A_607, %gather3A_608 : vector<16xf32>
      %mul3A_611 = arith.mulf %gather3A_609, %gather3A_200 : vector<16xf32>
      %mul3A_612 = arith.mulf %mul3A_610, %mul3A_611 : vector<16xf32>
      %add3A_613 = arith.addf %add3A_577, %mul3A_612 : vector<16xf32>
      %broadcast_in_dim3A_614 = arith.constant 27 : i32
      %broadcast_in_dim3A_615 = vector.broadcast %broadcast_in_dim3A_614 : i32 to vector<16xi32>
      %gather3A_616 = tpu.vector_load_idx %arg9[%add3A_362, %broadcast_in_dim3A_615] : memref<512x32xf32, #tpu.memory_space<vmem>>[vector<16xi32>, vector<16xi32>], vector<16xf32>,
      %gather3A_617 = tpu.vector_load_idx %arg10[%add3A_362, %broadcast_in_dim3A_615] : memref<512x32xf32, #tpu.memory_space<vmem>>[vector<16xi32>, vector<16xi32>], vector<16xf32>,
      %gather3A_618 = tpu.vector_load_idx %arg11[%add3A_362, %broadcast_in_dim3A_615] : memref<512x32xf32, #tpu.memory_space<vmem>>[vector<16xi32>, vector<16xi32>], vector<16xf32>,
      %mul3A_619 = arith.mulf %gather3A_616, %gather3A_617 : vector<16xf32>
      %mul3A_620 = arith.mulf %gather3A_618, %gather3A_203 : vector<16xf32>
      %mul3A_621 = arith.mulf %mul3A_619, %mul3A_620 : vector<16xf32>
      %add3A_622 = arith.addf %add3A_586, %mul3A_621 : vector<16xf32>
      %broadcast_in_dim3A_623 = arith.constant 28 : i32
      %broadcast_in_dim3A_624 = vector.broadcast %broadcast_in_dim3A_623 : i32 to vector<16xi32>
      %gather3A_625 = tpu.vector_load_idx %arg9[%add3A_362, %broadcast_in_dim3A_624] : memref<512x32xf32, #tpu.memory_space<vmem>>[vector<16xi32>, vector<16xi32>], vector<16xf32>,
      %gather3A_626 = tpu.vector_load_idx %arg10[%add3A_362, %broadcast_in_dim3A_624] : memref<512x32xf32, #tpu.memory_space<vmem>>[vector<16xi32>, vector<16xi32>], vector<16xf32>,
      %gather3A_627 = tpu.vector_load_idx %arg11[%add3A_362, %broadcast_in_dim3A_624] : memref<512x32xf32, #tpu.memory_space<vmem>>[vector<16xi32>, vector<16xi32>], vector<16xf32>,
      %mul3A_628 = arith.mulf %gather3A_625, %gather3A_626 : vector<16xf32>
      %mul3A_629 = arith.mulf %gather3A_627, %gather3A_206 : vector<16xf32>
      %mul3A_630 = arith.mulf %mul3A_628, %mul3A_629 : vector<16xf32>
      %add3A_631 = arith.addf %add3A_595, %mul3A_630 : vector<16xf32>
      %broadcast_in_dim3A_632 = arith.constant 29 : i32
      %broadcast_in_dim3A_633 = vector.broadcast %broadcast_in_dim3A_632 : i32 to vector<16xi32>
      %gather3A_634 = tpu.vector_load_idx %arg9[%add3A_362, %broadcast_in_dim3A_633] : memref<512x32xf32, #tpu.memory_space<vmem>>[vector<16xi32>, vector<16xi32>], vector<16xf32>,
      %gather3A_635 = tpu.vector_load_idx %arg10[%add3A_362, %broadcast_in_dim3A_633] : memref<512x32xf32, #tpu.memory_space<vmem>>[vector<16xi32>, vector<16xi32>], vector<16xf32>,
      %gather3A_636 = tpu.vector_load_idx %arg11[%add3A_362, %broadcast_in_dim3A_633] : memref<512x32xf32, #tpu.memory_space<vmem>>[vector<16xi32>, vector<16xi32>], vector<16xf32>,
      %mul3A_637 = arith.mulf %gather3A_634, %gather3A_635 : vector<16xf32>
      %mul3A_638 = arith.mulf %gather3A_636, %gather3A_209 : vector<16xf32>
      %mul3A_639 = arith.mulf %mul3A_637, %mul3A_638 : vector<16xf32>
      %add3A_640 = arith.addf %add3A_604, %mul3A_639 : vector<16xf32>
      %broadcast_in_dim3A_641 = arith.constant 30 : i32
      %broadcast_in_dim3A_642 = vector.broadcast %broadcast_in_dim3A_641 : i32 to vector<16xi32>
      %gather3A_643 = tpu.vector_load_idx %arg9[%add3A_362, %broadcast_in_dim3A_642] : memref<512x32xf32, #tpu.memory_space<vmem>>[vector<16xi32>, vector<16xi32>], vector<16xf32>,
      %gather3A_644 = tpu.vector_load_idx %arg10[%add3A_362, %broadcast_in_dim3A_642] : memref<512x32xf32, #tpu.memory_space<vmem>>[vector<16xi32>, vector<16xi32>], vector<16xf32>,
      %gather3A_645 = tpu.vector_load_idx %arg11[%add3A_362, %broadcast_in_dim3A_642] : memref<512x32xf32, #tpu.memory_space<vmem>>[vector<16xi32>, vector<16xi32>], vector<16xf32>,
      %mul3A_646 = arith.mulf %gather3A_643, %gather3A_644 : vector<16xf32>
      %mul3A_647 = arith.mulf %gather3A_645, %gather3A_212 : vector<16xf32>
      %mul3A_648 = arith.mulf %mul3A_646, %mul3A_647 : vector<16xf32>
      %add3A_649 = arith.addf %add3A_613, %mul3A_648 : vector<16xf32>
      %broadcast_in_dim3A_650 = arith.constant 31 : i32
      %broadcast_in_dim3A_651 = vector.broadcast %broadcast_in_dim3A_650 : i32 to vector<16xi32>
      %gather3A_652 = tpu.vector_load_idx %arg9[%add3A_362, %broadcast_in_dim3A_651] : memref<512x32xf32, #tpu.memory_space<vmem>>[vector<16xi32>, vector<16xi32>], vector<16xf32>,
      %gather3A_653 = tpu.vector_load_idx %arg10[%add3A_362, %broadcast_in_dim3A_651] : memref<512x32xf32, #tpu.memory_space<vmem>>[vector<16xi32>, vector<16xi32>], vector<16xf32>,
      %gather3A_654 = tpu.vector_load_idx %arg11[%add3A_362, %broadcast_in_dim3A_651] : memref<512x32xf32, #tpu.memory_space<vmem>>[vector<16xi32>, vector<16xi32>], vector<16xf32>,
      %mul3A_655 = arith.mulf %gather3A_652, %gather3A_653 : vector<16xf32>
      %mul3A_656 = arith.mulf %gather3A_654, %gather3A_215 : vector<16xf32>
      %mul3A_657 = arith.mulf %mul3A_655, %mul3A_656 : vector<16xf32>
      %add3A_658 = arith.addf %add3A_622, %mul3A_657 : vector<16xf32>
      %add3A_659 = arith.addf %add3A_631, %add3A_640 : vector<16xf32>
      %add3A_660 = arith.addf %add3A_649, %add3A_658 : vector<16xf32>
      %add3A_661 = arith.addf %add3A_659, %add3A_660 : vector<16xf32>
      %mul3A_662 = arith.constant 16 : i32
      %mul3A_663 = arith.muli %scan3A_358, %mul3A_662 : i32
      %swap3A = arith.index_cast %mul3A_663 : i32 to index
      %swap3A_664 = tpu.vector_load %arg13[%swap3A] {strides = array<i32>} : memref<512xf32, #tpu.memory_space<vmem>>, vector<16xf32>,
      tpu.vector_store %arg13[%swap3A], %add3A_661 {strides = array<i32>} : memref<512xf32, #tpu.memory_space<vmem>>, vector<16xf32>,
    }
    %scan3A_285 = arith.constant 8 : i32
    %dma_wait3A_286 = arith.constant 0 : i32
    %dma_wait3A_287 = arith.constant 256 : i32
    %dma_wait3A_288 = arith.constant 0 : i32
    %dma_wait3A_289 = tpu.memref_slice %arg9[%dma_wait3A_287, %dma_wait3A_288] : memref<512x32xf32, #tpu.memory_space<vmem>> -> memref<128x32xf32, #tpu.memory_space<vmem>>
    %dma_wait3A_290 = arith.constant 256 : i32
    %dma_wait3A_291 = tpu.memref_slice %arg8[%dma_wait3A_286, %dma_wait3A_290] : memref<3x512xi32, #tpu.memory_space<vmem>> -> memref<1x128xi32, #tpu.memory_space<vmem>>
    %dma_wait3A_292 = tpu.memref_squeeze %dma_wait3A_291 : memref<1x128xi32, #tpu.memory_space<vmem>> -> memref<128xi32, #tpu.memory_space<vmem>>
    %dma_wait3A_293 = arith.constant 0 : i32
    %dma_wait3A_294 = arith.constant 0 : i32
    %dma_wait3A_295 = tpu.memref_slice %arg4[%dma_wait3A_293, %dma_wait3A_294] : memref<100000x32xf32, #tpu.memory_space<hbm>> -> memref<100000x32xf32, #tpu.memory_space<hbm>>
    tpu.wait_indirect_dma semaphore(%arg16 : memref<!tpu.dma_semaphore, #tpu.memory_space<semaphore_mem>>) src(%dma_wait3A_295 : memref<100000x32xf32, #tpu.memory_space<hbm>>) dst(%dma_wait3A_289 : memref<128x32xf32, #tpu.memory_space<vmem>>)
    %dma_wait3A_296 = arith.constant 1 : i32
    %dma_wait3A_297 = arith.constant 256 : i32
    %dma_wait3A_298 = arith.constant 0 : i32
    %dma_wait3A_299 = tpu.memref_slice %arg10[%dma_wait3A_297, %dma_wait3A_298] : memref<512x32xf32, #tpu.memory_space<vmem>> -> memref<128x32xf32, #tpu.memory_space<vmem>>
    %dma_wait3A_300 = arith.constant 256 : i32
    %dma_wait3A_301 = tpu.memref_slice %arg8[%dma_wait3A_296, %dma_wait3A_300] : memref<3x512xi32, #tpu.memory_space<vmem>> -> memref<1x128xi32, #tpu.memory_space<vmem>>
    %dma_wait3A_302 = tpu.memref_squeeze %dma_wait3A_301 : memref<1x128xi32, #tpu.memory_space<vmem>> -> memref<128xi32, #tpu.memory_space<vmem>>
    %dma_wait3A_303 = arith.constant 0 : i32
    %dma_wait3A_304 = arith.constant 0 : i32
    %dma_wait3A_305 = tpu.memref_slice %arg5[%dma_wait3A_303, %dma_wait3A_304] : memref<100000x32xf32, #tpu.memory_space<hbm>> -> memref<100000x32xf32, #tpu.memory_space<hbm>>
    tpu.wait_indirect_dma semaphore(%arg16 : memref<!tpu.dma_semaphore, #tpu.memory_space<semaphore_mem>>) src(%dma_wait3A_305 : memref<100000x32xf32, #tpu.memory_space<hbm>>) dst(%dma_wait3A_299 : memref<128x32xf32, #tpu.memory_space<vmem>>)
    %dma_wait3A_306 = arith.constant 2 : i32
    %dma_wait3A_307 = arith.constant 256 : i32
    %dma_wait3A_308 = arith.constant 0 : i32
    %dma_wait3A_309 = tpu.memref_slice %arg11[%dma_wait3A_307, %dma_wait3A_308] : memref<512x32xf32, #tpu.memory_space<vmem>> -> memref<128x32xf32, #tpu.memory_space<vmem>>
    %dma_wait3A_310 = arith.constant 256 : i32
    %dma_wait3A_311 = tpu.memref_slice %arg8[%dma_wait3A_306, %dma_wait3A_310] : memref<3x512xi32, #tpu.memory_space<vmem>> -> memref<1x128xi32, #tpu.memory_space<vmem>>
    %dma_wait3A_312 = tpu.memref_squeeze %dma_wait3A_311 : memref<1x128xi32, #tpu.memory_space<vmem>> -> memref<128xi32, #tpu.memory_space<vmem>>
    %dma_wait3A_313 = arith.constant 0 : i32
    %dma_wait3A_314 = arith.constant 0 : i32
    %dma_wait3A_315 = tpu.memref_slice %arg6[%dma_wait3A_313, %dma_wait3A_314] : memref<100000x32xf32, #tpu.memory_space<hbm>> -> memref<100000x32xf32, #tpu.memory_space<hbm>>
    tpu.wait_indirect_dma semaphore(%arg16 : memref<!tpu.dma_semaphore, #tpu.memory_space<semaphore_mem>>) src(%dma_wait3A_315 : memref<100000x32xf32, #tpu.memory_space<hbm>>) dst(%dma_wait3A_309 : memref<128x32xf32, #tpu.memory_space<vmem>>)
    %scan3A_316 = arith.constant 0 : i32
    %scan3A_317 = arith.constant 16 : i32
    %scan3A_318 = arith.constant 8 : i32
    %scan3A_319 = arith.addi %scan3A_317, %scan3A_318 : i32
    %scan3A_320 = arith.constant 1 : i32
    scf.for %scan3A_358 = %scan3A_317 to %scan3A_319 step %scan3A_320  : i32 {
      %mul3A_359 = arith.constant 16 : i32
      %mul3A_360 = arith.muli %scan3A_358, %mul3A_359 : i32
      %add3A_361 = vector.broadcast %mul3A_360 : i32 to vector<16xi32>
      %add3A_362 = arith.addi %iota3A, %add3A_361 : vector<16xi32>
      %broadcast_in_dim3A_363 = arith.constant 0.000000e+00 : f32
      %broadcast_in_dim3A_364 = vector.broadcast %broadcast_in_dim3A_363 : f32 to vector<16xf32>
      %broadcast_in_dim3A_365 = arith.constant 0.000000e+00 : f32
      %broadcast_in_dim3A_366 = vector.broadcast %broadcast_in_dim3A_365 : f32 to vector<16xf32>
      %broadcast_in_dim3A_367 = arith.constant 0.000000e+00 : f32
      %broadcast_in_dim3A_368 = vector.broadcast %broadcast_in_dim3A_367 : f32 to vector<16xf32>
      %broadcast_in_dim3A_369 = arith.constant 0.000000e+00 : f32
      %broadcast_in_dim3A_370 = vector.broadcast %broadcast_in_dim3A_369 : f32 to vector<16xf32>
      %broadcast_in_dim3A_371 = arith.constant 0 : i32
      %broadcast_in_dim3A_372 = vector.broadcast %broadcast_in_dim3A_371 : i32 to vector<16xi32>
      %gather3A_373 = tpu.vector_load_idx %arg9[%add3A_362, %broadcast_in_dim3A_372] : memref<512x32xf32, #tpu.memory_space<vmem>>[vector<16xi32>, vector<16xi32>], vector<16xf32>,
      %gather3A_374 = tpu.vector_load_idx %arg10[%add3A_362, %broadcast_in_dim3A_372] : memref<512x32xf32, #tpu.memory_space<vmem>>[vector<16xi32>, vector<16xi32>], vector<16xf32>,
      %gather3A_375 = tpu.vector_load_idx %arg11[%add3A_362, %broadcast_in_dim3A_372] : memref<512x32xf32, #tpu.memory_space<vmem>>[vector<16xi32>, vector<16xi32>], vector<16xf32>,
      %mul3A_376 = arith.mulf %gather3A_373, %gather3A_374 : vector<16xf32>
      %mul3A_377 = arith.mulf %gather3A_375, %gather3A : vector<16xf32>
      %mul3A_378 = arith.mulf %mul3A_376, %mul3A_377 : vector<16xf32>
      %add3A_379 = arith.addf %broadcast_in_dim3A_364, %mul3A_378 : vector<16xf32>
      %broadcast_in_dim3A_380 = arith.constant 1 : i32
      %broadcast_in_dim3A_381 = vector.broadcast %broadcast_in_dim3A_380 : i32 to vector<16xi32>
      %gather3A_382 = tpu.vector_load_idx %arg9[%add3A_362, %broadcast_in_dim3A_381] : memref<512x32xf32, #tpu.memory_space<vmem>>[vector<16xi32>, vector<16xi32>], vector<16xf32>,
      %gather3A_383 = tpu.vector_load_idx %arg10[%add3A_362, %broadcast_in_dim3A_381] : memref<512x32xf32, #tpu.memory_space<vmem>>[vector<16xi32>, vector<16xi32>], vector<16xf32>,
      %gather3A_384 = tpu.vector_load_idx %arg11[%add3A_362, %broadcast_in_dim3A_381] : memref<512x32xf32, #tpu.memory_space<vmem>>[vector<16xi32>, vector<16xi32>], vector<16xf32>,
      %mul3A_385 = arith.mulf %gather3A_382, %gather3A_383 : vector<16xf32>
      %mul3A_386 = arith.mulf %gather3A_384, %gather3A_125 : vector<16xf32>
      %mul3A_387 = arith.mulf %mul3A_385, %mul3A_386 : vector<16xf32>
      %add3A_388 = arith.addf %broadcast_in_dim3A_366, %mul3A_387 : vector<16xf32>
      %broadcast_in_dim3A_389 = arith.constant 2 : i32
      %broadcast_in_dim3A_390 = vector.broadcast %broadcast_in_dim3A_389 : i32 to vector<16xi32>
      %gather3A_391 = tpu.vector_load_idx %arg9[%add3A_362, %broadcast_in_dim3A_390] : memref<512x32xf32, #tpu.memory_space<vmem>>[vector<16xi32>, vector<16xi32>], vector<16xf32>,
      %gather3A_392 = tpu.vector_load_idx %arg10[%add3A_362, %broadcast_in_dim3A_390] : memref<512x32xf32, #tpu.memory_space<vmem>>[vector<16xi32>, vector<16xi32>], vector<16xf32>,
      %gather3A_393 = tpu.vector_load_idx %arg11[%add3A_362, %broadcast_in_dim3A_390] : memref<512x32xf32, #tpu.memory_space<vmem>>[vector<16xi32>, vector<16xi32>], vector<16xf32>,
      %mul3A_394 = arith.mulf %gather3A_391, %gather3A_392 : vector<16xf32>
      %mul3A_395 = arith.mulf %gather3A_393, %gather3A_128 : vector<16xf32>
      %mul3A_396 = arith.mulf %mul3A_394, %mul3A_395 : vector<16xf32>
      %add3A_397 = arith.addf %broadcast_in_dim3A_368, %mul3A_396 : vector<16xf32>
      %broadcast_in_dim3A_398 = arith.constant 3 : i32
      %broadcast_in_dim3A_399 = vector.broadcast %broadcast_in_dim3A_398 : i32 to vector<16xi32>
      %gather3A_400 = tpu.vector_load_idx %arg9[%add3A_362, %broadcast_in_dim3A_399] : memref<512x32xf32, #tpu.memory_space<vmem>>[vector<16xi32>, vector<16xi32>], vector<16xf32>,
      %gather3A_401 = tpu.vector_load_idx %arg10[%add3A_362, %broadcast_in_dim3A_399] : memref<512x32xf32, #tpu.memory_space<vmem>>[vector<16xi32>, vector<16xi32>], vector<16xf32>,
      %gather3A_402 = tpu.vector_load_idx %arg11[%add3A_362, %broadcast_in_dim3A_399] : memref<512x32xf32, #tpu.memory_space<vmem>>[vector<16xi32>, vector<16xi32>], vector<16xf32>,
      %mul3A_403 = arith.mulf %gather3A_400, %gather3A_401 : vector<16xf32>
      %mul3A_404 = arith.mulf %gather3A_402, %gather3A_131 : vector<16xf32>
      %mul3A_405 = arith.mulf %mul3A_403, %mul3A_404 : vector<16xf32>
      %add3A_406 = arith.addf %broadcast_in_dim3A_370, %mul3A_405 : vector<16xf32>
      %broadcast_in_dim3A_407 = arith.constant 4 : i32
      %broadcast_in_dim3A_408 = vector.broadcast %broadcast_in_dim3A_407 : i32 to vector<16xi32>
      %gather3A_409 = tpu.vector_load_idx %arg9[%add3A_362, %broadcast_in_dim3A_408] : memref<512x32xf32, #tpu.memory_space<vmem>>[vector<16xi32>, vector<16xi32>], vector<16xf32>,
      %gather3A_410 = tpu.vector_load_idx %arg10[%add3A_362, %broadcast_in_dim3A_408] : memref<512x32xf32, #tpu.memory_space<vmem>>[vector<16xi32>, vector<16xi32>], vector<16xf32>,
      %gather3A_411 = tpu.vector_load_idx %arg11[%add3A_362, %broadcast_in_dim3A_408] : memref<512x32xf32, #tpu.memory_space<vmem>>[vector<16xi32>, vector<16xi32>], vector<16xf32>,
      %mul3A_412 = arith.mulf %gather3A_409, %gather3A_410 : vector<16xf32>
      %mul3A_413 = arith.mulf %gather3A_411, %gather3A_134 : vector<16xf32>
      %mul3A_414 = arith.mulf %mul3A_412, %mul3A_413 : vector<16xf32>
      %add3A_415 = arith.addf %add3A_379, %mul3A_414 : vector<16xf32>
      %broadcast_in_dim3A_416 = arith.constant 5 : i32
      %broadcast_in_dim3A_417 = vector.broadcast %broadcast_in_dim3A_416 : i32 to vector<16xi32>
      %gather3A_418 = tpu.vector_load_idx %arg9[%add3A_362, %broadcast_in_dim3A_417] : memref<512x32xf32, #tpu.memory_space<vmem>>[vector<16xi32>, vector<16xi32>], vector<16xf32>,
      %gather3A_419 = tpu.vector_load_idx %arg10[%add3A_362, %broadcast_in_dim3A_417] : memref<512x32xf32, #tpu.memory_space<vmem>>[vector<16xi32>, vector<16xi32>], vector<16xf32>,
      %gather3A_420 = tpu.vector_load_idx %arg11[%add3A_362, %broadcast_in_dim3A_417] : memref<512x32xf32, #tpu.memory_space<vmem>>[vector<16xi32>, vector<16xi32>], vector<16xf32>,
      %mul3A_421 = arith.mulf %gather3A_418, %gather3A_419 : vector<16xf32>
      %mul3A_422 = arith.mulf %gather3A_420, %gather3A_137 : vector<16xf32>
      %mul3A_423 = arith.mulf %mul3A_421, %mul3A_422 : vector<16xf32>
      %add3A_424 = arith.addf %add3A_388, %mul3A_423 : vector<16xf32>
      %broadcast_in_dim3A_425 = arith.constant 6 : i32
      %broadcast_in_dim3A_426 = vector.broadcast %broadcast_in_dim3A_425 : i32 to vector<16xi32>
      %gather3A_427 = tpu.vector_load_idx %arg9[%add3A_362, %broadcast_in_dim3A_426] : memref<512x32xf32, #tpu.memory_space<vmem>>[vector<16xi32>, vector<16xi32>], vector<16xf32>,
      %gather3A_428 = tpu.vector_load_idx %arg10[%add3A_362, %broadcast_in_dim3A_426] : memref<512x32xf32, #tpu.memory_space<vmem>>[vector<16xi32>, vector<16xi32>], vector<16xf32>,
      %gather3A_429 = tpu.vector_load_idx %arg11[%add3A_362, %broadcast_in_dim3A_426] : memref<512x32xf32, #tpu.memory_space<vmem>>[vector<16xi32>, vector<16xi32>], vector<16xf32>,
      %mul3A_430 = arith.mulf %gather3A_427, %gather3A_428 : vector<16xf32>
      %mul3A_431 = arith.mulf %gather3A_429, %gather3A_140 : vector<16xf32>
      %mul3A_432 = arith.mulf %mul3A_430, %mul3A_431 : vector<16xf32>
      %add3A_433 = arith.addf %add3A_397, %mul3A_432 : vector<16xf32>
      %broadcast_in_dim3A_434 = arith.constant 7 : i32
      %broadcast_in_dim3A_435 = vector.broadcast %broadcast_in_dim3A_434 : i32 to vector<16xi32>
      %gather3A_436 = tpu.vector_load_idx %arg9[%add3A_362, %broadcast_in_dim3A_435] : memref<512x32xf32, #tpu.memory_space<vmem>>[vector<16xi32>, vector<16xi32>], vector<16xf32>,
      %gather3A_437 = tpu.vector_load_idx %arg10[%add3A_362, %broadcast_in_dim3A_435] : memref<512x32xf32, #tpu.memory_space<vmem>>[vector<16xi32>, vector<16xi32>], vector<16xf32>,
      %gather3A_438 = tpu.vector_load_idx %arg11[%add3A_362, %broadcast_in_dim3A_435] : memref<512x32xf32, #tpu.memory_space<vmem>>[vector<16xi32>, vector<16xi32>], vector<16xf32>,
      %mul3A_439 = arith.mulf %gather3A_436, %gather3A_437 : vector<16xf32>
      %mul3A_440 = arith.mulf %gather3A_438, %gather3A_143 : vector<16xf32>
      %mul3A_441 = arith.mulf %mul3A_439, %mul3A_440 : vector<16xf32>
      %add3A_442 = arith.addf %add3A_406, %mul3A_441 : vector<16xf32>
      %broadcast_in_dim3A_443 = arith.constant 8 : i32
      %broadcast_in_dim3A_444 = vector.broadcast %broadcast_in_dim3A_443 : i32 to vector<16xi32>
      %gather3A_445 = tpu.vector_load_idx %arg9[%add3A_362, %broadcast_in_dim3A_444] : memref<512x32xf32, #tpu.memory_space<vmem>>[vector<16xi32>, vector<16xi32>], vector<16xf32>,
      %gather3A_446 = tpu.vector_load_idx %arg10[%add3A_362, %broadcast_in_dim3A_444] : memref<512x32xf32, #tpu.memory_space<vmem>>[vector<16xi32>, vector<16xi32>], vector<16xf32>,
      %gather3A_447 = tpu.vector_load_idx %arg11[%add3A_362, %broadcast_in_dim3A_444] : memref<512x32xf32, #tpu.memory_space<vmem>>[vector<16xi32>, vector<16xi32>], vector<16xf32>,
      %mul3A_448 = arith.mulf %gather3A_445, %gather3A_446 : vector<16xf32>
      %mul3A_449 = arith.mulf %gather3A_447, %gather3A_146 : vector<16xf32>
      %mul3A_450 = arith.mulf %mul3A_448, %mul3A_449 : vector<16xf32>
      %add3A_451 = arith.addf %add3A_415, %mul3A_450 : vector<16xf32>
      %broadcast_in_dim3A_452 = arith.constant 9 : i32
      %broadcast_in_dim3A_453 = vector.broadcast %broadcast_in_dim3A_452 : i32 to vector<16xi32>
      %gather3A_454 = tpu.vector_load_idx %arg9[%add3A_362, %broadcast_in_dim3A_453] : memref<512x32xf32, #tpu.memory_space<vmem>>[vector<16xi32>, vector<16xi32>], vector<16xf32>,
      %gather3A_455 = tpu.vector_load_idx %arg10[%add3A_362, %broadcast_in_dim3A_453] : memref<512x32xf32, #tpu.memory_space<vmem>>[vector<16xi32>, vector<16xi32>], vector<16xf32>,
      %gather3A_456 = tpu.vector_load_idx %arg11[%add3A_362, %broadcast_in_dim3A_453] : memref<512x32xf32, #tpu.memory_space<vmem>>[vector<16xi32>, vector<16xi32>], vector<16xf32>,
      %mul3A_457 = arith.mulf %gather3A_454, %gather3A_455 : vector<16xf32>
      %mul3A_458 = arith.mulf %gather3A_456, %gather3A_149 : vector<16xf32>
      %mul3A_459 = arith.mulf %mul3A_457, %mul3A_458 : vector<16xf32>
      %add3A_460 = arith.addf %add3A_424, %mul3A_459 : vector<16xf32>
      %broadcast_in_dim3A_461 = arith.constant 10 : i32
      %broadcast_in_dim3A_462 = vector.broadcast %broadcast_in_dim3A_461 : i32 to vector<16xi32>
      %gather3A_463 = tpu.vector_load_idx %arg9[%add3A_362, %broadcast_in_dim3A_462] : memref<512x32xf32, #tpu.memory_space<vmem>>[vector<16xi32>, vector<16xi32>], vector<16xf32>,
      %gather3A_464 = tpu.vector_load_idx %arg10[%add3A_362, %broadcast_in_dim3A_462] : memref<512x32xf32, #tpu.memory_space<vmem>>[vector<16xi32>, vector<16xi32>], vector<16xf32>,
      %gather3A_465 = tpu.vector_load_idx %arg11[%add3A_362, %broadcast_in_dim3A_462] : memref<512x32xf32, #tpu.memory_space<vmem>>[vector<16xi32>, vector<16xi32>], vector<16xf32>,
      %mul3A_466 = arith.mulf %gather3A_463, %gather3A_464 : vector<16xf32>
      %mul3A_467 = arith.mulf %gather3A_465, %gather3A_152 : vector<16xf32>
      %mul3A_468 = arith.mulf %mul3A_466, %mul3A_467 : vector<16xf32>
      %add3A_469 = arith.addf %add3A_433, %mul3A_468 : vector<16xf32>
      %broadcast_in_dim3A_470 = arith.constant 11 : i32
      %broadcast_in_dim3A_471 = vector.broadcast %broadcast_in_dim3A_470 : i32 to vector<16xi32>
      %gather3A_472 = tpu.vector_load_idx %arg9[%add3A_362, %broadcast_in_dim3A_471] : memref<512x32xf32, #tpu.memory_space<vmem>>[vector<16xi32>, vector<16xi32>], vector<16xf32>,
      %gather3A_473 = tpu.vector_load_idx %arg10[%add3A_362, %broadcast_in_dim3A_471] : memref<512x32xf32, #tpu.memory_space<vmem>>[vector<16xi32>, vector<16xi32>], vector<16xf32>,
      %gather3A_474 = tpu.vector_load_idx %arg11[%add3A_362, %broadcast_in_dim3A_471] : memref<512x32xf32, #tpu.memory_space<vmem>>[vector<16xi32>, vector<16xi32>], vector<16xf32>,
      %mul3A_475 = arith.mulf %gather3A_472, %gather3A_473 : vector<16xf32>
      %mul3A_476 = arith.mulf %gather3A_474, %gather3A_155 : vector<16xf32>
      %mul3A_477 = arith.mulf %mul3A_475, %mul3A_476 : vector<16xf32>
      %add3A_478 = arith.addf %add3A_442, %mul3A_477 : vector<16xf32>
      %broadcast_in_dim3A_479 = arith.constant 12 : i32
      %broadcast_in_dim3A_480 = vector.broadcast %broadcast_in_dim3A_479 : i32 to vector<16xi32>
      %gather3A_481 = tpu.vector_load_idx %arg9[%add3A_362, %broadcast_in_dim3A_480] : memref<512x32xf32, #tpu.memory_space<vmem>>[vector<16xi32>, vector<16xi32>], vector<16xf32>,
      %gather3A_482 = tpu.vector_load_idx %arg10[%add3A_362, %broadcast_in_dim3A_480] : memref<512x32xf32, #tpu.memory_space<vmem>>[vector<16xi32>, vector<16xi32>], vector<16xf32>,
      %gather3A_483 = tpu.vector_load_idx %arg11[%add3A_362, %broadcast_in_dim3A_480] : memref<512x32xf32, #tpu.memory_space<vmem>>[vector<16xi32>, vector<16xi32>], vector<16xf32>,
      %mul3A_484 = arith.mulf %gather3A_481, %gather3A_482 : vector<16xf32>
      %mul3A_485 = arith.mulf %gather3A_483, %gather3A_158 : vector<16xf32>
      %mul3A_486 = arith.mulf %mul3A_484, %mul3A_485 : vector<16xf32>
      %add3A_487 = arith.addf %add3A_451, %mul3A_486 : vector<16xf32>
      %broadcast_in_dim3A_488 = arith.constant 13 : i32
      %broadcast_in_dim3A_489 = vector.broadcast %broadcast_in_dim3A_488 : i32 to vector<16xi32>
      %gather3A_490 = tpu.vector_load_idx %arg9[%add3A_362, %broadcast_in_dim3A_489] : memref<512x32xf32, #tpu.memory_space<vmem>>[vector<16xi32>, vector<16xi32>], vector<16xf32>,
      %gather3A_491 = tpu.vector_load_idx %arg10[%add3A_362, %broadcast_in_dim3A_489] : memref<512x32xf32, #tpu.memory_space<vmem>>[vector<16xi32>, vector<16xi32>], vector<16xf32>,
      %gather3A_492 = tpu.vector_load_idx %arg11[%add3A_362, %broadcast_in_dim3A_489] : memref<512x32xf32, #tpu.memory_space<vmem>>[vector<16xi32>, vector<16xi32>], vector<16xf32>,
      %mul3A_493 = arith.mulf %gather3A_490, %gather3A_491 : vector<16xf32>
      %mul3A_494 = arith.mulf %gather3A_492, %gather3A_161 : vector<16xf32>
      %mul3A_495 = arith.mulf %mul3A_493, %mul3A_494 : vector<16xf32>
      %add3A_496 = arith.addf %add3A_460, %mul3A_495 : vector<16xf32>
      %broadcast_in_dim3A_497 = arith.constant 14 : i32
      %broadcast_in_dim3A_498 = vector.broadcast %broadcast_in_dim3A_497 : i32 to vector<16xi32>
      %gather3A_499 = tpu.vector_load_idx %arg9[%add3A_362, %broadcast_in_dim3A_498] : memref<512x32xf32, #tpu.memory_space<vmem>>[vector<16xi32>, vector<16xi32>], vector<16xf32>,
      %gather3A_500 = tpu.vector_load_idx %arg10[%add3A_362, %broadcast_in_dim3A_498] : memref<512x32xf32, #tpu.memory_space<vmem>>[vector<16xi32>, vector<16xi32>], vector<16xf32>,
      %gather3A_501 = tpu.vector_load_idx %arg11[%add3A_362, %broadcast_in_dim3A_498] : memref<512x32xf32, #tpu.memory_space<vmem>>[vector<16xi32>, vector<16xi32>], vector<16xf32>,
      %mul3A_502 = arith.mulf %gather3A_499, %gather3A_500 : vector<16xf32>
      %mul3A_503 = arith.mulf %gather3A_501, %gather3A_164 : vector<16xf32>
      %mul3A_504 = arith.mulf %mul3A_502, %mul3A_503 : vector<16xf32>
      %add3A_505 = arith.addf %add3A_469, %mul3A_504 : vector<16xf32>
      %broadcast_in_dim3A_506 = arith.constant 15 : i32
      %broadcast_in_dim3A_507 = vector.broadcast %broadcast_in_dim3A_506 : i32 to vector<16xi32>
      %gather3A_508 = tpu.vector_load_idx %arg9[%add3A_362, %broadcast_in_dim3A_507] : memref<512x32xf32, #tpu.memory_space<vmem>>[vector<16xi32>, vector<16xi32>], vector<16xf32>,
      %gather3A_509 = tpu.vector_load_idx %arg10[%add3A_362, %broadcast_in_dim3A_507] : memref<512x32xf32, #tpu.memory_space<vmem>>[vector<16xi32>, vector<16xi32>], vector<16xf32>,
      %gather3A_510 = tpu.vector_load_idx %arg11[%add3A_362, %broadcast_in_dim3A_507] : memref<512x32xf32, #tpu.memory_space<vmem>>[vector<16xi32>, vector<16xi32>], vector<16xf32>,
      %mul3A_511 = arith.mulf %gather3A_508, %gather3A_509 : vector<16xf32>
      %mul3A_512 = arith.mulf %gather3A_510, %gather3A_167 : vector<16xf32>
      %mul3A_513 = arith.mulf %mul3A_511, %mul3A_512 : vector<16xf32>
      %add3A_514 = arith.addf %add3A_478, %mul3A_513 : vector<16xf32>
      %broadcast_in_dim3A_515 = arith.constant 16 : i32
      %broadcast_in_dim3A_516 = vector.broadcast %broadcast_in_dim3A_515 : i32 to vector<16xi32>
      %gather3A_517 = tpu.vector_load_idx %arg9[%add3A_362, %broadcast_in_dim3A_516] : memref<512x32xf32, #tpu.memory_space<vmem>>[vector<16xi32>, vector<16xi32>], vector<16xf32>,
      %gather3A_518 = tpu.vector_load_idx %arg10[%add3A_362, %broadcast_in_dim3A_516] : memref<512x32xf32, #tpu.memory_space<vmem>>[vector<16xi32>, vector<16xi32>], vector<16xf32>,
      %gather3A_519 = tpu.vector_load_idx %arg11[%add3A_362, %broadcast_in_dim3A_516] : memref<512x32xf32, #tpu.memory_space<vmem>>[vector<16xi32>, vector<16xi32>], vector<16xf32>,
      %mul3A_520 = arith.mulf %gather3A_517, %gather3A_518 : vector<16xf32>
      %mul3A_521 = arith.mulf %gather3A_519, %gather3A_170 : vector<16xf32>
      %mul3A_522 = arith.mulf %mul3A_520, %mul3A_521 : vector<16xf32>
      %add3A_523 = arith.addf %add3A_487, %mul3A_522 : vector<16xf32>
      %broadcast_in_dim3A_524 = arith.constant 17 : i32
      %broadcast_in_dim3A_525 = vector.broadcast %broadcast_in_dim3A_524 : i32 to vector<16xi32>
      %gather3A_526 = tpu.vector_load_idx %arg9[%add3A_362, %broadcast_in_dim3A_525] : memref<512x32xf32, #tpu.memory_space<vmem>>[vector<16xi32>, vector<16xi32>], vector<16xf32>,
      %gather3A_527 = tpu.vector_load_idx %arg10[%add3A_362, %broadcast_in_dim3A_525] : memref<512x32xf32, #tpu.memory_space<vmem>>[vector<16xi32>, vector<16xi32>], vector<16xf32>,
      %gather3A_528 = tpu.vector_load_idx %arg11[%add3A_362, %broadcast_in_dim3A_525] : memref<512x32xf32, #tpu.memory_space<vmem>>[vector<16xi32>, vector<16xi32>], vector<16xf32>,
      %mul3A_529 = arith.mulf %gather3A_526, %gather3A_527 : vector<16xf32>
      %mul3A_530 = arith.mulf %gather3A_528, %gather3A_173 : vector<16xf32>
      %mul3A_531 = arith.mulf %mul3A_529, %mul3A_530 : vector<16xf32>
      %add3A_532 = arith.addf %add3A_496, %mul3A_531 : vector<16xf32>
      %broadcast_in_dim3A_533 = arith.constant 18 : i32
      %broadcast_in_dim3A_534 = vector.broadcast %broadcast_in_dim3A_533 : i32 to vector<16xi32>
      %gather3A_535 = tpu.vector_load_idx %arg9[%add3A_362, %broadcast_in_dim3A_534] : memref<512x32xf32, #tpu.memory_space<vmem>>[vector<16xi32>, vector<16xi32>], vector<16xf32>,
      %gather3A_536 = tpu.vector_load_idx %arg10[%add3A_362, %broadcast_in_dim3A_534] : memref<512x32xf32, #tpu.memory_space<vmem>>[vector<16xi32>, vector<16xi32>], vector<16xf32>,
      %gather3A_537 = tpu.vector_load_idx %arg11[%add3A_362, %broadcast_in_dim3A_534] : memref<512x32xf32, #tpu.memory_space<vmem>>[vector<16xi32>, vector<16xi32>], vector<16xf32>,
      %mul3A_538 = arith.mulf %gather3A_535, %gather3A_536 : vector<16xf32>
      %mul3A_539 = arith.mulf %gather3A_537, %gather3A_176 : vector<16xf32>
      %mul3A_540 = arith.mulf %mul3A_538, %mul3A_539 : vector<16xf32>
      %add3A_541 = arith.addf %add3A_505, %mul3A_540 : vector<16xf32>
      %broadcast_in_dim3A_542 = arith.constant 19 : i32
      %broadcast_in_dim3A_543 = vector.broadcast %broadcast_in_dim3A_542 : i32 to vector<16xi32>
      %gather3A_544 = tpu.vector_load_idx %arg9[%add3A_362, %broadcast_in_dim3A_543] : memref<512x32xf32, #tpu.memory_space<vmem>>[vector<16xi32>, vector<16xi32>], vector<16xf32>,
      %gather3A_545 = tpu.vector_load_idx %arg10[%add3A_362, %broadcast_in_dim3A_543] : memref<512x32xf32, #tpu.memory_space<vmem>>[vector<16xi32>, vector<16xi32>], vector<16xf32>,
      %gather3A_546 = tpu.vector_load_idx %arg11[%add3A_362, %broadcast_in_dim3A_543] : memref<512x32xf32, #tpu.memory_space<vmem>>[vector<16xi32>, vector<16xi32>], vector<16xf32>,
      %mul3A_547 = arith.mulf %gather3A_544, %gather3A_545 : vector<16xf32>
      %mul3A_548 = arith.mulf %gather3A_546, %gather3A_179 : vector<16xf32>
      %mul3A_549 = arith.mulf %mul3A_547, %mul3A_548 : vector<16xf32>
      %add3A_550 = arith.addf %add3A_514, %mul3A_549 : vector<16xf32>
      %broadcast_in_dim3A_551 = arith.constant 20 : i32
      %broadcast_in_dim3A_552 = vector.broadcast %broadcast_in_dim3A_551 : i32 to vector<16xi32>
      %gather3A_553 = tpu.vector_load_idx %arg9[%add3A_362, %broadcast_in_dim3A_552] : memref<512x32xf32, #tpu.memory_space<vmem>>[vector<16xi32>, vector<16xi32>], vector<16xf32>,
      %gather3A_554 = tpu.vector_load_idx %arg10[%add3A_362, %broadcast_in_dim3A_552] : memref<512x32xf32, #tpu.memory_space<vmem>>[vector<16xi32>, vector<16xi32>], vector<16xf32>,
      %gather3A_555 = tpu.vector_load_idx %arg11[%add3A_362, %broadcast_in_dim3A_552] : memref<512x32xf32, #tpu.memory_space<vmem>>[vector<16xi32>, vector<16xi32>], vector<16xf32>,
      %mul3A_556 = arith.mulf %gather3A_553, %gather3A_554 : vector<16xf32>
      %mul3A_557 = arith.mulf %gather3A_555, %gather3A_182 : vector<16xf32>
      %mul3A_558 = arith.mulf %mul3A_556, %mul3A_557 : vector<16xf32>
      %add3A_559 = arith.addf %add3A_523, %mul3A_558 : vector<16xf32>
      %broadcast_in_dim3A_560 = arith.constant 21 : i32
      %broadcast_in_dim3A_561 = vector.broadcast %broadcast_in_dim3A_560 : i32 to vector<16xi32>
      %gather3A_562 = tpu.vector_load_idx %arg9[%add3A_362, %broadcast_in_dim3A_561] : memref<512x32xf32, #tpu.memory_space<vmem>>[vector<16xi32>, vector<16xi32>], vector<16xf32>,
      %gather3A_563 = tpu.vector_load_idx %arg10[%add3A_362, %broadcast_in_dim3A_561] : memref<512x32xf32, #tpu.memory_space<vmem>>[vector<16xi32>, vector<16xi32>], vector<16xf32>,
      %gather3A_564 = tpu.vector_load_idx %arg11[%add3A_362, %broadcast_in_dim3A_561] : memref<512x32xf32, #tpu.memory_space<vmem>>[vector<16xi32>, vector<16xi32>], vector<16xf32>,
      %mul3A_565 = arith.mulf %gather3A_562, %gather3A_563 : vector<16xf32>
      %mul3A_566 = arith.mulf %gather3A_564, %gather3A_185 : vector<16xf32>
      %mul3A_567 = arith.mulf %mul3A_565, %mul3A_566 : vector<16xf32>
      %add3A_568 = arith.addf %add3A_532, %mul3A_567 : vector<16xf32>
      %broadcast_in_dim3A_569 = arith.constant 22 : i32
      %broadcast_in_dim3A_570 = vector.broadcast %broadcast_in_dim3A_569 : i32 to vector<16xi32>
      %gather3A_571 = tpu.vector_load_idx %arg9[%add3A_362, %broadcast_in_dim3A_570] : memref<512x32xf32, #tpu.memory_space<vmem>>[vector<16xi32>, vector<16xi32>], vector<16xf32>,
      %gather3A_572 = tpu.vector_load_idx %arg10[%add3A_362, %broadcast_in_dim3A_570] : memref<512x32xf32, #tpu.memory_space<vmem>>[vector<16xi32>, vector<16xi32>], vector<16xf32>,
      %gather3A_573 = tpu.vector_load_idx %arg11[%add3A_362, %broadcast_in_dim3A_570] : memref<512x32xf32, #tpu.memory_space<vmem>>[vector<16xi32>, vector<16xi32>], vector<16xf32>,
      %mul3A_574 = arith.mulf %gather3A_571, %gather3A_572 : vector<16xf32>
      %mul3A_575 = arith.mulf %gather3A_573, %gather3A_188 : vector<16xf32>
      %mul3A_576 = arith.mulf %mul3A_574, %mul3A_575 : vector<16xf32>
      %add3A_577 = arith.addf %add3A_541, %mul3A_576 : vector<16xf32>
      %broadcast_in_dim3A_578 = arith.constant 23 : i32
      %broadcast_in_dim3A_579 = vector.broadcast %broadcast_in_dim3A_578 : i32 to vector<16xi32>
      %gather3A_580 = tpu.vector_load_idx %arg9[%add3A_362, %broadcast_in_dim3A_579] : memref<512x32xf32, #tpu.memory_space<vmem>>[vector<16xi32>, vector<16xi32>], vector<16xf32>,
      %gather3A_581 = tpu.vector_load_idx %arg10[%add3A_362, %broadcast_in_dim3A_579] : memref<512x32xf32, #tpu.memory_space<vmem>>[vector<16xi32>, vector<16xi32>], vector<16xf32>,
      %gather3A_582 = tpu.vector_load_idx %arg11[%add3A_362, %broadcast_in_dim3A_579] : memref<512x32xf32, #tpu.memory_space<vmem>>[vector<16xi32>, vector<16xi32>], vector<16xf32>,
      %mul3A_583 = arith.mulf %gather3A_580, %gather3A_581 : vector<16xf32>
      %mul3A_584 = arith.mulf %gather3A_582, %gather3A_191 : vector<16xf32>
      %mul3A_585 = arith.mulf %mul3A_583, %mul3A_584 : vector<16xf32>
      %add3A_586 = arith.addf %add3A_550, %mul3A_585 : vector<16xf32>
      %broadcast_in_dim3A_587 = arith.constant 24 : i32
      %broadcast_in_dim3A_588 = vector.broadcast %broadcast_in_dim3A_587 : i32 to vector<16xi32>
      %gather3A_589 = tpu.vector_load_idx %arg9[%add3A_362, %broadcast_in_dim3A_588] : memref<512x32xf32, #tpu.memory_space<vmem>>[vector<16xi32>, vector<16xi32>], vector<16xf32>,
      %gather3A_590 = tpu.vector_load_idx %arg10[%add3A_362, %broadcast_in_dim3A_588] : memref<512x32xf32, #tpu.memory_space<vmem>>[vector<16xi32>, vector<16xi32>], vector<16xf32>,
      %gather3A_591 = tpu.vector_load_idx %arg11[%add3A_362, %broadcast_in_dim3A_588] : memref<512x32xf32, #tpu.memory_space<vmem>>[vector<16xi32>, vector<16xi32>], vector<16xf32>,
      %mul3A_592 = arith.mulf %gather3A_589, %gather3A_590 : vector<16xf32>
      %mul3A_593 = arith.mulf %gather3A_591, %gather3A_194 : vector<16xf32>
      %mul3A_594 = arith.mulf %mul3A_592, %mul3A_593 : vector<16xf32>
      %add3A_595 = arith.addf %add3A_559, %mul3A_594 : vector<16xf32>
      %broadcast_in_dim3A_596 = arith.constant 25 : i32
      %broadcast_in_dim3A_597 = vector.broadcast %broadcast_in_dim3A_596 : i32 to vector<16xi32>
      %gather3A_598 = tpu.vector_load_idx %arg9[%add3A_362, %broadcast_in_dim3A_597] : memref<512x32xf32, #tpu.memory_space<vmem>>[vector<16xi32>, vector<16xi32>], vector<16xf32>,
      %gather3A_599 = tpu.vector_load_idx %arg10[%add3A_362, %broadcast_in_dim3A_597] : memref<512x32xf32, #tpu.memory_space<vmem>>[vector<16xi32>, vector<16xi32>], vector<16xf32>,
      %gather3A_600 = tpu.vector_load_idx %arg11[%add3A_362, %broadcast_in_dim3A_597] : memref<512x32xf32, #tpu.memory_space<vmem>>[vector<16xi32>, vector<16xi32>], vector<16xf32>,
      %mul3A_601 = arith.mulf %gather3A_598, %gather3A_599 : vector<16xf32>
      %mul3A_602 = arith.mulf %gather3A_600, %gather3A_197 : vector<16xf32>
      %mul3A_603 = arith.mulf %mul3A_601, %mul3A_602 : vector<16xf32>
      %add3A_604 = arith.addf %add3A_568, %mul3A_603 : vector<16xf32>
      %broadcast_in_dim3A_605 = arith.constant 26 : i32
      %broadcast_in_dim3A_606 = vector.broadcast %broadcast_in_dim3A_605 : i32 to vector<16xi32>
      %gather3A_607 = tpu.vector_load_idx %arg9[%add3A_362, %broadcast_in_dim3A_606] : memref<512x32xf32, #tpu.memory_space<vmem>>[vector<16xi32>, vector<16xi32>], vector<16xf32>,
      %gather3A_608 = tpu.vector_load_idx %arg10[%add3A_362, %broadcast_in_dim3A_606] : memref<512x32xf32, #tpu.memory_space<vmem>>[vector<16xi32>, vector<16xi32>], vector<16xf32>,
      %gather3A_609 = tpu.vector_load_idx %arg11[%add3A_362, %broadcast_in_dim3A_606] : memref<512x32xf32, #tpu.memory_space<vmem>>[vector<16xi32>, vector<16xi32>], vector<16xf32>,
      %mul3A_610 = arith.mulf %gather3A_607, %gather3A_608 : vector<16xf32>
      %mul3A_611 = arith.mulf %gather3A_609, %gather3A_200 : vector<16xf32>
      %mul3A_612 = arith.mulf %mul3A_610, %mul3A_611 : vector<16xf32>
      %add3A_613 = arith.addf %add3A_577, %mul3A_612 : vector<16xf32>
      %broadcast_in_dim3A_614 = arith.constant 27 : i32
      %broadcast_in_dim3A_615 = vector.broadcast %broadcast_in_dim3A_614 : i32 to vector<16xi32>
      %gather3A_616 = tpu.vector_load_idx %arg9[%add3A_362, %broadcast_in_dim3A_615] : memref<512x32xf32, #tpu.memory_space<vmem>>[vector<16xi32>, vector<16xi32>], vector<16xf32>,
      %gather3A_617 = tpu.vector_load_idx %arg10[%add3A_362, %broadcast_in_dim3A_615] : memref<512x32xf32, #tpu.memory_space<vmem>>[vector<16xi32>, vector<16xi32>], vector<16xf32>,
      %gather3A_618 = tpu.vector_load_idx %arg11[%add3A_362, %broadcast_in_dim3A_615] : memref<512x32xf32, #tpu.memory_space<vmem>>[vector<16xi32>, vector<16xi32>], vector<16xf32>,
      %mul3A_619 = arith.mulf %gather3A_616, %gather3A_617 : vector<16xf32>
      %mul3A_620 = arith.mulf %gather3A_618, %gather3A_203 : vector<16xf32>
      %mul3A_621 = arith.mulf %mul3A_619, %mul3A_620 : vector<16xf32>
      %add3A_622 = arith.addf %add3A_586, %mul3A_621 : vector<16xf32>
      %broadcast_in_dim3A_623 = arith.constant 28 : i32
      %broadcast_in_dim3A_624 = vector.broadcast %broadcast_in_dim3A_623 : i32 to vector<16xi32>
      %gather3A_625 = tpu.vector_load_idx %arg9[%add3A_362, %broadcast_in_dim3A_624] : memref<512x32xf32, #tpu.memory_space<vmem>>[vector<16xi32>, vector<16xi32>], vector<16xf32>,
      %gather3A_626 = tpu.vector_load_idx %arg10[%add3A_362, %broadcast_in_dim3A_624] : memref<512x32xf32, #tpu.memory_space<vmem>>[vector<16xi32>, vector<16xi32>], vector<16xf32>,
      %gather3A_627 = tpu.vector_load_idx %arg11[%add3A_362, %broadcast_in_dim3A_624] : memref<512x32xf32, #tpu.memory_space<vmem>>[vector<16xi32>, vector<16xi32>], vector<16xf32>,
      %mul3A_628 = arith.mulf %gather3A_625, %gather3A_626 : vector<16xf32>
      %mul3A_629 = arith.mulf %gather3A_627, %gather3A_206 : vector<16xf32>
      %mul3A_630 = arith.mulf %mul3A_628, %mul3A_629 : vector<16xf32>
      %add3A_631 = arith.addf %add3A_595, %mul3A_630 : vector<16xf32>
      %broadcast_in_dim3A_632 = arith.constant 29 : i32
      %broadcast_in_dim3A_633 = vector.broadcast %broadcast_in_dim3A_632 : i32 to vector<16xi32>
      %gather3A_634 = tpu.vector_load_idx %arg9[%add3A_362, %broadcast_in_dim3A_633] : memref<512x32xf32, #tpu.memory_space<vmem>>[vector<16xi32>, vector<16xi32>], vector<16xf32>,
      %gather3A_635 = tpu.vector_load_idx %arg10[%add3A_362, %broadcast_in_dim3A_633] : memref<512x32xf32, #tpu.memory_space<vmem>>[vector<16xi32>, vector<16xi32>], vector<16xf32>,
      %gather3A_636 = tpu.vector_load_idx %arg11[%add3A_362, %broadcast_in_dim3A_633] : memref<512x32xf32, #tpu.memory_space<vmem>>[vector<16xi32>, vector<16xi32>], vector<16xf32>,
      %mul3A_637 = arith.mulf %gather3A_634, %gather3A_635 : vector<16xf32>
      %mul3A_638 = arith.mulf %gather3A_636, %gather3A_209 : vector<16xf32>
      %mul3A_639 = arith.mulf %mul3A_637, %mul3A_638 : vector<16xf32>
      %add3A_640 = arith.addf %add3A_604, %mul3A_639 : vector<16xf32>
      %broadcast_in_dim3A_641 = arith.constant 30 : i32
      %broadcast_in_dim3A_642 = vector.broadcast %broadcast_in_dim3A_641 : i32 to vector<16xi32>
      %gather3A_643 = tpu.vector_load_idx %arg9[%add3A_362, %broadcast_in_dim3A_642] : memref<512x32xf32, #tpu.memory_space<vmem>>[vector<16xi32>, vector<16xi32>], vector<16xf32>,
      %gather3A_644 = tpu.vector_load_idx %arg10[%add3A_362, %broadcast_in_dim3A_642] : memref<512x32xf32, #tpu.memory_space<vmem>>[vector<16xi32>, vector<16xi32>], vector<16xf32>,
      %gather3A_645 = tpu.vector_load_idx %arg11[%add3A_362, %broadcast_in_dim3A_642] : memref<512x32xf32, #tpu.memory_space<vmem>>[vector<16xi32>, vector<16xi32>], vector<16xf32>,
      %mul3A_646 = arith.mulf %gather3A_643, %gather3A_644 : vector<16xf32>
      %mul3A_647 = arith.mulf %gather3A_645, %gather3A_212 : vector<16xf32>
      %mul3A_648 = arith.mulf %mul3A_646, %mul3A_647 : vector<16xf32>
      %add3A_649 = arith.addf %add3A_613, %mul3A_648 : vector<16xf32>
      %broadcast_in_dim3A_650 = arith.constant 31 : i32
      %broadcast_in_dim3A_651 = vector.broadcast %broadcast_in_dim3A_650 : i32 to vector<16xi32>
      %gather3A_652 = tpu.vector_load_idx %arg9[%add3A_362, %broadcast_in_dim3A_651] : memref<512x32xf32, #tpu.memory_space<vmem>>[vector<16xi32>, vector<16xi32>], vector<16xf32>,
      %gather3A_653 = tpu.vector_load_idx %arg10[%add3A_362, %broadcast_in_dim3A_651] : memref<512x32xf32, #tpu.memory_space<vmem>>[vector<16xi32>, vector<16xi32>], vector<16xf32>,
      %gather3A_654 = tpu.vector_load_idx %arg11[%add3A_362, %broadcast_in_dim3A_651] : memref<512x32xf32, #tpu.memory_space<vmem>>[vector<16xi32>, vector<16xi32>], vector<16xf32>,
      %mul3A_655 = arith.mulf %gather3A_652, %gather3A_653 : vector<16xf32>
      %mul3A_656 = arith.mulf %gather3A_654, %gather3A_215 : vector<16xf32>
      %mul3A_657 = arith.mulf %mul3A_655, %mul3A_656 : vector<16xf32>
      %add3A_658 = arith.addf %add3A_622, %mul3A_657 : vector<16xf32>
      %add3A_659 = arith.addf %add3A_631, %add3A_640 : vector<16xf32>
      %add3A_660 = arith.addf %add3A_649, %add3A_658 : vector<16xf32>
      %add3A_661 = arith.addf %add3A_659, %add3A_660 : vector<16xf32>
      %mul3A_662 = arith.constant 16 : i32
      %mul3A_663 = arith.muli %scan3A_358, %mul3A_662 : i32
      %swap3A = arith.index_cast %mul3A_663 : i32 to index
      %swap3A_664 = tpu.vector_load %arg13[%swap3A] {strides = array<i32>} : memref<512xf32, #tpu.memory_space<vmem>>, vector<16xf32>,
      tpu.vector_store %arg13[%swap3A], %add3A_661 {strides = array<i32>} : memref<512xf32, #tpu.memory_space<vmem>>, vector<16xf32>,
    }
    %scan3A_321 = arith.constant 8 : i32
    %dma_wait3A_322 = arith.constant 0 : i32
    %dma_wait3A_323 = arith.constant 384 : i32
    %dma_wait3A_324 = arith.constant 0 : i32
    %dma_wait3A_325 = tpu.memref_slice %arg9[%dma_wait3A_323, %dma_wait3A_324] : memref<512x32xf32, #tpu.memory_space<vmem>> -> memref<128x32xf32, #tpu.memory_space<vmem>>
    %dma_wait3A_326 = arith.constant 384 : i32
    %dma_wait3A_327 = tpu.memref_slice %arg8[%dma_wait3A_322, %dma_wait3A_326] : memref<3x512xi32, #tpu.memory_space<vmem>> -> memref<1x128xi32, #tpu.memory_space<vmem>>
    %dma_wait3A_328 = tpu.memref_squeeze %dma_wait3A_327 : memref<1x128xi32, #tpu.memory_space<vmem>> -> memref<128xi32, #tpu.memory_space<vmem>>
    %dma_wait3A_329 = arith.constant 0 : i32
    %dma_wait3A_330 = arith.constant 0 : i32
    %dma_wait3A_331 = tpu.memref_slice %arg4[%dma_wait3A_329, %dma_wait3A_330] : memref<100000x32xf32, #tpu.memory_space<hbm>> -> memref<100000x32xf32, #tpu.memory_space<hbm>>
    tpu.wait_indirect_dma semaphore(%arg17 : memref<!tpu.dma_semaphore, #tpu.memory_space<semaphore_mem>>) src(%dma_wait3A_331 : memref<100000x32xf32, #tpu.memory_space<hbm>>) dst(%dma_wait3A_325 : memref<128x32xf32, #tpu.memory_space<vmem>>)
    %dma_wait3A_332 = arith.constant 1 : i32
    %dma_wait3A_333 = arith.constant 384 : i32
    %dma_wait3A_334 = arith.constant 0 : i32
    %dma_wait3A_335 = tpu.memref_slice %arg10[%dma_wait3A_333, %dma_wait3A_334] : memref<512x32xf32, #tpu.memory_space<vmem>> -> memref<128x32xf32, #tpu.memory_space<vmem>>
    %dma_wait3A_336 = arith.constant 384 : i32
    %dma_wait3A_337 = tpu.memref_slice %arg8[%dma_wait3A_332, %dma_wait3A_336] : memref<3x512xi32, #tpu.memory_space<vmem>> -> memref<1x128xi32, #tpu.memory_space<vmem>>
    %dma_wait3A_338 = tpu.memref_squeeze %dma_wait3A_337 : memref<1x128xi32, #tpu.memory_space<vmem>> -> memref<128xi32, #tpu.memory_space<vmem>>
    %dma_wait3A_339 = arith.constant 0 : i32
    %dma_wait3A_340 = arith.constant 0 : i32
    %dma_wait3A_341 = tpu.memref_slice %arg5[%dma_wait3A_339, %dma_wait3A_340] : memref<100000x32xf32, #tpu.memory_space<hbm>> -> memref<100000x32xf32, #tpu.memory_space<hbm>>
    tpu.wait_indirect_dma semaphore(%arg17 : memref<!tpu.dma_semaphore, #tpu.memory_space<semaphore_mem>>) src(%dma_wait3A_341 : memref<100000x32xf32, #tpu.memory_space<hbm>>) dst(%dma_wait3A_335 : memref<128x32xf32, #tpu.memory_space<vmem>>)
    %dma_wait3A_342 = arith.constant 2 : i32
    %dma_wait3A_343 = arith.constant 384 : i32
    %dma_wait3A_344 = arith.constant 0 : i32
    %dma_wait3A_345 = tpu.memref_slice %arg11[%dma_wait3A_343, %dma_wait3A_344] : memref<512x32xf32, #tpu.memory_space<vmem>> -> memref<128x32xf32, #tpu.memory_space<vmem>>
    %dma_wait3A_346 = arith.constant 384 : i32
    %dma_wait3A_347 = tpu.memref_slice %arg8[%dma_wait3A_342, %dma_wait3A_346] : memref<3x512xi32, #tpu.memory_space<vmem>> -> memref<1x128xi32, #tpu.memory_space<vmem>>
    %dma_wait3A_348 = tpu.memref_squeeze %dma_wait3A_347 : memref<1x128xi32, #tpu.memory_space<vmem>> -> memref<128xi32, #tpu.memory_space<vmem>>
    %dma_wait3A_349 = arith.constant 0 : i32
    %dma_wait3A_350 = arith.constant 0 : i32
    %dma_wait3A_351 = tpu.memref_slice %arg6[%dma_wait3A_349, %dma_wait3A_350] : memref<100000x32xf32, #tpu.memory_space<hbm>> -> memref<100000x32xf32, #tpu.memory_space<hbm>>
    tpu.wait_indirect_dma semaphore(%arg17 : memref<!tpu.dma_semaphore, #tpu.memory_space<semaphore_mem>>) src(%dma_wait3A_351 : memref<100000x32xf32, #tpu.memory_space<hbm>>) dst(%dma_wait3A_345 : memref<128x32xf32, #tpu.memory_space<vmem>>)
    %scan3A_352 = arith.constant 0 : i32
    %scan3A_353 = arith.constant 24 : i32
    %scan3A_354 = arith.constant 8 : i32
    %scan3A_355 = arith.addi %scan3A_353, %scan3A_354 : i32
    %scan3A_356 = arith.constant 1 : i32
    scf.for %scan3A_358 = %scan3A_353 to %scan3A_355 step %scan3A_356  : i32 {
      %mul3A_359 = arith.constant 16 : i32
      %mul3A_360 = arith.muli %scan3A_358, %mul3A_359 : i32
      %add3A_361 = vector.broadcast %mul3A_360 : i32 to vector<16xi32>
      %add3A_362 = arith.addi %iota3A, %add3A_361 : vector<16xi32>
      %broadcast_in_dim3A_363 = arith.constant 0.000000e+00 : f32
      %broadcast_in_dim3A_364 = vector.broadcast %broadcast_in_dim3A_363 : f32 to vector<16xf32>
      %broadcast_in_dim3A_365 = arith.constant 0.000000e+00 : f32
      %broadcast_in_dim3A_366 = vector.broadcast %broadcast_in_dim3A_365 : f32 to vector<16xf32>
      %broadcast_in_dim3A_367 = arith.constant 0.000000e+00 : f32
      %broadcast_in_dim3A_368 = vector.broadcast %broadcast_in_dim3A_367 : f32 to vector<16xf32>
      %broadcast_in_dim3A_369 = arith.constant 0.000000e+00 : f32
      %broadcast_in_dim3A_370 = vector.broadcast %broadcast_in_dim3A_369 : f32 to vector<16xf32>
      %broadcast_in_dim3A_371 = arith.constant 0 : i32
      %broadcast_in_dim3A_372 = vector.broadcast %broadcast_in_dim3A_371 : i32 to vector<16xi32>
      %gather3A_373 = tpu.vector_load_idx %arg9[%add3A_362, %broadcast_in_dim3A_372] : memref<512x32xf32, #tpu.memory_space<vmem>>[vector<16xi32>, vector<16xi32>], vector<16xf32>,
      %gather3A_374 = tpu.vector_load_idx %arg10[%add3A_362, %broadcast_in_dim3A_372] : memref<512x32xf32, #tpu.memory_space<vmem>>[vector<16xi32>, vector<16xi32>], vector<16xf32>,
      %gather3A_375 = tpu.vector_load_idx %arg11[%add3A_362, %broadcast_in_dim3A_372] : memref<512x32xf32, #tpu.memory_space<vmem>>[vector<16xi32>, vector<16xi32>], vector<16xf32>,
      %mul3A_376 = arith.mulf %gather3A_373, %gather3A_374 : vector<16xf32>
      %mul3A_377 = arith.mulf %gather3A_375, %gather3A : vector<16xf32>
      %mul3A_378 = arith.mulf %mul3A_376, %mul3A_377 : vector<16xf32>
      %add3A_379 = arith.addf %broadcast_in_dim3A_364, %mul3A_378 : vector<16xf32>
      %broadcast_in_dim3A_380 = arith.constant 1 : i32
      %broadcast_in_dim3A_381 = vector.broadcast %broadcast_in_dim3A_380 : i32 to vector<16xi32>
      %gather3A_382 = tpu.vector_load_idx %arg9[%add3A_362, %broadcast_in_dim3A_381] : memref<512x32xf32, #tpu.memory_space<vmem>>[vector<16xi32>, vector<16xi32>], vector<16xf32>,
      %gather3A_383 = tpu.vector_load_idx %arg10[%add3A_362, %broadcast_in_dim3A_381] : memref<512x32xf32, #tpu.memory_space<vmem>>[vector<16xi32>, vector<16xi32>], vector<16xf32>,
      %gather3A_384 = tpu.vector_load_idx %arg11[%add3A_362, %broadcast_in_dim3A_381] : memref<512x32xf32, #tpu.memory_space<vmem>>[vector<16xi32>, vector<16xi32>], vector<16xf32>,
      %mul3A_385 = arith.mulf %gather3A_382, %gather3A_383 : vector<16xf32>
      %mul3A_386 = arith.mulf %gather3A_384, %gather3A_125 : vector<16xf32>
      %mul3A_387 = arith.mulf %mul3A_385, %mul3A_386 : vector<16xf32>
      %add3A_388 = arith.addf %broadcast_in_dim3A_366, %mul3A_387 : vector<16xf32>
      %broadcast_in_dim3A_389 = arith.constant 2 : i32
      %broadcast_in_dim3A_390 = vector.broadcast %broadcast_in_dim3A_389 : i32 to vector<16xi32>
      %gather3A_391 = tpu.vector_load_idx %arg9[%add3A_362, %broadcast_in_dim3A_390] : memref<512x32xf32, #tpu.memory_space<vmem>>[vector<16xi32>, vector<16xi32>], vector<16xf32>,
      %gather3A_392 = tpu.vector_load_idx %arg10[%add3A_362, %broadcast_in_dim3A_390] : memref<512x32xf32, #tpu.memory_space<vmem>>[vector<16xi32>, vector<16xi32>], vector<16xf32>,
      %gather3A_393 = tpu.vector_load_idx %arg11[%add3A_362, %broadcast_in_dim3A_390] : memref<512x32xf32, #tpu.memory_space<vmem>>[vector<16xi32>, vector<16xi32>], vector<16xf32>,
      %mul3A_394 = arith.mulf %gather3A_391, %gather3A_392 : vector<16xf32>
      %mul3A_395 = arith.mulf %gather3A_393, %gather3A_128 : vector<16xf32>
      %mul3A_396 = arith.mulf %mul3A_394, %mul3A_395 : vector<16xf32>
      %add3A_397 = arith.addf %broadcast_in_dim3A_368, %mul3A_396 : vector<16xf32>
      %broadcast_in_dim3A_398 = arith.constant 3 : i32
      %broadcast_in_dim3A_399 = vector.broadcast %broadcast_in_dim3A_398 : i32 to vector<16xi32>
      %gather3A_400 = tpu.vector_load_idx %arg9[%add3A_362, %broadcast_in_dim3A_399] : memref<512x32xf32, #tpu.memory_space<vmem>>[vector<16xi32>, vector<16xi32>], vector<16xf32>,
      %gather3A_401 = tpu.vector_load_idx %arg10[%add3A_362, %broadcast_in_dim3A_399] : memref<512x32xf32, #tpu.memory_space<vmem>>[vector<16xi32>, vector<16xi32>], vector<16xf32>,
      %gather3A_402 = tpu.vector_load_idx %arg11[%add3A_362, %broadcast_in_dim3A_399] : memref<512x32xf32, #tpu.memory_space<vmem>>[vector<16xi32>, vector<16xi32>], vector<16xf32>,
      %mul3A_403 = arith.mulf %gather3A_400, %gather3A_401 : vector<16xf32>
      %mul3A_404 = arith.mulf %gather3A_402, %gather3A_131 : vector<16xf32>
      %mul3A_405 = arith.mulf %mul3A_403, %mul3A_404 : vector<16xf32>
      %add3A_406 = arith.addf %broadcast_in_dim3A_370, %mul3A_405 : vector<16xf32>
      %broadcast_in_dim3A_407 = arith.constant 4 : i32
      %broadcast_in_dim3A_408 = vector.broadcast %broadcast_in_dim3A_407 : i32 to vector<16xi32>
      %gather3A_409 = tpu.vector_load_idx %arg9[%add3A_362, %broadcast_in_dim3A_408] : memref<512x32xf32, #tpu.memory_space<vmem>>[vector<16xi32>, vector<16xi32>], vector<16xf32>,
      %gather3A_410 = tpu.vector_load_idx %arg10[%add3A_362, %broadcast_in_dim3A_408] : memref<512x32xf32, #tpu.memory_space<vmem>>[vector<16xi32>, vector<16xi32>], vector<16xf32>,
      %gather3A_411 = tpu.vector_load_idx %arg11[%add3A_362, %broadcast_in_dim3A_408] : memref<512x32xf32, #tpu.memory_space<vmem>>[vector<16xi32>, vector<16xi32>], vector<16xf32>,
      %mul3A_412 = arith.mulf %gather3A_409, %gather3A_410 : vector<16xf32>
      %mul3A_413 = arith.mulf %gather3A_411, %gather3A_134 : vector<16xf32>
      %mul3A_414 = arith.mulf %mul3A_412, %mul3A_413 : vector<16xf32>
      %add3A_415 = arith.addf %add3A_379, %mul3A_414 : vector<16xf32>
      %broadcast_in_dim3A_416 = arith.constant 5 : i32
      %broadcast_in_dim3A_417 = vector.broadcast %broadcast_in_dim3A_416 : i32 to vector<16xi32>
      %gather3A_418 = tpu.vector_load_idx %arg9[%add3A_362, %broadcast_in_dim3A_417] : memref<512x32xf32, #tpu.memory_space<vmem>>[vector<16xi32>, vector<16xi32>], vector<16xf32>,
      %gather3A_419 = tpu.vector_load_idx %arg10[%add3A_362, %broadcast_in_dim3A_417] : memref<512x32xf32, #tpu.memory_space<vmem>>[vector<16xi32>, vector<16xi32>], vector<16xf32>,
      %gather3A_420 = tpu.vector_load_idx %arg11[%add3A_362, %broadcast_in_dim3A_417] : memref<512x32xf32, #tpu.memory_space<vmem>>[vector<16xi32>, vector<16xi32>], vector<16xf32>,
      %mul3A_421 = arith.mulf %gather3A_418, %gather3A_419 : vector<16xf32>
      %mul3A_422 = arith.mulf %gather3A_420, %gather3A_137 : vector<16xf32>
      %mul3A_423 = arith.mulf %mul3A_421, %mul3A_422 : vector<16xf32>
      %add3A_424 = arith.addf %add3A_388, %mul3A_423 : vector<16xf32>
      %broadcast_in_dim3A_425 = arith.constant 6 : i32
      %broadcast_in_dim3A_426 = vector.broadcast %broadcast_in_dim3A_425 : i32 to vector<16xi32>
      %gather3A_427 = tpu.vector_load_idx %arg9[%add3A_362, %broadcast_in_dim3A_426] : memref<512x32xf32, #tpu.memory_space<vmem>>[vector<16xi32>, vector<16xi32>], vector<16xf32>,
      %gather3A_428 = tpu.vector_load_idx %arg10[%add3A_362, %broadcast_in_dim3A_426] : memref<512x32xf32, #tpu.memory_space<vmem>>[vector<16xi32>, vector<16xi32>], vector<16xf32>,
      %gather3A_429 = tpu.vector_load_idx %arg11[%add3A_362, %broadcast_in_dim3A_426] : memref<512x32xf32, #tpu.memory_space<vmem>>[vector<16xi32>, vector<16xi32>], vector<16xf32>,
      %mul3A_430 = arith.mulf %gather3A_427, %gather3A_428 : vector<16xf32>
      %mul3A_431 = arith.mulf %gather3A_429, %gather3A_140 : vector<16xf32>
      %mul3A_432 = arith.mulf %mul3A_430, %mul3A_431 : vector<16xf32>
      %add3A_433 = arith.addf %add3A_397, %mul3A_432 : vector<16xf32>
      %broadcast_in_dim3A_434 = arith.constant 7 : i32
      %broadcast_in_dim3A_435 = vector.broadcast %broadcast_in_dim3A_434 : i32 to vector<16xi32>
      %gather3A_436 = tpu.vector_load_idx %arg9[%add3A_362, %broadcast_in_dim3A_435] : memref<512x32xf32, #tpu.memory_space<vmem>>[vector<16xi32>, vector<16xi32>], vector<16xf32>,
      %gather3A_437 = tpu.vector_load_idx %arg10[%add3A_362, %broadcast_in_dim3A_435] : memref<512x32xf32, #tpu.memory_space<vmem>>[vector<16xi32>, vector<16xi32>], vector<16xf32>,
      %gather3A_438 = tpu.vector_load_idx %arg11[%add3A_362, %broadcast_in_dim3A_435] : memref<512x32xf32, #tpu.memory_space<vmem>>[vector<16xi32>, vector<16xi32>], vector<16xf32>,
      %mul3A_439 = arith.mulf %gather3A_436, %gather3A_437 : vector<16xf32>
      %mul3A_440 = arith.mulf %gather3A_438, %gather3A_143 : vector<16xf32>
      %mul3A_441 = arith.mulf %mul3A_439, %mul3A_440 : vector<16xf32>
      %add3A_442 = arith.addf %add3A_406, %mul3A_441 : vector<16xf32>
      %broadcast_in_dim3A_443 = arith.constant 8 : i32
      %broadcast_in_dim3A_444 = vector.broadcast %broadcast_in_dim3A_443 : i32 to vector<16xi32>
      %gather3A_445 = tpu.vector_load_idx %arg9[%add3A_362, %broadcast_in_dim3A_444] : memref<512x32xf32, #tpu.memory_space<vmem>>[vector<16xi32>, vector<16xi32>], vector<16xf32>,
      %gather3A_446 = tpu.vector_load_idx %arg10[%add3A_362, %broadcast_in_dim3A_444] : memref<512x32xf32, #tpu.memory_space<vmem>>[vector<16xi32>, vector<16xi32>], vector<16xf32>,
      %gather3A_447 = tpu.vector_load_idx %arg11[%add3A_362, %broadcast_in_dim3A_444] : memref<512x32xf32, #tpu.memory_space<vmem>>[vector<16xi32>, vector<16xi32>], vector<16xf32>,
      %mul3A_448 = arith.mulf %gather3A_445, %gather3A_446 : vector<16xf32>
      %mul3A_449 = arith.mulf %gather3A_447, %gather3A_146 : vector<16xf32>
      %mul3A_450 = arith.mulf %mul3A_448, %mul3A_449 : vector<16xf32>
      %add3A_451 = arith.addf %add3A_415, %mul3A_450 : vector<16xf32>
      %broadcast_in_dim3A_452 = arith.constant 9 : i32
      %broadcast_in_dim3A_453 = vector.broadcast %broadcast_in_dim3A_452 : i32 to vector<16xi32>
      %gather3A_454 = tpu.vector_load_idx %arg9[%add3A_362, %broadcast_in_dim3A_453] : memref<512x32xf32, #tpu.memory_space<vmem>>[vector<16xi32>, vector<16xi32>], vector<16xf32>,
      %gather3A_455 = tpu.vector_load_idx %arg10[%add3A_362, %broadcast_in_dim3A_453] : memref<512x32xf32, #tpu.memory_space<vmem>>[vector<16xi32>, vector<16xi32>], vector<16xf32>,
      %gather3A_456 = tpu.vector_load_idx %arg11[%add3A_362, %broadcast_in_dim3A_453] : memref<512x32xf32, #tpu.memory_space<vmem>>[vector<16xi32>, vector<16xi32>], vector<16xf32>,
      %mul3A_457 = arith.mulf %gather3A_454, %gather3A_455 : vector<16xf32>
      %mul3A_458 = arith.mulf %gather3A_456, %gather3A_149 : vector<16xf32>
      %mul3A_459 = arith.mulf %mul3A_457, %mul3A_458 : vector<16xf32>
      %add3A_460 = arith.addf %add3A_424, %mul3A_459 : vector<16xf32>
      %broadcast_in_dim3A_461 = arith.constant 10 : i32
      %broadcast_in_dim3A_462 = vector.broadcast %broadcast_in_dim3A_461 : i32 to vector<16xi32>
      %gather3A_463 = tpu.vector_load_idx %arg9[%add3A_362, %broadcast_in_dim3A_462] : memref<512x32xf32, #tpu.memory_space<vmem>>[vector<16xi32>, vector<16xi32>], vector<16xf32>,
      %gather3A_464 = tpu.vector_load_idx %arg10[%add3A_362, %broadcast_in_dim3A_462] : memref<512x32xf32, #tpu.memory_space<vmem>>[vector<16xi32>, vector<16xi32>], vector<16xf32>,
      %gather3A_465 = tpu.vector_load_idx %arg11[%add3A_362, %broadcast_in_dim3A_462] : memref<512x32xf32, #tpu.memory_space<vmem>>[vector<16xi32>, vector<16xi32>], vector<16xf32>,
      %mul3A_466 = arith.mulf %gather3A_463, %gather3A_464 : vector<16xf32>
      %mul3A_467 = arith.mulf %gather3A_465, %gather3A_152 : vector<16xf32>
      %mul3A_468 = arith.mulf %mul3A_466, %mul3A_467 : vector<16xf32>
      %add3A_469 = arith.addf %add3A_433, %mul3A_468 : vector<16xf32>
      %broadcast_in_dim3A_470 = arith.constant 11 : i32
      %broadcast_in_dim3A_471 = vector.broadcast %broadcast_in_dim3A_470 : i32 to vector<16xi32>
      %gather3A_472 = tpu.vector_load_idx %arg9[%add3A_362, %broadcast_in_dim3A_471] : memref<512x32xf32, #tpu.memory_space<vmem>>[vector<16xi32>, vector<16xi32>], vector<16xf32>,
      %gather3A_473 = tpu.vector_load_idx %arg10[%add3A_362, %broadcast_in_dim3A_471] : memref<512x32xf32, #tpu.memory_space<vmem>>[vector<16xi32>, vector<16xi32>], vector<16xf32>,
      %gather3A_474 = tpu.vector_load_idx %arg11[%add3A_362, %broadcast_in_dim3A_471] : memref<512x32xf32, #tpu.memory_space<vmem>>[vector<16xi32>, vector<16xi32>], vector<16xf32>,
      %mul3A_475 = arith.mulf %gather3A_472, %gather3A_473 : vector<16xf32>
      %mul3A_476 = arith.mulf %gather3A_474, %gather3A_155 : vector<16xf32>
      %mul3A_477 = arith.mulf %mul3A_475, %mul3A_476 : vector<16xf32>
      %add3A_478 = arith.addf %add3A_442, %mul3A_477 : vector<16xf32>
      %broadcast_in_dim3A_479 = arith.constant 12 : i32
      %broadcast_in_dim3A_480 = vector.broadcast %broadcast_in_dim3A_479 : i32 to vector<16xi32>
      %gather3A_481 = tpu.vector_load_idx %arg9[%add3A_362, %broadcast_in_dim3A_480] : memref<512x32xf32, #tpu.memory_space<vmem>>[vector<16xi32>, vector<16xi32>], vector<16xf32>,
      %gather3A_482 = tpu.vector_load_idx %arg10[%add3A_362, %broadcast_in_dim3A_480] : memref<512x32xf32, #tpu.memory_space<vmem>>[vector<16xi32>, vector<16xi32>], vector<16xf32>,
      %gather3A_483 = tpu.vector_load_idx %arg11[%add3A_362, %broadcast_in_dim3A_480] : memref<512x32xf32, #tpu.memory_space<vmem>>[vector<16xi32>, vector<16xi32>], vector<16xf32>,
      %mul3A_484 = arith.mulf %gather3A_481, %gather3A_482 : vector<16xf32>
      %mul3A_485 = arith.mulf %gather3A_483, %gather3A_158 : vector<16xf32>
      %mul3A_486 = arith.mulf %mul3A_484, %mul3A_485 : vector<16xf32>
      %add3A_487 = arith.addf %add3A_451, %mul3A_486 : vector<16xf32>
      %broadcast_in_dim3A_488 = arith.constant 13 : i32
      %broadcast_in_dim3A_489 = vector.broadcast %broadcast_in_dim3A_488 : i32 to vector<16xi32>
      %gather3A_490 = tpu.vector_load_idx %arg9[%add3A_362, %broadcast_in_dim3A_489] : memref<512x32xf32, #tpu.memory_space<vmem>>[vector<16xi32>, vector<16xi32>], vector<16xf32>,
      %gather3A_491 = tpu.vector_load_idx %arg10[%add3A_362, %broadcast_in_dim3A_489] : memref<512x32xf32, #tpu.memory_space<vmem>>[vector<16xi32>, vector<16xi32>], vector<16xf32>,
      %gather3A_492 = tpu.vector_load_idx %arg11[%add3A_362, %broadcast_in_dim3A_489] : memref<512x32xf32, #tpu.memory_space<vmem>>[vector<16xi32>, vector<16xi32>], vector<16xf32>,
      %mul3A_493 = arith.mulf %gather3A_490, %gather3A_491 : vector<16xf32>
      %mul3A_494 = arith.mulf %gather3A_492, %gather3A_161 : vector<16xf32>
      %mul3A_495 = arith.mulf %mul3A_493, %mul3A_494 : vector<16xf32>
      %add3A_496 = arith.addf %add3A_460, %mul3A_495 : vector<16xf32>
      %broadcast_in_dim3A_497 = arith.constant 14 : i32
      %broadcast_in_dim3A_498 = vector.broadcast %broadcast_in_dim3A_497 : i32 to vector<16xi32>
      %gather3A_499 = tpu.vector_load_idx %arg9[%add3A_362, %broadcast_in_dim3A_498] : memref<512x32xf32, #tpu.memory_space<vmem>>[vector<16xi32>, vector<16xi32>], vector<16xf32>,
      %gather3A_500 = tpu.vector_load_idx %arg10[%add3A_362, %broadcast_in_dim3A_498] : memref<512x32xf32, #tpu.memory_space<vmem>>[vector<16xi32>, vector<16xi32>], vector<16xf32>,
      %gather3A_501 = tpu.vector_load_idx %arg11[%add3A_362, %broadcast_in_dim3A_498] : memref<512x32xf32, #tpu.memory_space<vmem>>[vector<16xi32>, vector<16xi32>], vector<16xf32>,
      %mul3A_502 = arith.mulf %gather3A_499, %gather3A_500 : vector<16xf32>
      %mul3A_503 = arith.mulf %gather3A_501, %gather3A_164 : vector<16xf32>
      %mul3A_504 = arith.mulf %mul3A_502, %mul3A_503 : vector<16xf32>
      %add3A_505 = arith.addf %add3A_469, %mul3A_504 : vector<16xf32>
      %broadcast_in_dim3A_506 = arith.constant 15 : i32
      %broadcast_in_dim3A_507 = vector.broadcast %broadcast_in_dim3A_506 : i32 to vector<16xi32>
      %gather3A_508 = tpu.vector_load_idx %arg9[%add3A_362, %broadcast_in_dim3A_507] : memref<512x32xf32, #tpu.memory_space<vmem>>[vector<16xi32>, vector<16xi32>], vector<16xf32>,
      %gather3A_509 = tpu.vector_load_idx %arg10[%add3A_362, %broadcast_in_dim3A_507] : memref<512x32xf32, #tpu.memory_space<vmem>>[vector<16xi32>, vector<16xi32>], vector<16xf32>,
      %gather3A_510 = tpu.vector_load_idx %arg11[%add3A_362, %broadcast_in_dim3A_507] : memref<512x32xf32, #tpu.memory_space<vmem>>[vector<16xi32>, vector<16xi32>], vector<16xf32>,
      %mul3A_511 = arith.mulf %gather3A_508, %gather3A_509 : vector<16xf32>
      %mul3A_512 = arith.mulf %gather3A_510, %gather3A_167 : vector<16xf32>
      %mul3A_513 = arith.mulf %mul3A_511, %mul3A_512 : vector<16xf32>
      %add3A_514 = arith.addf %add3A_478, %mul3A_513 : vector<16xf32>
      %broadcast_in_dim3A_515 = arith.constant 16 : i32
      %broadcast_in_dim3A_516 = vector.broadcast %broadcast_in_dim3A_515 : i32 to vector<16xi32>
      %gather3A_517 = tpu.vector_load_idx %arg9[%add3A_362, %broadcast_in_dim3A_516] : memref<512x32xf32, #tpu.memory_space<vmem>>[vector<16xi32>, vector<16xi32>], vector<16xf32>,
      %gather3A_518 = tpu.vector_load_idx %arg10[%add3A_362, %broadcast_in_dim3A_516] : memref<512x32xf32, #tpu.memory_space<vmem>>[vector<16xi32>, vector<16xi32>], vector<16xf32>,
      %gather3A_519 = tpu.vector_load_idx %arg11[%add3A_362, %broadcast_in_dim3A_516] : memref<512x32xf32, #tpu.memory_space<vmem>>[vector<16xi32>, vector<16xi32>], vector<16xf32>,
      %mul3A_520 = arith.mulf %gather3A_517, %gather3A_518 : vector<16xf32>
      %mul3A_521 = arith.mulf %gather3A_519, %gather3A_170 : vector<16xf32>
      %mul3A_522 = arith.mulf %mul3A_520, %mul3A_521 : vector<16xf32>
      %add3A_523 = arith.addf %add3A_487, %mul3A_522 : vector<16xf32>
      %broadcast_in_dim3A_524 = arith.constant 17 : i32
      %broadcast_in_dim3A_525 = vector.broadcast %broadcast_in_dim3A_524 : i32 to vector<16xi32>
      %gather3A_526 = tpu.vector_load_idx %arg9[%add3A_362, %broadcast_in_dim3A_525] : memref<512x32xf32, #tpu.memory_space<vmem>>[vector<16xi32>, vector<16xi32>], vector<16xf32>,
      %gather3A_527 = tpu.vector_load_idx %arg10[%add3A_362, %broadcast_in_dim3A_525] : memref<512x32xf32, #tpu.memory_space<vmem>>[vector<16xi32>, vector<16xi32>], vector<16xf32>,
      %gather3A_528 = tpu.vector_load_idx %arg11[%add3A_362, %broadcast_in_dim3A_525] : memref<512x32xf32, #tpu.memory_space<vmem>>[vector<16xi32>, vector<16xi32>], vector<16xf32>,
      %mul3A_529 = arith.mulf %gather3A_526, %gather3A_527 : vector<16xf32>
      %mul3A_530 = arith.mulf %gather3A_528, %gather3A_173 : vector<16xf32>
      %mul3A_531 = arith.mulf %mul3A_529, %mul3A_530 : vector<16xf32>
      %add3A_532 = arith.addf %add3A_496, %mul3A_531 : vector<16xf32>
      %broadcast_in_dim3A_533 = arith.constant 18 : i32
      %broadcast_in_dim3A_534 = vector.broadcast %broadcast_in_dim3A_533 : i32 to vector<16xi32>
      %gather3A_535 = tpu.vector_load_idx %arg9[%add3A_362, %broadcast_in_dim3A_534] : memref<512x32xf32, #tpu.memory_space<vmem>>[vector<16xi32>, vector<16xi32>], vector<16xf32>,
      %gather3A_536 = tpu.vector_load_idx %arg10[%add3A_362, %broadcast_in_dim3A_534] : memref<512x32xf32, #tpu.memory_space<vmem>>[vector<16xi32>, vector<16xi32>], vector<16xf32>,
      %gather3A_537 = tpu.vector_load_idx %arg11[%add3A_362, %broadcast_in_dim3A_534] : memref<512x32xf32, #tpu.memory_space<vmem>>[vector<16xi32>, vector<16xi32>], vector<16xf32>,
      %mul3A_538 = arith.mulf %gather3A_535, %gather3A_536 : vector<16xf32>
      %mul3A_539 = arith.mulf %gather3A_537, %gather3A_176 : vector<16xf32>
      %mul3A_540 = arith.mulf %mul3A_538, %mul3A_539 : vector<16xf32>
      %add3A_541 = arith.addf %add3A_505, %mul3A_540 : vector<16xf32>
      %broadcast_in_dim3A_542 = arith.constant 19 : i32
      %broadcast_in_dim3A_543 = vector.broadcast %broadcast_in_dim3A_542 : i32 to vector<16xi32>
      %gather3A_544 = tpu.vector_load_idx %arg9[%add3A_362, %broadcast_in_dim3A_543] : memref<512x32xf32, #tpu.memory_space<vmem>>[vector<16xi32>, vector<16xi32>], vector<16xf32>,
      %gather3A_545 = tpu.vector_load_idx %arg10[%add3A_362, %broadcast_in_dim3A_543] : memref<512x32xf32, #tpu.memory_space<vmem>>[vector<16xi32>, vector<16xi32>], vector<16xf32>,
      %gather3A_546 = tpu.vector_load_idx %arg11[%add3A_362, %broadcast_in_dim3A_543] : memref<512x32xf32, #tpu.memory_space<vmem>>[vector<16xi32>, vector<16xi32>], vector<16xf32>,
      %mul3A_547 = arith.mulf %gather3A_544, %gather3A_545 : vector<16xf32>
      %mul3A_548 = arith.mulf %gather3A_546, %gather3A_179 : vector<16xf32>
      %mul3A_549 = arith.mulf %mul3A_547, %mul3A_548 : vector<16xf32>
      %add3A_550 = arith.addf %add3A_514, %mul3A_549 : vector<16xf32>
      %broadcast_in_dim3A_551 = arith.constant 20 : i32
      %broadcast_in_dim3A_552 = vector.broadcast %broadcast_in_dim3A_551 : i32 to vector<16xi32>
      %gather3A_553 = tpu.vector_load_idx %arg9[%add3A_362, %broadcast_in_dim3A_552] : memref<512x32xf32, #tpu.memory_space<vmem>>[vector<16xi32>, vector<16xi32>], vector<16xf32>,
      %gather3A_554 = tpu.vector_load_idx %arg10[%add3A_362, %broadcast_in_dim3A_552] : memref<512x32xf32, #tpu.memory_space<vmem>>[vector<16xi32>, vector<16xi32>], vector<16xf32>,
      %gather3A_555 = tpu.vector_load_idx %arg11[%add3A_362, %broadcast_in_dim3A_552] : memref<512x32xf32, #tpu.memory_space<vmem>>[vector<16xi32>, vector<16xi32>], vector<16xf32>,
      %mul3A_556 = arith.mulf %gather3A_553, %gather3A_554 : vector<16xf32>
      %mul3A_557 = arith.mulf %gather3A_555, %gather3A_182 : vector<16xf32>
      %mul3A_558 = arith.mulf %mul3A_556, %mul3A_557 : vector<16xf32>
      %add3A_559 = arith.addf %add3A_523, %mul3A_558 : vector<16xf32>
      %broadcast_in_dim3A_560 = arith.constant 21 : i32
      %broadcast_in_dim3A_561 = vector.broadcast %broadcast_in_dim3A_560 : i32 to vector<16xi32>
      %gather3A_562 = tpu.vector_load_idx %arg9[%add3A_362, %broadcast_in_dim3A_561] : memref<512x32xf32, #tpu.memory_space<vmem>>[vector<16xi32>, vector<16xi32>], vector<16xf32>,
      %gather3A_563 = tpu.vector_load_idx %arg10[%add3A_362, %broadcast_in_dim3A_561] : memref<512x32xf32, #tpu.memory_space<vmem>>[vector<16xi32>, vector<16xi32>], vector<16xf32>,
      %gather3A_564 = tpu.vector_load_idx %arg11[%add3A_362, %broadcast_in_dim3A_561] : memref<512x32xf32, #tpu.memory_space<vmem>>[vector<16xi32>, vector<16xi32>], vector<16xf32>,
      %mul3A_565 = arith.mulf %gather3A_562, %gather3A_563 : vector<16xf32>
      %mul3A_566 = arith.mulf %gather3A_564, %gather3A_185 : vector<16xf32>
      %mul3A_567 = arith.mulf %mul3A_565, %mul3A_566 : vector<16xf32>
      %add3A_568 = arith.addf %add3A_532, %mul3A_567 : vector<16xf32>
      %broadcast_in_dim3A_569 = arith.constant 22 : i32
      %broadcast_in_dim3A_570 = vector.broadcast %broadcast_in_dim3A_569 : i32 to vector<16xi32>
      %gather3A_571 = tpu.vector_load_idx %arg9[%add3A_362, %broadcast_in_dim3A_570] : memref<512x32xf32, #tpu.memory_space<vmem>>[vector<16xi32>, vector<16xi32>], vector<16xf32>,
      %gather3A_572 = tpu.vector_load_idx %arg10[%add3A_362, %broadcast_in_dim3A_570] : memref<512x32xf32, #tpu.memory_space<vmem>>[vector<16xi32>, vector<16xi32>], vector<16xf32>,
      %gather3A_573 = tpu.vector_load_idx %arg11[%add3A_362, %broadcast_in_dim3A_570] : memref<512x32xf32, #tpu.memory_space<vmem>>[vector<16xi32>, vector<16xi32>], vector<16xf32>,
      %mul3A_574 = arith.mulf %gather3A_571, %gather3A_572 : vector<16xf32>
      %mul3A_575 = arith.mulf %gather3A_573, %gather3A_188 : vector<16xf32>
      %mul3A_576 = arith.mulf %mul3A_574, %mul3A_575 : vector<16xf32>
      %add3A_577 = arith.addf %add3A_541, %mul3A_576 : vector<16xf32>
      %broadcast_in_dim3A_578 = arith.constant 23 : i32
      %broadcast_in_dim3A_579 = vector.broadcast %broadcast_in_dim3A_578 : i32 to vector<16xi32>
      %gather3A_580 = tpu.vector_load_idx %arg9[%add3A_362, %broadcast_in_dim3A_579] : memref<512x32xf32, #tpu.memory_space<vmem>>[vector<16xi32>, vector<16xi32>], vector<16xf32>,
      %gather3A_581 = tpu.vector_load_idx %arg10[%add3A_362, %broadcast_in_dim3A_579] : memref<512x32xf32, #tpu.memory_space<vmem>>[vector<16xi32>, vector<16xi32>], vector<16xf32>,
      %gather3A_582 = tpu.vector_load_idx %arg11[%add3A_362, %broadcast_in_dim3A_579] : memref<512x32xf32, #tpu.memory_space<vmem>>[vector<16xi32>, vector<16xi32>], vector<16xf32>,
      %mul3A_583 = arith.mulf %gather3A_580, %gather3A_581 : vector<16xf32>
      %mul3A_584 = arith.mulf %gather3A_582, %gather3A_191 : vector<16xf32>
      %mul3A_585 = arith.mulf %mul3A_583, %mul3A_584 : vector<16xf32>
      %add3A_586 = arith.addf %add3A_550, %mul3A_585 : vector<16xf32>
      %broadcast_in_dim3A_587 = arith.constant 24 : i32
      %broadcast_in_dim3A_588 = vector.broadcast %broadcast_in_dim3A_587 : i32 to vector<16xi32>
      %gather3A_589 = tpu.vector_load_idx %arg9[%add3A_362, %broadcast_in_dim3A_588] : memref<512x32xf32, #tpu.memory_space<vmem>>[vector<16xi32>, vector<16xi32>], vector<16xf32>,
      %gather3A_590 = tpu.vector_load_idx %arg10[%add3A_362, %broadcast_in_dim3A_588] : memref<512x32xf32, #tpu.memory_space<vmem>>[vector<16xi32>, vector<16xi32>], vector<16xf32>,
      %gather3A_591 = tpu.vector_load_idx %arg11[%add3A_362, %broadcast_in_dim3A_588] : memref<512x32xf32, #tpu.memory_space<vmem>>[vector<16xi32>, vector<16xi32>], vector<16xf32>,
      %mul3A_592 = arith.mulf %gather3A_589, %gather3A_590 : vector<16xf32>
      %mul3A_593 = arith.mulf %gather3A_591, %gather3A_194 : vector<16xf32>
      %mul3A_594 = arith.mulf %mul3A_592, %mul3A_593 : vector<16xf32>
      %add3A_595 = arith.addf %add3A_559, %mul3A_594 : vector<16xf32>
      %broadcast_in_dim3A_596 = arith.constant 25 : i32
      %broadcast_in_dim3A_597 = vector.broadcast %broadcast_in_dim3A_596 : i32 to vector<16xi32>
      %gather3A_598 = tpu.vector_load_idx %arg9[%add3A_362, %broadcast_in_dim3A_597] : memref<512x32xf32, #tpu.memory_space<vmem>>[vector<16xi32>, vector<16xi32>], vector<16xf32>,
      %gather3A_599 = tpu.vector_load_idx %arg10[%add3A_362, %broadcast_in_dim3A_597] : memref<512x32xf32, #tpu.memory_space<vmem>>[vector<16xi32>, vector<16xi32>], vector<16xf32>,
      %gather3A_600 = tpu.vector_load_idx %arg11[%add3A_362, %broadcast_in_dim3A_597] : memref<512x32xf32, #tpu.memory_space<vmem>>[vector<16xi32>, vector<16xi32>], vector<16xf32>,
      %mul3A_601 = arith.mulf %gather3A_598, %gather3A_599 : vector<16xf32>
      %mul3A_602 = arith.mulf %gather3A_600, %gather3A_197 : vector<16xf32>
      %mul3A_603 = arith.mulf %mul3A_601, %mul3A_602 : vector<16xf32>
      %add3A_604 = arith.addf %add3A_568, %mul3A_603 : vector<16xf32>
      %broadcast_in_dim3A_605 = arith.constant 26 : i32
      %broadcast_in_dim3A_606 = vector.broadcast %broadcast_in_dim3A_605 : i32 to vector<16xi32>
      %gather3A_607 = tpu.vector_load_idx %arg9[%add3A_362, %broadcast_in_dim3A_606] : memref<512x32xf32, #tpu.memory_space<vmem>>[vector<16xi32>, vector<16xi32>], vector<16xf32>,
      %gather3A_608 = tpu.vector_load_idx %arg10[%add3A_362, %broadcast_in_dim3A_606] : memref<512x32xf32, #tpu.memory_space<vmem>>[vector<16xi32>, vector<16xi32>], vector<16xf32>,
      %gather3A_609 = tpu.vector_load_idx %arg11[%add3A_362, %broadcast_in_dim3A_606] : memref<512x32xf32, #tpu.memory_space<vmem>>[vector<16xi32>, vector<16xi32>], vector<16xf32>,
      %mul3A_610 = arith.mulf %gather3A_607, %gather3A_608 : vector<16xf32>
      %mul3A_611 = arith.mulf %gather3A_609, %gather3A_200 : vector<16xf32>
      %mul3A_612 = arith.mulf %mul3A_610, %mul3A_611 : vector<16xf32>
      %add3A_613 = arith.addf %add3A_577, %mul3A_612 : vector<16xf32>
      %broadcast_in_dim3A_614 = arith.constant 27 : i32
      %broadcast_in_dim3A_615 = vector.broadcast %broadcast_in_dim3A_614 : i32 to vector<16xi32>
      %gather3A_616 = tpu.vector_load_idx %arg9[%add3A_362, %broadcast_in_dim3A_615] : memref<512x32xf32, #tpu.memory_space<vmem>>[vector<16xi32>, vector<16xi32>], vector<16xf32>,
      %gather3A_617 = tpu.vector_load_idx %arg10[%add3A_362, %broadcast_in_dim3A_615] : memref<512x32xf32, #tpu.memory_space<vmem>>[vector<16xi32>, vector<16xi32>], vector<16xf32>,
      %gather3A_618 = tpu.vector_load_idx %arg11[%add3A_362, %broadcast_in_dim3A_615] : memref<512x32xf32, #tpu.memory_space<vmem>>[vector<16xi32>, vector<16xi32>], vector<16xf32>,
      %mul3A_619 = arith.mulf %gather3A_616, %gather3A_617 : vector<16xf32>
      %mul3A_620 = arith.mulf %gather3A_618, %gather3A_203 : vector<16xf32>
      %mul3A_621 = arith.mulf %mul3A_619, %mul3A_620 : vector<16xf32>
      %add3A_622 = arith.addf %add3A_586, %mul3A_621 : vector<16xf32>
      %broadcast_in_dim3A_623 = arith.constant 28 : i32
      %broadcast_in_dim3A_624 = vector.broadcast %broadcast_in_dim3A_623 : i32 to vector<16xi32>
      %gather3A_625 = tpu.vector_load_idx %arg9[%add3A_362, %broadcast_in_dim3A_624] : memref<512x32xf32, #tpu.memory_space<vmem>>[vector<16xi32>, vector<16xi32>], vector<16xf32>,
      %gather3A_626 = tpu.vector_load_idx %arg10[%add3A_362, %broadcast_in_dim3A_624] : memref<512x32xf32, #tpu.memory_space<vmem>>[vector<16xi32>, vector<16xi32>], vector<16xf32>,
      %gather3A_627 = tpu.vector_load_idx %arg11[%add3A_362, %broadcast_in_dim3A_624] : memref<512x32xf32, #tpu.memory_space<vmem>>[vector<16xi32>, vector<16xi32>], vector<16xf32>,
      %mul3A_628 = arith.mulf %gather3A_625, %gather3A_626 : vector<16xf32>
      %mul3A_629 = arith.mulf %gather3A_627, %gather3A_206 : vector<16xf32>
      %mul3A_630 = arith.mulf %mul3A_628, %mul3A_629 : vector<16xf32>
      %add3A_631 = arith.addf %add3A_595, %mul3A_630 : vector<16xf32>
      %broadcast_in_dim3A_632 = arith.constant 29 : i32
      %broadcast_in_dim3A_633 = vector.broadcast %broadcast_in_dim3A_632 : i32 to vector<16xi32>
      %gather3A_634 = tpu.vector_load_idx %arg9[%add3A_362, %broadcast_in_dim3A_633] : memref<512x32xf32, #tpu.memory_space<vmem>>[vector<16xi32>, vector<16xi32>], vector<16xf32>,
      %gather3A_635 = tpu.vector_load_idx %arg10[%add3A_362, %broadcast_in_dim3A_633] : memref<512x32xf32, #tpu.memory_space<vmem>>[vector<16xi32>, vector<16xi32>], vector<16xf32>,
      %gather3A_636 = tpu.vector_load_idx %arg11[%add3A_362, %broadcast_in_dim3A_633] : memref<512x32xf32, #tpu.memory_space<vmem>>[vector<16xi32>, vector<16xi32>], vector<16xf32>,
      %mul3A_637 = arith.mulf %gather3A_634, %gather3A_635 : vector<16xf32>
      %mul3A_638 = arith.mulf %gather3A_636, %gather3A_209 : vector<16xf32>
      %mul3A_639 = arith.mulf %mul3A_637, %mul3A_638 : vector<16xf32>
      %add3A_640 = arith.addf %add3A_604, %mul3A_639 : vector<16xf32>
      %broadcast_in_dim3A_641 = arith.constant 30 : i32
      %broadcast_in_dim3A_642 = vector.broadcast %broadcast_in_dim3A_641 : i32 to vector<16xi32>
      %gather3A_643 = tpu.vector_load_idx %arg9[%add3A_362, %broadcast_in_dim3A_642] : memref<512x32xf32, #tpu.memory_space<vmem>>[vector<16xi32>, vector<16xi32>], vector<16xf32>,
      %gather3A_644 = tpu.vector_load_idx %arg10[%add3A_362, %broadcast_in_dim3A_642] : memref<512x32xf32, #tpu.memory_space<vmem>>[vector<16xi32>, vector<16xi32>], vector<16xf32>,
      %gather3A_645 = tpu.vector_load_idx %arg11[%add3A_362, %broadcast_in_dim3A_642] : memref<512x32xf32, #tpu.memory_space<vmem>>[vector<16xi32>, vector<16xi32>], vector<16xf32>,
      %mul3A_646 = arith.mulf %gather3A_643, %gather3A_644 : vector<16xf32>
      %mul3A_647 = arith.mulf %gather3A_645, %gather3A_212 : vector<16xf32>
      %mul3A_648 = arith.mulf %mul3A_646, %mul3A_647 : vector<16xf32>
      %add3A_649 = arith.addf %add3A_613, %mul3A_648 : vector<16xf32>
      %broadcast_in_dim3A_650 = arith.constant 31 : i32
      %broadcast_in_dim3A_651 = vector.broadcast %broadcast_in_dim3A_650 : i32 to vector<16xi32>
      %gather3A_652 = tpu.vector_load_idx %arg9[%add3A_362, %broadcast_in_dim3A_651] : memref<512x32xf32, #tpu.memory_space<vmem>>[vector<16xi32>, vector<16xi32>], vector<16xf32>,
      %gather3A_653 = tpu.vector_load_idx %arg10[%add3A_362, %broadcast_in_dim3A_651] : memref<512x32xf32, #tpu.memory_space<vmem>>[vector<16xi32>, vector<16xi32>], vector<16xf32>,
      %gather3A_654 = tpu.vector_load_idx %arg11[%add3A_362, %broadcast_in_dim3A_651] : memref<512x32xf32, #tpu.memory_space<vmem>>[vector<16xi32>, vector<16xi32>], vector<16xf32>,
      %mul3A_655 = arith.mulf %gather3A_652, %gather3A_653 : vector<16xf32>
      %mul3A_656 = arith.mulf %gather3A_654, %gather3A_215 : vector<16xf32>
      %mul3A_657 = arith.mulf %mul3A_655, %mul3A_656 : vector<16xf32>
      %add3A_658 = arith.addf %add3A_622, %mul3A_657 : vector<16xf32>
      %add3A_659 = arith.addf %add3A_631, %add3A_640 : vector<16xf32>
      %add3A_660 = arith.addf %add3A_649, %add3A_658 : vector<16xf32>
      %add3A_661 = arith.addf %add3A_659, %add3A_660 : vector<16xf32>
      %mul3A_662 = arith.constant 16 : i32
      %mul3A_663 = arith.muli %scan3A_358, %mul3A_662 : i32
      %swap3A = arith.index_cast %mul3A_663 : i32 to index
      %swap3A_664 = tpu.vector_load %arg13[%swap3A] {strides = array<i32>} : memref<512xf32, #tpu.memory_space<vmem>>, vector<16xf32>,
      tpu.vector_store %arg13[%swap3A], %add3A_661 {strides = array<i32>} : memref<512xf32, #tpu.memory_space<vmem>>, vector<16xf32>,
    }
    %scan3A_357 = arith.constant 8 : i32
    "tpu.region"() ({
      %run_scoped3A = tpu.sem_alloc : memref<!tpu.dma_semaphore, #tpu.memory_space<semaphore_mem>>
      %dma_start3A_358 = tpu.memref_slice %arg7[%mul3A_2] : memref<16384xf32, #tpu.memory_space<hbm>> -> memref<512xf32, #tpu.memory_space<hbm>>
      %dma_start3A_359 = tpu.memref_slice %arg7[%mul3A_2] : memref<16384xf32, #tpu.memory_space<hbm>> -> memref<512xf32, #tpu.memory_space<hbm>>
      tpu.enqueue_dma source(%arg13 : memref<512xf32, #tpu.memory_space<vmem>>) target(%dma_start3A_359 : memref<512xf32, #tpu.memory_space<hbm>>) target_semaphore(%run_scoped3A : memref<!tpu.dma_semaphore, #tpu.memory_space<semaphore_mem>>)
      %dma_wait3A_360 = tpu.memref_slice %arg7[%mul3A_2] : memref<16384xf32, #tpu.memory_space<hbm>> -> memref<512xf32, #tpu.memory_space<hbm>>
      %dma_wait3A_361 = tpu.memref_slice %arg7[%mul3A_2] : memref<16384xf32, #tpu.memory_space<hbm>> -> memref<512xf32, #tpu.memory_space<hbm>>
      tpu.wait_dma2 semaphore(%run_scoped3A : memref<!tpu.dma_semaphore, #tpu.memory_space<semaphore_mem>>) src(%arg13 : memref<512xf32, #tpu.memory_space<vmem>>) dst(%dma_wait3A_361 : memref<512xf32, #tpu.memory_space<hbm>>)
      tpu.yield
    }) : () -> ()
    return
  }
}

</mosaic_0001>

<sc_bundles>
// kernel: kernel.3.cloned.1.call-start
scs
__scs_entry_jumppad:
0x0: {  	(pc) =	sbr.rel $0x88, $3  }
0x1: {  	(tag) =	ssettag $0x0;
	lr =	simm.s32 $0x1  }
0x2: {  	[smem:$0x3F9C] =	sst lr;
	_ =	strace $0xD0000000  }
0x3: {  	_ = 	snop  }
0x4: {  	_ = 	snop  }
0x5: {  	_ = 	snop  }
0x6: {  	_ = 	snop  }
0x7: {  	_ = 	snop  }
__scs_overlays_trampoline_lowered:
0x8: {  	[smem:$0x3FAB] =	sst s0  }
0x9: {  	[smem:$0x3FAC] =	sst s1  }
0xa: {  	[smem:$0x3FAD] =	sst s2  }
0xb: {  	[smem:$0x3FAE] =	sst s3  }
0xc: {  	[smem:$0x3FAF] =	sst s4  }
0xd: {  	[smem:$0x3FB0] =	sst s5  }
0xe: {  	[smem:$0x3FB1] =	sst s6  }
0xf: {  	[smem:$0x3FB2] =	sst s7  }
0x10: {  	[smem:$0x3FB3] =	sst s8  }
0x11: {  	[smem:$0x3FB4] =	sst s9;
	s0 =	simm.s32 @!p0 $0x0  }
0x12: {  	s1 =	sld [smem:$0x3F9A];
	s0 =	simm.s32 @p0 $0x1  }
0x13: {  	[smem:$0x3FB5] =	sst s0;
	s0 =	simm.s32 @!p1 $0x0  }
0x14: {  	s2 =	sld [smem:$0x3F99];
	s0 =	simm.s32 @p1 $0x1  }
0x15: {  	[smem:$0x3FB6] =	sst s0;
	s0 =	simm.s32 @!p2 $0x0  }
0x16: {  	s3 =	sld [smem:$0x3FDB];
	s0 =	simm.s32 @p2 $0x1  }
0x17: {  	s4 =	simm.s32 $0x1BF5;
	[smem:$0x3FB8] =	sst s0  }
0x18: {  	s0 =	sld [smem:$0x3F9B];
	_ =	swait.ge [sflag:s4], $0x0  }
0x19: {  	s7 =	sld [smem:$0x3F9C]  }
0x1a: {  	s8 =	sadd.s32 $0xFFFFE003, lr  }
0x1b: {  	s9 =	sadd.s32 $0xFFFFFEF7, lr;
	s5 =	simm.s32 $0xFFFFFFFF;
	p2 =	slt.u32 s8, $0xFFFFF086  }
0x1c: {  	p1 =	slt.u32 s9, $0xF7A;
	s5 =	simm.s32 @!p2 $0x0  }
0x1d: {  	s5 =	simm.s32 @p1 $0x1;
	p0 =	seq.s32 s7, s2  }
0x1e: {  	s7 =	smul.u32 @!p0 $0xF7A, s2;
	p2 =	seq.s32 @!p0 s5, $0x0  }
0x1f: {  	s9 =	smul.u32 $0xF7A, s1;
	s8 =	simm.s32 @!p0 $0x1BF5;
	p2 =	por !p2, p0  }
0x20: {  	[sflag:s8] =	ssyncset.s32 @!p0 $0xFFFFF086;
	s6 =	sadd.s32 @!p0 s3, s7;
	s7 =	simm.s32 @!p0 $0x108  }
0x21: {  	s3 =	sadd.s32 s3, s9;
	s6 =	sadd.s32 @!p0 $0x88, s6;
	s7 =	simm.s32 @p2 $0x1082  }
0x22: {  	[simem:s7], [sflag:s8] =	dma.local @!p0 [hbm:s6], $0xF7A  }
0x23: {  	s9 =	sor.u32 $0xD0000000, s2;
	s6 =	simm.s32 $0x108;
	_ =	swait.ge @!p0 [sflag:s8], $0x0  }
0x24: {  	s3 =	sadd.s32 $0x88, s3;
	s6 =	simm.s32 @!p1 $0x1082;
	[sflag:s4] =	ssyncset.s32 $0xFFFFF086  }
0x25: {  	[simem:s6], [sflag:s4] =	dma.local [hbm:s3], $0xF7A  }
0x26: {  	[smem:$0x3F9C] =	sst s1;
	(tag) =	ssettag s2;
	_ =	strace s9  }
0x27: {  	s1 =	sld [smem:$0x3FAC]  }
0x28: {  	s2 =	sld [smem:$0x3FAD]  }
0x29: {  	s4 =	sld [smem:$0x3FAF]  }
0x2a: {  	p0 =	seq.s32 s5, $0x0;
	s5 =	sld [smem:$0x3FB0]  }
0x2b: {  	s6 =	sld [smem:$0x3FB1]  }
0x2c: {  	s7 =	sld [smem:$0x3FB2]  }
0x2d: {  	s3 =	simm.s32 $0x108;
	s8 =	sld [smem:$0x3FB3]  }
0x2e: {  	s3 =	simm.s32 @!p0 $0x1082;
	s9 =	sld [smem:$0x3FB4]  }
0x2f: {  	lr =	sadd.s32 s0, s3;
	s0 =	sld [smem:$0x3FAB]  }
0x30: {  	s3 =	sld [smem:$0x3FAE]  }
0x31: {  	[smem:$0x3FB7] =	sst s10  }
0x32: {  	s10 =	sld [smem:$0x3FB5];
	_ =	sdelay $0x3  }
0x33: {  	p0 =	seq.s32 s10, $0x1;
	s10 =	sld [smem:$0x3FB7];
	_ =	sdelay $0x3  }
0x34: {  	[smem:$0x3FB7] =	sst s10  }
0x35: {  	s10 =	sld [smem:$0x3FB6];
	_ =	sdelay $0x3  }
0x36: {  	p1 =	seq.s32 s10, $0x1;
	s10 =	sld [smem:$0x3FB7];
	_ =	sdelay $0x3  }
0x37: {  	[smem:$0x3FB7] =	sst s10  }
0x38: {  	s10 =	sld [smem:$0x3FB8]  }
0x39: {  	_ = 	snop;
	(pc) =	sbr.ind lr, $3  }
0x3a: {  	_ = 	snop  }
0x3b: {  	_ = 	snop  }
0x3c: {  	p2 =	seq.s32 s10, $0x1;
	s10 =	sld [smem:$0x3FB7]  }
0x3d: {  	_ =	shalt  }
0x3e: {  	_ =	shalt  }
0x3f: {  	_ =	shalt  }
0x40: {  	_ =	shalt  }
0x41: {  	_ =	shalt  }
0x42: {  	_ =	shalt  }
0x43: {  	_ =	shalt  }
0x44: {  	_ =	shalt  }
0x45: {  	_ =	shalt  }
0x46: {  	_ =	shalt  }
0x47: {  	_ =	shalt  }
0x48: {  	_ =	shalt  }
0x49: {  	_ =	shalt  }
0x4a: {  	_ =	shalt  }
0x4b: {  	_ =	shalt  }
0x4c: {  	_ =	shalt  }
0x4d: {  	_ =	shalt  }
0x4e: {  	_ =	shalt  }
0x4f: {  	_ =	shalt  }
0x50: {  	_ =	shalt  }
0x51: {  	_ =	shalt  }
0x52: {  	_ =	shalt  }
0x53: {  	_ =	shalt  }
0x54: {  	_ =	shalt  }
0x55: {  	_ =	shalt  }
0x56: {  	_ =	shalt  }
0x57: {  	_ =	shalt  }
0x58: {  	_ =	shalt  }
0x59: {  	_ =	shalt  }
0x5a: {  	_ =	shalt  }
0x5b: {  	_ =	shalt  }
0x5c: {  	_ =	shalt  }
0x5d: {  	_ =	shalt  }
0x5e: {  	_ =	shalt  }
0x5f: {  	_ =	shalt  }
0x60: {  	_ =	shalt  }
0x61: {  	_ =	shalt  }
0x62: {  	_ =	shalt  }
0x63: {  	_ =	shalt  }
0x64: {  	_ =	shalt  }
0x65: {  	_ =	shalt  }
0x66: {  	_ =	shalt  }
0x67: {  	_ =	shalt  }
0x68: {  	_ =	shalt  }
0x69: {  	_ =	shalt  }
0x6a: {  	_ =	shalt  }
0x6b: {  	_ =	shalt  }
0x6c: {  	_ =	shalt  }
0x6d: {  	_ =	shalt  }
0x6e: {  	_ =	shalt  }
0x6f: {  	_ =	shalt  }
0x70: {  	_ =	shalt  }
0x71: {  	_ =	shalt  }
0x72: {  	_ =	shalt  }
0x73: {  	_ =	shalt  }
0x74: {  	_ =	shalt  }
0x75: {  	_ =	shalt  }
0x76: {  	_ =	shalt  }
0x77: {  	_ =	shalt  }
0x78: {  	_ =	shalt  }
0x79: {  	_ =	shalt  }
0x7a: {  	_ =	shalt  }
0x7b: {  	_ =	shalt  }
0x7c: {  	_ =	shalt  }
0x7d: {  	_ =	shalt  }
0x7e: {  	_ =	shalt  }
0x7f: {  	_ =	shalt  }
0x80: {  	_ =	shalt  }
0x81: {  	_ =	shalt  }
0x82: {  	_ =	shalt  }
0x83: {  	_ =	shalt  }
0x84: {  	_ =	shalt  }
0x85: {  	_ =	shalt  }
0x86: {  	_ =	shalt  }
0x87: {  	_ =	shalt  }
.Lfunc_end0:
.L_simem_size_0:
called_computation_lowered:
.L_overlay_start_0:
0x88: {  	s2 =	sld [smem:$0x3FD9]  }
0x89: {  	s3 =	sld [smem:$0x3FFE];
	_ =	sdelay $0x1  }
0x8a: {  	s1 =	srdreg.scid  }
0x8b: {  	s0 =	sand.u32 $0x1, s1  }
0x8c: {  	s17 =	sshll.u32 s0, $0xA;
	s2 =	sadd.s32 s3, s2  }
0x8d: {  	s2 =	sadd.s32 s2, s17  }
0x8e: {  	[smem:$0x3FC3] =	sst s2  }
0x8f: {  	_ = 	snop  }
0x90: {  	s2 =	sld [smem:$0x3FC8]  }
0x91: {  	s18 =	sld [smem:$0x3FD0];
	(tm) =	ssettm $0x1  }
0x92: {  	s4 =	sld [smem:$0x3FFB];
	_ =	sdelay $0x3  }
0x93: {  	_ =	strace s4  }
0x94: {  	s4 =	sld [smem:$0x3FFC];
	_ =	sdelay $0x3  }
0x95: {  	_ =	strace s4  }
0x96: {  	s4 =	sld [smem:$0x3FFD];
	_ =	sdelay $0x3  }
0x97: {  	_ =	strace s4  }
0x98: {  	_ =	strace $0x8FFFFFFF  }
0x99: {  	s19 =	sld [smem:$0x3FDB];
	_ =	sdelay $0x1  }
0x9a: {  	s5 =	simm.s32 $_scs_section_size  }
0x9b: {  	s6 =	simm.s32 $_size__tile_overlayer_lowered;
	s7 =	simm.s32 $_tile_overlayer_lowered  }
0x9c: {  	s22 =	simm.s32 $0x1BFF;
	s21 =	sshll.u32 s7, $0x1;
	s4 =	sadd.s32 s5, s19  }
0x9d: {  	s8 =	simm.s32 $0x0;
	s20 =	sshll.u32 s6, $0x1;
	s6 =	sadd.s32 s21, s4  }
0x9e: {  	[timem:s8], [sflag:s22] =	dma.local [hbm:s6], s20  }
0x9f: {  	_ =	swait.ge [sflag:s22], s20  }
0xa0: {  	s5 =	ssub.s32 $0x0, s20;
	[sflag:s22] =	ssyncset.done $0x0  }
0xa1: {  	[sflag:s22] =	ssyncadd.s32 s5;
	_ =	sdelay $0x1  }
0xa2: {  	s23 =	simm.s32 $0x1B8B  }
0xa3: {  	_ =	swait.ge [sflag:s23], $0x1  }
0xa4: {  	[sflag:s23] =	ssyncset.done $0x0  }
0xa5: {  	s25 =	simm.s32 $0x1B8E;
	s24 =	sld [smem:$0x3FFE];
	[sflag:s23] =	ssyncadd.s32 $0xFFFFFFFF  }
0xa6: {  	s26 =	simm.s32 $execute0_lowered;
	[smem:$0x3FD2] =	sst s25  }
0xa7: {  	s6 =	sshll.u32 s26, $0x1;
	_ =	strace $0x80000046;
	[dreg:$0x1] =	wrdreg $0xFFFFFFFF  }
0xa8: {  	s28 =	simm.s32 $_size_execute0_lowered;
	s4 =	sadd.s32 s4, s6;
	[dreg:$0x0] =	wrdreg $0x0  }
0xa9: {  	s6 =	sshll.u32 s28, $0x1;
	[dreg:$0x2] =	wrdreg s4  }
0xaa: {  	[dreg:$0x3] =	wrdreg s6  }
0xab: {  	[dreg:$0x4] =	wrdreg $0xC0  }
0xac: {  	_ =	task [dreg:s8], $0x5FFFF  }
0xad: {  	[dreg:$0x1] =	wrdreg $0xFFFFFFFF  }
0xae: {  	[dreg:$0x0] =	wrdreg $0x60  }
0xaf: {  	[dreg:$0x2] =	wrdreg s24  }
0xb0: {  	[dreg:$0x3] =	wrdreg s2  }
0xb1: {  	[dreg:$0x4] =	wrdreg s18  }
0xb2: {  	[dreg:$0x5] =	wrdreg $0x9  }
0xb3: {  	_ =	task.clear_ibuf [dreg:s8], $0x6FFFF;
	_ =	strace $0x90000046  }
0xb4: {  	s29 =	simm.s32 $0x9;
	_ =	strace $0x80000048  }
0xb5: {  	_ =	swait.ge [sflag:s29], $0x1  }
0xb6: {  	[sflag:s29] =	ssyncadd.s32 $0xFFFFFFFF  }
0xb7: {  	_ =	strace $0x90000048  }
0xb8: {  	_ =	sfence  }
0xb9: {  	s30 =	sld [smem:$0x0];
	_ =	sdelay $0x2  }
0xba: {  	s31 =	sshll.u32 s1, $0xD;
	s1 =	sshrl.u32 s1, $0x2  }
0xbb: {  	s3 =	sand.u32 $0x4000, s31;
	s1 =	sadd.s32 s1, s30  }
0xbc: {  	s0 =	sor.u32 s3, s0;
	s1 =	sshll.u32 s1, $0x11  }
0xbd: {  	s0 =	sor.u32 s1, s0  }
0xbe: {  	s0 =	sadd.s32 $0x8F2B, s0  }
0xbf: {  	[sflag:s0] =	ssyncadd.remote.s32 $0x1  }
0xc0: {  	_ =	sfence.sel $0xFFFF  }
0xc1: {  	[dreg:$0x0] =	wrdreg $0xFFFFFFFF;
	(pc) =	sbr.abs _section_cstart, $3  }
0xc2: {  	[dreg:$0x1] =	wrdreg $0xFFFFFFFF  }
0xc3: {  	_ =	task.clear_ibuf [dreg:s8], $0x2FFFF;
	_ =	strace $0x9FFFFFFF  }
0xc4: {  	(tm) =	ssettm $0x7FFFFFFF  }
0xc5: {  	_ =	shalt  }
tec
execute0_lowered:
.L_overlay_start_1:
0x0: {  	(tag) =	ssettag $0x1  }
0x1: {  	s0 =	rddreg [dreg:$0x0]  }
0x2: {  	s1 =	rddreg [dreg:$0x2];
	s2 =	srdreg.scid;
	s3 =	simm.s32 $0x0  }
0x3: {  	s4 =	stileid.u32;
	s10 =	simm.s32 $0x200;
	s12 =	simm.s32 $0x5  }
0x4: {  	s13 =	simm.s32 $0x80;
	s14 =	simm.s32 $0x600;
	s15 =	simm.s32 $0x4600  }
0x5: {  	s17 =	simm.s32 $0x8600;
	s28 =	simm.s32 $0x500;
	s29 =	simm.s32 $0xA600  }
0x6: {  	s30 =	simm.s32 $0x180;
	s31 =	simm.s32 $0x3600;
	s11 =	simm.s32 $0xB600  }
0x7: {  	s16 =	simm.s32 $0xC600;
	s18 =	simm.s32 $0x1;
	s19 =	simm.s32 $0x2  }
0x8: {  	s20 =	simm.s32 $0x3;
	s21 =	simm.s32 $0x4;
	s22 =	simm.s32 $0xC620  }
0x9: {  	s23 =	simm.s32 $0x0;
	s2 =	sand.u32 $0x1, s2;
	[smem:$0x7FF] =	sst s3  }
0xa: {  	s4 =	sshll.u32 s4, $0x7;
	s6 =	sadd.s32 $0x189000, s0;
	s5 =	sshll.u32 s2, $0x6  }
0xb: {  	_ =	strace $0x80000047;
	s2 =	ssub.s32 $0x2, s2;
	s8 =	sor.u32 s5, s4  }
0xc: {  	v0 =	vlaneseq.u32;
	s4 =	sadd.s32 $0x24C800, s0;
	s5 =	sadd.s32 $0x1EAC00, s0;
	s26 =	sshrl.u32 s2, $0x1  }
0xd: {  	v1 =	vmul.u32 $0x20, v0;
	s7 =	sadd.s32 s8, s0;
	s0 =	ssub.s32 s2, s26;
	s8 =	sadd.s32 s1, s8  }
0xe: {  	s26 =	simm.s32 $0x6600;
	s2 =	simm.s32 $0x7600;
	s1 =	simm.s32 $0x580  }
0xf: {  	[tilespmem:$0x1FFF0] =	vst v1;
	s7 =	sadd.s32 $0x2600, s7;
	s9 =	smax.u32 s0, $0x1;
	s0 =	simm.s32 $0x380  }
.LBB2_1:
0x10: {  	s24 =	simm.s32 $0x4000  }
0x11: {  	[tilespmem:s3], [sflag:$0x5] =	stream.strided.gather [hbm4b:s7+s10], $0x600, s24, s10, $0x38;
	[tilespmem:$0xC820] =	vst v63  }
0x12: {  	_ =	swait.ge [sflag:s12], $0x600  }
0x13: {  	[sflag:s12] =	ssyncset.done $0x0  }
0x14: {  	[sflag:s12] =	ssyncadd.s32 $0xFFFFFA00  }
0x15: {  	[tilespmem:s14], [sflag:$0x1] =	stream.indirect.gather [hbm4b:s4+s13], $0x20, s3, s13, $0xb8;
	[tilespmem:$0xC820] =	vst v63  }
0x16: {  	_ = 	snop  }
0x17: {  	[tilespmem:s15], [sflag:$0x1] =	stream.indirect.gather [hbm4b:s5+s13], $0x20, s10, s13, $0xb8;
	[tilespmem:$0xC820] =	vst v63  }
0x18: {  	s25 =	simm.s32 $0x400  }
0x19: {  	[tilespmem:s17], [sflag:$0x1] =	stream.indirect.gather [hbm4b:s6+s13], $0x20, s25, s13, $0xb8;
	[tilespmem:$0xC820] =	vst v63  }
0x1a: {  	s25 =	simm.s32 $0x1600  }
0x1b: {  	[tilespmem:s25], [sflag:$0x2] =	stream.indirect.gather [hbm4b:s4+s13], $0x20, s13, s13, $0xb8;
	[tilespmem:$0xC820] =	vst v63  }
0x1c: {  	s24 =	simm.s32 $0x280;
	s25 =	simm.s32 $0x5600  }
0x1d: {  	[tilespmem:s25], [sflag:$0x2] =	stream.indirect.gather [hbm4b:s5+s13], $0x20, s24, s13, $0xb8;
	[tilespmem:$0xC820] =	vst v63  }
0x1e: {  	s24 =	simm.s32 $0x480;
	s25 =	simm.s32 $0x9600  }
0x1f: {  	[tilespmem:s25], [sflag:$0x2] =	stream.indirect.gather [hbm4b:s6+s13], $0x20, s24, s13, $0xb8;
	[tilespmem:$0xC820] =	vst v63  }
0x20: {  	s24 =	simm.s32 $0x100;
	s25 =	simm.s32 $0x2600  }
0x21: {  	[tilespmem:s25], [sflag:$0x3] =	stream.indirect.gather [hbm4b:s4+s13], $0x20, s24, s13, $0xb8;
	[tilespmem:$0xC820] =	vst v63  }
0x22: {  	s25 =	simm.s32 $0x300  }
0x23: {  	[tilespmem:s26], [sflag:$0x3] =	stream.indirect.gather [hbm4b:s5+s13], $0x20, s25, s13, $0xb8;
	[tilespmem:$0xC820] =	vst v63  }
0x24: {  	_ = 	snop  }
0x25: {  	[tilespmem:s29], [sflag:$0x3] =	stream.indirect.gather [hbm4b:s6+s13], $0x20, s28, s13, $0xb8;
	[tilespmem:$0xC820] =	vst v63  }
0x26: {  	_ = 	snop  }
0x27: {  	[tilespmem:s31], [sflag:$0x4] =	stream.indirect.gather [hbm4b:s4+s13], $0x20, s30, s13, $0xb8;
	[tilespmem:$0xC820] =	vst v63  }
0x28: {  	_ = 	snop  }
0x29: {  	[tilespmem:s2], [sflag:$0x4] =	stream.indirect.gather [hbm4b:s5+s13], $0x20, s0, s13, $0xb8;
	[tilespmem:$0xC820] =	vst v63  }
0x2a: {  	_ = 	snop  }
0x2b: {  	[tilespmem:s11], [sflag:$0x4] =	stream.indirect.gather [hbm4b:s6+s13], $0x20, s1, s13, $0xb8;
	[tilespmem:$0xC820] =	vst v63  }
0x2c: {  	s25 =	rddreg [dreg:$0x1]  }
0x2d: {  	[tilespmem:s16], [sflag:$0x5] =	stream.linear.gather [hbm4b:s25+s3], $0x20, $0x38;
	[tilespmem:$0xC820] =	vst v63  }
0x2e: {  	_ =	swait.ge [sflag:s12], $0x20  }
0x2f: {  	[sflag:s12] =	ssyncset.done $0x0  }
0x30: {  	[sflag:s12] =	ssyncadd.s32 $0xFFFFFFE0  }
0x31: {  	v0 =	vld.msk [tilespmem:s16+$0x0], $0xffff;
	_ =	sdelay $0x4  }
0x32: {  	[tilespmem:$0x1FCE0] =	vst v0;
	v0 =	vimm.s32 $0x1;
	_ =	sdelay $0x4  }
0x33: {  	v0 =	vld.idx.msk [tilespmem:v0+s16+$0x0], $0xffff;
	_ =	sdelay $0x4  }
0x34: {  	[tilespmem:$0x1FCF0] =	vst v0;
	v0 =	vimm.s32 $0x2;
	_ =	sdelay $0x4  }
0x35: {  	v0 =	vld.idx.msk [tilespmem:v0+s16+$0x0], $0xffff;
	_ =	sdelay $0x4  }
0x36: {  	[tilespmem:$0x1FD00] =	vst v0;
	v0 =	vimm.s32 $0x3;
	_ =	sdelay $0x4  }
0x37: {  	v0 =	vld.idx.msk [tilespmem:v0+s16+$0x0], $0xffff;
	_ =	sdelay $0x4  }
0x38: {  	[tilespmem:$0x1FD20] =	vst v0;
	v0 =	vimm.s32 $0x4;
	_ =	sdelay $0x4  }
0x39: {  	v0 =	vld.idx.msk [tilespmem:v0+s16+$0x0], $0xffff;
	_ =	sdelay $0x4  }
0x3a: {  	[tilespmem:$0x1FC90] =	vst v0;
	v0 =	vimm.s32 $0x5;
	_ =	sdelay $0x4  }
0x3b: {  	v0 =	vld.idx.msk [tilespmem:v0+s16+$0x0], $0xffff;
	_ =	sdelay $0x4  }
0x3c: {  	[tilespmem:$0x1FCB0] =	vst v0;
	v0 =	vimm.s32 $0x6;
	_ =	sdelay $0x4  }
0x3d: {  	v0 =	vld.idx.msk [tilespmem:v0+s16+$0x0], $0xffff;
	_ =	sdelay $0x4  }
0x3e: {  	[tilespmem:$0x1FD10] =	vst v0;
	v0 =	vimm.s32 $0x7;
	_ =	sdelay $0x4  }
0x3f: {  	v0 =	vld.idx.msk [tilespmem:v0+s16+$0x0], $0xffff;
	_ =	sdelay $0x4  }
0x40: {  	[tilespmem:$0x1FD30] =	vst v0;
	v0 =	vimm.s32 $0x8;
	_ =	sdelay $0x4  }
0x41: {  	v0 =	vld.idx.msk [tilespmem:v0+s16+$0x0], $0xffff;
	_ =	sdelay $0x4  }
0x42: {  	[tilespmem:$0x1FFE0] =	vst v0;
	v0 =	vimm.s32 $0x9;
	_ =	sdelay $0x4  }
0x43: {  	v0 =	vld.idx.msk [tilespmem:v0+s16+$0x0], $0xffff;
	_ =	sdelay $0x4  }
0x44: {  	[tilespmem:$0x1FC60] =	vst v0;
	v0 =	vimm.s32 $0xA;
	_ =	sdelay $0x4  }
0x45: {  	v0 =	vld.idx.msk [tilespmem:v0+s16+$0x0], $0xffff;
	_ =	sdelay $0x4  }
0x46: {  	[tilespmem:$0x1FD40] =	vst v0;
	v0 =	vimm.s32 $0xB;
	_ =	sdelay $0x4  }
0x47: {  	v0 =	vld.idx.msk [tilespmem:v0+s16+$0x0], $0xffff;
	_ =	sdelay $0x4  }
0x48: {  	[tilespmem:$0x1FD50] =	vst v0;
	v0 =	vimm.s32 $0xC;
	_ =	sdelay $0x4  }
0x49: {  	v0 =	vld.idx.msk [tilespmem:v0+s16+$0x0], $0xffff;
	_ =	sdelay $0x4  }
0x4a: {  	[tilespmem:$0x1FEE0] =	vst v0;
	v0 =	vimm.s32 $0xD;
	_ =	sdelay $0x4  }
0x4b: {  	v0 =	vld.idx.msk [tilespmem:v0+s16+$0x0], $0xffff;
	_ =	sdelay $0x4  }
0x4c: {  	[tilespmem:$0x1FEF0] =	vst v0;
	v0 =	vimm.s32 $0xE;
	_ =	sdelay $0x4  }
0x4d: {  	v0 =	vld.idx.msk [tilespmem:v0+s16+$0x0], $0xffff;
	_ =	sdelay $0x4  }
0x4e: {  	[tilespmem:$0x1FFD0] =	vst v0;
	v0 =	vimm.s32 $0xF;
	_ =	sdelay $0x4  }
0x4f: {  	v0 =	vld.idx.msk [tilespmem:v0+s16+$0x0], $0xffff;
	_ =	sdelay $0x4  }
0x50: {  	[tilespmem:$0x1FD60] =	vst v0;
	v0 =	vimm.s32 $0x10;
	_ =	sdelay $0x4  }
0x51: {  	v47 =	vld.idx.msk [tilespmem:v0+s16+$0x0], $0xffff;
	v0 =	vimm.s32 $0x11;
	_ =	sdelay $0x4  }
0x52: {  	v49 =	vld.idx.msk [tilespmem:v0+s16+$0x0], $0xffff;
	v0 =	vimm.s32 $0x12;
	_ =	sdelay $0x4  }
0x53: {  	v0 =	vld.idx.msk [tilespmem:v0+s16+$0x0], $0xffff;
	_ =	sdelay $0x4  }
0x54: {  	[tilespmem:$0x1FDA0] =	vst v0;
	v0 =	vimm.s32 $0x13;
	_ =	sdelay $0x4  }
0x55: {  	v0 =	vld.idx.msk [tilespmem:v0+s16+$0x0], $0xffff;
	_ =	sdelay $0x4  }
0x56: {  	[tilespmem:$0x1FDB0] =	vst v0;
	v0 =	vimm.s32 $0x14;
	_ =	sdelay $0x4  }
0x57: {  	v28 =	vld.idx.msk [tilespmem:v0+s16+$0x0], $0xffff;
	v0 =	vimm.s32 $0x15;
	_ =	sdelay $0x4  }
0x58: {  	v29 =	vld.idx.msk [tilespmem:v0+s16+$0x0], $0xffff;
	v0 =	vimm.s32 $0x16;
	_ =	sdelay $0x4  }
0x59: {  	v0 =	vld.idx.msk [tilespmem:v0+s16+$0x0], $0xffff;
	_ =	sdelay $0x4  }
0x5a: {  	[tilespmem:$0x1FD90] =	vst v0;
	v0 =	vimm.s32 $0x17;
	_ =	sdelay $0x4  }
0x5b: {  	v0 =	vld.idx.msk [tilespmem:v0+s16+$0x0], $0xffff;
	_ =	sdelay $0x4  }
0x5c: {  	[tilespmem:$0x1FF90] =	vst v0;
	v0 =	vimm.s32 $0x18;
	_ =	sdelay $0x4  }
0x5d: {  	v13 =	vld.idx.msk [tilespmem:v0+s16+$0x0], $0xffff;
	v0 =	vimm.s32 $0x19;
	_ =	sdelay $0x4  }
0x5e: {  	v14 =	vld.idx.msk [tilespmem:v0+s16+$0x0], $0xffff;
	v0 =	vimm.s32 $0x1A;
	_ =	sdelay $0x4  }
0x5f: {  	v0 =	vld.idx.msk [tilespmem:v0+s16+$0x0], $0xffff;
	_ =	sdelay $0x4  }
0x60: {  	[tilespmem:$0x1FF40] =	vst v0;
	v0 =	vimm.s32 $0x1B;
	_ =	sdelay $0x4  }
0x61: {  	v0 =	vld.idx.msk [tilespmem:v0+s16+$0x0], $0xffff;
	_ =	sdelay $0x4  }
0x62: {  	[tilespmem:$0x1FF60] =	vst v0;
	v0 =	vimm.s32 $0x1C;
	_ =	sdelay $0x4  }
0x63: {  	v7 =	vld.idx.msk [tilespmem:v0+s16+$0x0], $0xffff;
	v0 =	vimm.s32 $0x1D;
	_ =	sdelay $0x4  }
0x64: {  	v8 =	vld.idx.msk [tilespmem:v0+s16+$0x0], $0xffff;
	v0 =	vimm.s32 $0x1E;
	_ =	sdelay $0x4  }
0x65: {  	v0 =	vld.idx.msk [tilespmem:v0+s16+$0x0], $0xffff;
	_ =	sdelay $0x4  }
0x66: {  	[tilespmem:$0x1FF00] =	vst v0;
	v0 =	vimm.s32 $0x1F;
	_ =	sdelay $0x1  }
0x67: {  	[tilespmem:$0x1FEC0] =	vst v47  }
0x68: {  	[tilespmem:$0x1FED0] =	vst v49  }
0x69: {  	[tilespmem:$0x1FE90] =	vst v28  }
0x6a: {  	[tilespmem:$0x1FEA0] =	vst v29;
	v0 =	vld.idx.msk [tilespmem:v0+s16+$0x0], $0xffff  }
0x6b: {  	[tilespmem:$0x1FE30] =	vst v13  }
0x6c: {  	[tilespmem:$0x1FE40] =	vst v14  }
0x6d: {  	[tilespmem:$0x1FDF0] =	vst v7  }
0x6e: {  	[tilespmem:$0x1FE00] =	vst v8  }
0x6f: {  	[tilespmem:$0x1FF20] =	vst v0  }
0x70: {  	_ =	swait.ge [sflag:s18], $0x1000  }
0x71: {  	v0 =	vmov s3;
	[sflag:s18] =	ssyncset.done $0x0  }
0x72: {  	v0 =	vshll.u32 v0, $0x5;
	[sflag:s18] =	ssyncadd.s32 $0xFFFFF000  }
0x73: {  	v5 =	vor.u32 v1, v0;
	_ =	swait.ge [sflag:s18], $0x1000  }
0x74: {  	v0 =	vor.u32 $0x1C, v5;
	[sflag:s18] =	ssyncset.done $0x0  }
0x75: {  	[sflag:s18] =	ssyncadd.s32 $0xFFFFF000  }
0x76: {  	_ =	swait.ge [sflag:s18], $0x1000  }
0x77: {  	v1 =	vor.u32 $0x1D, v5;
	[sflag:s18] =	ssyncset.done $0x0  }
0x78: {  	[sflag:s18] =	ssyncadd.s32 $0xFFFFF000  }
0x79: {  	v15 =	vld.idx.msk [tilespmem:v0+s14+$0x0], $0xffff  }
0x7a: {  	v4 =	vor.u32 $0x1E, v5;
	v2 =	vld.idx.msk [tilespmem:v0+s15+$0x0], $0xffff  }
0x7b: {  	v6 =	vld.idx.msk [tilespmem:v0+s17+$0x0], $0xffff  }
0x7c: {  	v3 =	vld.idx.msk [tilespmem:v1+s14+$0x0], $0xffff  }
0x7d: {  	v9 =	vor.u32 $0x1F, v5;
	v0 =	vld.idx.msk [tilespmem:v1+s15+$0x0], $0xffff  }
0x7e: {  	v10 =	vld.idx.msk [tilespmem:v1+s17+$0x0], $0xffff  }
0x7f: {  	v11 =	vor.u32 $0x18, v5;
	v43 =	vld.idx.msk [tilespmem:v4+s14+$0x0], $0xffff  }
0x80: {  	v39 =	vld.idx.msk [tilespmem:v4+s15+$0x0], $0xffff  }
0x81: {  	v12 =	vor.u32 $0x19, v5;
	v1 =	vld.idx.msk [tilespmem:v4+s17+$0x0], $0xffff  }
0x82: {  	v37 =	vld.idx.msk [tilespmem:v9+s14+$0x0], $0xffff  }
0x83: {  	v30 =	vld.idx.msk [tilespmem:v9+s15+$0x0], $0xffff  }
0x84: {  	v17 =	vor.u32 $0x14, v5;
	v16 =	vld.idx.msk [tilespmem:v11+s15+$0x0], $0xffff  }
0x85: {  	v18 =	vld.idx.msk [tilespmem:v11+s17+$0x0], $0xffff  }
0x86: {  	v19 =	vld.idx.msk [tilespmem:v12+s14+$0x0], $0xffff  }
0x87: {  	v26 =	vor.u32 $0x11, v5;
	v20 =	vld.idx.msk [tilespmem:v12+s15+$0x0], $0xffff  }
0x88: {  	v21 =	vld.idx.msk [tilespmem:v12+s17+$0x0], $0xffff  }
0x89: {  	v22 =	vld.idx.msk [tilespmem:v17+s14+$0x0], $0xffff  }
0x8a: {  	v23 =	vld.idx.msk [tilespmem:v17+s15+$0x0], $0xffff  }
0x8b: {  	v17 =	vld.idx.msk [tilespmem:v17+s17+$0x0], $0xffff  }
0x8c: {  	v35 =	vor.u32 $0x8, v5;
	v31 =	vld.idx.msk [tilespmem:v26+s14+$0x0], $0xffff  }
0x8d: {  	v12 =	vor.u32 $0x10, v5;
	v32 =	vld.idx.msk [tilespmem:v26+s15+$0x0], $0xffff  }
0x8e: {  	v26 =	vld.idx.msk [tilespmem:v26+s17+$0x0], $0xffff  }
0x8f: {  	[tilespmem:$0x1FD70] =	vst v1;
	v1 =	vld.idx.msk [tilespmem:v9+s17+$0x0], $0xffff  }
0x90: {  	v9 =	vld.idx.msk [tilespmem:v11+s14+$0x0], $0xffff;
	v11 =	vor.u32 $0x15, v5  }
0x91: {  	v54 =	vld.idx.msk [tilespmem:v35+s14+$0x0], $0xffff  }
0x92: {  	v34 =	vld.idx.msk [tilespmem:v12+s14+$0x0], $0xffff  }
0x93: {  	v33 =	vld.idx.msk [tilespmem:v12+s15+$0x0], $0xffff  }
0x94: {  	v36 =	vld.idx.msk [tilespmem:v12+s17+$0x0], $0xffff;
	v12 =	vor.u32 $0xD, v5  }
0x95: {  	v24 =	vld.idx.msk [tilespmem:v11+s14+$0x0], $0xffff  }
0x96: {  	v25 =	vld.idx.msk [tilespmem:v11+s15+$0x0], $0xffff  }
0x97: {  	v27 =	vld.idx.msk [tilespmem:v11+s17+$0x0], $0xffff;
	v11 =	vor.u32 $0xC, v5  }
0x98: {  	v53 =	vld.idx.msk [tilespmem:v35+s15+$0x0], $0xffff  }
0x99: {  	v40 =	vld.idx.msk [tilespmem:v12+s14+$0x0], $0xffff  }
0x9a: {  	v38 =	vld.idx.msk [tilespmem:v12+s15+$0x0], $0xffff  }
0x9b: {  	v44 =	vor.u32 $0x5, v5;
	v41 =	vld.idx.msk [tilespmem:v12+s17+$0x0], $0xffff  }
0x9c: {  	v45 =	vld.idx.msk [tilespmem:v11+s14+$0x0], $0xffff  }
0x9d: {  	v12 =	vor.u32 $0x4, v5;
	v42 =	vld.idx.msk [tilespmem:v11+s15+$0x0], $0xffff  }
0x9e: {  	v46 =	vld.idx.msk [tilespmem:v11+s17+$0x0], $0xffff;
	v11 =	vor.u32 $0x9, v5  }
0x9f: {  	v62 =	vld.idx.msk [tilespmem:v35+s17+$0x0], $0xffff  }
0xa0: {  	v63 =	vld.idx.msk [tilespmem:v44+s14+$0x0], $0xffff  }
0xa1: {  	v51 =	vor.u32 $0x1A, v5;
	v2 =	vmul.f32 v2, v15;
	v15 =	vld [tilespmem:$0x1FEF0]  }
0xa2: {  	[tilespmem:$0x1FD80] =	vst v1;
	v1 =	vld.idx.msk [tilespmem:v12+s14+$0x0], $0xffff  }
0xa3: {  	v6 =	vmul.f32 v6, v7;
	v50 =	vld.idx.msk [tilespmem:v11+s14+$0x0], $0xffff  }
0xa4: {  	v3 =	vmul.f32 v0, v3;
	v35 =	vld.idx.msk [tilespmem:v11+s15+$0x0], $0xffff  }
0xa5: {  	v7 =	vmul.f32 v10, v8;
	v0 =	vmul.f32 v6, v2;
	v52 =	vld.idx.msk [tilespmem:v11+s17+$0x0], $0xffff;
	v11 =	vor.u32 $0x1B, v5  }
0xa6: {  	v55 =	vld.idx.msk [tilespmem:v51+s14+$0x0], $0xffff  }
0xa7: {  	v56 =	vld.idx.msk [tilespmem:v51+s15+$0x0], $0xffff;
	[tilespmem:$0x1FDD0] =	vst v0;
	v0 =	vmul.f32 v7, v3;
	v3 =	vmul.f32 v30, v37  }
0xa8: {  	v30 =	vmul.f32 v36, v47;
	v47 =	vmul.f32 v41, v15;
	v15 =	vld [tilespmem:$0x1FC60]  }
0xa9: {  	[tilespmem:$0x1FC70] =	vst v1;
	v1 =	vld.idx.msk [tilespmem:v12+s15+$0x0], $0xffff  }
0xaa: {  	v58 =	vld.idx.msk [tilespmem:v11+s14+$0x0], $0xffff  }
0xab: {  	v59 =	vld.idx.msk [tilespmem:v11+s15+$0x0], $0xffff  }
0xac: {  	v61 =	vld.idx.msk [tilespmem:v44+s15+$0x0], $0xffff  }
0xad: {  	v57 =	vor.u32 $0x17, v5;
	v44 =	vld.idx.msk [tilespmem:v44+s17+$0x0], $0xffff  }
0xae: {  	v60 =	vor.u32 $0x12, v5;
	v26 =	vmul.f32 v26, v49;
	v49 =	vmul.f32 v53, v54;
	v53 =	vld [tilespmem:$0x1FFE0]  }
0xaf: {  	v48 =	vor.u32 $0x1, v5;
	v21 =	vmul.f32 v21, v14;
	v14 =	vmul.f32 v56, v55;
	[tilespmem:$0x1FC80] =	vst v1;
	v1 =	vld.idx.msk [tilespmem:v12+s17+$0x0], $0xffff  }
0xb0: {  	v55 =	vmul.f32 v59, v58;
	v58 =	vmul.f32 v52, v15;
	v15 =	vld [tilespmem:$0x1FC70]  }
0xb1: {  	v59 =	vld [tilespmem:$0x1FC80]  }
0xb2: {  	v4 =	vor.u32 $0x13, v5;
	v10 =	vld.idx.msk [tilespmem:v57+s14+$0x0], $0xffff  }
0xb3: {  	v19 =	vmul.f32 v20, v19;
	v20 =	vld.idx.msk [tilespmem:v60+s14+$0x0], $0xffff  }
0xb4: {  	[tilespmem:$0x1FCA0] =	vst v1;
	v1 =	vld.idx.msk [tilespmem:v48+s14+$0x0], $0xffff  }
0xb5: {  	v52 =	vld [tilespmem:$0x1FCA0]  }
0xb6: {  	v54 =	vmul.f32 v62, v53;
	v62 =	vmul.f32 v59, v15;
	v15 =	vld [tilespmem:$0x1FC90]  }
0xb7: {  	v18 =	vmul.f32 v18, v13;
	v13 =	vld.idx.msk [tilespmem:v4+s14+$0x0], $0xffff  }
0xb8: {  	v6 =	vld.idx.msk [tilespmem:v57+s15+$0x0], $0xffff;
	v2 =	vor.u32 $0xF, v5  }
0xb9: {  	v7 =	vor.u32 $0xE, v5;
	[tilespmem:$0x1FCC0] =	vst v1;
	v1 =	vld.idx.msk [tilespmem:v48+s15+$0x0], $0xffff  }
0xba: {  	v9 =	vmul.f32 v16, v9;
	[tilespmem:$0x1FDE0] =	vst v0;
	v0 =	vld.idx.msk [tilespmem:v60+s15+$0x0], $0xffff  }
0xbb: {  	v53 =	vmul.f32 v52, v15;
	v15 =	vld [tilespmem:$0x1FCB0]  }
0xbc: {  	[tilespmem:$0x1FDC0] =	vst v3;
	v3 =	vmul.f32 v18, v9;
	v18 =	vmul.f32 v21, v19;
	v19 =	vld.idx.msk [tilespmem:v4+s15+$0x0], $0xffff  }
0xbd: {  	v22 =	vmul.f32 v23, v22;
	v17 =	vmul.f32 v17, v28;
	v56 =	vld.idx.msk [tilespmem:v2+s14+$0x0], $0xffff  }
0xbe: {  	v9 =	vor.u32 $0xB, v5;
	v23 =	vmul.f32 v25, v24;
	v24 =	vld.idx.msk [tilespmem:v7+s14+$0x0], $0xffff;
	[tilespmem:$0x1FCD0] =	vst v1  }
0xbf: {  	v17 =	vmul.f32 v17, v22;
	v28 =	vmul.f32 v33, v34;
	v59 =	vld [tilespmem:$0x1FCD0]  }
0xc0: {  	v6 =	vmul.f32 v6, v10;
	v44 =	vmul.f32 v44, v15;
	v15 =	vld [tilespmem:$0x1FCC0]  }
0xc1: {  	v10 =	vmul.f32 v30, v28;
	v25 =	vmul.f32 v27, v29;
	v27 =	vld.idx.msk [tilespmem:v7+s15+$0x0], $0xffff  }
0xc2: {  	v29 =	vmul.f32 v32, v31;
	v41 =	vld.idx.msk [tilespmem:v5+s17+$0x0], $0xffff;
	v0 =	vmul.f32 v0, v20;
	v20 =	vor.u32 $0x2, v5  }
0xc3: {  	v22 =	vmul.f32 v25, v23;
	v25 =	vor.u32 $0x6, v5;
	v28 =	vld.idx.msk [tilespmem:v9+s15+$0x0], $0xffff;
	v13 =	vmul.f32 v19, v13  }
0xc4: {  	v19 =	vld.idx.msk [tilespmem:v5+s15+$0x0], $0xffff;
	v50 =	vmul.f32 v35, v50;
	v35 =	vmul.f32 v54, v49  }
0xc5: {  	v49 =	vmul.f32 v61, v63;
	v61 =	vmul.f32 v59, v15;
	v15 =	vld [tilespmem:$0x1FCE0]  }
0xc6: {  	v26 =	vmul.f32 v26, v29;
	v29 =	vmul.f32 v42, v45;
	v45 =	vld [tilespmem:$0x1FEE0];
	v12 =	vor.u32 $0x16, v5  }
0xc7: {  	v30 =	vmul.f32 v38, v40;
	v40 =	vld.idx.msk [tilespmem:v20+s14+$0x0], $0xffff  }
0xc8: {  	v36 =	vld.idx.msk [tilespmem:v25+s14+$0x0], $0xffff  }
0xc9: {  	v48 =	vld.idx.msk [tilespmem:v48+s17+$0x0], $0xffff  }
0xca: {  	v63 =	vmul.f32 v41, v15;
	v15 =	vld [tilespmem:$0x1FCF0]  }
0xcb: {  	v8 =	vld.idx.msk [tilespmem:v12+s15+$0x0], $0xffff  }
0xcc: {  	v38 =	vmul.f32 v58, v50;
	v50 =	vld.idx.msk [tilespmem:v20+s15+$0x0], $0xffff  }
0xcd: {  	v1 =	vld.idx.msk [tilespmem:v12+s14+$0x0], $0xffff  }
0xce: {  	v20 =	vld.idx.msk [tilespmem:v20+s17+$0x0], $0xffff  }
0xcf: {  	v37 =	vmul.f32 v46, v45;
	v33 =	vmul.f32 v48, v15;
	v15 =	vld [tilespmem:$0x1FD00]  }
0xd0: {  	v16 =	vmul.f32 v39, v43;
	v34 =	vor.u32 $0x7, v5;
	v39 =	vld.idx.msk [tilespmem:v25+s15+$0x0], $0xffff  }
0xd1: {  	v21 =	vor.u32 $0xA, v5;
	v29 =	vmul.f32 v37, v29;
	v37 =	vld.idx.msk [tilespmem:v5+s14+$0x0], $0xffff;
	v5 =	vor.u32 $0x3, v5  }
0xd2: {  	v1 =	vmul.f32 v8, v1;
	v8 =	vld.idx.msk [tilespmem:v9+s14+$0x0], $0xffff  }
0xd3: {  	v25 =	vld.idx.msk [tilespmem:v25+s17+$0x0], $0xffff  }
0xd4: {  	v20 =	vmul.f32 v20, v15;
	v15 =	vld [tilespmem:$0x1FD10]  }
0xd5: {  	v43 =	vld.idx.msk [tilespmem:v34+s14+$0x0], $0xffff  }
0xd6: {  	v58 =	vld.idx.msk [tilespmem:v5+s15+$0x0], $0xffff  }
0xd7: {  	v8 =	vmul.f32 v28, v8;
	v28 =	vld.idx.msk [tilespmem:v5+s14+$0x0], $0xffff  }
0xd8: {  	v5 =	vld.idx.msk [tilespmem:v5+s17+$0x0], $0xffff  }
0xd9: {  	v25 =	vmul.f32 v25, v15;
	v15 =	vld [tilespmem:$0x1FD20]  }
0xda: {  	v7 =	vld.idx.msk [tilespmem:v7+s17+$0x0], $0xffff  }
0xdb: {  	v23 =	vld.idx.msk [tilespmem:v2+s15+$0x0], $0xffff  }
0xdc: {  	v24 =	vmul.f32 v27, v24;
	v27 =	vld.idx.msk [tilespmem:v34+s15+$0x0], $0xffff  }
0xdd: {  	v34 =	vld.idx.msk [tilespmem:v34+s17+$0x0], $0xffff  }
0xde: {  	v5 =	vmul.f32 v5, v15;
	v15 =	vld [tilespmem:$0x1FD30]  }
0xdf: {  	v31 =	vld.idx.msk [tilespmem:v21+s14+$0x0], $0xffff  }
0xe0: {  	v30 =	vmul.f32 v47, v30;
	v47 =	vld [tilespmem:$0x1FFD0]  }
0xe1: {  	v32 =	vld.idx.msk [tilespmem:v21+s15+$0x0], $0xffff  }
0xe2: {  	v21 =	vld.idx.msk [tilespmem:v21+s17+$0x0], $0xffff  }
0xe3: {  	v34 =	vmul.f32 v34, v15;
	v15 =	vld [tilespmem:$0x1FD40];
	_ =	sdelay $0x1  }
0xe4: {  	v4 =	vld.idx.msk [tilespmem:v4+s17+$0x0], $0xffff;
	v7 =	vmul.f32 v7, v47  }
0xe5: {  	v2 =	vld.idx.msk [tilespmem:v2+s17+$0x0], $0xffff;
	v23 =	vmul.f32 v23, v56;
	v31 =	vmul.f32 v32, v31  }
0xe6: {  	v7 =	vmul.f32 v7, v24;
	v27 =	vmul.f32 v27, v43;
	v9 =	vld.idx.msk [tilespmem:v9+s17+$0x0], $0xffff  }
0xe7: {  	v36 =	vmul.f32 v39, v36;
	v21 =	vmul.f32 v21, v15;
	v15 =	vld [tilespmem:$0x1FD50]  }
0xe8: {  	v11 =	vld.idx.msk [tilespmem:v11+s17+$0x0], $0xffff;
	v19 =	vmul.f32 v19, v37;
	v28 =	vmul.f32 v58, v28  }
0xe9: {  	v46 =	vld.idx.msk [tilespmem:v60+s17+$0x0], $0xffff;
	v54 =	vmul.f32 v53, v62;
	v62 =	vmul.f32 v50, v40  }
0xea: {  	v19 =	vmul.f32 v63, v19;
	v63 =	vld [tilespmem:$0x1FDB0];
	v5 =	vmul.f32 v5, v28  }
0xeb: {  	v12 =	vld.idx.msk [tilespmem:v12+s17+$0x0], $0xffff;
	v56 =	vmul.f32 v44, v49;
	v20 =	vmul.f32 v20, v62  }
0xec: {  	v5 =	vadd.f32 $0.0e+00, v5;
	v27 =	vmul.f32 v34, v27;
	v9 =	vmul.f32 v9, v15;
	v15 =	vld [tilespmem:$0x1FD60]  }
0xed: {  	v19 =	vadd.f32 $0.0e+00, v19;
	v37 =	vmul.f32 v33, v61;
	v62 =	vld [tilespmem:$0x1FDA0];
	v20 =	vadd.f32 $0.0e+00, v20  }
0xee: {  	v61 =	vld [tilespmem:$0x1FD90];
	v25 =	vmul.f32 v25, v36;
	v5 =	vadd.f32 v27, v5;
	v8 =	vmul.f32 v9, v8  }
0xef: {  	v45 =	vld.idx.msk [tilespmem:v57+s17+$0x0], $0xffff;
	v19 =	vadd.f32 v54, v19;
	v4 =	vmul.f32 v4, v63;
	v37 =	vadd.f32 $0.0e+00, v37  }
0xf0: {  	v20 =	vadd.f32 v25, v20;
	v21 =	vmul.f32 v21, v31;
	v5 =	vadd.f32 v8, v5;
	v8 =	vld [tilespmem:$0x1FF90]  }
0xf1: {  	v44 =	vld.idx.msk [tilespmem:v51+s17+$0x0], $0xffff;
	v4 =	vmul.f32 v4, v13;
	v9 =	vadd.f32 v35, v19;
	v2 =	vmul.f32 v2, v15  }
0xf2: {  	v25 =	vld [tilespmem:$0x1FF40];
	v28 =	vadd.f32 v56, v37;
	v20 =	vadd.f32 v21, v20;
	v21 =	vmul.f32 v46, v62  }
0xf3: {  	v12 =	vmul.f32 v12, v61;
	v27 =	vld [tilespmem:$0x1FF60];
	v9 =	vadd.f32 v29, v9;
	v2 =	vmul.f32 v2, v23  }
0xf4: {  	v24 =	vadd.f32 v38, v28;
	v0 =	vmul.f32 v21, v0;
	v7 =	vadd.f32 v7, v20;
	v19 =	vld [tilespmem:$0x1FF00]  }
0xf5: {  	v15 =	vld [tilespmem:$0x1FD70];
	v8 =	vmul.f32 v45, v8;
	v2 =	vadd.f32 v2, v5;
	v5 =	vadd.f32 v10, v9  }
0xf6: {  	v1 =	vmul.f32 v12, v1;
	v24 =	vadd.f32 v30, v24;
	v0 =	vadd.f32 v0, v7  }
0xf7: {  	v2 =	vadd.f32 v4, v2;
	v4 =	vmul.f32 v8, v6;
	v5 =	vadd.f32 v17, v5  }
0xf8: {  	v11 =	vmul.f32 v11, v27;
	v0 =	vadd.f32 v1, v0;
	v23 =	vld [tilespmem:$0x1FF20];
	v9 =	vadd.f32 v26, v24  }
0xf9: {  	v25 =	vmul.f32 v44, v25;
	v1 =	vadd.f32 v4, v2;
	v4 =	vadd.f32 v3, v5;
	v3 =	vld [tilespmem:$0x1FDD0]  }
0xfa: {  	v19 =	vmul.f32 v15, v19;
	v15 =	vld [tilespmem:$0x1FD80];
	v2 =	vmul.f32 v11, v55  }
0xfb: {  	v7 =	vmul.f32 v25, v14;
	v6 =	vadd.f32 v22, v9  }
0xfc: {  	v1 =	vadd.f32 v2, v1;
	v2 =	vld [tilespmem:$0x1FDC0]  }
0xfd: {  	v0 =	vadd.f32 v7, v0;
	v5 =	vadd.f32 v18, v6;
	v6 =	vmul.f32 v19, v16  }
0xfe: {  	v4 =	vadd.f32 v3, v4;
	v3 =	vld [tilespmem:$0x1FDE0]  }
0xff: {  	v23 =	vmul.f32 v15, v23;
	v6 =	vadd.f32 v6, v0;
	v0 =	vld [tilespmem:$0x1FFF0];
	_ =	sdelay $0x1  }
0x100: {  	s25 =	simm.s32 $0x10;
	v2 =	vmul.f32 v23, v2  }
0x101: {  	v7 =	vmov s25  }
0x102: {  	v1 =	vadd.f32 v2, v1;
	v3 =	vadd.f32 v3, v5;
	v5 =	vshll.u32 v7, $0x5  }
0x103: {  	v0 =	vor.u32 v0, v5  }
0x104: {  	v1 =	vadd.f32 v1, v6;
	v2 =	vor.u32 $0x1C, v0;
	v3 =	vadd.f32 v3, v4;
	_ =	sdelay $0x1  }
0x105: {  	v1 =	vadd.f32 v1, v3  }
0x106: {  	v5 =	vor.u32 $0x1E, v0  }
0x107: {  	[tilespmem:s22+$0x0] =	vst v1  }
0x108: {  	v1 =	vld.idx.msk [tilespmem:v2+s14+$0x0], $0xffff  }
0x109: {  	v9 =	vor.u32 $0x1F, v0;
	v4 =	vld.idx.msk [tilespmem:v2+s15+$0x0], $0xffff  }
0x10a: {  	v2 =	vld.idx.msk [tilespmem:v2+s17+$0x0], $0xffff  }
0x10b: {  	v12 =	vor.u32 $0x18, v0;
	v55 =	vld.idx.msk [tilespmem:v5+s14+$0x0], $0xffff  }
0x10c: {  	v14 =	vor.u32 $0x19, v0;
	v48 =	vld.idx.msk [tilespmem:v5+s15+$0x0], $0xffff  }
0x10d: {  	v5 =	vld.idx.msk [tilespmem:v5+s17+$0x0], $0xffff  }
0x10e: {  	v27 =	vld.idx.msk [tilespmem:v9+s14+$0x0], $0xffff  }
0x10f: {  	v3 =	vor.u32 $0x1D, v0;
	v15 =	vld.idx.msk [tilespmem:v9+s15+$0x0], $0xffff  }
0x110: {  	v16 =	vld.idx.msk [tilespmem:v12+s15+$0x0], $0xffff  }
0x111: {  	v17 =	vor.u32 $0x1A, v0;
	v18 =	vld.idx.msk [tilespmem:v14+s14+$0x0], $0xffff  }
0x112: {  	v34 =	vld.idx.msk [tilespmem:v14+s15+$0x0], $0xffff  }
0x113: {  	v19 =	vor.u32 $0x1B, v0;
	v30 =	vld.idx.msk [tilespmem:v14+s17+$0x0], $0xffff  }
0x114: {  	v20 =	vor.u32 $0x14, v0;
	v29 =	vld.idx.msk [tilespmem:v3+s14+$0x0], $0xffff  }
0x115: {  	v7 =	vld.idx.msk [tilespmem:v3+s15+$0x0], $0xffff  }
0x116: {  	v41 =	vld.idx.msk [tilespmem:v17+s14+$0x0], $0xffff  }
0x117: {  	v11 =	vld.idx.msk [tilespmem:v17+s15+$0x0], $0xffff  }
0x118: {  	v25 =	vld.idx.msk [tilespmem:v19+s15+$0x0], $0xffff  }
0x119: {  	v32 =	vld.idx.msk [tilespmem:v20+s14+$0x0], $0xffff  }
0x11a: {  	v1 =	vmul.f32 v4, v1;
	v4 =	vmul.f32 v7, v29;
	v7 =	vld [tilespmem:$0x1FDF0]  }
0x11b: {  	v35 =	vld.idx.msk [tilespmem:v20+s15+$0x0], $0xffff  }
0x11c: {  	v3 =	vld.idx.msk [tilespmem:v3+s17+$0x0], $0xffff  }
0x11d: {  	[tilespmem:$0x1FF10] =	vst v5;
	v5 =	vld.idx.msk [tilespmem:v9+s17+$0x0], $0xffff  }
0x11e: {  	v9 =	vld.idx.msk [tilespmem:v12+s14+$0x0], $0xffff  }
0x11f: {  	v22 =	vor.u32 $0x15, v0;
	v12 =	vld.idx.msk [tilespmem:v12+s17+$0x0], $0xffff;
	v2 =	vmul.f32 v2, v7  }
0x120: {  	v7 =	vld [tilespmem:$0x1FE00]  }
0x121: {  	v1 =	vmul.f32 v2, v1;
	v2 =	vld [tilespmem:$0x1FE30]  }
0x122: {  	v36 =	vld.idx.msk [tilespmem:v20+s17+$0x0], $0xffff  }
0x123: {  	[tilespmem:$0x1FF30] =	vst v5;
	v5 =	vld.idx.msk [tilespmem:v17+s17+$0x0], $0xffff  }
0x124: {  	v37 =	vld.idx.msk [tilespmem:v22+s14+$0x0], $0xffff  }
0x125: {  	v39 =	vld.idx.msk [tilespmem:v22+s15+$0x0], $0xffff;
	v3 =	vmul.f32 v3, v7  }
0x126: {  	v20 =	vor.u32 $0x17, v0;
	v12 =	vmul.f32 v12, v2;
	v2 =	vld [tilespmem:$0x1FE40]  }
0x127: {  	v40 =	vld.idx.msk [tilespmem:v22+s17+$0x0], $0xffff;
	[tilespmem:$0x1FE10] =	vst v1;
	v1 =	vmul.f32 v3, v4  }
0x128: {  	v22 =	vor.u32 $0x10, v0;
	v17 =	vld.idx.msk [tilespmem:v19+s14+$0x0], $0xffff;
	[tilespmem:$0x1FF50] =	vst v5  }
0x129: {  	v5 =	vld.idx.msk [tilespmem:v19+s17+$0x0], $0xffff;
	v19 =	vor.u32 $0x16, v0;
	[tilespmem:$0x1FE20] =	vst v1;
	v1 =	vmul.f32 v16, v9  }
0x12a: {  	v9 =	vmul.f32 v34, v18  }
0x12b: {  	v46 =	vld.idx.msk [tilespmem:v20+s14+$0x0], $0xffff;
	v1 =	vmul.f32 v12, v1;
	v16 =	vmul.f32 v30, v2  }
0x12c: {  	v47 =	vld.idx.msk [tilespmem:v20+s15+$0x0], $0xffff  }
0x12d: {  	v43 =	vld.idx.msk [tilespmem:v22+s14+$0x0], $0xffff;
	[tilespmem:$0x1FE70] =	vst v1;
	v1 =	vmul.f32 v16, v9  }
0x12e: {  	v42 =	vld.idx.msk [tilespmem:v19+s14+$0x0], $0xffff  }
0x12f: {  	[tilespmem:$0x1FE80] =	vst v1;
	v1 =	vld [tilespmem:$0x1FE90]  }
0x130: {  	[tilespmem:$0x1FF70] =	vst v5;
	v5 =	vld.idx.msk [tilespmem:v19+s17+$0x0], $0xffff  }
0x131: {  	v45 =	vld.idx.msk [tilespmem:v19+s15+$0x0], $0xffff;
	v19 =	vor.u32 $0x11, v0  }
0x132: {  	v44 =	vld.idx.msk [tilespmem:v22+s15+$0x0], $0xffff  }
0x133: {  	v49 =	vld.idx.msk [tilespmem:v22+s17+$0x0], $0xffff  }
0x134: {  	v18 =	vor.u32 $0x4, v0;
	v16 =	vmul.f32 v36, v1;
	v1 =	vld [tilespmem:$0x1FEA0]  }
0x135: {  	[tilespmem:$0x1FF80] =	vst v5;
	v5 =	vld.idx.msk [tilespmem:v20+s17+$0x0], $0xffff;
	v20 =	vor.u32 $0x12, v0  }
0x136: {  	v50 =	vld.idx.msk [tilespmem:v19+s14+$0x0], $0xffff  }
0x137: {  	v2 =	vmul.f32 v48, v55;
	v51 =	vld.idx.msk [tilespmem:v19+s15+$0x0], $0xffff  }
0x138: {  	v52 =	vld.idx.msk [tilespmem:v19+s17+$0x0], $0xffff;
	v9 =	vmul.f32 v25, v17;
	v17 =	vmul.f32 v44, v43  }
0x139: {  	v43 =	vld.idx.msk [tilespmem:v18+s17+$0x0], $0xffff;
	v48 =	vmul.f32 v40, v1;
	v1 =	vmul.f32 v11, v41  }
0x13a: {  	v53 =	vld.idx.msk [tilespmem:v20+s14+$0x0], $0xffff  }
0x13b: {  	[tilespmem:$0x1FEB0] =	vst v1;
	v1 =	vld [tilespmem:$0x1FEC0]  }
0x13c: {  	v54 =	vld.idx.msk [tilespmem:v20+s15+$0x0], $0xffff  }
0x13d: {  	v19 =	vor.u32 $0xC, v0;
	[tilespmem:$0x1FFA0] =	vst v5;
	v5 =	vld.idx.msk [tilespmem:v20+s17+$0x0], $0xffff  }
0x13e: {  	v20 =	vor.u32 $0xD, v0;
	v40 =	vld.idx.msk [tilespmem:v18+s14+$0x0], $0xffff  }
0x13f: {  	v41 =	vld.idx.msk [tilespmem:v18+s15+$0x0], $0xffff  }
0x140: {  	v18 =	vmul.f32 v49, v1;
	v1 =	vld [tilespmem:$0x1FED0];
	_ =	sdelay $0x1  }
0x141: {  	v26 =	vor.u32 $0xF, v0;
	v24 =	vld.idx.msk [tilespmem:v19+s17+$0x0], $0xffff  }
0x142: {  	v28 =	vor.u32 $0x8, v0;
	v13 =	vld.idx.msk [tilespmem:v20+s14+$0x0], $0xffff  }
0x143: {  	v23 =	vld.idx.msk [tilespmem:v20+s15+$0x0], $0xffff  }
0x144: {  	v55 =	vmul.f32 v52, v1;
	v1 =	vld [tilespmem:$0x1FEE0];
	_ =	sdelay $0x1  }
0x145: {  	v6 =	vld.idx.msk [tilespmem:v26+s14+$0x0], $0xffff  }
0x146: {  	v10 =	vld.idx.msk [tilespmem:v28+s14+$0x0], $0xffff  }
0x147: {  	[tilespmem:$0x1FE50] =	vst v2;
	v2 =	vmul.f32 v15, v27;
	v14 =	vld.idx.msk [tilespmem:v20+s17+$0x0], $0xffff  }
0x148: {  	v13 =	vmul.f32 v23, v13;
	v23 =	vmul.f32 v24, v1;
	v1 =	vld [tilespmem:$0x1FEF0]  }
0x149: {  	v8 =	vld.idx.msk [tilespmem:v28+s15+$0x0], $0xffff  }
0x14a: {  	v33 =	vor.u32 $0x9, v0;
	[tilespmem:$0x1FE60] =	vst v2;
	v2 =	vld [tilespmem:$0x1FF10]  }
0x14b: {  	v59 =	vld.idx.msk [tilespmem:v19+s14+$0x0], $0xffff  }
0x14c: {  	v21 =	vld.idx.msk [tilespmem:v19+s15+$0x0], $0xffff  }
0x14d: {  	v14 =	vmul.f32 v14, v1;
	v1 =	vld [tilespmem:$0x1FF00]  }
0x14e: {  	v56 =	vld.idx.msk [tilespmem:v28+s17+$0x0], $0xffff  }
0x14f: {  	v28 =	vld.idx.msk [tilespmem:v33+s14+$0x0], $0xffff;
	v22 =	vor.u32 $0x13, v0  }
0x150: {  	v29 =	vld.idx.msk [tilespmem:v33+s15+$0x0], $0xffff  }
0x151: {  	v33 =	vld.idx.msk [tilespmem:v33+s17+$0x0], $0xffff;
	v7 =	vor.u32 $0xB, v0;
	v21 =	vmul.f32 v21, v59  }
0x152: {  	v59 =	vmul.f32 v8, v10;
	v8 =	vmul.f32 v2, v1;
	v1 =	vld [tilespmem:$0x1FF20]  }
0x153: {  	v2 =	vld [tilespmem:$0x1FF30]  }
0x154: {  	v57 =	vld.idx.msk [tilespmem:v22+s14+$0x0], $0xffff  }
0x155: {  	v58 =	vld.idx.msk [tilespmem:v22+s15+$0x0], $0xffff  }
0x156: {  	v12 =	vmul.f32 v35, v32;
	v32 =	vld.idx.msk [tilespmem:v7+s15+$0x0], $0xffff;
	v15 =	vmul.f32 v39, v37;
	v37 =	vor.u32 $0x5, v0  }
0x157: {  	v35 =	vld.idx.msk [tilespmem:v7+s17+$0x0], $0xffff  }
0x158: {  	v10 =	vmul.f32 v2, v1;
	v1 =	vld [tilespmem:$0x1FF40]  }
0x159: {  	v2 =	vld [tilespmem:$0x1FF50]  }
0x15a: {  	v27 =	vld.idx.msk [tilespmem:v7+s14+$0x0], $0xffff  }
0x15b: {  	v44 =	vld.idx.msk [tilespmem:v37+s14+$0x0], $0xffff  }
0x15c: {  	v11 =	vmul.f32 v16, v12;
	v16 =	vmul.f32 v47, v46;
	v46 =	vld.idx.msk [tilespmem:v37+s15+$0x0], $0xffff  }
0x15d: {  	v36 =	vor.u32 $0x6, v0;
	v49 =	vld.idx.msk [tilespmem:v37+s17+$0x0], $0xffff  }
0x15e: {  	v37 =	vmul.f32 v14, v13;
	v13 =	vmul.f32 v2, v1;
	v1 =	vld [tilespmem:$0x1FF60]  }
0x15f: {  	v2 =	vld [tilespmem:$0x1FF70]  }
0x160: {  	[tilespmem:$0x1FFB0] =	vst v5;
	v5 =	vld.idx.msk [tilespmem:v22+s17+$0x0], $0xffff;
	v22 =	vor.u32 $0xE, v0  }
0x161: {  	v20 =	vld.idx.msk [tilespmem:v26+s15+$0x0], $0xffff  }
0x162: {  	v47 =	vld.idx.msk [tilespmem:v36+s15+$0x0], $0xffff  }
0x163: {  	v25 =	vmul.f32 v51, v50;
	v50 =	vld.idx.msk [tilespmem:v36+s17+$0x0], $0xffff  }
0x164: {  	v14 =	vmul.f32 v2, v1;
	v2 =	vld [tilespmem:$0x1FF80]  }
0x165: {  	v38 =	vld.idx.msk [tilespmem:v22+s14+$0x0], $0xffff  }
0x166: {  	v31 =	vld.idx.msk [tilespmem:v22+s15+$0x0], $0xffff  }
0x167: {  	v12 =	vmul.f32 v48, v15;
	v15 =	vmul.f32 v45, v42;
	v45 =	vld.idx.msk [tilespmem:v36+s14+$0x0], $0xffff  }
0x168: {  	[tilespmem:$0x1FFC0] =	vst v5;
	v5 =	vor.u32 $0xA, v0;
	v1 =	vld [tilespmem:$0x1FF90]  }
0x169: {  	v36 =	vmul.f32 v23, v21;
	v21 =	vmul.f32 v2, v61;
	v2 =	vld [tilespmem:$0x1FFA0]  }
0x16a: {  	v60 =	vld.idx.msk [tilespmem:v22+s17+$0x0], $0xffff  }
0x16b: {  	v22 =	vld.idx.msk [tilespmem:v26+s17+$0x0], $0xffff;
	v42 =	vor.u32 $0x7, v0  }
0x16c: {  	v48 =	vld.idx.msk [tilespmem:v0+s14+$0x0], $0xffff  }
0x16d: {  	v26 =	vld.idx.msk [tilespmem:v5+s14+$0x0], $0xffff  }
0x16e: {  	v23 =	vmul.f32 v2, v1;
	v2 =	vld [tilespmem:$0x1FFB0]  }
0x16f: {  	v1 =	vld [tilespmem:$0x1FFD0]  }
0x170: {  	v51 =	vld.idx.msk [tilespmem:v42+s14+$0x0], $0xffff  }
0x171: {  	v39 =	vmul.f32 v31, v38;
	v52 =	vld.idx.msk [tilespmem:v42+s15+$0x0], $0xffff  }
0x172: {  	v17 =	vmul.f32 v18, v17;
	v24 =	vmul.f32 v54, v53;
	v53 =	vld.idx.msk [tilespmem:v42+s17+$0x0], $0xffff  }
0x173: {  	v18 =	vmul.f32 v55, v25;
	v31 =	vmul.f32 v2, v62;
	v2 =	vld [tilespmem:$0x1FFC0]  }
0x174: {  	v25 =	vmul.f32 v58, v57;
	v57 =	vor.u32 $0x1, v0;
	v42 =	vmul.f32 v60, v1;
	v1 =	vld [tilespmem:$0x1FFE0]  }
0x175: {  	v30 =	vld.idx.msk [tilespmem:v5+s15+$0x0], $0xffff  }
0x176: {  	v34 =	vld.idx.msk [tilespmem:v5+s17+$0x0], $0xffff  }
0x177: {  	v55 =	vld.idx.msk [tilespmem:v0+s17+$0x0], $0xffff  }
0x178: {  	v54 =	vld.idx.msk [tilespmem:v0+s15+$0x0], $0xffff  }
0x179: {  	s24 =	simm.s32 $0xC620;
	s25 =	simm.s32 $0x20;
	v58 =	vor.u32 $0x2, v0;
	v38 =	vmul.f32 v2, v63;
	v60 =	vmul.f32 v56, v1;
	v56 =	vld.idx.msk [tilespmem:v57+s14+$0x0], $0xffff  }
.LBB2_2:
0x17a: {  	v1 =	vld [tilespmem:$0x1FC60];
	_ =	sdelay $0x4  }
0x17b: {  	v28 =	vmul.f32 v29, v28;
	v29 =	vmul.f32 v33, v1;
	v1 =	vld [tilespmem:$0x1FD60];
	_ =	sdelay $0x4  }
0x17c: {  	v19 =	vmul.f32 v20, v6;
	v20 =	vmul.f32 v22, v1;
	v1 =	vld [tilespmem:$0x1FD40];
	_ =	sdelay $0x4  }
0x17d: {  	v26 =	vmul.f32 v30, v26;
	v30 =	vmul.f32 v34, v1;
	v1 =	vld [tilespmem:$0x1FC90];
	_ =	sdelay $0x1  }
0x17e: {  	v28 =	vmul.f32 v29, v28;
	v29 =	vld.idx.msk [tilespmem:v58+s15+$0x0], $0xffff  }
0x17f: {  	v22 =	vld.idx.msk [tilespmem:v58+s14+$0x0], $0xffff  }
0x180: {  	v34 =	vld.idx.msk [tilespmem:v58+s17+$0x0], $0xffff  }
0x181: {  	v58 =	vmul.f32 v43, v1;
	v1 =	vld [tilespmem:$0x1FCB0];
	_ =	sdelay $0x2  }
0x182: {  	v61 =	vld.idx.msk [tilespmem:v57+s15+$0x0], $0xffff  }
0x183: {  	v33 =	vld.idx.msk [tilespmem:v57+s17+$0x0], $0xffff  }
0x184: {  	v57 =	vmul.f32 v60, v59;
	v59 =	vmul.f32 v49, v1;
	v1 =	vld [tilespmem:$0x1FD50];
	_ =	sdelay $0x4  }
0x185: {  	v27 =	vmul.f32 v32, v27;
	v32 =	vmul.f32 v35, v1;
	v1 =	vld [tilespmem:$0x1FD10];
	_ =	sdelay $0x4  }
0x186: {  	v63 =	vmul.f32 v50, v1;
	v1 =	vld [tilespmem:$0x1FD30];
	_ =	sdelay $0x4  }
0x187: {  	v53 =	vmul.f32 v53, v1;
	v1 =	vld [tilespmem:$0x1FCE0];
	_ =	sdelay $0x2  }
0x188: {  	v40 =	vmul.f32 v41, v40;
	_ =	sdelay $0x1  }
0x189: {  	v35 =	vmul.f32 v58, v40;
	v58 =	vmul.f32 v55, v1;
	v1 =	vld [tilespmem:$0x1FCF0];
	_ =	sdelay $0x1  }
0x18a: {  	v0 =	vor.u32 $0x3, v0;
	_ =	sdelay $0x2  }
0x18b: {  	v33 =	vmul.f32 v33, v1;
	v1 =	vld [tilespmem:$0x1FD00];
	_ =	sdelay $0x1  }
0x18c: {  	v60 =	vld.idx.msk [tilespmem:v0+s15+$0x0], $0xffff  }
0x18d: {  	v44 =	vmul.f32 v46, v44;
	v43 =	vld.idx.msk [tilespmem:v0+s14+$0x0], $0xffff  }
0x18e: {  	v54 =	vmul.f32 v54, v48;
	v22 =	vmul.f32 v29, v22;
	v0 =	vld.idx.msk [tilespmem:v0+s17+$0x0], $0xffff  }
0x18f: {  	v40 =	vmul.f32 v59, v44;
	v29 =	vmul.f32 v34, v1;
	v1 =	vld [tilespmem:$0x1FD20]  }
0x190: {  	v59 =	vmul.f32 v61, v56;
	v61 =	vmul.f32 v58, v54;
	_ =	sdelay $0x1  }
0x191: {  	v22 =	vmul.f32 v29, v22;
	v29 =	vadd.f32 $0.0e+00, v61;
	_ =	sdelay $0x1  }
0x192: {  	v29 =	vadd.f32 v35, v29;
	v0 =	vmul.f32 v0, v1;
	v1 =	vld [tilespmem:$0x1FEB0]  }
0x193: {  	v33 =	vmul.f32 v33, v59  }
0x194: {  	v62 =	vmul.f32 v47, v45;
	v29 =	vadd.f32 v57, v29  }
0x195: {  	v33 =	vadd.f32 $0.0e+00, v33  }
0x196: {  	v19 =	vmul.f32 v20, v19;
	v62 =	vmul.f32 v63, v62;
	v20 =	vadd.f32 v36, v29  }
0x197: {  	v33 =	vadd.f32 v40, v33;
	v22 =	vadd.f32 $0.0e+00, v22;
	v7 =	vmul.f32 v13, v1;
	v1 =	vld [tilespmem:$0x1FE70]  }
0x198: {  	v17 =	vadd.f32 v17, v20  }
0x199: {  	v26 =	vmul.f32 v30, v26;
	v28 =	vadd.f32 v28, v33;
	v22 =	vadd.f32 v62, v22  }
0x19a: {  	v11 =	vadd.f32 v11, v17  }
0x19b: {  	v60 =	vmul.f32 v60, v43;
	v22 =	vadd.f32 v26, v22;
	v26 =	vadd.f32 v37, v28  }
0x19c: {  	v5 =	vadd.f32 v1, v11;
	v1 =	vld [tilespmem:$0x1FE80]  }
0x19d: {  	v52 =	vmul.f32 v52, v51;
	v0 =	vmul.f32 v0, v60;
	v18 =	vadd.f32 v18, v26;
	_ =	sdelay $0x1  }
0x19e: {  	v63 =	vmul.f32 v53, v52;
	v0 =	vadd.f32 $0.0e+00, v0;
	v12 =	vadd.f32 v12, v18;
	_ =	sdelay $0x1  }
0x19f: {  	v27 =	vmul.f32 v32, v27;
	v0 =	vadd.f32 v63, v0;
	v6 =	vadd.f32 v1, v12;
	v1 =	vld [tilespmem:$0x1FE50];
	_ =	sdelay $0x1  }
0x1a0: {  	v0 =	vadd.f32 v27, v0;
	_ =	sdelay $0x1  }
0x1a1: {  	v0 =	vadd.f32 v19, v0;
	v19 =	vmul.f32 v38, v25  }
0x1a2: {  	v3 =	vmul.f32 v8, v1;
	v1 =	vld [tilespmem:$0x1FE60]  }
0x1a3: {  	v16 =	vmul.f32 v23, v16;
	v30 =	vmul.f32 v42, v39;
	v0 =	vadd.f32 v19, v0  }
0x1a4: {  	v9 =	vmul.f32 v14, v9  }
0x1a5: {  	v24 =	vmul.f32 v31, v24;
	v22 =	vadd.f32 v30, v22;
	v0 =	vadd.f32 v16, v0  }
0x1a6: {  	v15 =	vmul.f32 v21, v15  }
0x1a7: {  	v2 =	vld [tilespmem:$0x1FE20];
	v20 =	vadd.f32 v24, v22;
	v0 =	vadd.f32 v9, v0;
	v4 =	vmul.f32 v10, v1  }
0x1a8: {  	v1 =	vld [tilespmem:$0x1FE10]  }
0x1a9: {  	v13 =	vadd.f32 v15, v20;
	v4 =	vadd.f32 v4, v0;
	v0 =	vld [tilespmem:$0x1FFF0];
	_ =	sdelay $0x1  }
0x1aa: {  	v7 =	vadd.f32 v7, v13  }
0x1ab: {  	v2 =	vadd.f32 v2, v6;
	v8 =	vmov s25  }
0x1ac: {  	v3 =	vadd.f32 v3, v7;
	v1 =	vadd.f32 v1, v5;
	v5 =	vshll.u32 v8, $0x5  }
0x1ad: {  	v0 =	vor.u32 v0, v5  }
0x1ae: {  	v1 =	vadd.f32 v2, v1;
	v2 =	vadd.f32 v4, v3;
	v5 =	vor.u32 $0x1C, v0;
	_ =	sdelay $0x1  }
0x1af: {  	v1 =	vadd.f32 v2, v1  }
0x1b0: {  	s24 =	sadd.s32 $0x10, s24;
	v3 =	vor.u32 $0x1D, v0  }
0x1b1: {  	[tilespmem:s24+$0x0] =	vst v1  }
0x1b2: {  	v28 =	vld.idx.msk [tilespmem:v5+s14+$0x0], $0xffff  }
0x1b3: {  	v4 =	vor.u32 $0x1E, v0;
	v29 =	vld.idx.msk [tilespmem:v5+s15+$0x0], $0xffff  }
0x1b4: {  	v13 =	vld.idx.msk [tilespmem:v5+s17+$0x0], $0xffff  }
0x1b5: {  	v8 =	vld.idx.msk [tilespmem:v3+s14+$0x0], $0xffff  }
0x1b6: {  	v6 =	vor.u32 $0x1F, v0;
	v15 =	vld.idx.msk [tilespmem:v3+s15+$0x0], $0xffff  }
0x1b7: {  	v9 =	vor.u32 $0x18, v0;
	v17 =	vld.idx.msk [tilespmem:v3+s17+$0x0], $0xffff  }
0x1b8: {  	v49 =	vld.idx.msk [tilespmem:v4+s14+$0x0], $0xffff  }
0x1b9: {  	v30 =	vld.idx.msk [tilespmem:v4+s15+$0x0], $0xffff  }
0x1ba: {  	v11 =	vor.u32 $0x19, v0;
	v10 =	vld.idx.msk [tilespmem:v4+s17+$0x0], $0xffff  }
0x1bb: {  	v1 =	vld.idx.msk [tilespmem:v6+s14+$0x0], $0xffff  }
0x1bc: {  	v18 =	vld.idx.msk [tilespmem:v9+s14+$0x0], $0xffff  }
0x1bd: {  	v12 =	vor.u32 $0x1A, v0;
	v27 =	vld.idx.msk [tilespmem:v9+s15+$0x0], $0xffff  }
0x1be: {  	v34 =	vld.idx.msk [tilespmem:v9+s17+$0x0], $0xffff  }
0x1bf: {  	v32 =	vld.idx.msk [tilespmem:v11+s14+$0x0], $0xffff  }
0x1c0: {  	v16 =	vor.u32 $0x1B, v0;
	v35 =	vld.idx.msk [tilespmem:v11+s15+$0x0], $0xffff  }
0x1c1: {  	v40 =	vld.idx.msk [tilespmem:v11+s17+$0x0], $0xffff  }
0x1c2: {  	v14 =	vld.idx.msk [tilespmem:v12+s14+$0x0], $0xffff  }
0x1c3: {  	v19 =	vor.u32 $0x14, v0;
	v21 =	vld.idx.msk [tilespmem:v12+s15+$0x0], $0xffff  }
0x1c4: {  	v24 =	vld.idx.msk [tilespmem:v12+s17+$0x0], $0xffff  }
0x1c5: {  	v9 =	vld.idx.msk [tilespmem:v16+s14+$0x0], $0xffff  }
0x1c6: {  	v20 =	vor.u32 $0x15, v0;
	v11 =	vld.idx.msk [tilespmem:v16+s15+$0x0], $0xffff  }
0x1c7: {  	v12 =	vld.idx.msk [tilespmem:v16+s17+$0x0], $0xffff  }
0x1c8: {  	v38 =	vld.idx.msk [tilespmem:v19+s14+$0x0], $0xffff  }
0x1c9: {  	v22 =	vor.u32 $0x11, v0;
	v41 =	vld.idx.msk [tilespmem:v19+s15+$0x0], $0xffff  }
0x1ca: {  	v44 =	vld.idx.msk [tilespmem:v19+s17+$0x0], $0xffff  }
0x1cb: {  	v43 =	vld.idx.msk [tilespmem:v20+s14+$0x0], $0xffff  }
0x1cc: {  	v26 =	vor.u32 $0x8, v0;
	v45 =	vld.idx.msk [tilespmem:v20+s15+$0x0], $0xffff  }
0x1cd: {  	v46 =	vld.idx.msk [tilespmem:v20+s17+$0x0], $0xffff  }
0x1ce: {  	v52 =	vld.idx.msk [tilespmem:v22+s14+$0x0], $0xffff  }
0x1cf: {  	v16 =	vor.u32 $0x16, v0;
	v53 =	vld.idx.msk [tilespmem:v22+s15+$0x0], $0xffff  }
0x1d0: {  	v54 =	vld.idx.msk [tilespmem:v22+s17+$0x0], $0xffff  }
0x1d1: {  	v3 =	vld.idx.msk [tilespmem:v26+s14+$0x0], $0xffff  }
0x1d2: {  	v19 =	vor.u32 $0x17, v0;
	v2 =	vld.idx.msk [tilespmem:v26+s15+$0x0], $0xffff  }
0x1d3: {  	[tilespmem:$0x1FC30] =	vst v1;
	v1 =	vld.idx.msk [tilespmem:v6+s15+$0x0], $0xffff  }
0x1d4: {  	v31 =	vld.idx.msk [tilespmem:v16+s14+$0x0], $0xffff  }
0x1d5: {  	v20 =	vor.u32 $0x10, v0;
	v37 =	vld.idx.msk [tilespmem:v16+s15+$0x0], $0xffff  }
0x1d6: {  	v39 =	vld.idx.msk [tilespmem:v16+s17+$0x0], $0xffff  }
0x1d7: {  	v16 =	vld.idx.msk [tilespmem:v19+s14+$0x0], $0xffff  }
0x1d8: {  	v22 =	vor.u32 $0xC, v0;
	v23 =	vld.idx.msk [tilespmem:v19+s15+$0x0], $0xffff  }
0x1d9: {  	v25 =	vld.idx.msk [tilespmem:v19+s17+$0x0], $0xffff  }
0x1da: {  	v47 =	vld.idx.msk [tilespmem:v20+s14+$0x0], $0xffff  }
0x1db: {  	v50 =	vld.idx.msk [tilespmem:v20+s15+$0x0], $0xffff  }
0x1dc: {  	v51 =	vld.idx.msk [tilespmem:v20+s17+$0x0], $0xffff  }
0x1dd: {  	v58 =	vld.idx.msk [tilespmem:v22+s14+$0x0], $0xffff  }
0x1de: {  	v19 =	vor.u32 $0x12, v0;
	v59 =	vld.idx.msk [tilespmem:v22+s15+$0x0], $0xffff  }
0x1df: {  	v60 =	vld.idx.msk [tilespmem:v22+s17+$0x0], $0xffff  }
0x1e0: {  	v8 =	vmul.f32 v15, v8;
	v15 =	vld [tilespmem:$0x1FE00]  }
0x1e1: {  	v20 =	vor.u32 $0x13, v0;
	v9 =	vmul.f32 v11, v9;
	v11 =	vld [tilespmem:$0x1FF60]  }
0x1e2: {  	[tilespmem:$0x1FC40] =	vst v1;
	v1 =	vld.idx.msk [tilespmem:v6+s17+$0x0], $0xffff  }
0x1e3: {  	v55 =	vld.idx.msk [tilespmem:v19+s14+$0x0], $0xffff  }
0x1e4: {  	v22 =	vor.u32 $0xF, v0;
	v56 =	vld.idx.msk [tilespmem:v19+s15+$0x0], $0xffff  }
0x1e5: {  	v57 =	vld.idx.msk [tilespmem:v19+s17+$0x0], $0xffff  }
0x1e6: {  	v36 =	vld.idx.msk [tilespmem:v20+s14+$0x0], $0xffff;
	v19 =	vor.u32 $0xD, v0  }
0x1e7: {  	v42 =	vld.idx.msk [tilespmem:v20+s15+$0x0], $0xffff  }
0x1e8: {  	v48 =	vld.idx.msk [tilespmem:v20+s17+$0x0], $0xffff  }
0x1e9: {  	v20 =	vor.u32 $0xE, v0;
	v6 =	vld.idx.msk [tilespmem:v22+s14+$0x0], $0xffff  }
0x1ea: {  	v15 =	vmul.f32 v17, v15;
	v16 =	vmul.f32 v23, v16;
	v23 =	vld [tilespmem:$0x1FF90]  }
0x1eb: {  	v61 =	vld.idx.msk [tilespmem:v19+s14+$0x0], $0xffff  }
0x1ec: {  	v8 =	vmul.f32 v15, v8;
	v62 =	vld.idx.msk [tilespmem:v19+s15+$0x0], $0xffff  }
0x1ed: {  	v63 =	vld.idx.msk [tilespmem:v19+s17+$0x0], $0xffff  }
0x1ee: {  	[tilespmem:$0x1FE20] =	vst v8;
	v8 =	vmul.f32 v30, v49;
	v7 =	vld.idx.msk [tilespmem:v20+s14+$0x0], $0xffff  }
0x1ef: {  	[tilespmem:$0x1FC50] =	vst v1;
	v1 =	vld.idx.msk [tilespmem:v26+s17+$0x0], $0xffff  }
0x1f0: {  	[tilespmem:$0x1FE50] =	vst v8;
	v8 =	vld [tilespmem:$0x1FF00]  }
0x1f1: {  	v26 =	vmul.f32 v29, v28;
	v28 =	vld [tilespmem:$0x1FDF0]  }
0x1f2: {  	v33 =	vor.u32 $0x9, v0;
	v5 =	vld.idx.msk [tilespmem:v20+s15+$0x0], $0xffff  }
0x1f3: {  	v4 =	vld.idx.msk [tilespmem:v20+s17+$0x0], $0xffff  }
0x1f4: {  	v20 =	vld.idx.msk [tilespmem:v22+s15+$0x0], $0xffff  }
0x1f5: {  	v8 =	vmul.f32 v10, v8;
	v10 =	vld [tilespmem:$0x1FE30]  }
0x1f6: {  	v22 =	vld.idx.msk [tilespmem:v22+s17+$0x0], $0xffff;
	v13 =	vmul.f32 v13, v28  }
0x1f7: {  	v19 =	vor.u32 $0xA, v0;
	v29 =	vld.idx.msk [tilespmem:v33+s15+$0x0], $0xffff  }
0x1f8: {  	v23 =	vmul.f32 v25, v23;
	v25 =	vld [tilespmem:$0x1FEE0];
	v13 =	vmul.f32 v13, v26  }
0x1f9: {  	v49 =	vld [tilespmem:$0x1FC50]  }
0x1fa: {  	[tilespmem:$0x1FE10] =	vst v13;
	v13 =	vmul.f32 v27, v18;
	v18 =	vmul.f32 v34, v10;
	v10 =	vld [tilespmem:$0x1FE40]  }
0x1fb: {  	v28 =	vld.idx.msk [tilespmem:v33+s14+$0x0], $0xffff  }
0x1fc: {  	v17 =	vor.u32 $0xB, v0;
	v30 =	vld.idx.msk [tilespmem:v19+s15+$0x0], $0xffff  }
0x1fd: {  	v26 =	vld.idx.msk [tilespmem:v19+s14+$0x0], $0xffff  }
0x1fe: {  	v34 =	vld.idx.msk [tilespmem:v19+s17+$0x0], $0xffff;
	v19 =	vmul.f32 v35, v32  }
0x1ff: {  	v33 =	vld.idx.msk [tilespmem:v33+s17+$0x0], $0xffff;
	v13 =	vmul.f32 v18, v13;
	v35 =	vmul.f32 v40, v10  }
0x200: {  	v60 =	vmul.f32 v60, v25;
	v25 =	vld [tilespmem:$0x1FEF0]  }
0x201: {  	v27 =	vld.idx.msk [tilespmem:v17+s14+$0x0], $0xffff;
	[tilespmem:$0x1FE70] =	vst v13;
	v13 =	vmul.f32 v35, v19  }
0x202: {  	v32 =	vld.idx.msk [tilespmem:v17+s15+$0x0], $0xffff  }
0x203: {  	[tilespmem:$0x1FE80] =	vst v13;
	v13 =	vmul.f32 v21, v14;
	v14 =	vld [tilespmem:$0x1FE90]  }
0x204: {  	v15 =	vor.u32 $0x4, v0;
	v10 =	vld [tilespmem:$0x1FC30]  }
0x205: {  	v40 =	vld [tilespmem:$0x1FC40]  }
0x206: {  	v35 =	vld.idx.msk [tilespmem:v17+s17+$0x0], $0xffff  }
0x207: {  	[tilespmem:$0x1FEB0] =	vst v13;
	v13 =	vld [tilespmem:$0x1FF40]  }
0x208: {  	v18 =	vmul.f32 v44, v14;
	v14 =	vld [tilespmem:$0x1FEA0]  }
0x209: {  	v17 =	vmul.f32 v41, v38;
	v41 =	vld.idx.msk [tilespmem:v15+s15+$0x0], $0xffff  }
0x20a: {  	v21 =	vmul.f32 v45, v43;
	v43 =	vld.idx.msk [tilespmem:v15+s17+$0x0], $0xffff  }
0x20b: {  	v19 =	vor.u32 $0x6, v0;
	v10 =	vmul.f32 v40, v10;
	v40 =	vld.idx.msk [tilespmem:v15+s14+$0x0], $0xffff  }
0x20c: {  	v15 =	vmul.f32 v37, v31;
	v31 =	vld [tilespmem:$0x1FED0]  }
0x20d: {  	[tilespmem:$0x1FE60] =	vst v10;
	v10 =	vld [tilespmem:$0x1FF20];
	v13 =	vmul.f32 v24, v13;
	v24 =	vmul.f32 v46, v14  }
0x20e: {  	v14 =	vmul.f32 v12, v11;
	v11 =	vmul.f32 v18, v17;
	v17 =	vld [tilespmem:$0x1FD90]  }
0x20f: {  	v61 =	vmul.f32 v62, v61;
	v62 =	vmul.f32 v63, v25;
	v63 =	vld [tilespmem:$0x1FDB0]  }
0x210: {  	v45 =	vld.idx.msk [tilespmem:v19+s14+$0x0], $0xffff  }
0x211: {  	v38 =	vor.u32 $0x7, v0;
	v31 =	vmul.f32 v54, v31;
	v54 =	vld.idx.msk [tilespmem:v0+s15+$0x0], $0xffff  }
0x212: {  	v10 =	vmul.f32 v49, v10;
	v18 =	vld [tilespmem:$0x1FEC0];
	v12 =	vmul.f32 v24, v21  }
0x213: {  	v49 =	vor.u32 $0x5, v0;
	v21 =	vmul.f32 v39, v17;
	v17 =	vmul.f32 v50, v47;
	v47 =	vld.idx.msk [tilespmem:v19+s15+$0x0], $0xffff  }
0x214: {  	v50 =	vld.idx.msk [tilespmem:v19+s17+$0x0], $0xffff  }
0x215: {  	v19 =	vld [tilespmem:$0x1FDA0]  }
0x216: {  	v24 =	vmul.f32 v53, v52;
	v52 =	vld.idx.msk [tilespmem:v38+s15+$0x0], $0xffff  }
0x217: {  	v53 =	vld.idx.msk [tilespmem:v38+s17+$0x0], $0xffff;
	v18 =	vmul.f32 v51, v18  }
0x218: {  	v44 =	vld.idx.msk [tilespmem:v49+s14+$0x0], $0xffff  }
0x219: {  	v46 =	vld.idx.msk [tilespmem:v49+s15+$0x0], $0xffff;
	v39 =	vmul.f32 v5, v7;
	v17 =	vmul.f32 v18, v17  }
0x21a: {  	v5 =	vld [tilespmem:$0x1FFD0];
	v18 =	vmul.f32 v31, v24;
	v31 =	vmul.f32 v57, v19  }
0x21b: {  	p0 =	sne.s32 s25, $0x70;
	v57 =	vor.u32 $0x1, v0;
	v19 =	vmul.f32 v59, v58;
	v59 =	vmul.f32 v2, v3;
	v2 =	vld [tilespmem:$0x1FFE0]  }
.Ltmp0:
0x21c: {  	v49 =	vld.idx.msk [tilespmem:v49+s17+$0x0], $0xffff;
	(pc) =	sbr.rel @p0 .LBB2_2-.Ltmp0, $4  }
0x21d: {  	v25 =	vmul.f32 v42, v36;
	v51 =	vld.idx.msk [tilespmem:v38+s14+$0x0], $0xffff  }
0x21e: {  	v37 =	vmul.f32 v62, v61;
	v38 =	vmul.f32 v48, v63;
	v48 =	vld.idx.msk [tilespmem:v0+s14+$0x0], $0xffff  }
0x21f: {  	v24 =	vmul.f32 v56, v55;
	v55 =	vld.idx.msk [tilespmem:v0+s17+$0x0], $0xffff;
	v42 =	vmul.f32 v4, v5  }
0x220: {  	s25 =	sadd.s32 $0x10, s25;
	v58 =	vor.u32 $0x2, v0;
	v36 =	vmul.f32 v60, v19;
	v56 =	vld.idx.msk [tilespmem:v57+s14+$0x0], $0xffff;
	v60 =	vmul.f32 v1, v2  }
0x221: {  	_ =	sdelay $0x1  }
0x222: {  	v2 =	vld [tilespmem:$0x1FC60]  }
0x223: {  	v5 =	vld [tilespmem:$0x1FD60]  }
0x224: {  	v3 =	vld.idx.msk [tilespmem:v57+s15+$0x0], $0xffff  }
0x225: {  	v4 =	vmul.f32 v20, v6;
	v6 =	vld.idx.msk [tilespmem:v57+s17+$0x0], $0xffff  }
0x226: {  	v20 =	vld [tilespmem:$0x1FD40]  }
0x227: {  	v1 =	vmul.f32 v29, v28;
	v29 =	vld.idx.msk [tilespmem:v58+s17+$0x0], $0xffff;
	v2 =	vmul.f32 v33, v2  }
0x228: {  	v5 =	vmul.f32 v22, v5;
	v22 =	vld.idx.msk [tilespmem:v58+s15+$0x0], $0xffff  }
0x229: {  	v1 =	vmul.f32 v2, v1;
	v2 =	vld.idx.msk [tilespmem:v58+s14+$0x0], $0xffff  }
0x22a: {  	v58 =	vld [tilespmem:$0x1FCB0]  }
0x22b: {  	v0 =	vor.u32 $0x3, v0;
	v28 =	vld [tilespmem:$0x1FC90]  }
0x22c: {  	v62 =	vld [tilespmem:$0x1FD10]  }
0x22d: {  	v63 =	vmul.f32 v52, v51;
	v51 =	vld [tilespmem:$0x1FCE0]  }
0x22e: {  	v19 =	vmul.f32 v30, v26;
	v26 =	vmul.f32 v41, v40;
	v52 =	vld [tilespmem:$0x1FCF0]  }
0x22f: {  	v30 =	vmul.f32 v46, v44;
	v33 =	vmul.f32 v49, v58;
	v49 =	vld [tilespmem:$0x1FD30]  }
0x230: {  	v27 =	vmul.f32 v32, v27;
	v7 =	vmul.f32 v60, v59;
	v59 =	vld.idx.msk [tilespmem:v0+s14+$0x0], $0xffff  }
0x231: {  	v20 =	vmul.f32 v34, v20;
	v2 =	vmul.f32 v22, v2;
	v22 =	vld [tilespmem:$0x1FD00]  }
0x232: {  	v28 =	vmul.f32 v43, v28;
	v61 =	vld.idx.msk [tilespmem:v0+s15+$0x0], $0xffff;
	v3 =	vmul.f32 v3, v56  }
0x233: {  	v0 =	vld.idx.msk [tilespmem:v0+s17+$0x0], $0xffff;
	v44 =	vmul.f32 v55, v51;
	v6 =	vmul.f32 v6, v52  }
0x234: {  	v26 =	vmul.f32 v28, v26;
	v41 =	vmul.f32 v53, v49;
	v53 =	vld [tilespmem:$0x1FD20]  }
0x235: {  	v28 =	vmul.f32 v33, v30;
	v33 =	vmul.f32 v50, v62  }
0x236: {  	v60 =	vld [tilespmem:$0x1FD50];
	v50 =	vmul.f32 v54, v48;
	v22 =	vmul.f32 v29, v22  }
0x237: {  	v3 =	vmul.f32 v6, v3;
	v30 =	vmul.f32 v47, v45  }
0x238: {  	v54 =	vmul.f32 v44, v50;
	v2 =	vmul.f32 v22, v2  }
0x239: {  	v3 =	vadd.f32 $0.0e+00, v3;
	v29 =	vmul.f32 v61, v59;
	v0 =	vmul.f32 v0, v53  }
0x23a: {  	v6 =	vadd.f32 $0.0e+00, v54;
	v22 =	vmul.f32 v33, v30;
	v2 =	vadd.f32 $0.0e+00, v2  }
0x23b: {  	v32 =	vmul.f32 v35, v60;
	v3 =	vadd.f32 v28, v3;
	v0 =	vmul.f32 v0, v29  }
0x23c: {  	v19 =	vmul.f32 v20, v19;
	v6 =	vadd.f32 v26, v6;
	v2 =	vadd.f32 v22, v2  }
0x23d: {  	v1 =	vadd.f32 v1, v3;
	v29 =	vmul.f32 v41, v63;
	v0 =	vadd.f32 $0.0e+00, v0  }
0x23e: {  	v3 =	vmul.f32 v42, v39;
	v6 =	vadd.f32 v7, v6;
	v2 =	vadd.f32 v19, v2  }
0x23f: {  	v4 =	vmul.f32 v5, v4;
	v20 =	vmul.f32 v32, v27;
	v0 =	vadd.f32 v29, v0  }
0x240: {  	v5 =	vadd.f32 v36, v6;
	v6 =	vmul.f32 v31, v24;
	v2 =	vadd.f32 v3, v2  }
0x241: {  	v0 =	vadd.f32 v20, v0  }
0x242: {  	v2 =	vadd.f32 v6, v2  }
0x243: {  	v0 =	vadd.f32 v4, v0;
	v4 =	vadd.f32 v17, v5;
	v5 =	vmul.f32 v21, v15  }
0x244: {  	v6 =	vld [tilespmem:$0x1FEB0]  }
0x245: {  	v2 =	vadd.f32 v5, v2;
	v5 =	vld [tilespmem:$0x1FE70];
	_ =	sdelay $0x1  }
0x246: {  	v3 =	vmul.f32 v38, v25  }
0x247: {  	v4 =	vadd.f32 v11, v4  }
0x248: {  	v1 =	vadd.f32 v37, v1;
	v0 =	vadd.f32 v3, v0  }
0x249: {  	v3 =	vmul.f32 v23, v16;
	v6 =	vmul.f32 v13, v6;
	v4 =	vadd.f32 v5, v4;
	v5 =	vld [tilespmem:$0x1FE80]  }
0x24a: {  	v1 =	vadd.f32 v18, v1  }
0x24b: {  	v0 =	vadd.f32 v3, v0;
	v3 =	vmul.f32 v14, v9;
	v2 =	vadd.f32 v6, v2;
	v6 =	vld [tilespmem:$0x1FE10]  }
0x24c: {  	v1 =	vadd.f32 v12, v1  }
0x24d: {  	v0 =	vadd.f32 v3, v0;
	v3 =	vld [tilespmem:$0x1FE60]  }
0x24e: {  	v1 =	vadd.f32 v5, v1;
	v5 =	vld [tilespmem:$0x1FE50];
	_ =	sdelay $0x1  }
0x24f: {  	v4 =	vadd.f32 v6, v4;
	v6 =	vld [tilespmem:$0x1FE20];
	_ =	sdelay $0x1  }
0x250: {  	v3 =	vmul.f32 v10, v3  }
0x251: {  	v5 =	vmul.f32 v8, v5  }
0x252: {  	v0 =	vadd.f32 v3, v0  }
0x253: {  	v1 =	vadd.f32 v6, v1;
	v2 =	vadd.f32 v5, v2;
	_ =	sdelay $0x1  }
0x254: {  	v1 =	vadd.f32 v1, v4;
	v0 =	vadd.f32 v0, v2;
	_ =	sdelay $0x1  }
0x255: {  	v0 =	vadd.f32 v0, v1  }
0x256: {  	s24 =	sadd.s32 $0x10, s24  }
0x257: {  	[tilespmem:s24+$0x0] =	vst v0  }
0x258: {  	_ =	swait.ge [sflag:s19], $0x1000  }
0x259: {  	[sflag:s19] =	ssyncset.done $0x0  }
0x25a: {  	[sflag:s19] =	ssyncadd.s32 $0xFFFFF000  }
0x25b: {  	_ =	swait.ge [sflag:s19], $0x1000  }
0x25c: {  	v1 =	vld [tilespmem:$0x1FFF0];
	_ =	sdelay $0x1  }
0x25d: {  	s25 =	simm.s32 $0x80  }
0x25e: {  	v0 =	vmov s25  }
0x25f: {  	v0 =	vshll.u32 v0, $0x5  }
0x260: {  	v0 =	vor.u32 v1, v0  }
0x261: {  	[sflag:s19] =	ssyncset.done $0x0;
	v1 =	vor.u32 $0x1C, v0  }
0x262: {  	[sflag:s19] =	ssyncadd.s32 $0xFFFFF000  }
0x263: {  	_ =	swait.ge [sflag:s19], $0x1000  }
0x264: {  	[sflag:s19] =	ssyncset.done $0x0;
	v2 =	vor.u32 $0x1D, v0  }
0x265: {  	[sflag:s19] =	ssyncadd.s32 $0xFFFFF000  }
0x266: {  	v3 =	vld.idx.msk [tilespmem:v1+s14+$0x0], $0xffff  }
0x267: {  	v5 =	vor.u32 $0x1E, v0;
	v4 =	vld.idx.msk [tilespmem:v1+s15+$0x0], $0xffff  }
0x268: {  	v1 =	vld.idx.msk [tilespmem:v1+s17+$0x0], $0xffff  }
0x269: {  	v6 =	vld.idx.msk [tilespmem:v2+s14+$0x0], $0xffff  }
0x26a: {  	v8 =	vor.u32 $0x1F, v0;
	v7 =	vld.idx.msk [tilespmem:v2+s15+$0x0], $0xffff  }
0x26b: {  	v2 =	vld.idx.msk [tilespmem:v2+s17+$0x0], $0xffff  }
0x26c: {  	v9 =	vld.idx.msk [tilespmem:v5+s14+$0x0], $0xffff  }
0x26d: {  	v10 =	vor.u32 $0x18, v0;
	v11 =	vld.idx.msk [tilespmem:v5+s15+$0x0], $0xffff  }
0x26e: {  	v36 =	vld.idx.msk [tilespmem:v5+s17+$0x0], $0xffff  }
0x26f: {  	v12 =	vld.idx.msk [tilespmem:v8+s14+$0x0], $0xffff  }
0x270: {  	v13 =	vor.u32 $0x19, v0;
	v14 =	vld.idx.msk [tilespmem:v8+s15+$0x0], $0xffff  }
0x271: {  	v8 =	vld.idx.msk [tilespmem:v8+s17+$0x0], $0xffff  }
0x272: {  	v15 =	vld.idx.msk [tilespmem:v10+s14+$0x0], $0xffff  }
0x273: {  	v17 =	vor.u32 $0x1A, v0;
	v16 =	vld.idx.msk [tilespmem:v10+s15+$0x0], $0xffff  }
0x274: {  	v10 =	vld.idx.msk [tilespmem:v10+s17+$0x0], $0xffff  }
0x275: {  	v18 =	vld.idx.msk [tilespmem:v13+s14+$0x0], $0xffff  }
0x276: {  	v20 =	vor.u32 $0x1B, v0;
	v19 =	vld.idx.msk [tilespmem:v13+s15+$0x0], $0xffff  }
0x277: {  	v13 =	vld.idx.msk [tilespmem:v13+s17+$0x0], $0xffff  }
0x278: {  	v21 =	vld.idx.msk [tilespmem:v17+s14+$0x0], $0xffff  }
0x279: {  	v22 =	vor.u32 $0x14, v0;
	v23 =	vld.idx.msk [tilespmem:v17+s15+$0x0], $0xffff  }
0x27a: {  	v17 =	vld.idx.msk [tilespmem:v17+s17+$0x0], $0xffff  }
0x27b: {  	v24 =	vld.idx.msk [tilespmem:v20+s14+$0x0], $0xffff  }
0x27c: {  	v25 =	vor.u32 $0x15, v0;
	v26 =	vld.idx.msk [tilespmem:v20+s15+$0x0], $0xffff  }
0x27d: {  	v20 =	vld.idx.msk [tilespmem:v20+s17+$0x0], $0xffff  }
0x27e: {  	v27 =	vld.idx.msk [tilespmem:v22+s14+$0x0], $0xffff  }
0x27f: {  	v29 =	vor.u32 $0x16, v0;
	v28 =	vld.idx.msk [tilespmem:v22+s15+$0x0], $0xffff  }
0x280: {  	v22 =	vld.idx.msk [tilespmem:v22+s17+$0x0], $0xffff  }
0x281: {  	v30 =	vld.idx.msk [tilespmem:v25+s14+$0x0], $0xffff  }
0x282: {  	v55 =	vor.u32 $0x17, v0;
	v31 =	vld.idx.msk [tilespmem:v25+s15+$0x0], $0xffff  }
0x283: {  	v25 =	vld.idx.msk [tilespmem:v25+s17+$0x0], $0xffff  }
0x284: {  	v33 =	vld.idx.msk [tilespmem:v29+s14+$0x0], $0xffff  }
0x285: {  	v56 =	vor.u32 $0x10, v0;
	v35 =	vld.idx.msk [tilespmem:v29+s15+$0x0], $0xffff  }
0x286: {  	v29 =	vld.idx.msk [tilespmem:v29+s17+$0x0], $0xffff  }
0x287: {  	v60 =	vld.idx.msk [tilespmem:v55+s14+$0x0], $0xffff  }
0x288: {  	v57 =	vor.u32 $0x11, v0;
	v38 =	vld.idx.msk [tilespmem:v55+s15+$0x0], $0xffff  }
0x289: {  	v32 =	vld.idx.msk [tilespmem:v55+s17+$0x0], $0xffff  }
0x28a: {  	v39 =	vld.idx.msk [tilespmem:v56+s14+$0x0], $0xffff  }
0x28b: {  	v58 =	vor.u32 $0x12, v0;
	v40 =	vld.idx.msk [tilespmem:v56+s15+$0x0], $0xffff  }
0x28c: {  	v34 =	vld.idx.msk [tilespmem:v56+s17+$0x0], $0xffff  }
0x28d: {  	v42 =	vld.idx.msk [tilespmem:v57+s14+$0x0], $0xffff  }
0x28e: {  	v59 =	vor.u32 $0x13, v0;
	v43 =	vld.idx.msk [tilespmem:v57+s15+$0x0], $0xffff  }
0x28f: {  	v37 =	vld.idx.msk [tilespmem:v57+s17+$0x0], $0xffff  }
0x290: {  	v45 =	vld.idx.msk [tilespmem:v58+s14+$0x0], $0xffff  }
0x291: {  	v61 =	vor.u32 $0xC, v0;
	v47 =	vld.idx.msk [tilespmem:v58+s15+$0x0], $0xffff  }
0x292: {  	v41 =	vld.idx.msk [tilespmem:v58+s17+$0x0], $0xffff  }
0x293: {  	v48 =	vld.idx.msk [tilespmem:v59+s14+$0x0], $0xffff  }
0x294: {  	v62 =	vor.u32 $0xD, v0;
	v50 =	vld.idx.msk [tilespmem:v59+s15+$0x0], $0xffff  }
0x295: {  	v44 =	vld.idx.msk [tilespmem:v59+s17+$0x0], $0xffff  }
0x296: {  	v51 =	vld.idx.msk [tilespmem:v61+s14+$0x0], $0xffff  }
0x297: {  	v63 =	vor.u32 $0xE, v0;
	v52 =	vld.idx.msk [tilespmem:v61+s15+$0x0], $0xffff  }
0x298: {  	v46 =	vld.idx.msk [tilespmem:v61+s17+$0x0], $0xffff  }
0x299: {  	v54 =	vld.idx.msk [tilespmem:v62+s14+$0x0], $0xffff  }
0x29a: {  	v55 =	vld.idx.msk [tilespmem:v62+s15+$0x0], $0xffff  }
0x29b: {  	v56 =	vor.u32 $0xF, v0;
	v49 =	vld.idx.msk [tilespmem:v62+s17+$0x0], $0xffff  }
0x29c: {  	v57 =	vld.idx.msk [tilespmem:v63+s14+$0x0], $0xffff  }
0x29d: {  	v3 =	vmul.f32 v4, v3;
	v4 =	vld [tilespmem:$0x1FDF0]  }
0x29e: {  	v58 =	vor.u32 $0x8, v0;
	v59 =	vld.idx.msk [tilespmem:v63+s15+$0x0], $0xffff  }
0x29f: {  	v53 =	vld.idx.msk [tilespmem:v63+s17+$0x0], $0xffff  }
0x2a0: {  	v5 =	vld.idx.msk [tilespmem:v56+s14+$0x0], $0xffff  }
0x2a1: {  	v62 =	vld.idx.msk [tilespmem:v56+s15+$0x0], $0xffff  }
0x2a2: {  	v56 =	vld.idx.msk [tilespmem:v56+s17+$0x0], $0xffff;
	v1 =	vmul.f32 v1, v4  }
0x2a3: {  	v63 =	vld.idx.msk [tilespmem:v58+s14+$0x0], $0xffff  }
0x2a4: {  	v1 =	vmul.f32 v1, v3;
	v3 =	vmul.f32 v11, v9;
	v11 =	vld [tilespmem:$0x1FE30]  }
0x2a5: {  	v38 =	vmul.f32 v38, v60;
	v60 =	vld [tilespmem:$0x1FF90]  }
0x2a6: {  	v48 =	vmul.f32 v50, v48;
	v50 =	vld.idx.msk [tilespmem:v0+s15+$0x0], $0xffff  }
0x2a7: {  	v6 =	vmul.f32 v7, v6;
	v7 =	vor.u32 $0xA, v0;
	[tilespmem:$0x1FB10] =	vst v5;
	v5 =	vld.idx.msk [tilespmem:v58+s15+$0x0], $0xffff  }
0x2a8: {  	v61 =	vor.u32 $0x9, v0;
	v58 =	vld.idx.msk [tilespmem:v58+s17+$0x0], $0xffff  }
0x2a9: {  	v9 =	vmul.f32 v16, v15;
	v16 =	vmul.f32 v10, v11;
	v11 =	vld [tilespmem:$0x1FE40]  }
0x2aa: {  	v4 =	vld [tilespmem:$0x1FE00]  }
0x2ab: {  	v32 =	vmul.f32 v32, v60;
	v60 =	vmul.f32 v55, v54;
	v54 =	vld [tilespmem:$0x1FEF0]  }
0x2ac: {  	v15 =	vld.idx.msk [tilespmem:v7+s14+$0x0], $0xffff  }
0x2ad: {  	[tilespmem:$0x1FB20] =	vst v1;
	v1 =	vld.idx.msk [tilespmem:v61+s15+$0x0], $0xffff  }
0x2ae: {  	v13 =	vmul.f32 v13, v11;
	v11 =	vld [tilespmem:$0x1FF00]  }
0x2af: {  	v2 =	vmul.f32 v2, v4;
	v4 =	vld.idx.msk [tilespmem:v61+s14+$0x0], $0xffff  }
0x2b0: {  	v61 =	vld.idx.msk [tilespmem:v61+s17+$0x0], $0xffff  }
0x2b1: {  	v5 =	vmul.f32 v5, v63;
	v63 =	vld [tilespmem:$0x1FD60]  }
0x2b2: {  	v10 =	vmul.f32 v14, v12;
	v14 =	vld.idx.msk [tilespmem:v7+s15+$0x0], $0xffff  }
0x2b3: {  	v11 =	vmul.f32 v36, v11;
	v36 =	vld.idx.msk [tilespmem:v7+s17+$0x0], $0xffff  }
0x2b4: {  	v7 =	vmul.f32 v16, v9;
	v9 =	vld [tilespmem:$0x1FF20]  }
0x2b5: {  	v1 =	vmul.f32 v1, v4;
	v4 =	vld [tilespmem:$0x1FC60]  }
0x2b6: {  	v55 =	vld [tilespmem:$0x1FDB0];
	v2 =	vmul.f32 v2, v6;
	v6 =	vor.u32 $0xB, v0  }
0x2b7: {  	v56 =	vmul.f32 v56, v63;
	v63 =	vld [tilespmem:$0x1FCF0]  }
0x2b8: {  	v14 =	vmul.f32 v14, v15;
	v15 =	vld [tilespmem:$0x1FD40]  }
0x2b9: {  	v12 =	vmul.f32 v8, v9;
	v9 =	vmul.f32 v23, v21;
	v21 =	vld [tilespmem:$0x1FF40]  }
0x2ba: {  	v4 =	vmul.f32 v61, v4;
	v61 =	vld [tilespmem:$0x1FB10]  }
0x2bb: {  	v18 =	vmul.f32 v19, v18;
	v16 =	vld.idx.msk [tilespmem:v6+s14+$0x0], $0xffff  }
0x2bc: {  	v19 =	vor.u32 $0x4, v0;
	v23 =	vld [tilespmem:$0x1FE90]  }
0x2bd: {  	v8 =	vmul.f32 v13, v18;
	v18 =	vld.idx.msk [tilespmem:v6+s15+$0x0], $0xffff  }
0x2be: {  	v17 =	vmul.f32 v17, v21;
	v21 =	vmul.f32 v28, v27;
	v28 =	vld [tilespmem:$0x1FEA0]  }
0x2bf: {  	v6 =	vld.idx.msk [tilespmem:v6+s17+$0x0], $0xffff  }
0x2c0: {  	v27 =	vmul.f32 v31, v30;
	v30 =	vld [tilespmem:$0x1FF60]  }
0x2c1: {  	v13 =	vor.u32 $0x5, v0;
	v22 =	vmul.f32 v22, v23;
	v23 =	vld.idx.msk [tilespmem:v19+s14+$0x0], $0xffff  }
0x2c2: {  	v16 =	vmul.f32 v18, v16;
	v18 =	vld [tilespmem:$0x1FD50]  }
0x2c3: {  	v25 =	vmul.f32 v25, v28;
	v28 =	vld.idx.msk [tilespmem:v19+s15+$0x0], $0xffff  }
0x2c4: {  	v24 =	vmul.f32 v26, v24;
	v26 =	vor.u32 $0x6, v0;
	v19 =	vld.idx.msk [tilespmem:v19+s17+$0x0], $0xffff  }
0x2c5: {  	v20 =	vmul.f32 v20, v30;
	v30 =	vld [tilespmem:$0x1FD90]  }
0x2c6: {  	v21 =	vmul.f32 v22, v21;
	v22 =	vmul.f32 v25, v27;
	v25 =	vld.idx.msk [tilespmem:v13+s14+$0x0], $0xffff  }
0x2c7: {  	v27 =	vmul.f32 v35, v33;
	v33 =	vmul.f32 v40, v39;
	v40 =	vld [tilespmem:$0x1FEC0]  }
0x2c8: {  	v35 =	vmul.f32 v43, v42;
	v43 =	vld [tilespmem:$0x1FED0]  }
0x2c9: {  	v39 =	vld.idx.msk [tilespmem:v26+s14+$0x0], $0xffff  }
0x2ca: {  	v42 =	vmul.f32 v52, v51;
	v52 =	vld [tilespmem:$0x1FEE0]  }
0x2cb: {  	v51 =	vmul.f32 v59, v57;
	v59 =	vld [tilespmem:$0x1FFD0]  }
0x2cc: {  	v31 =	vor.u32 $0x7, v0;
	v29 =	vmul.f32 v29, v30;
	v30 =	vld.idx.msk [tilespmem:v13+s15+$0x0], $0xffff  }
0x2cd: {  	v13 =	vld.idx.msk [tilespmem:v13+s17+$0x0], $0xffff  }
0x2ce: {  	v23 =	vmul.f32 v28, v23;
	v28 =	vld [tilespmem:$0x1FC90]  }
0x2cf: {  	v34 =	vmul.f32 v34, v40;
	v40 =	vld.idx.msk [tilespmem:v26+s15+$0x0], $0xffff  }
0x2d0: {  	v37 =	vmul.f32 v37, v43;
	v26 =	vld.idx.msk [tilespmem:v26+s17+$0x0], $0xffff  }
0x2d1: {  	v43 =	vmul.f32 v46, v52;
	v46 =	vld.idx.msk [tilespmem:v31+s15+$0x0], $0xffff;
	v33 =	vmul.f32 v34, v33  }
0x2d2: {  	v34 =	vmul.f32 v37, v35;
	v35 =	vmul.f32 v47, v45;
	v47 =	vld [tilespmem:$0x1FDA0]  }
0x2d3: {  	v49 =	vmul.f32 v49, v54;
	v52 =	vmul.f32 v53, v59;
	v53 =	vld.idx.msk [tilespmem:v0+s17+$0x0], $0xffff  }
0x2d4: {  	v59 =	vld [tilespmem:$0x1FD30]  }
0x2d5: {  	v45 =	vor.u32 $0x1, v0;
	v42 =	vmul.f32 v43, v42;
	v43 =	vmul.f32 v49, v60;
	v60 =	vld [tilespmem:$0x1FFE0]  }
0x2d6: {  	v25 =	vmul.f32 v30, v25;
	v30 =	vld [tilespmem:$0x1FCB0]  }
0x2d7: {  	v37 =	vmul.f32 v41, v47;
	v41 =	vld.idx.msk [tilespmem:v31+s14+$0x0], $0xffff  }
0x2d8: {  	v49 =	vor.u32 $0x2, v0;
	v31 =	vld.idx.msk [tilespmem:v31+s17+$0x0], $0xffff  }
0x2d9: {  	v47 =	vld.idx.msk [tilespmem:v0+s14+$0x0], $0xffff;
	v0 =	vor.u32 $0x3, v0  }
0x2da: {  	v44 =	vmul.f32 v44, v55;
	v55 =	vld.idx.msk [tilespmem:v45+s14+$0x0], $0xffff  }
0x2db: {  	v57 =	vld.idx.msk [tilespmem:v45+s15+$0x0], $0xffff  }
0x2dc: {  	v45 =	vld.idx.msk [tilespmem:v45+s17+$0x0], $0xffff  }
0x2dd: {  	v1 =	vmul.f32 v4, v1;
	v4 =	vld.idx.msk [tilespmem:v49+s14+$0x0], $0xffff  }
0x2de: {  	v13 =	vmul.f32 v13, v30;
	v30 =	vld.idx.msk [tilespmem:v0+s14+$0x0], $0xffff  }
0x2df: {  	v6 =	vmul.f32 v6, v18;
	v54 =	vmul.f32 v58, v60;
	v18 =	vld.idx.msk [tilespmem:v0+s15+$0x0], $0xffff  }
0x2e0: {  	v19 =	vmul.f32 v19, v28;
	v28 =	vld.idx.msk [tilespmem:v49+s17+$0x0], $0xffff  }
0x2e1: {  	v5 =	vmul.f32 v54, v5;
	v54 =	vld.idx.msk [tilespmem:v49+s15+$0x0], $0xffff  }
0x2e2: {  	v49 =	vld [tilespmem:$0x1FD00]  }
0x2e3: {  	v15 =	vmul.f32 v36, v15;
	v19 =	vmul.f32 v19, v23;
	v0 =	vld.idx.msk [tilespmem:v0+s17+$0x0], $0xffff  }
0x2e4: {  	v23 =	vmul.f32 v40, v39;
	v18 =	vmul.f32 v18, v30;
	v30 =	vld [tilespmem:$0x1FD20]  }
0x2e5: {  	v58 =	vmul.f32 v62, v61;
	v13 =	vmul.f32 v13, v25;
	v25 =	vld [tilespmem:$0x1FD10]  }
0x2e6: {  	v31 =	vmul.f32 v31, v59;
	v60 =	vmul.f32 v50, v47  }
0x2e7: {  	v62 =	vmul.f32 v57, v55;
	v45 =	vmul.f32 v45, v63  }
0x2e8: {  	v61 =	vld [tilespmem:$0x1FCE0];
	v4 =	vmul.f32 v54, v4;
	v28 =	vmul.f32 v28, v49  }
0x2e9: {  	v50 =	vmul.f32 v45, v62;
	v0 =	vmul.f32 v0, v30  }
0x2ea: {  	v25 =	vmul.f32 v26, v25;
	v4 =	vmul.f32 v28, v4  }
0x2eb: {  	v26 =	vmul.f32 v46, v41;
	v0 =	vmul.f32 v0, v18  }
0x2ec: {  	v28 =	vadd.f32 $0.0e+00, v50;
	v23 =	vmul.f32 v25, v23;
	v4 =	vadd.f32 $0.0e+00, v4  }
0x2ed: {  	v40 =	vmul.f32 v53, v61;
	v25 =	vmul.f32 v31, v26;
	v0 =	vadd.f32 $0.0e+00, v0  }
0x2ee: {  	v14 =	vmul.f32 v15, v14;
	v13 =	vadd.f32 v13, v28;
	v4 =	vadd.f32 v23, v4  }
0x2ef: {  	v6 =	vmul.f32 v6, v16;
	v30 =	vmul.f32 v40, v60;
	v0 =	vadd.f32 v25, v0  }
0x2f0: {  	v1 =	vadd.f32 v1, v13;
	v13 =	vmul.f32 v52, v51;
	v4 =	vadd.f32 v14, v4  }
0x2f1: {  	v18 =	vadd.f32 $0.0e+00, v30;
	v0 =	vadd.f32 v6, v0;
	v6 =	vmul.f32 v56, v58  }
0x2f2: {  	v14 =	vmul.f32 v37, v35;
	v4 =	vadd.f32 v13, v4  }
0x2f3: {  	v18 =	vadd.f32 v19, v18;
	v0 =	vadd.f32 v6, v0;
	v6 =	vmul.f32 v44, v48  }
0x2f4: {  	v1 =	vadd.f32 v43, v1;
	v13 =	vmul.f32 v29, v27;
	v4 =	vadd.f32 v14, v4  }
0x2f5: {  	v5 =	vadd.f32 v5, v18;
	v0 =	vadd.f32 v6, v0;
	v6 =	vmul.f32 v32, v38  }
0x2f6: {  	v9 =	vmul.f32 v17, v9;
	v1 =	vadd.f32 v34, v1;
	v4 =	vadd.f32 v13, v4  }
0x2f7: {  	v5 =	vadd.f32 v42, v5;
	v0 =	vadd.f32 v6, v0;
	v6 =	vmul.f32 v20, v24  }
0x2f8: {  	v3 =	vmul.f32 v11, v3;
	v1 =	vadd.f32 v22, v1;
	v4 =	vadd.f32 v9, v4  }
0x2f9: {  	v5 =	vadd.f32 v33, v5;
	v0 =	vadd.f32 v6, v0;
	v6 =	vmul.f32 v12, v10  }
0x2fa: {  	v1 =	vadd.f32 v8, v1;
	v8 =	vld [tilespmem:$0x1FB20];
	v3 =	vadd.f32 v3, v4  }
0x2fb: {  	v5 =	vadd.f32 v21, v5;
	v4 =	vadd.f32 v6, v0;
	v0 =	vld [tilespmem:$0x1FFF0];
	_ =	sdelay $0x1  }
0x2fc: {  	s25 =	simm.s32 $0x90;
	v5 =	vadd.f32 v7, v5  }
0x2fd: {  	v7 =	vmov s25  }
0x2fe: {  	v1 =	vadd.f32 v2, v1;
	v2 =	vshll.u32 v7, $0x5;
	v5 =	vadd.f32 v8, v5  }
0x2ff: {  	v0 =	vor.u32 v0, v2  }
0x300: {  	v1 =	vadd.f32 v1, v5;
	v3 =	vadd.f32 v4, v3;
	v5 =	vor.u32 $0x1E, v0;
	_ =	sdelay $0x1  }
0x301: {  	v1 =	vadd.f32 v3, v1  }
0x302: {  	s24 =	simm.s32 $0xC6A0  }
0x303: {  	[tilespmem:s24+$0x0] =	vst v1  }
0x304: {  	v9 =	vld.idx.msk [tilespmem:v5+s14+$0x0], $0xffff  }
0x305: {  	v23 =	vor.u32 $0x15, v0;
	v11 =	vld.idx.msk [tilespmem:v5+s15+$0x0], $0xffff  }
0x306: {  	v8 =	vor.u32 $0x1F, v0;
	v5 =	vld.idx.msk [tilespmem:v5+s17+$0x0], $0xffff;
	_ =	sdelay $0x3  }
0x307: {  	v38 =	vld.idx.msk [tilespmem:v23+s14+$0x0], $0xffff  }
0x308: {  	v17 =	vor.u32 $0x1A, v0;
	[tilespmem:$0x1FBA0] =	vst v5;
	v5 =	vld.idx.msk [tilespmem:v8+s17+$0x0], $0xffff  }
0x309: {  	v39 =	vld.idx.msk [tilespmem:v23+s15+$0x0], $0xffff  }
0x30a: {  	v40 =	vld.idx.msk [tilespmem:v23+s17+$0x0], $0xffff;
	v23 =	vor.u32 $0x10, v0;
	_ =	sdelay $0x2  }
0x30b: {  	v19 =	vor.u32 $0x1B, v0;
	[tilespmem:$0x1FBC0] =	vst v5;
	v5 =	vld.idx.msk [tilespmem:v17+s17+$0x0], $0xffff;
	_ =	sdelay $0x1  }
0x30c: {  	v44 =	vld.idx.msk [tilespmem:v23+s14+$0x0], $0xffff  }
0x30d: {  	v46 =	vld.idx.msk [tilespmem:v23+s15+$0x0], $0xffff  }
0x30e: {  	v49 =	vld.idx.msk [tilespmem:v23+s17+$0x0], $0xffff  }
0x30f: {  	v23 =	vor.u32 $0x13, v0;
	[tilespmem:$0x1FBE0] =	vst v5;
	v5 =	vld.idx.msk [tilespmem:v19+s17+$0x0], $0xffff;
	_ =	sdelay $0x4  }
0x310: {  	[tilespmem:$0x1FBF0] =	vst v5;
	v5 =	vld.idx.msk [tilespmem:v23+s14+$0x0], $0xffff;
	_ =	sdelay $0x3  }
0x311: {  	v48 =	vld.idx.msk [tilespmem:v23+s15+$0x0], $0xffff  }
0x312: {  	[tilespmem:$0x1FC00] =	vst v5;
	v5 =	vld.idx.msk [tilespmem:v23+s17+$0x0], $0xffff;
	v23 =	vor.u32 $0xE, v0  }
0x313: {  	v2 =	vor.u32 $0x1C, v0;
	_ =	sdelay $0x2  }
0x314: {  	v3 =	vor.u32 $0x1D, v0  }
0x315: {  	[tilespmem:$0x1FC10] =	vst v5;
	v5 =	vld.idx.msk [tilespmem:v23+s17+$0x0], $0xffff  }
0x316: {  	v1 =	vld.idx.msk [tilespmem:v2+s14+$0x0], $0xffff  }
0x317: {  	v4 =	vld.idx.msk [tilespmem:v2+s15+$0x0], $0xffff  }
0x318: {  	v2 =	vld.idx.msk [tilespmem:v2+s17+$0x0], $0xffff  }
0x319: {  	v10 =	vor.u32 $0x18, v0;
	v6 =	vld.idx.msk [tilespmem:v3+s14+$0x0], $0xffff  }
0x31a: {  	[tilespmem:$0x1FC20] =	vst v5;
	v5 =	vld [tilespmem:$0x1FDF0]  }
0x31b: {  	v28 =	vld.idx.msk [tilespmem:v3+s15+$0x0], $0xffff  }
0x31c: {  	v3 =	vld.idx.msk [tilespmem:v3+s17+$0x0], $0xffff  }
0x31d: {  	v12 =	vld.idx.msk [tilespmem:v8+s14+$0x0], $0xffff  }
0x31e: {  	v13 =	vor.u32 $0x19, v0;
	v15 =	vld.idx.msk [tilespmem:v10+s14+$0x0], $0xffff  }
0x31f: {  	v16 =	vld.idx.msk [tilespmem:v10+s15+$0x0], $0xffff;
	v1 =	vmul.f32 v4, v1;
	v2 =	vmul.f32 v2, v5  }
0x320: {  	v10 =	vld.idx.msk [tilespmem:v10+s17+$0x0], $0xffff  }
0x321: {  	v1 =	vmul.f32 v2, v1;
	v2 =	vld [tilespmem:$0x1FE30]  }
0x322: {  	v5 =	vld [tilespmem:$0x1FE00]  }
0x323: {  	v18 =	vld.idx.msk [tilespmem:v13+s14+$0x0], $0xffff  }
0x324: {  	v20 =	vld.idx.msk [tilespmem:v13+s15+$0x0], $0xffff  }
0x325: {  	v21 =	vor.u32 $0x14, v0;
	v13 =	vld.idx.msk [tilespmem:v13+s17+$0x0], $0xffff  }
0x326: {  	v10 =	vmul.f32 v10, v2;
	v2 =	vld [tilespmem:$0x1FE40]  }
0x327: {  	v14 =	vld.idx.msk [tilespmem:v8+s15+$0x0], $0xffff;
	v4 =	vmul.f32 v28, v6;
	v3 =	vmul.f32 v3, v5  }
0x328: {  	v27 =	vor.u32 $0x8, v0;
	v22 =	vld.idx.msk [tilespmem:v17+s14+$0x0], $0xffff  }
0x329: {  	v24 =	vld.idx.msk [tilespmem:v17+s15+$0x0], $0xffff;
	[tilespmem:$0x1FB30] =	vst v1;
	v1 =	vmul.f32 v3, v4  }
0x32a: {  	v32 =	vld.idx.msk [tilespmem:v21+s14+$0x0], $0xffff  }
0x32b: {  	v36 =	vld.idx.msk [tilespmem:v21+s15+$0x0], $0xffff;
	[tilespmem:$0x1FB40] =	vst v1;
	v1 =	vmul.f32 v20, v18;
	v13 =	vmul.f32 v13, v2  }
0x32c: {  	v37 =	vld.idx.msk [tilespmem:v21+s17+$0x0], $0xffff;
	v5 =	vor.u32 $0xB, v0  }
0x32d: {  	v59 =	vld.idx.msk [tilespmem:v27+s14+$0x0], $0xffff;
	v1 =	vmul.f32 v13, v1  }
0x32e: {  	v56 =	vld.idx.msk [tilespmem:v27+s15+$0x0], $0xffff  }
0x32f: {  	[tilespmem:$0x1FB80] =	vst v1;
	v1 =	vld [tilespmem:$0x1FE90]  }
0x330: {  	v60 =	vld.idx.msk [tilespmem:v27+s17+$0x0], $0xffff  }
0x331: {  	v27 =	vld.idx.msk [tilespmem:v5+s14+$0x0], $0xffff  }
0x332: {  	v2 =	vmul.f32 v11, v9;
	v11 =	vmul.f32 v36, v32;
	v32 =	vld.idx.msk [tilespmem:v5+s15+$0x0], $0xffff  }
0x333: {  	v36 =	vld.idx.msk [tilespmem:v5+s17+$0x0], $0xffff  }
0x334: {  	v5 =	vmul.f32 v37, v1;
	v1 =	vld [tilespmem:$0x1FEA0];
	_ =	sdelay $0x1  }
0x335: {  	v6 =	vmul.f32 v16, v15;
	[tilespmem:$0x1FB50] =	vst v2;
	v2 =	vmul.f32 v14, v12;
	_ =	sdelay $0x1  }
0x336: {  	[tilespmem:$0x1FB60] =	vst v2;
	v2 =	vmul.f32 v10, v6  }
0x337: {  	v15 =	vmul.f32 v40, v1;
	v1 =	vmul.f32 v24, v22  }
0x338: {  	[tilespmem:$0x1FB70] =	vst v2;
	v2 =	vld [tilespmem:$0x1FBA0]  }
0x339: {  	[tilespmem:$0x1FB90] =	vst v1;
	v1 =	vld [tilespmem:$0x1FF00];
	_ =	sdelay $0x2  }
0x33a: {  	v43 =	vld.idx.msk [tilespmem:v19+s15+$0x0], $0xffff  }
0x33b: {  	v8 =	vld.idx.msk [tilespmem:v19+s14+$0x0], $0xffff;
	v19 =	vor.u32 $0x16, v0  }
0x33c: {  	v1 =	vmul.f32 v2, v1;
	_ =	sdelay $0x1  }
0x33d: {  	[tilespmem:$0x1FBB0] =	vst v1;
	v1 =	vld [tilespmem:$0x1FEC0];
	_ =	sdelay $0x1  }
0x33e: {  	v41 =	vld.idx.msk [tilespmem:v19+s14+$0x0], $0xffff  }
0x33f: {  	v42 =	vld.idx.msk [tilespmem:v19+s15+$0x0], $0xffff  }
0x340: {  	v2 =	vld [tilespmem:$0x1FBC0]  }
0x341: {  	v20 =	vmul.f32 v49, v1;
	v1 =	vld [tilespmem:$0x1FF20]  }
0x342: {  	v17 =	vld.idx.msk [tilespmem:v19+s17+$0x0], $0xffff;
	v19 =	vor.u32 $0x11, v0;
	_ =	sdelay $0x3  }
0x343: {  	v1 =	vmul.f32 v2, v1  }
0x344: {  	v53 =	vld.idx.msk [tilespmem:v19+s17+$0x0], $0xffff  }
0x345: {  	[tilespmem:$0x1FBD0] =	vst v1;
	v1 =	vld [tilespmem:$0x1FED0];
	_ =	sdelay $0x2  }
0x346: {  	v21 =	vor.u32 $0x17, v0  }
0x347: {  	v2 =	vld [tilespmem:$0x1FBE0]  }
0x348: {  	v53 =	vmul.f32 v53, v1;
	v1 =	vld [tilespmem:$0x1FF40];
	_ =	sdelay $0x2  }
0x349: {  	v45 =	vld.idx.msk [tilespmem:v21+s14+$0x0], $0xffff;
	v14 =	vor.u32 $0x5, v0  }
0x34a: {  	v47 =	vld.idx.msk [tilespmem:v21+s15+$0x0], $0xffff  }
0x34b: {  	v12 =	vmul.f32 v5, v11;
	v11 =	vmul.f32 v2, v1;
	v1 =	vld [tilespmem:$0x1FF60]  }
0x34c: {  	v2 =	vld [tilespmem:$0x1FBF0]  }
0x34d: {  	v50 =	vld.idx.msk [tilespmem:v21+s17+$0x0], $0xffff  }
0x34e: {  	v26 =	vor.u32 $0xF, v0;
	v18 =	vmul.f32 v46, v44;
	v44 =	vld.idx.msk [tilespmem:v14+s14+$0x0], $0xffff  }
0x34f: {  	v31 =	vor.u32 $0x9, v0;
	v46 =	vld.idx.msk [tilespmem:v14+s15+$0x0], $0xffff  }
0x350: {  	v21 =	vor.u32 $0x12, v0;
	v49 =	vld.idx.msk [tilespmem:v14+s17+$0x0], $0xffff  }
0x351: {  	v14 =	vmul.f32 v2, v1;
	v1 =	vld [tilespmem:$0x1FD90];
	_ =	sdelay $0x1  }
0x352: {  	v7 =	vld.idx.msk [tilespmem:v26+s14+$0x0], $0xffff  }
0x353: {  	v29 =	vld.idx.msk [tilespmem:v31+s15+$0x0], $0xffff  }
0x354: {  	v54 =	vld.idx.msk [tilespmem:v21+s14+$0x0], $0xffff  }
0x355: {  	v17 =	vmul.f32 v17, v1;
	v1 =	vld [tilespmem:$0x1FF90]  }
0x356: {  	v55 =	vld.idx.msk [tilespmem:v21+s15+$0x0], $0xffff  }
0x357: {  	v25 =	vld.idx.msk [tilespmem:v21+s17+$0x0], $0xffff  }
0x358: {  	v21 =	vor.u32 $0xD, v0;
	v51 =	vld.idx.msk [tilespmem:v19+s14+$0x0], $0xffff  }
0x359: {  	v52 =	vld.idx.msk [tilespmem:v19+s15+$0x0], $0xffff;
	v19 =	vor.u32 $0xC, v0  }
0x35a: {  	v20 =	vmul.f32 v20, v18;
	v18 =	vmul.f32 v50, v1;
	v1 =	vld [tilespmem:$0x1FDA0]  }
0x35b: {  	v34 =	vld.idx.msk [tilespmem:v31+s17+$0x0], $0xffff  }
0x35c: {  	v28 =	vld.idx.msk [tilespmem:v31+s14+$0x0], $0xffff  }
0x35d: {  	v63 =	vld.idx.msk [tilespmem:v21+s14+$0x0], $0xffff  }
0x35e: {  	v62 =	vld.idx.msk [tilespmem:v19+s17+$0x0], $0xffff  }
0x35f: {  	v25 =	vmul.f32 v25, v1;
	v1 =	vld [tilespmem:$0x1FEE0]  }
0x360: {  	v35 =	vor.u32 $0xA, v0;
	v30 =	vld.idx.msk [tilespmem:v21+s15+$0x0], $0xffff  }
0x361: {  	v33 =	vld.idx.msk [tilespmem:v21+s17+$0x0], $0xffff  }
0x362: {  	v57 =	vld.idx.msk [tilespmem:v19+s14+$0x0], $0xffff  }
0x363: {  	v61 =	vld.idx.msk [tilespmem:v19+s15+$0x0], $0xffff  }
0x364: {  	v62 =	vmul.f32 v62, v1;
	v1 =	vld [tilespmem:$0x1FEF0]  }
0x365: {  	v31 =	vld.idx.msk [tilespmem:v35+s15+$0x0], $0xffff  }
0x366: {  	v21 =	vld.idx.msk [tilespmem:v26+s15+$0x0], $0xffff  }
0x367: {  	v19 =	vld.idx.msk [tilespmem:v23+s14+$0x0], $0xffff  }
0x368: {  	v58 =	vld.idx.msk [tilespmem:v23+s15+$0x0], $0xffff;
	v13 =	vmul.f32 v39, v38;
	v38 =	vmul.f32 v61, v57  }
0x369: {  	v61 =	vmul.f32 v30, v63;
	v63 =	vmul.f32 v33, v1;
	v1 =	vld [tilespmem:$0x1FC00]  }
0x36a: {  	v16 =	vor.u32 $0x4, v0;
	v23 =	vld.idx.msk [tilespmem:v26+s17+$0x0], $0xffff  }
0x36b: {  	v26 =	vld.idx.msk [tilespmem:v35+s14+$0x0], $0xffff  }
0x36c: {  	v35 =	vld.idx.msk [tilespmem:v35+s17+$0x0], $0xffff;
	v57 =	vor.u32 $0x1, v0  }
0x36d: {  	v2 =	vld [tilespmem:$0x1FC10]  }
0x36e: {  	v30 =	vmul.f32 v48, v1;
	v1 =	vld [tilespmem:$0x1FDB0]  }
0x36f: {  	v39 =	vld.idx.msk [tilespmem:v16+s14+$0x0], $0xffff  }
0x370: {  	v10 =	vmul.f32 v43, v8;
	v43 =	vld.idx.msk [tilespmem:v16+s17+$0x0], $0xffff;
	v37 =	vor.u32 $0x7, v0  }
0x371: {  	v59 =	vmul.f32 v56, v59;
	v56 =	vld.idx.msk [tilespmem:v57+s14+$0x0], $0xffff  }
0x372: {  	v40 =	vld.idx.msk [tilespmem:v16+s15+$0x0], $0xffff;
	v24 =	vor.u32 $0x6, v0  }
0x373: {  	v33 =	vmul.f32 v2, v1;
	v1 =	vld [tilespmem:$0x1FFD0]  }
0x374: {  	v2 =	vld [tilespmem:$0x1FC20]  }
0x375: {  	v22 =	vmul.f32 v52, v51;
	v51 =	vld.idx.msk [tilespmem:v37+s14+$0x0], $0xffff  }
0x376: {  	v52 =	vld.idx.msk [tilespmem:v37+s15+$0x0], $0xffff  }
0x377: {  	v16 =	vmul.f32 v47, v45;
	v45 =	vld.idx.msk [tilespmem:v24+s14+$0x0], $0xffff  }
0x378: {  	v13 =	vmul.f32 v15, v13;
	v47 =	vld.idx.msk [tilespmem:v24+s15+$0x0], $0xffff  }
0x379: {  	v15 =	vmul.f32 v42, v41;
	v42 =	vmul.f32 v2, v1;
	v1 =	vld [tilespmem:$0x1FFE0]  }
0x37a: {  	v22 =	vmul.f32 v53, v22;
	v53 =	vld.idx.msk [tilespmem:v37+s17+$0x0], $0xffff  }
0x37b: {  	v50 =	vld.idx.msk [tilespmem:v24+s17+$0x0], $0xffff  }
0x37c: {  	v24 =	vmul.f32 v55, v54;
	v54 =	vld.idx.msk [tilespmem:v0+s15+$0x0], $0xffff  }
0x37d: {  	v41 =	vmul.f32 v58, v19;
	v55 =	vld.idx.msk [tilespmem:v0+s17+$0x0], $0xffff;
	v37 =	vmul.f32 v62, v38  }
0x37e: {  	s25 =	simm.s32 $0xA0;
	v58 =	vor.u32 $0x2, v0;
	v38 =	vmul.f32 v63, v61;
	v48 =	vld.idx.msk [tilespmem:v0+s14+$0x0], $0xffff;
	v60 =	vmul.f32 v60, v1  }
.LBB2_4:
0x37f: {  	v1 =	vld [tilespmem:$0x1FC60];
	_ =	sdelay $0x4  }
0x380: {  	v28 =	vmul.f32 v29, v28;
	v29 =	vmul.f32 v34, v1;
	v1 =	vld [tilespmem:$0x1FD60];
	_ =	sdelay $0x4  }
0x381: {  	v19 =	vmul.f32 v21, v7;
	v21 =	vmul.f32 v23, v1;
	v1 =	vld [tilespmem:$0x1FD40];
	_ =	sdelay $0x4  }
0x382: {  	v26 =	vmul.f32 v31, v26;
	v31 =	vmul.f32 v35, v1;
	v1 =	vld [tilespmem:$0x1FC90];
	_ =	sdelay $0x1  }
0x383: {  	v28 =	vmul.f32 v29, v28;
	v29 =	vld.idx.msk [tilespmem:v58+s15+$0x0], $0xffff  }
0x384: {  	v23 =	vld.idx.msk [tilespmem:v58+s14+$0x0], $0xffff  }
0x385: {  	v35 =	vld.idx.msk [tilespmem:v58+s17+$0x0], $0xffff  }
0x386: {  	v58 =	vmul.f32 v43, v1;
	v1 =	vld [tilespmem:$0x1FCB0];
	_ =	sdelay $0x2  }
0x387: {  	v61 =	vld.idx.msk [tilespmem:v57+s15+$0x0], $0xffff  }
0x388: {  	v34 =	vld.idx.msk [tilespmem:v57+s17+$0x0], $0xffff  }
0x389: {  	v57 =	vmul.f32 v60, v59;
	v59 =	vmul.f32 v49, v1;
	v1 =	vld [tilespmem:$0x1FD50];
	_ =	sdelay $0x4  }
0x38a: {  	v27 =	vmul.f32 v32, v27;
	v32 =	vmul.f32 v36, v1;
	v1 =	vld [tilespmem:$0x1FD10];
	_ =	sdelay $0x4  }
0x38b: {  	v63 =	vmul.f32 v50, v1;
	v1 =	vld [tilespmem:$0x1FD30];
	_ =	sdelay $0x4  }
0x38c: {  	v53 =	vmul.f32 v53, v1;
	v1 =	vld [tilespmem:$0x1FCE0];
	_ =	sdelay $0x2  }
0x38d: {  	v39 =	vmul.f32 v40, v39;
	_ =	sdelay $0x1  }
0x38e: {  	v36 =	vmul.f32 v58, v39;
	v58 =	vmul.f32 v55, v1;
	v1 =	vld [tilespmem:$0x1FCF0];
	_ =	sdelay $0x1  }
0x38f: {  	v0 =	vor.u32 $0x3, v0;
	_ =	sdelay $0x2  }
0x390: {  	v34 =	vmul.f32 v34, v1;
	v1 =	vld [tilespmem:$0x1FD00];
	_ =	sdelay $0x1  }
0x391: {  	v60 =	vld.idx.msk [tilespmem:v0+s15+$0x0], $0xffff  }
0x392: {  	v44 =	vmul.f32 v46, v44;
	v43 =	vld.idx.msk [tilespmem:v0+s14+$0x0], $0xffff  }
0x393: {  	v54 =	vmul.f32 v54, v48;
	v23 =	vmul.f32 v29, v23;
	v0 =	vld.idx.msk [tilespmem:v0+s17+$0x0], $0xffff  }
0x394: {  	v39 =	vmul.f32 v59, v44;
	v29 =	vmul.f32 v35, v1;
	v1 =	vld [tilespmem:$0x1FD20]  }
0x395: {  	v59 =	vmul.f32 v61, v56;
	v61 =	vmul.f32 v58, v54;
	_ =	sdelay $0x1  }
0x396: {  	v23 =	vmul.f32 v29, v23;
	v29 =	vadd.f32 $0.0e+00, v61;
	_ =	sdelay $0x1  }
0x397: {  	v29 =	vadd.f32 v36, v29;
	v0 =	vmul.f32 v0, v1;
	v1 =	vld [tilespmem:$0x1FB90]  }
0x398: {  	v34 =	vmul.f32 v34, v59  }
0x399: {  	v62 =	vmul.f32 v47, v45;
	v29 =	vadd.f32 v57, v29  }
0x39a: {  	v34 =	vadd.f32 $0.0e+00, v34  }
0x39b: {  	v19 =	vmul.f32 v21, v19;
	v62 =	vmul.f32 v63, v62;
	v21 =	vadd.f32 v37, v29  }
0x39c: {  	v34 =	vadd.f32 v39, v34;
	v23 =	vadd.f32 $0.0e+00, v23;
	v9 =	vmul.f32 v11, v1;
	v1 =	vld [tilespmem:$0x1FB70]  }
0x39d: {  	v20 =	vadd.f32 v20, v21  }
0x39e: {  	v26 =	vmul.f32 v31, v26;
	v28 =	vadd.f32 v28, v34;
	v23 =	vadd.f32 v62, v23  }
0x39f: {  	v12 =	vadd.f32 v12, v20  }
0x3a0: {  	v23 =	vadd.f32 v26, v23;
	v26 =	vadd.f32 v38, v28  }
0x3a1: {  	v60 =	vmul.f32 v60, v43;
	v6 =	vadd.f32 v1, v12;
	v1 =	vld [tilespmem:$0x1FB80]  }
0x3a2: {  	v21 =	vadd.f32 v22, v26  }
0x3a3: {  	v52 =	vmul.f32 v52, v51;
	v0 =	vmul.f32 v0, v60  }
0x3a4: {  	v13 =	vadd.f32 v13, v21  }
0x3a5: {  	v2 =	vld [tilespmem:$0x1FBB0];
	v63 =	vmul.f32 v53, v52;
	v0 =	vadd.f32 $0.0e+00, v0  }
0x3a6: {  	v7 =	vadd.f32 v1, v13;
	v1 =	vld [tilespmem:$0x1FB50]  }
0x3a7: {  	v27 =	vmul.f32 v32, v27;
	v0 =	vadd.f32 v63, v0;
	_ =	sdelay $0x1  }
0x3a8: {  	v0 =	vadd.f32 v27, v0;
	_ =	sdelay $0x1  }
0x3a9: {  	v0 =	vadd.f32 v19, v0;
	v19 =	vmul.f32 v33, v30;
	v3 =	vmul.f32 v2, v1;
	v1 =	vld [tilespmem:$0x1FB60]  }
0x3aa: {  	v31 =	vmul.f32 v42, v41;
	v2 =	vld [tilespmem:$0x1FBD0]  }
0x3ab: {  	v16 =	vmul.f32 v18, v16;
	v0 =	vadd.f32 v19, v0  }
0x3ac: {  	v24 =	vmul.f32 v25, v24;
	v23 =	vadd.f32 v31, v23  }
0x3ad: {  	v10 =	vmul.f32 v14, v10;
	v0 =	vadd.f32 v16, v0  }
0x3ae: {  	v15 =	vmul.f32 v17, v15;
	v17 =	vadd.f32 v24, v23  }
0x3af: {  	v0 =	vadd.f32 v10, v0;
	v4 =	vmul.f32 v2, v1;
	v1 =	vld [tilespmem:$0x1FB30]  }
0x3b0: {  	v11 =	vadd.f32 v15, v17;
	v2 =	vld [tilespmem:$0x1FB40]  }
0x3b1: {  	v4 =	vadd.f32 v4, v0;
	v0 =	vld [tilespmem:$0x1FFF0]  }
0x3b2: {  	v5 =	vadd.f32 v9, v11;
	_ =	sdelay $0x1  }
0x3b3: {  	v8 =	vmov s25;
	v3 =	vadd.f32 v3, v5  }
0x3b4: {  	v1 =	vadd.f32 v1, v6;
	v2 =	vadd.f32 v2, v7;
	v6 =	vshll.u32 v8, $0x5  }
0x3b5: {  	v0 =	vor.u32 v0, v6  }
0x3b6: {  	v1 =	vadd.f32 v2, v1;
	v2 =	vadd.f32 v4, v3;
	v5 =	vor.u32 $0x1C, v0;
	_ =	sdelay $0x1  }
0x3b7: {  	v1 =	vadd.f32 v2, v1  }
0x3b8: {  	s24 =	sadd.s32 $0x10, s24;
	v3 =	vor.u32 $0x1D, v0  }
0x3b9: {  	[tilespmem:s24+$0x0] =	vst v1  }
0x3ba: {  	v1 =	vld.idx.msk [tilespmem:v5+s14+$0x0], $0xffff  }
0x3bb: {  	v7 =	vor.u32 $0x1F, v0;
	v28 =	vld.idx.msk [tilespmem:v5+s15+$0x0], $0xffff  }
0x3bc: {  	v10 =	vor.u32 $0x18, v0;
	v11 =	vld.idx.msk [tilespmem:v5+s17+$0x0], $0xffff  }
0x3bd: {  	v29 =	vld.idx.msk [tilespmem:v3+s14+$0x0], $0xffff  }
0x3be: {  	v15 =	vld.idx.msk [tilespmem:v3+s15+$0x0], $0xffff  }
0x3bf: {  	v12 =	vor.u32 $0x19, v0;
	v17 =	vld.idx.msk [tilespmem:v3+s17+$0x0], $0xffff  }
0x3c0: {  	v2 =	vld.idx.msk [tilespmem:v7+s14+$0x0], $0xffff  }
0x3c1: {  	v18 =	vld.idx.msk [tilespmem:v10+s14+$0x0], $0xffff  }
0x3c2: {  	v13 =	vor.u32 $0x1A, v0;
	v27 =	vld.idx.msk [tilespmem:v10+s15+$0x0], $0xffff  }
0x3c3: {  	v33 =	vld.idx.msk [tilespmem:v10+s17+$0x0], $0xffff  }
0x3c4: {  	v32 =	vld.idx.msk [tilespmem:v12+s14+$0x0], $0xffff  }
0x3c5: {  	v16 =	vor.u32 $0x1B, v0;
	v36 =	vld.idx.msk [tilespmem:v12+s15+$0x0], $0xffff  }
0x3c6: {  	v39 =	vld.idx.msk [tilespmem:v12+s17+$0x0], $0xffff  }
0x3c7: {  	v14 =	vld.idx.msk [tilespmem:v13+s14+$0x0], $0xffff  }
0x3c8: {  	v19 =	vor.u32 $0x14, v0;
	v20 =	vld.idx.msk [tilespmem:v13+s15+$0x0], $0xffff  }
0x3c9: {  	v24 =	vld.idx.msk [tilespmem:v13+s17+$0x0], $0xffff  }
0x3ca: {  	v10 =	vld.idx.msk [tilespmem:v16+s14+$0x0], $0xffff  }
0x3cb: {  	v12 =	vld.idx.msk [tilespmem:v16+s15+$0x0], $0xffff  }
0x3cc: {  	v26 =	vor.u32 $0x8, v0;
	v13 =	vld.idx.msk [tilespmem:v16+s17+$0x0], $0xffff  }
0x3cd: {  	v40 =	vld.idx.msk [tilespmem:v19+s14+$0x0], $0xffff  }
0x3ce: {  	v43 =	vld.idx.msk [tilespmem:v19+s15+$0x0], $0xffff;
	v16 =	vor.u32 $0x16, v0  }
0x3cf: {  	v45 =	vld.idx.msk [tilespmem:v19+s17+$0x0], $0xffff  }
0x3d0: {  	[tilespmem:$0x1FAE0] =	vst v2;
	v2 =	vld.idx.msk [tilespmem:v7+s15+$0x0], $0xffff  }
0x3d1: {  	v5 =	vld.idx.msk [tilespmem:v26+s14+$0x0], $0xffff  }
0x3d2: {  	v19 =	vor.u32 $0x17, v0;
	v3 =	vld.idx.msk [tilespmem:v26+s15+$0x0], $0xffff  }
0x3d3: {  	v30 =	vld.idx.msk [tilespmem:v16+s14+$0x0], $0xffff  }
0x3d4: {  	v38 =	vld.idx.msk [tilespmem:v16+s15+$0x0], $0xffff  }
0x3d5: {  	[tilespmem:$0x1FAF0] =	vst v2;
	v2 =	vld.idx.msk [tilespmem:v7+s17+$0x0], $0xffff  }
0x3d6: {  	v41 =	vld.idx.msk [tilespmem:v16+s17+$0x0], $0xffff  }
0x3d7: {  	v16 =	vld.idx.msk [tilespmem:v19+s14+$0x0], $0xffff  }
0x3d8: {  	v22 =	vld.idx.msk [tilespmem:v19+s15+$0x0], $0xffff  }
0x3d9: {  	v25 =	vld.idx.msk [tilespmem:v19+s17+$0x0], $0xffff  }
0x3da: {  	v19 =	vor.u32 $0x12, v0;
	[tilespmem:$0x1FB00] =	vst v2;
	v2 =	vld.idx.msk [tilespmem:v26+s17+$0x0], $0xffff  }
0x3db: {  	v26 =	vmul.f32 v28, v1;
	v1 =	vld [tilespmem:$0x1FDF0];
	_ =	sdelay $0x2  }
0x3dc: {  	v4 =	vor.u32 $0x1E, v0  }
0x3dd: {  	v56 =	vld.idx.msk [tilespmem:v19+s14+$0x0], $0xffff  }
0x3de: {  	v11 =	vmul.f32 v11, v1;
	v1 =	vld [tilespmem:$0x1FE00]  }
0x3df: {  	v57 =	vld.idx.msk [tilespmem:v19+s15+$0x0], $0xffff  }
0x3e0: {  	v58 =	vld.idx.msk [tilespmem:v19+s17+$0x0], $0xffff;
	v19 =	vor.u32 $0xD, v0  }
0x3e1: {  	v49 =	vld.idx.msk [tilespmem:v4+s14+$0x0], $0xffff  }
0x3e2: {  	v35 =	vld.idx.msk [tilespmem:v4+s15+$0x0], $0xffff;
	v15 =	vmul.f32 v15, v29  }
0x3e3: {  	v11 =	vmul.f32 v11, v26;
	v17 =	vmul.f32 v17, v1  }
0x3e4: {  	v31 =	vld.idx.msk [tilespmem:v4+s17+$0x0], $0xffff  }
0x3e5: {  	v62 =	vld.idx.msk [tilespmem:v19+s14+$0x0], $0xffff;
	[tilespmem:$0x1FB30] =	vst v11;
	v11 =	vmul.f32 v17, v15  }
0x3e6: {  	v63 =	vld.idx.msk [tilespmem:v19+s15+$0x0], $0xffff  }
0x3e7: {  	v4 =	vld.idx.msk [tilespmem:v19+s17+$0x0], $0xffff;
	v19 =	vor.u32 $0xA, v0;
	[tilespmem:$0x1FB40] =	vst v11;
	v11 =	vmul.f32 v35, v49;
	_ =	sdelay $0x1  }
0x3e8: {  	[tilespmem:$0x1FB50] =	vst v11;
	v11 =	vld [tilespmem:$0x1FF00];
	_ =	sdelay $0x2  }
0x3e9: {  	v26 =	vld.idx.msk [tilespmem:v19+s14+$0x0], $0xffff  }
0x3ea: {  	v35 =	vld.idx.msk [tilespmem:v19+s17+$0x0], $0xffff  }
0x3eb: {  	v11 =	vmul.f32 v31, v11;
	v31 =	vld.idx.msk [tilespmem:v19+s15+$0x0], $0xffff  }
0x3ec: {  	v19 =	vld [tilespmem:$0x1FE40];
	_ =	sdelay $0x3  }
0x3ed: {  	v49 =	vld [tilespmem:$0x1FAF0]  }
0x3ee: {  	v19 =	vmul.f32 v39, v19;
	v39 =	vld [tilespmem:$0x1FAE0];
	_ =	sdelay $0x1  }
0x3ef: {  	v21 =	vor.u32 $0x15, v0;
	_ =	sdelay $0x1  }
0x3f0: {  	[tilespmem:$0x1FBB0] =	vst v11;
	v11 =	vmul.f32 v27, v18;
	v18 =	vmul.f32 v36, v32;
	v36 =	vld [tilespmem:$0x1FF20]  }
0x3f1: {  	v1 =	vor.u32 $0xB, v0;
	v32 =	vmul.f32 v49, v39;
	v39 =	vld [tilespmem:$0x1FB00];
	_ =	sdelay $0x1  }
0x3f2: {  	v44 =	vld.idx.msk [tilespmem:v21+s14+$0x0], $0xffff  }
0x3f3: {  	v17 =	vld [tilespmem:$0x1FE30]  }
0x3f4: {  	v46 =	vld.idx.msk [tilespmem:v21+s15+$0x0], $0xffff  }
0x3f5: {  	v23 =	vor.u32 $0x11, v0;
	v27 =	vld.idx.msk [tilespmem:v1+s14+$0x0], $0xffff;
	[tilespmem:$0x1FB60] =	vst v32;
	v32 =	vmul.f32 v39, v36  }
0x3f6: {  	v36 =	vld.idx.msk [tilespmem:v1+s17+$0x0], $0xffff  }
0x3f7: {  	[tilespmem:$0x1FBD0] =	vst v32;
	v32 =	vld.idx.msk [tilespmem:v1+s15+$0x0], $0xffff;
	v1 =	vmul.f32 v20, v14  }
0x3f8: {  	v47 =	vld.idx.msk [tilespmem:v21+s17+$0x0], $0xffff;
	v21 =	vor.u32 $0x10, v0;
	v17 =	vmul.f32 v33, v17  }
0x3f9: {  	[tilespmem:$0x1FB90] =	vst v1;
	v1 =	vld [tilespmem:$0x1FF40]  }
0x3fa: {  	v53 =	vld.idx.msk [tilespmem:v23+s14+$0x0], $0xffff;
	v11 =	vmul.f32 v17, v11  }
0x3fb: {  	v54 =	vld.idx.msk [tilespmem:v23+s15+$0x0], $0xffff  }
0x3fc: {  	v55 =	vld.idx.msk [tilespmem:v23+s17+$0x0], $0xffff;
	v23 =	vor.u32 $0xC, v0;
	[tilespmem:$0x1FB70] =	vst v11;
	v11 =	vmul.f32 v19, v18  }
0x3fd: {  	v50 =	vld.idx.msk [tilespmem:v21+s14+$0x0], $0xffff  }
0x3fe: {  	[tilespmem:$0x1FB80] =	vst v11;
	v11 =	vmul.f32 v24, v1;
	v1 =	vld [tilespmem:$0x1FE90]  }
0x3ff: {  	v51 =	vld.idx.msk [tilespmem:v21+s15+$0x0], $0xffff  }
0x400: {  	v52 =	vld.idx.msk [tilespmem:v21+s17+$0x0], $0xffff;
	v21 =	vor.u32 $0x13, v0  }
0x401: {  	v59 =	vld.idx.msk [tilespmem:v23+s14+$0x0], $0xffff  }
0x402: {  	v60 =	vld.idx.msk [tilespmem:v23+s15+$0x0], $0xffff  }
0x403: {  	v18 =	vmul.f32 v45, v1;
	v1 =	vld [tilespmem:$0x1FEA0]  }
0x404: {  	v61 =	vld.idx.msk [tilespmem:v23+s17+$0x0], $0xffff  }
0x405: {  	v34 =	vor.u32 $0x9, v0;
	v37 =	vld.idx.msk [tilespmem:v21+s14+$0x0], $0xffff  }
0x406: {  	v23 =	vor.u32 $0xF, v0;
	v42 =	vld.idx.msk [tilespmem:v21+s15+$0x0], $0xffff  }
0x407: {  	v48 =	vld.idx.msk [tilespmem:v21+s17+$0x0], $0xffff;
	v21 =	vor.u32 $0xE, v0;
	v17 =	vmul.f32 v43, v40  }
0x408: {  	v24 =	vmul.f32 v47, v1;
	v1 =	vld [tilespmem:$0x1FF60]  }
0x409: {  	v10 =	vmul.f32 v12, v10;
	v12 =	vmul.f32 v18, v17;
	v18 =	vld [tilespmem:$0x1FEC0]  }
0x40a: {  	v29 =	vld.idx.msk [tilespmem:v34+s15+$0x0], $0xffff  }
0x40b: {  	v7 =	vld.idx.msk [tilespmem:v23+s14+$0x0], $0xffff;
	v15 =	vor.u32 $0x4, v0  }
0x40c: {  	v9 =	vld.idx.msk [tilespmem:v21+s14+$0x0], $0xffff;
	v20 =	vmul.f32 v46, v44  }
0x40d: {  	v8 =	vld.idx.msk [tilespmem:v21+s15+$0x0], $0xffff;
	v14 =	vmul.f32 v13, v1  }
0x40e: {  	v13 =	vmul.f32 v24, v20;
	v24 =	vmul.f32 v52, v18;
	v18 =	vld [tilespmem:$0x1FED0]  }
0x40f: {  	v6 =	vld.idx.msk [tilespmem:v21+s17+$0x0], $0xffff  }
0x410: {  	v40 =	vld.idx.msk [tilespmem:v15+s15+$0x0], $0xffff  }
0x411: {  	v43 =	vld.idx.msk [tilespmem:v15+s17+$0x0], $0xffff  }
0x412: {  	v39 =	vld.idx.msk [tilespmem:v15+s14+$0x0], $0xffff;
	v15 =	vmul.f32 v38, v30  }
0x413: {  	v21 =	vld.idx.msk [tilespmem:v23+s15+$0x0], $0xffff;
	v30 =	vmul.f32 v54, v53;
	v55 =	vmul.f32 v55, v18  }
0x414: {  	v23 =	vld.idx.msk [tilespmem:v23+s17+$0x0], $0xffff;
	v49 =	vor.u32 $0x5, v0  }
0x415: {  	v16 =	vmul.f32 v22, v16;
	v22 =	vmul.f32 v55, v30;
	v30 =	vld [tilespmem:$0x1FEE0]  }
0x416: {  	v28 =	vld.idx.msk [tilespmem:v34+s14+$0x0], $0xffff;
	v19 =	vor.u32 $0x6, v0  }
0x417: {  	v34 =	vld.idx.msk [tilespmem:v34+s17+$0x0], $0xffff  }
0x418: {  	v54 =	vld.idx.msk [tilespmem:v0+s15+$0x0], $0xffff;
	v1 =	vor.u32 $0x7, v0  }
0x419: {  	v44 =	vld.idx.msk [tilespmem:v49+s14+$0x0], $0xffff  }
0x41a: {  	v61 =	vmul.f32 v61, v30;
	v30 =	vld [tilespmem:$0x1FEF0]  }
0x41b: {  	v45 =	vld.idx.msk [tilespmem:v19+s14+$0x0], $0xffff  }
0x41c: {  	v17 =	vld [tilespmem:$0x1FD90]  }
0x41d: {  	v20 =	vmul.f32 v51, v50;
	v51 =	vld.idx.msk [tilespmem:v1+s14+$0x0], $0xffff  }
0x41e: {  	v52 =	vld.idx.msk [tilespmem:v1+s15+$0x0], $0xffff  }
0x41f: {  	v53 =	vld.idx.msk [tilespmem:v1+s17+$0x0], $0xffff;
	v1 =	vmul.f32 v63, v62;
	v4 =	vmul.f32 v4, v30  }
0x420: {  	v47 =	vld.idx.msk [tilespmem:v19+s15+$0x0], $0xffff  }
0x421: {  	v38 =	vmul.f32 v4, v1;
	v1 =	vld [tilespmem:$0x1FFD0]  }
0x422: {  	v50 =	vld.idx.msk [tilespmem:v19+s17+$0x0], $0xffff  }
0x423: {  	v18 =	vld [tilespmem:$0x1FF90]  }
0x424: {  	v19 =	vld [tilespmem:$0x1FDA0]  }
0x425: {  	v20 =	vmul.f32 v24, v20;
	v24 =	vmul.f32 v57, v56;
	v57 =	vor.u32 $0x1, v0;
	v63 =	vld [tilespmem:$0x1FDB0]  }
0x426: {  	p0 =	sne.s32 s25, $0xF0;
	v30 =	vmul.f32 v42, v37;
	v42 =	vmul.f32 v6, v1;
	v1 =	vld [tilespmem:$0x1FFE0]  }
.Ltmp1:
0x427: {  	v46 =	vld.idx.msk [tilespmem:v49+s15+$0x0], $0xffff;
	v17 =	vmul.f32 v41, v17;
	(pc) =	sbr.rel @p0 .LBB2_4-.Ltmp1, $4  }
0x428: {  	v49 =	vld.idx.msk [tilespmem:v49+s17+$0x0], $0xffff;
	v41 =	vmul.f32 v8, v9;
	v18 =	vmul.f32 v25, v18  }
0x429: {  	v55 =	vld.idx.msk [tilespmem:v0+s17+$0x0], $0xffff;
	v25 =	vmul.f32 v58, v19;
	v19 =	vmul.f32 v60, v59  }
0x42a: {  	v56 =	vld.idx.msk [tilespmem:v57+s14+$0x0], $0xffff;
	v33 =	vmul.f32 v48, v63;
	v59 =	vmul.f32 v3, v5  }
0x42b: {  	s25 =	sadd.s32 $0x10, s25;
	v48 =	vld.idx.msk [tilespmem:v0+s14+$0x0], $0xffff;
	v58 =	vor.u32 $0x2, v0;
	v37 =	vmul.f32 v61, v19;
	v60 =	vmul.f32 v2, v1  }
0x42c: {  	v5 =	vld [tilespmem:$0x1FD60];
	_ =	sdelay $0x3  }
0x42d: {  	v1 =	vmul.f32 v29, v28;
	v29 =	vld [tilespmem:$0x1FCB0]  }
0x42e: {  	v5 =	vmul.f32 v23, v5;
	v23 =	vld [tilespmem:$0x1FC90]  }
0x42f: {  	v2 =	vld [tilespmem:$0x1FC60];
	_ =	sdelay $0x1  }
0x430: {  	v3 =	vld.idx.msk [tilespmem:v57+s15+$0x0], $0xffff;
	v4 =	vmul.f32 v21, v7  }
0x431: {  	v6 =	vld.idx.msk [tilespmem:v57+s17+$0x0], $0xffff;
	v21 =	vmul.f32 v40, v39;
	v28 =	vmul.f32 v46, v44  }
0x432: {  	v0 =	vor.u32 $0x3, v0;
	v19 =	vld.idx.msk [tilespmem:v58+s15+$0x0], $0xffff;
	v29 =	vmul.f32 v49, v29;
	v23 =	vmul.f32 v43, v23  }
0x433: {  	v8 =	vmul.f32 v31, v26;
	v26 =	vld.idx.msk [tilespmem:v58+s17+$0x0], $0xffff;
	v2 =	vmul.f32 v34, v2  }
0x434: {  	v21 =	vmul.f32 v23, v21;
	v23 =	vmul.f32 v29, v28;
	v29 =	vld [tilespmem:$0x1FD10]  }
0x435: {  	v1 =	vmul.f32 v2, v1;
	v2 =	vld.idx.msk [tilespmem:v58+s14+$0x0], $0xffff  }
0x436: {  	v46 =	vld [tilespmem:$0x1FD50]  }
0x437: {  	v31 =	vld.idx.msk [tilespmem:v0+s14+$0x0], $0xffff  }
0x438: {  	v49 =	vld.idx.msk [tilespmem:v0+s15+$0x0], $0xffff  }
0x439: {  	v29 =	vmul.f32 v50, v29;
	v50 =	vmul.f32 v52, v51;
	v51 =	vld [tilespmem:$0x1FD30]  }
0x43a: {  	v2 =	vmul.f32 v19, v2;
	v19 =	vld [tilespmem:$0x1FD00]  }
0x43b: {  	v9 =	vld [tilespmem:$0x1FD40]  }
0x43c: {  	v0 =	vld.idx.msk [tilespmem:v0+s17+$0x0], $0xffff  }
0x43d: {  	v27 =	vmul.f32 v32, v27;
	v52 =	vmul.f32 v54, v48;
	v54 =	vld [tilespmem:$0x1FCF0]  }
0x43e: {  	v32 =	vmul.f32 v36, v46;
	v36 =	vmul.f32 v53, v51;
	v53 =	vld [tilespmem:$0x1FCE0]  }
0x43f: {  	v19 =	vmul.f32 v26, v19;
	v26 =	vmul.f32 v49, v31;
	v31 =	vld [tilespmem:$0x1FD20];
	_ =	sdelay $0x1  }
0x440: {  	v9 =	vmul.f32 v35, v9  }
0x441: {  	v3 =	vmul.f32 v3, v56;
	v28 =	vmul.f32 v47, v45  }
0x442: {  	v6 =	vmul.f32 v6, v54;
	v40 =	vmul.f32 v55, v53  }
0x443: {  	v2 =	vmul.f32 v19, v2;
	v0 =	vmul.f32 v0, v31  }
0x444: {  	v3 =	vmul.f32 v6, v3;
	v31 =	vmul.f32 v40, v52  }
0x445: {  	v19 =	vmul.f32 v29, v28;
	v2 =	vadd.f32 $0.0e+00, v2;
	v0 =	vmul.f32 v0, v26  }
0x446: {  	v8 =	vmul.f32 v9, v8;
	v3 =	vadd.f32 $0.0e+00, v3;
	v6 =	vadd.f32 $0.0e+00, v31  }
0x447: {  	v2 =	vadd.f32 v19, v2;
	v26 =	vmul.f32 v36, v50;
	v0 =	vadd.f32 $0.0e+00, v0  }
0x448: {  	v7 =	vmul.f32 v60, v59;
	v3 =	vadd.f32 v23, v3;
	v6 =	vadd.f32 v21, v6  }
0x449: {  	v9 =	vmul.f32 v32, v27;
	v2 =	vadd.f32 v8, v2;
	v0 =	vadd.f32 v26, v0  }
0x44a: {  	v1 =	vadd.f32 v1, v3;
	v3 =	vmul.f32 v42, v41;
	v6 =	vadd.f32 v7, v6  }
0x44b: {  	v4 =	vmul.f32 v5, v4;
	v0 =	vadd.f32 v9, v0  }
0x44c: {  	v2 =	vadd.f32 v3, v2;
	v5 =	vadd.f32 v37, v6;
	v6 =	vmul.f32 v25, v24;
	_ =	sdelay $0x1  }
0x44d: {  	v0 =	vadd.f32 v4, v0;
	v3 =	vmul.f32 v33, v30;
	v2 =	vadd.f32 v6, v2;
	v6 =	vld [tilespmem:$0x1FB90];
	_ =	sdelay $0x1  }
0x44e: {  	v0 =	vadd.f32 v3, v0;
	v3 =	vmul.f32 v18, v16  }
0x44f: {  	v4 =	vadd.f32 v20, v5;
	v5 =	vmul.f32 v17, v15  }
0x450: {  	v0 =	vadd.f32 v3, v0;
	v3 =	vmul.f32 v14, v10  }
0x451: {  	v2 =	vadd.f32 v5, v2;
	v5 =	vld [tilespmem:$0x1FB70];
	v6 =	vmul.f32 v11, v6  }
0x452: {  	v0 =	vadd.f32 v3, v0;
	v3 =	vld [tilespmem:$0x1FB60]  }
0x453: {  	v2 =	vadd.f32 v6, v2;
	v6 =	vld [tilespmem:$0x1FBD0]  }
0x454: {  	v4 =	vadd.f32 v12, v4  }
0x455: {  	v1 =	vadd.f32 v38, v1  }
0x456: {  	v4 =	vadd.f32 v5, v4;
	v5 =	vld [tilespmem:$0x1FB80]  }
0x457: {  	v1 =	vadd.f32 v22, v1  }
0x458: {  	v3 =	vmul.f32 v6, v3;
	v6 =	vld [tilespmem:$0x1FB30]  }
0x459: {  	v1 =	vadd.f32 v13, v1  }
0x45a: {  	v7 =	vld [tilespmem:$0x1FBB0]  }
0x45b: {  	v1 =	vadd.f32 v5, v1;
	v5 =	vld [tilespmem:$0x1FB50];
	_ =	sdelay $0x1  }
0x45c: {  	v4 =	vadd.f32 v6, v4;
	v6 =	vld [tilespmem:$0x1FB40];
	_ =	sdelay $0x2  }
0x45d: {  	v5 =	vmul.f32 v7, v5  }
0x45e: {  	v0 =	vadd.f32 v3, v0  }
0x45f: {  	v2 =	vadd.f32 v5, v2;
	v1 =	vadd.f32 v6, v1;
	_ =	sdelay $0x1  }
0x460: {  	v0 =	vadd.f32 v0, v2;
	v1 =	vadd.f32 v1, v4;
	_ =	sdelay $0x1  }
0x461: {  	v0 =	vadd.f32 v0, v1  }
0x462: {  	s24 =	sadd.s32 $0x10, s24  }
0x463: {  	[tilespmem:s24+$0x0] =	vst v0  }
0x464: {  	_ =	swait.ge [sflag:s20], $0x1000  }
0x465: {  	[sflag:s20] =	ssyncset.done $0x0  }
0x466: {  	[sflag:s20] =	ssyncadd.s32 $0xFFFFF000  }
0x467: {  	_ =	swait.ge [sflag:s20], $0x1000  }
0x468: {  	v1 =	vld [tilespmem:$0x1FFF0];
	_ =	sdelay $0x1  }
0x469: {  	s25 =	simm.s32 $0x100  }
0x46a: {  	v0 =	vmov s25  }
0x46b: {  	v0 =	vshll.u32 v0, $0x5  }
0x46c: {  	v0 =	vor.u32 v1, v0  }
0x46d: {  	[sflag:s20] =	ssyncset.done $0x0;
	v1 =	vor.u32 $0x1C, v0  }
0x46e: {  	[sflag:s20] =	ssyncadd.s32 $0xFFFFF000  }
0x46f: {  	_ =	swait.ge [sflag:s20], $0x1000  }
0x470: {  	[sflag:s20] =	ssyncset.done $0x0;
	v2 =	vor.u32 $0x1D, v0  }
0x471: {  	[sflag:s20] =	ssyncadd.s32 $0xFFFFF000  }
0x472: {  	v3 =	vld.idx.msk [tilespmem:v1+s14+$0x0], $0xffff  }
0x473: {  	v5 =	vor.u32 $0x1E, v0;
	v4 =	vld.idx.msk [tilespmem:v1+s15+$0x0], $0xffff  }
0x474: {  	v1 =	vld.idx.msk [tilespmem:v1+s17+$0x0], $0xffff  }
0x475: {  	v6 =	vld.idx.msk [tilespmem:v2+s14+$0x0], $0xffff  }
0x476: {  	v8 =	vor.u32 $0x1F, v0;
	v7 =	vld.idx.msk [tilespmem:v2+s15+$0x0], $0xffff  }
0x477: {  	v2 =	vld.idx.msk [tilespmem:v2+s17+$0x0], $0xffff  }
0x478: {  	v9 =	vld.idx.msk [tilespmem:v5+s14+$0x0], $0xffff  }
0x479: {  	v10 =	vor.u32 $0x18, v0;
	v11 =	vld.idx.msk [tilespmem:v5+s15+$0x0], $0xffff  }
0x47a: {  	v36 =	vld.idx.msk [tilespmem:v5+s17+$0x0], $0xffff  }
0x47b: {  	v12 =	vld.idx.msk [tilespmem:v8+s14+$0x0], $0xffff  }
0x47c: {  	v13 =	vor.u32 $0x19, v0;
	v14 =	vld.idx.msk [tilespmem:v8+s15+$0x0], $0xffff  }
0x47d: {  	v8 =	vld.idx.msk [tilespmem:v8+s17+$0x0], $0xffff  }
0x47e: {  	v15 =	vld.idx.msk [tilespmem:v10+s14+$0x0], $0xffff  }
0x47f: {  	v17 =	vor.u32 $0x1A, v0;
	v16 =	vld.idx.msk [tilespmem:v10+s15+$0x0], $0xffff  }
0x480: {  	v10 =	vld.idx.msk [tilespmem:v10+s17+$0x0], $0xffff  }
0x481: {  	v18 =	vld.idx.msk [tilespmem:v13+s14+$0x0], $0xffff  }
0x482: {  	v20 =	vor.u32 $0x1B, v0;
	v19 =	vld.idx.msk [tilespmem:v13+s15+$0x0], $0xffff  }
0x483: {  	v13 =	vld.idx.msk [tilespmem:v13+s17+$0x0], $0xffff  }
0x484: {  	v21 =	vld.idx.msk [tilespmem:v17+s14+$0x0], $0xffff  }
0x485: {  	v22 =	vor.u32 $0x14, v0;
	v23 =	vld.idx.msk [tilespmem:v17+s15+$0x0], $0xffff  }
0x486: {  	v17 =	vld.idx.msk [tilespmem:v17+s17+$0x0], $0xffff  }
0x487: {  	v24 =	vld.idx.msk [tilespmem:v20+s14+$0x0], $0xffff  }
0x488: {  	v25 =	vor.u32 $0x15, v0;
	v26 =	vld.idx.msk [tilespmem:v20+s15+$0x0], $0xffff  }
0x489: {  	v20 =	vld.idx.msk [tilespmem:v20+s17+$0x0], $0xffff  }
0x48a: {  	v27 =	vld.idx.msk [tilespmem:v22+s14+$0x0], $0xffff  }
0x48b: {  	v29 =	vor.u32 $0x16, v0;
	v28 =	vld.idx.msk [tilespmem:v22+s15+$0x0], $0xffff  }
0x48c: {  	v22 =	vld.idx.msk [tilespmem:v22+s17+$0x0], $0xffff  }
0x48d: {  	v30 =	vld.idx.msk [tilespmem:v25+s14+$0x0], $0xffff  }
0x48e: {  	v55 =	vor.u32 $0x17, v0;
	v31 =	vld.idx.msk [tilespmem:v25+s15+$0x0], $0xffff  }
0x48f: {  	v25 =	vld.idx.msk [tilespmem:v25+s17+$0x0], $0xffff  }
0x490: {  	v33 =	vld.idx.msk [tilespmem:v29+s14+$0x0], $0xffff  }
0x491: {  	v56 =	vor.u32 $0x10, v0;
	v35 =	vld.idx.msk [tilespmem:v29+s15+$0x0], $0xffff  }
0x492: {  	v29 =	vld.idx.msk [tilespmem:v29+s17+$0x0], $0xffff  }
0x493: {  	v60 =	vld.idx.msk [tilespmem:v55+s14+$0x0], $0xffff  }
0x494: {  	v57 =	vor.u32 $0x11, v0;
	v38 =	vld.idx.msk [tilespmem:v55+s15+$0x0], $0xffff  }
0x495: {  	v32 =	vld.idx.msk [tilespmem:v55+s17+$0x0], $0xffff  }
0x496: {  	v39 =	vld.idx.msk [tilespmem:v56+s14+$0x0], $0xffff  }
0x497: {  	v58 =	vor.u32 $0x12, v0;
	v40 =	vld.idx.msk [tilespmem:v56+s15+$0x0], $0xffff  }
0x498: {  	v34 =	vld.idx.msk [tilespmem:v56+s17+$0x0], $0xffff  }
0x499: {  	v42 =	vld.idx.msk [tilespmem:v57+s14+$0x0], $0xffff  }
0x49a: {  	v59 =	vor.u32 $0x13, v0;
	v43 =	vld.idx.msk [tilespmem:v57+s15+$0x0], $0xffff  }
0x49b: {  	v37 =	vld.idx.msk [tilespmem:v57+s17+$0x0], $0xffff  }
0x49c: {  	v45 =	vld.idx.msk [tilespmem:v58+s14+$0x0], $0xffff  }
0x49d: {  	v61 =	vor.u32 $0xC, v0;
	v47 =	vld.idx.msk [tilespmem:v58+s15+$0x0], $0xffff  }
0x49e: {  	v41 =	vld.idx.msk [tilespmem:v58+s17+$0x0], $0xffff  }
0x49f: {  	v48 =	vld.idx.msk [tilespmem:v59+s14+$0x0], $0xffff  }
0x4a0: {  	v62 =	vor.u32 $0xD, v0;
	v50 =	vld.idx.msk [tilespmem:v59+s15+$0x0], $0xffff  }
0x4a1: {  	v44 =	vld.idx.msk [tilespmem:v59+s17+$0x0], $0xffff  }
0x4a2: {  	v51 =	vld.idx.msk [tilespmem:v61+s14+$0x0], $0xffff  }
0x4a3: {  	v63 =	vor.u32 $0xE, v0;
	v52 =	vld.idx.msk [tilespmem:v61+s15+$0x0], $0xffff  }
0x4a4: {  	v46 =	vld.idx.msk [tilespmem:v61+s17+$0x0], $0xffff  }
0x4a5: {  	v54 =	vld.idx.msk [tilespmem:v62+s14+$0x0], $0xffff  }
0x4a6: {  	v55 =	vld.idx.msk [tilespmem:v62+s15+$0x0], $0xffff  }
0x4a7: {  	v56 =	vor.u32 $0xF, v0;
	v49 =	vld.idx.msk [tilespmem:v62+s17+$0x0], $0xffff  }
0x4a8: {  	v57 =	vld.idx.msk [tilespmem:v63+s14+$0x0], $0xffff  }
0x4a9: {  	v3 =	vmul.f32 v4, v3;
	v4 =	vld [tilespmem:$0x1FDF0]  }
0x4aa: {  	v58 =	vor.u32 $0x8, v0;
	v59 =	vld.idx.msk [tilespmem:v63+s15+$0x0], $0xffff  }
0x4ab: {  	v53 =	vld.idx.msk [tilespmem:v63+s17+$0x0], $0xffff  }
0x4ac: {  	v5 =	vld.idx.msk [tilespmem:v56+s14+$0x0], $0xffff  }
0x4ad: {  	v62 =	vld.idx.msk [tilespmem:v56+s15+$0x0], $0xffff  }
0x4ae: {  	v56 =	vld.idx.msk [tilespmem:v56+s17+$0x0], $0xffff;
	v1 =	vmul.f32 v1, v4  }
0x4af: {  	v63 =	vld.idx.msk [tilespmem:v58+s14+$0x0], $0xffff  }
0x4b0: {  	v1 =	vmul.f32 v1, v3;
	v3 =	vmul.f32 v11, v9;
	v11 =	vld [tilespmem:$0x1FE30]  }
0x4b1: {  	v38 =	vmul.f32 v38, v60;
	v60 =	vld [tilespmem:$0x1FF90]  }
0x4b2: {  	v48 =	vmul.f32 v50, v48;
	v50 =	vld.idx.msk [tilespmem:v0+s15+$0x0], $0xffff  }
0x4b3: {  	v6 =	vmul.f32 v7, v6;
	v7 =	vor.u32 $0xA, v0;
	[tilespmem:$0x1F9C0] =	vst v5;
	v5 =	vld.idx.msk [tilespmem:v58+s15+$0x0], $0xffff  }
0x4b4: {  	v61 =	vor.u32 $0x9, v0;
	v58 =	vld.idx.msk [tilespmem:v58+s17+$0x0], $0xffff  }
0x4b5: {  	v9 =	vmul.f32 v16, v15;
	v16 =	vmul.f32 v10, v11;
	v11 =	vld [tilespmem:$0x1FE40]  }
0x4b6: {  	v4 =	vld [tilespmem:$0x1FE00]  }
0x4b7: {  	v32 =	vmul.f32 v32, v60;
	v60 =	vmul.f32 v55, v54;
	v54 =	vld [tilespmem:$0x1FEF0]  }
0x4b8: {  	v15 =	vld.idx.msk [tilespmem:v7+s14+$0x0], $0xffff  }
0x4b9: {  	[tilespmem:$0x1F9D0] =	vst v1;
	v1 =	vld.idx.msk [tilespmem:v61+s15+$0x0], $0xffff  }
0x4ba: {  	v13 =	vmul.f32 v13, v11;
	v11 =	vld [tilespmem:$0x1FF00]  }
0x4bb: {  	v2 =	vmul.f32 v2, v4;
	v4 =	vld.idx.msk [tilespmem:v61+s14+$0x0], $0xffff  }
0x4bc: {  	v61 =	vld.idx.msk [tilespmem:v61+s17+$0x0], $0xffff  }
0x4bd: {  	v5 =	vmul.f32 v5, v63;
	v63 =	vld [tilespmem:$0x1FD60]  }
0x4be: {  	v10 =	vmul.f32 v14, v12;
	v14 =	vld.idx.msk [tilespmem:v7+s15+$0x0], $0xffff  }
0x4bf: {  	v11 =	vmul.f32 v36, v11;
	v36 =	vld.idx.msk [tilespmem:v7+s17+$0x0], $0xffff  }
0x4c0: {  	v7 =	vmul.f32 v16, v9;
	v9 =	vld [tilespmem:$0x1FF20]  }
0x4c1: {  	v1 =	vmul.f32 v1, v4;
	v4 =	vld [tilespmem:$0x1FC60]  }
0x4c2: {  	v55 =	vld [tilespmem:$0x1FDB0];
	v2 =	vmul.f32 v2, v6;
	v6 =	vor.u32 $0xB, v0  }
0x4c3: {  	v56 =	vmul.f32 v56, v63;
	v63 =	vld [tilespmem:$0x1FCF0]  }
0x4c4: {  	v14 =	vmul.f32 v14, v15;
	v15 =	vld [tilespmem:$0x1FD40]  }
0x4c5: {  	v12 =	vmul.f32 v8, v9;
	v9 =	vmul.f32 v23, v21;
	v21 =	vld [tilespmem:$0x1FF40]  }
0x4c6: {  	v4 =	vmul.f32 v61, v4;
	v61 =	vld [tilespmem:$0x1F9C0]  }
0x4c7: {  	v18 =	vmul.f32 v19, v18;
	v16 =	vld.idx.msk [tilespmem:v6+s14+$0x0], $0xffff  }
0x4c8: {  	v19 =	vor.u32 $0x4, v0;
	v23 =	vld [tilespmem:$0x1FE90]  }
0x4c9: {  	v8 =	vmul.f32 v13, v18;
	v18 =	vld.idx.msk [tilespmem:v6+s15+$0x0], $0xffff  }
0x4ca: {  	v17 =	vmul.f32 v17, v21;
	v21 =	vmul.f32 v28, v27;
	v28 =	vld [tilespmem:$0x1FEA0]  }
0x4cb: {  	v6 =	vld.idx.msk [tilespmem:v6+s17+$0x0], $0xffff  }
0x4cc: {  	v27 =	vmul.f32 v31, v30;
	v30 =	vld [tilespmem:$0x1FF60]  }
0x4cd: {  	v13 =	vor.u32 $0x5, v0;
	v22 =	vmul.f32 v22, v23;
	v23 =	vld.idx.msk [tilespmem:v19+s14+$0x0], $0xffff  }
0x4ce: {  	v16 =	vmul.f32 v18, v16;
	v18 =	vld [tilespmem:$0x1FD50]  }
0x4cf: {  	v25 =	vmul.f32 v25, v28;
	v28 =	vld.idx.msk [tilespmem:v19+s15+$0x0], $0xffff  }
0x4d0: {  	v24 =	vmul.f32 v26, v24;
	v26 =	vor.u32 $0x6, v0;
	v19 =	vld.idx.msk [tilespmem:v19+s17+$0x0], $0xffff  }
0x4d1: {  	v20 =	vmul.f32 v20, v30;
	v30 =	vld [tilespmem:$0x1FD90]  }
0x4d2: {  	v21 =	vmul.f32 v22, v21;
	v22 =	vmul.f32 v25, v27;
	v25 =	vld.idx.msk [tilespmem:v13+s14+$0x0], $0xffff  }
0x4d3: {  	v27 =	vmul.f32 v35, v33;
	v33 =	vmul.f32 v40, v39;
	v40 =	vld [tilespmem:$0x1FEC0]  }
0x4d4: {  	v35 =	vmul.f32 v43, v42;
	v43 =	vld [tilespmem:$0x1FED0]  }
0x4d5: {  	v39 =	vld.idx.msk [tilespmem:v26+s14+$0x0], $0xffff  }
0x4d6: {  	v42 =	vmul.f32 v52, v51;
	v52 =	vld [tilespmem:$0x1FEE0]  }
0x4d7: {  	v51 =	vmul.f32 v59, v57;
	v59 =	vld [tilespmem:$0x1FFD0]  }
0x4d8: {  	v31 =	vor.u32 $0x7, v0;
	v29 =	vmul.f32 v29, v30;
	v30 =	vld.idx.msk [tilespmem:v13+s15+$0x0], $0xffff  }
0x4d9: {  	v13 =	vld.idx.msk [tilespmem:v13+s17+$0x0], $0xffff  }
0x4da: {  	v23 =	vmul.f32 v28, v23;
	v28 =	vld [tilespmem:$0x1FC90]  }
0x4db: {  	v34 =	vmul.f32 v34, v40;
	v40 =	vld.idx.msk [tilespmem:v26+s15+$0x0], $0xffff  }
0x4dc: {  	v37 =	vmul.f32 v37, v43;
	v26 =	vld.idx.msk [tilespmem:v26+s17+$0x0], $0xffff  }
0x4dd: {  	v43 =	vmul.f32 v46, v52;
	v46 =	vld.idx.msk [tilespmem:v31+s15+$0x0], $0xffff;
	v33 =	vmul.f32 v34, v33  }
0x4de: {  	v34 =	vmul.f32 v37, v35;
	v35 =	vmul.f32 v47, v45;
	v47 =	vld [tilespmem:$0x1FDA0]  }
0x4df: {  	v49 =	vmul.f32 v49, v54;
	v52 =	vmul.f32 v53, v59;
	v53 =	vld.idx.msk [tilespmem:v0+s17+$0x0], $0xffff  }
0x4e0: {  	v59 =	vld [tilespmem:$0x1FD30]  }
0x4e1: {  	v45 =	vor.u32 $0x1, v0;
	v42 =	vmul.f32 v43, v42;
	v43 =	vmul.f32 v49, v60;
	v60 =	vld [tilespmem:$0x1FFE0]  }
0x4e2: {  	v25 =	vmul.f32 v30, v25;
	v30 =	vld [tilespmem:$0x1FCB0]  }
0x4e3: {  	v37 =	vmul.f32 v41, v47;
	v41 =	vld.idx.msk [tilespmem:v31+s14+$0x0], $0xffff  }
0x4e4: {  	v49 =	vor.u32 $0x2, v0;
	v31 =	vld.idx.msk [tilespmem:v31+s17+$0x0], $0xffff  }
0x4e5: {  	v47 =	vld.idx.msk [tilespmem:v0+s14+$0x0], $0xffff;
	v0 =	vor.u32 $0x3, v0  }
0x4e6: {  	v44 =	vmul.f32 v44, v55;
	v55 =	vld.idx.msk [tilespmem:v45+s14+$0x0], $0xffff  }
0x4e7: {  	v57 =	vld.idx.msk [tilespmem:v45+s15+$0x0], $0xffff  }
0x4e8: {  	v45 =	vld.idx.msk [tilespmem:v45+s17+$0x0], $0xffff  }
0x4e9: {  	v1 =	vmul.f32 v4, v1;
	v4 =	vld.idx.msk [tilespmem:v49+s14+$0x0], $0xffff  }
0x4ea: {  	v13 =	vmul.f32 v13, v30;
	v30 =	vld.idx.msk [tilespmem:v0+s14+$0x0], $0xffff  }
0x4eb: {  	v6 =	vmul.f32 v6, v18;
	v54 =	vmul.f32 v58, v60;
	v18 =	vld.idx.msk [tilespmem:v0+s15+$0x0], $0xffff  }
0x4ec: {  	v19 =	vmul.f32 v19, v28;
	v28 =	vld.idx.msk [tilespmem:v49+s17+$0x0], $0xffff  }
0x4ed: {  	v5 =	vmul.f32 v54, v5;
	v54 =	vld.idx.msk [tilespmem:v49+s15+$0x0], $0xffff  }
0x4ee: {  	v49 =	vld [tilespmem:$0x1FD00]  }
0x4ef: {  	v15 =	vmul.f32 v36, v15;
	v19 =	vmul.f32 v19, v23;
	v0 =	vld.idx.msk [tilespmem:v0+s17+$0x0], $0xffff  }
0x4f0: {  	v23 =	vmul.f32 v40, v39;
	v18 =	vmul.f32 v18, v30;
	v30 =	vld [tilespmem:$0x1FD20]  }
0x4f1: {  	v58 =	vmul.f32 v62, v61;
	v13 =	vmul.f32 v13, v25;
	v25 =	vld [tilespmem:$0x1FD10]  }
0x4f2: {  	v31 =	vmul.f32 v31, v59;
	v60 =	vmul.f32 v50, v47  }
0x4f3: {  	v62 =	vmul.f32 v57, v55;
	v45 =	vmul.f32 v45, v63  }
0x4f4: {  	v61 =	vld [tilespmem:$0x1FCE0];
	v4 =	vmul.f32 v54, v4;
	v28 =	vmul.f32 v28, v49  }
0x4f5: {  	v50 =	vmul.f32 v45, v62;
	v0 =	vmul.f32 v0, v30  }
0x4f6: {  	v25 =	vmul.f32 v26, v25;
	v4 =	vmul.f32 v28, v4  }
0x4f7: {  	v26 =	vmul.f32 v46, v41;
	v0 =	vmul.f32 v0, v18  }
0x4f8: {  	v28 =	vadd.f32 $0.0e+00, v50;
	v23 =	vmul.f32 v25, v23;
	v4 =	vadd.f32 $0.0e+00, v4  }
0x4f9: {  	v40 =	vmul.f32 v53, v61;
	v25 =	vmul.f32 v31, v26;
	v0 =	vadd.f32 $0.0e+00, v0  }
0x4fa: {  	v14 =	vmul.f32 v15, v14;
	v13 =	vadd.f32 v13, v28;
	v4 =	vadd.f32 v23, v4  }
0x4fb: {  	v6 =	vmul.f32 v6, v16;
	v30 =	vmul.f32 v40, v60;
	v0 =	vadd.f32 v25, v0  }
0x4fc: {  	v1 =	vadd.f32 v1, v13;
	v13 =	vmul.f32 v52, v51;
	v4 =	vadd.f32 v14, v4  }
0x4fd: {  	v18 =	vadd.f32 $0.0e+00, v30;
	v0 =	vadd.f32 v6, v0;
	v6 =	vmul.f32 v56, v58  }
0x4fe: {  	v14 =	vmul.f32 v37, v35;
	v4 =	vadd.f32 v13, v4  }
0x4ff: {  	v18 =	vadd.f32 v19, v18;
	v0 =	vadd.f32 v6, v0;
	v6 =	vmul.f32 v44, v48  }
0x500: {  	v1 =	vadd.f32 v43, v1;
	v13 =	vmul.f32 v29, v27;
	v4 =	vadd.f32 v14, v4  }
0x501: {  	v5 =	vadd.f32 v5, v18;
	v0 =	vadd.f32 v6, v0;
	v6 =	vmul.f32 v32, v38  }
0x502: {  	v9 =	vmul.f32 v17, v9;
	v1 =	vadd.f32 v34, v1;
	v4 =	vadd.f32 v13, v4  }
0x503: {  	v5 =	vadd.f32 v42, v5;
	v0 =	vadd.f32 v6, v0;
	v6 =	vmul.f32 v20, v24  }
0x504: {  	v3 =	vmul.f32 v11, v3;
	v1 =	vadd.f32 v22, v1;
	v4 =	vadd.f32 v9, v4  }
0x505: {  	v5 =	vadd.f32 v33, v5;
	v0 =	vadd.f32 v6, v0;
	v6 =	vmul.f32 v12, v10  }
0x506: {  	v1 =	vadd.f32 v8, v1;
	v8 =	vld [tilespmem:$0x1F9D0];
	v3 =	vadd.f32 v3, v4  }
0x507: {  	v5 =	vadd.f32 v21, v5;
	v4 =	vadd.f32 v6, v0;
	v0 =	vld [tilespmem:$0x1FFF0];
	_ =	sdelay $0x1  }
0x508: {  	s25 =	simm.s32 $0x110;
	v5 =	vadd.f32 v7, v5  }
0x509: {  	v7 =	vmov s25  }
0x50a: {  	v1 =	vadd.f32 v2, v1;
	v2 =	vshll.u32 v7, $0x5;
	v5 =	vadd.f32 v8, v5  }
0x50b: {  	v0 =	vor.u32 v0, v2  }
0x50c: {  	v1 =	vadd.f32 v1, v5;
	v3 =	vadd.f32 v4, v3;
	v5 =	vor.u32 $0x1E, v0;
	_ =	sdelay $0x1  }
0x50d: {  	v1 =	vadd.f32 v3, v1  }
0x50e: {  	s24 =	simm.s32 $0xC720  }
0x50f: {  	[tilespmem:s24+$0x0] =	vst v1  }
0x510: {  	v9 =	vld.idx.msk [tilespmem:v5+s14+$0x0], $0xffff  }
0x511: {  	v23 =	vor.u32 $0x15, v0;
	v11 =	vld.idx.msk [tilespmem:v5+s15+$0x0], $0xffff  }
0x512: {  	v8 =	vor.u32 $0x1F, v0;
	v5 =	vld.idx.msk [tilespmem:v5+s17+$0x0], $0xffff;
	_ =	sdelay $0x3  }
0x513: {  	v38 =	vld.idx.msk [tilespmem:v23+s14+$0x0], $0xffff  }
0x514: {  	v17 =	vor.u32 $0x1A, v0;
	[tilespmem:$0x1FA50] =	vst v5;
	v5 =	vld.idx.msk [tilespmem:v8+s17+$0x0], $0xffff  }
0x515: {  	v39 =	vld.idx.msk [tilespmem:v23+s15+$0x0], $0xffff  }
0x516: {  	v40 =	vld.idx.msk [tilespmem:v23+s17+$0x0], $0xffff;
	v23 =	vor.u32 $0x10, v0;
	_ =	sdelay $0x2  }
0x517: {  	v19 =	vor.u32 $0x1B, v0;
	[tilespmem:$0x1FA70] =	vst v5;
	v5 =	vld.idx.msk [tilespmem:v17+s17+$0x0], $0xffff;
	_ =	sdelay $0x1  }
0x518: {  	v44 =	vld.idx.msk [tilespmem:v23+s14+$0x0], $0xffff  }
0x519: {  	v46 =	vld.idx.msk [tilespmem:v23+s15+$0x0], $0xffff  }
0x51a: {  	v49 =	vld.idx.msk [tilespmem:v23+s17+$0x0], $0xffff  }
0x51b: {  	v23 =	vor.u32 $0x13, v0;
	[tilespmem:$0x1FA90] =	vst v5;
	v5 =	vld.idx.msk [tilespmem:v19+s17+$0x0], $0xffff;
	_ =	sdelay $0x4  }
0x51c: {  	[tilespmem:$0x1FAA0] =	vst v5;
	v5 =	vld.idx.msk [tilespmem:v23+s14+$0x0], $0xffff;
	_ =	sdelay $0x3  }
0x51d: {  	v48 =	vld.idx.msk [tilespmem:v23+s15+$0x0], $0xffff  }
0x51e: {  	[tilespmem:$0x1FAB0] =	vst v5;
	v5 =	vld.idx.msk [tilespmem:v23+s17+$0x0], $0xffff;
	v23 =	vor.u32 $0xE, v0  }
0x51f: {  	v2 =	vor.u32 $0x1C, v0;
	_ =	sdelay $0x2  }
0x520: {  	v3 =	vor.u32 $0x1D, v0  }
0x521: {  	[tilespmem:$0x1FAC0] =	vst v5;
	v5 =	vld.idx.msk [tilespmem:v23+s17+$0x0], $0xffff  }
0x522: {  	v1 =	vld.idx.msk [tilespmem:v2+s14+$0x0], $0xffff  }
0x523: {  	v4 =	vld.idx.msk [tilespmem:v2+s15+$0x0], $0xffff  }
0x524: {  	v2 =	vld.idx.msk [tilespmem:v2+s17+$0x0], $0xffff  }
0x525: {  	v10 =	vor.u32 $0x18, v0;
	v6 =	vld.idx.msk [tilespmem:v3+s14+$0x0], $0xffff  }
0x526: {  	[tilespmem:$0x1FAD0] =	vst v5;
	v5 =	vld [tilespmem:$0x1FDF0]  }
0x527: {  	v28 =	vld.idx.msk [tilespmem:v3+s15+$0x0], $0xffff  }
0x528: {  	v3 =	vld.idx.msk [tilespmem:v3+s17+$0x0], $0xffff  }
0x529: {  	v12 =	vld.idx.msk [tilespmem:v8+s14+$0x0], $0xffff  }
0x52a: {  	v13 =	vor.u32 $0x19, v0;
	v15 =	vld.idx.msk [tilespmem:v10+s14+$0x0], $0xffff  }
0x52b: {  	v16 =	vld.idx.msk [tilespmem:v10+s15+$0x0], $0xffff;
	v1 =	vmul.f32 v4, v1;
	v2 =	vmul.f32 v2, v5  }
0x52c: {  	v10 =	vld.idx.msk [tilespmem:v10+s17+$0x0], $0xffff  }
0x52d: {  	v1 =	vmul.f32 v2, v1;
	v2 =	vld [tilespmem:$0x1FE30]  }
0x52e: {  	v5 =	vld [tilespmem:$0x1FE00]  }
0x52f: {  	v18 =	vld.idx.msk [tilespmem:v13+s14+$0x0], $0xffff  }
0x530: {  	v20 =	vld.idx.msk [tilespmem:v13+s15+$0x0], $0xffff  }
0x531: {  	v21 =	vor.u32 $0x14, v0;
	v13 =	vld.idx.msk [tilespmem:v13+s17+$0x0], $0xffff  }
0x532: {  	v10 =	vmul.f32 v10, v2;
	v2 =	vld [tilespmem:$0x1FE40]  }
0x533: {  	v14 =	vld.idx.msk [tilespmem:v8+s15+$0x0], $0xffff;
	v4 =	vmul.f32 v28, v6;
	v3 =	vmul.f32 v3, v5  }
0x534: {  	v27 =	vor.u32 $0x8, v0;
	v22 =	vld.idx.msk [tilespmem:v17+s14+$0x0], $0xffff  }
0x535: {  	v24 =	vld.idx.msk [tilespmem:v17+s15+$0x0], $0xffff;
	[tilespmem:$0x1F9E0] =	vst v1;
	v1 =	vmul.f32 v3, v4  }
0x536: {  	v32 =	vld.idx.msk [tilespmem:v21+s14+$0x0], $0xffff  }
0x537: {  	v36 =	vld.idx.msk [tilespmem:v21+s15+$0x0], $0xffff;
	[tilespmem:$0x1F9F0] =	vst v1;
	v1 =	vmul.f32 v20, v18;
	v13 =	vmul.f32 v13, v2  }
0x538: {  	v37 =	vld.idx.msk [tilespmem:v21+s17+$0x0], $0xffff;
	v5 =	vor.u32 $0xB, v0  }
0x539: {  	v59 =	vld.idx.msk [tilespmem:v27+s14+$0x0], $0xffff;
	v1 =	vmul.f32 v13, v1  }
0x53a: {  	v56 =	vld.idx.msk [tilespmem:v27+s15+$0x0], $0xffff  }
0x53b: {  	[tilespmem:$0x1FA30] =	vst v1;
	v1 =	vld [tilespmem:$0x1FE90]  }
0x53c: {  	v60 =	vld.idx.msk [tilespmem:v27+s17+$0x0], $0xffff  }
0x53d: {  	v27 =	vld.idx.msk [tilespmem:v5+s14+$0x0], $0xffff  }
0x53e: {  	v2 =	vmul.f32 v11, v9;
	v11 =	vmul.f32 v36, v32;
	v32 =	vld.idx.msk [tilespmem:v5+s15+$0x0], $0xffff  }
0x53f: {  	v36 =	vld.idx.msk [tilespmem:v5+s17+$0x0], $0xffff  }
0x540: {  	v5 =	vmul.f32 v37, v1;
	v1 =	vld [tilespmem:$0x1FEA0];
	_ =	sdelay $0x1  }
0x541: {  	v6 =	vmul.f32 v16, v15;
	[tilespmem:$0x1FA00] =	vst v2;
	v2 =	vmul.f32 v14, v12;
	_ =	sdelay $0x1  }
0x542: {  	[tilespmem:$0x1FA10] =	vst v2;
	v2 =	vmul.f32 v10, v6  }
0x543: {  	v15 =	vmul.f32 v40, v1;
	v1 =	vmul.f32 v24, v22  }
0x544: {  	[tilespmem:$0x1FA20] =	vst v2;
	v2 =	vld [tilespmem:$0x1FA50]  }
0x545: {  	[tilespmem:$0x1FA40] =	vst v1;
	v1 =	vld [tilespmem:$0x1FF00];
	_ =	sdelay $0x2  }
0x546: {  	v43 =	vld.idx.msk [tilespmem:v19+s15+$0x0], $0xffff  }
0x547: {  	v8 =	vld.idx.msk [tilespmem:v19+s14+$0x0], $0xffff;
	v19 =	vor.u32 $0x16, v0  }
0x548: {  	v1 =	vmul.f32 v2, v1;
	_ =	sdelay $0x1  }
0x549: {  	[tilespmem:$0x1FA60] =	vst v1;
	v1 =	vld [tilespmem:$0x1FEC0];
	_ =	sdelay $0x1  }
0x54a: {  	v41 =	vld.idx.msk [tilespmem:v19+s14+$0x0], $0xffff  }
0x54b: {  	v42 =	vld.idx.msk [tilespmem:v19+s15+$0x0], $0xffff  }
0x54c: {  	v2 =	vld [tilespmem:$0x1FA70]  }
0x54d: {  	v20 =	vmul.f32 v49, v1;
	v1 =	vld [tilespmem:$0x1FF20]  }
0x54e: {  	v17 =	vld.idx.msk [tilespmem:v19+s17+$0x0], $0xffff;
	v19 =	vor.u32 $0x11, v0;
	_ =	sdelay $0x3  }
0x54f: {  	v1 =	vmul.f32 v2, v1  }
0x550: {  	v53 =	vld.idx.msk [tilespmem:v19+s17+$0x0], $0xffff  }
0x551: {  	[tilespmem:$0x1FA80] =	vst v1;
	v1 =	vld [tilespmem:$0x1FED0];
	_ =	sdelay $0x2  }
0x552: {  	v21 =	vor.u32 $0x17, v0  }
0x553: {  	v2 =	vld [tilespmem:$0x1FA90]  }
0x554: {  	v53 =	vmul.f32 v53, v1;
	v1 =	vld [tilespmem:$0x1FF40];
	_ =	sdelay $0x2  }
0x555: {  	v45 =	vld.idx.msk [tilespmem:v21+s14+$0x0], $0xffff;
	v14 =	vor.u32 $0x5, v0  }
0x556: {  	v47 =	vld.idx.msk [tilespmem:v21+s15+$0x0], $0xffff  }
0x557: {  	v12 =	vmul.f32 v5, v11;
	v11 =	vmul.f32 v2, v1;
	v1 =	vld [tilespmem:$0x1FF60]  }
0x558: {  	v2 =	vld [tilespmem:$0x1FAA0]  }
0x559: {  	v50 =	vld.idx.msk [tilespmem:v21+s17+$0x0], $0xffff  }
0x55a: {  	v26 =	vor.u32 $0xF, v0;
	v18 =	vmul.f32 v46, v44;
	v44 =	vld.idx.msk [tilespmem:v14+s14+$0x0], $0xffff  }
0x55b: {  	v31 =	vor.u32 $0x9, v0;
	v46 =	vld.idx.msk [tilespmem:v14+s15+$0x0], $0xffff  }
0x55c: {  	v21 =	vor.u32 $0x12, v0;
	v49 =	vld.idx.msk [tilespmem:v14+s17+$0x0], $0xffff  }
0x55d: {  	v14 =	vmul.f32 v2, v1;
	v1 =	vld [tilespmem:$0x1FD90];
	_ =	sdelay $0x1  }
0x55e: {  	v7 =	vld.idx.msk [tilespmem:v26+s14+$0x0], $0xffff  }
0x55f: {  	v29 =	vld.idx.msk [tilespmem:v31+s15+$0x0], $0xffff  }
0x560: {  	v54 =	vld.idx.msk [tilespmem:v21+s14+$0x0], $0xffff  }
0x561: {  	v17 =	vmul.f32 v17, v1;
	v1 =	vld [tilespmem:$0x1FF90]  }
0x562: {  	v55 =	vld.idx.msk [tilespmem:v21+s15+$0x0], $0xffff  }
0x563: {  	v25 =	vld.idx.msk [tilespmem:v21+s17+$0x0], $0xffff  }
0x564: {  	v21 =	vor.u32 $0xD, v0;
	v51 =	vld.idx.msk [tilespmem:v19+s14+$0x0], $0xffff  }
0x565: {  	v52 =	vld.idx.msk [tilespmem:v19+s15+$0x0], $0xffff;
	v19 =	vor.u32 $0xC, v0  }
0x566: {  	v20 =	vmul.f32 v20, v18;
	v18 =	vmul.f32 v50, v1;
	v1 =	vld [tilespmem:$0x1FDA0]  }
0x567: {  	v34 =	vld.idx.msk [tilespmem:v31+s17+$0x0], $0xffff  }
0x568: {  	v28 =	vld.idx.msk [tilespmem:v31+s14+$0x0], $0xffff  }
0x569: {  	v63 =	vld.idx.msk [tilespmem:v21+s14+$0x0], $0xffff  }
0x56a: {  	v62 =	vld.idx.msk [tilespmem:v19+s17+$0x0], $0xffff  }
0x56b: {  	v25 =	vmul.f32 v25, v1;
	v1 =	vld [tilespmem:$0x1FEE0]  }
0x56c: {  	v35 =	vor.u32 $0xA, v0;
	v30 =	vld.idx.msk [tilespmem:v21+s15+$0x0], $0xffff  }
0x56d: {  	v33 =	vld.idx.msk [tilespmem:v21+s17+$0x0], $0xffff  }
0x56e: {  	v57 =	vld.idx.msk [tilespmem:v19+s14+$0x0], $0xffff  }
0x56f: {  	v61 =	vld.idx.msk [tilespmem:v19+s15+$0x0], $0xffff  }
0x570: {  	v62 =	vmul.f32 v62, v1;
	v1 =	vld [tilespmem:$0x1FEF0]  }
0x571: {  	v31 =	vld.idx.msk [tilespmem:v35+s15+$0x0], $0xffff  }
0x572: {  	v21 =	vld.idx.msk [tilespmem:v26+s15+$0x0], $0xffff  }
0x573: {  	v19 =	vld.idx.msk [tilespmem:v23+s14+$0x0], $0xffff  }
0x574: {  	v58 =	vld.idx.msk [tilespmem:v23+s15+$0x0], $0xffff;
	v13 =	vmul.f32 v39, v38;
	v38 =	vmul.f32 v61, v57  }
0x575: {  	v61 =	vmul.f32 v30, v63;
	v63 =	vmul.f32 v33, v1;
	v1 =	vld [tilespmem:$0x1FAB0]  }
0x576: {  	v16 =	vor.u32 $0x4, v0;
	v23 =	vld.idx.msk [tilespmem:v26+s17+$0x0], $0xffff  }
0x577: {  	v26 =	vld.idx.msk [tilespmem:v35+s14+$0x0], $0xffff  }
0x578: {  	v35 =	vld.idx.msk [tilespmem:v35+s17+$0x0], $0xffff;
	v57 =	vor.u32 $0x1, v0  }
0x579: {  	v2 =	vld [tilespmem:$0x1FAC0]  }
0x57a: {  	v30 =	vmul.f32 v48, v1;
	v1 =	vld [tilespmem:$0x1FDB0]  }
0x57b: {  	v39 =	vld.idx.msk [tilespmem:v16+s14+$0x0], $0xffff  }
0x57c: {  	v10 =	vmul.f32 v43, v8;
	v43 =	vld.idx.msk [tilespmem:v16+s17+$0x0], $0xffff;
	v37 =	vor.u32 $0x7, v0  }
0x57d: {  	v59 =	vmul.f32 v56, v59;
	v56 =	vld.idx.msk [tilespmem:v57+s14+$0x0], $0xffff  }
0x57e: {  	v40 =	vld.idx.msk [tilespmem:v16+s15+$0x0], $0xffff;
	v24 =	vor.u32 $0x6, v0  }
0x57f: {  	v33 =	vmul.f32 v2, v1;
	v1 =	vld [tilespmem:$0x1FFD0]  }
0x580: {  	v2 =	vld [tilespmem:$0x1FAD0]  }
0x581: {  	v22 =	vmul.f32 v52, v51;
	v51 =	vld.idx.msk [tilespmem:v37+s14+$0x0], $0xffff  }
0x582: {  	v52 =	vld.idx.msk [tilespmem:v37+s15+$0x0], $0xffff  }
0x583: {  	v16 =	vmul.f32 v47, v45;
	v45 =	vld.idx.msk [tilespmem:v24+s14+$0x0], $0xffff  }
0x584: {  	v13 =	vmul.f32 v15, v13;
	v47 =	vld.idx.msk [tilespmem:v24+s15+$0x0], $0xffff  }
0x585: {  	v15 =	vmul.f32 v42, v41;
	v42 =	vmul.f32 v2, v1;
	v1 =	vld [tilespmem:$0x1FFE0]  }
0x586: {  	v22 =	vmul.f32 v53, v22;
	v53 =	vld.idx.msk [tilespmem:v37+s17+$0x0], $0xffff  }
0x587: {  	v50 =	vld.idx.msk [tilespmem:v24+s17+$0x0], $0xffff  }
0x588: {  	v24 =	vmul.f32 v55, v54;
	v54 =	vld.idx.msk [tilespmem:v0+s15+$0x0], $0xffff  }
0x589: {  	v41 =	vmul.f32 v58, v19;
	v55 =	vld.idx.msk [tilespmem:v0+s17+$0x0], $0xffff;
	v37 =	vmul.f32 v62, v38  }
0x58a: {  	s25 =	simm.s32 $0x120;
	v58 =	vor.u32 $0x2, v0;
	v38 =	vmul.f32 v63, v61;
	v48 =	vld.idx.msk [tilespmem:v0+s14+$0x0], $0xffff;
	v60 =	vmul.f32 v60, v1  }
.LBB2_6:
0x58b: {  	v1 =	vld [tilespmem:$0x1FC60];
	_ =	sdelay $0x4  }
0x58c: {  	v28 =	vmul.f32 v29, v28;
	v29 =	vmul.f32 v34, v1;
	v1 =	vld [tilespmem:$0x1FD60];
	_ =	sdelay $0x4  }
0x58d: {  	v19 =	vmul.f32 v21, v7;
	v21 =	vmul.f32 v23, v1;
	v1 =	vld [tilespmem:$0x1FD40];
	_ =	sdelay $0x4  }
0x58e: {  	v26 =	vmul.f32 v31, v26;
	v31 =	vmul.f32 v35, v1;
	v1 =	vld [tilespmem:$0x1FC90];
	_ =	sdelay $0x1  }
0x58f: {  	v28 =	vmul.f32 v29, v28;
	v29 =	vld.idx.msk [tilespmem:v58+s15+$0x0], $0xffff  }
0x590: {  	v23 =	vld.idx.msk [tilespmem:v58+s14+$0x0], $0xffff  }
0x591: {  	v35 =	vld.idx.msk [tilespmem:v58+s17+$0x0], $0xffff  }
0x592: {  	v58 =	vmul.f32 v43, v1;
	v1 =	vld [tilespmem:$0x1FCB0];
	_ =	sdelay $0x2  }
0x593: {  	v61 =	vld.idx.msk [tilespmem:v57+s15+$0x0], $0xffff  }
0x594: {  	v34 =	vld.idx.msk [tilespmem:v57+s17+$0x0], $0xffff  }
0x595: {  	v57 =	vmul.f32 v60, v59;
	v59 =	vmul.f32 v49, v1;
	v1 =	vld [tilespmem:$0x1FD50];
	_ =	sdelay $0x4  }
0x596: {  	v27 =	vmul.f32 v32, v27;
	v32 =	vmul.f32 v36, v1;
	v1 =	vld [tilespmem:$0x1FD10];
	_ =	sdelay $0x4  }
0x597: {  	v63 =	vmul.f32 v50, v1;
	v1 =	vld [tilespmem:$0x1FD30];
	_ =	sdelay $0x4  }
0x598: {  	v53 =	vmul.f32 v53, v1;
	v1 =	vld [tilespmem:$0x1FCE0];
	_ =	sdelay $0x2  }
0x599: {  	v39 =	vmul.f32 v40, v39;
	_ =	sdelay $0x1  }
0x59a: {  	v36 =	vmul.f32 v58, v39;
	v58 =	vmul.f32 v55, v1;
	v1 =	vld [tilespmem:$0x1FCF0];
	_ =	sdelay $0x1  }
0x59b: {  	v0 =	vor.u32 $0x3, v0;
	_ =	sdelay $0x2  }
0x59c: {  	v34 =	vmul.f32 v34, v1;
	v1 =	vld [tilespmem:$0x1FD00];
	_ =	sdelay $0x1  }
0x59d: {  	v60 =	vld.idx.msk [tilespmem:v0+s15+$0x0], $0xffff  }
0x59e: {  	v44 =	vmul.f32 v46, v44;
	v43 =	vld.idx.msk [tilespmem:v0+s14+$0x0], $0xffff  }
0x59f: {  	v54 =	vmul.f32 v54, v48;
	v23 =	vmul.f32 v29, v23;
	v0 =	vld.idx.msk [tilespmem:v0+s17+$0x0], $0xffff  }
0x5a0: {  	v39 =	vmul.f32 v59, v44;
	v29 =	vmul.f32 v35, v1;
	v1 =	vld [tilespmem:$0x1FD20]  }
0x5a1: {  	v59 =	vmul.f32 v61, v56;
	v61 =	vmul.f32 v58, v54;
	_ =	sdelay $0x1  }
0x5a2: {  	v23 =	vmul.f32 v29, v23;
	v29 =	vadd.f32 $0.0e+00, v61;
	_ =	sdelay $0x1  }
0x5a3: {  	v29 =	vadd.f32 v36, v29;
	v0 =	vmul.f32 v0, v1;
	v1 =	vld [tilespmem:$0x1FA40]  }
0x5a4: {  	v34 =	vmul.f32 v34, v59  }
0x5a5: {  	v62 =	vmul.f32 v47, v45;
	v29 =	vadd.f32 v57, v29  }
0x5a6: {  	v34 =	vadd.f32 $0.0e+00, v34  }
0x5a7: {  	v19 =	vmul.f32 v21, v19;
	v62 =	vmul.f32 v63, v62;
	v21 =	vadd.f32 v37, v29  }
0x5a8: {  	v34 =	vadd.f32 v39, v34;
	v23 =	vadd.f32 $0.0e+00, v23;
	v9 =	vmul.f32 v11, v1;
	v1 =	vld [tilespmem:$0x1FA20]  }
0x5a9: {  	v20 =	vadd.f32 v20, v21  }
0x5aa: {  	v26 =	vmul.f32 v31, v26;
	v28 =	vadd.f32 v28, v34;
	v23 =	vadd.f32 v62, v23  }
0x5ab: {  	v12 =	vadd.f32 v12, v20  }
0x5ac: {  	v23 =	vadd.f32 v26, v23;
	v26 =	vadd.f32 v38, v28  }
0x5ad: {  	v60 =	vmul.f32 v60, v43;
	v6 =	vadd.f32 v1, v12;
	v1 =	vld [tilespmem:$0x1FA30]  }
0x5ae: {  	v21 =	vadd.f32 v22, v26  }
0x5af: {  	v52 =	vmul.f32 v52, v51;
	v0 =	vmul.f32 v0, v60  }
0x5b0: {  	v13 =	vadd.f32 v13, v21  }
0x5b1: {  	v2 =	vld [tilespmem:$0x1FA60];
	v63 =	vmul.f32 v53, v52;
	v0 =	vadd.f32 $0.0e+00, v0  }
0x5b2: {  	v7 =	vadd.f32 v1, v13;
	v1 =	vld [tilespmem:$0x1FA00]  }
0x5b3: {  	v27 =	vmul.f32 v32, v27;
	v0 =	vadd.f32 v63, v0;
	_ =	sdelay $0x1  }
0x5b4: {  	v0 =	vadd.f32 v27, v0;
	_ =	sdelay $0x1  }
0x5b5: {  	v0 =	vadd.f32 v19, v0;
	v19 =	vmul.f32 v33, v30;
	v3 =	vmul.f32 v2, v1;
	v1 =	vld [tilespmem:$0x1FA10]  }
0x5b6: {  	v31 =	vmul.f32 v42, v41;
	v2 =	vld [tilespmem:$0x1FA80]  }
0x5b7: {  	v16 =	vmul.f32 v18, v16;
	v0 =	vadd.f32 v19, v0  }
0x5b8: {  	v24 =	vmul.f32 v25, v24;
	v23 =	vadd.f32 v31, v23  }
0x5b9: {  	v10 =	vmul.f32 v14, v10;
	v0 =	vadd.f32 v16, v0  }
0x5ba: {  	v15 =	vmul.f32 v17, v15;
	v17 =	vadd.f32 v24, v23  }
0x5bb: {  	v0 =	vadd.f32 v10, v0;
	v4 =	vmul.f32 v2, v1;
	v1 =	vld [tilespmem:$0x1F9E0]  }
0x5bc: {  	v11 =	vadd.f32 v15, v17;
	v2 =	vld [tilespmem:$0x1F9F0]  }
0x5bd: {  	v4 =	vadd.f32 v4, v0;
	v0 =	vld [tilespmem:$0x1FFF0]  }
0x5be: {  	v5 =	vadd.f32 v9, v11;
	_ =	sdelay $0x1  }
0x5bf: {  	v8 =	vmov s25;
	v3 =	vadd.f32 v3, v5  }
0x5c0: {  	v1 =	vadd.f32 v1, v6;
	v2 =	vadd.f32 v2, v7;
	v6 =	vshll.u32 v8, $0x5  }
0x5c1: {  	v0 =	vor.u32 v0, v6  }
0x5c2: {  	v1 =	vadd.f32 v2, v1;
	v2 =	vadd.f32 v4, v3;
	v5 =	vor.u32 $0x1C, v0;
	_ =	sdelay $0x1  }
0x5c3: {  	v1 =	vadd.f32 v2, v1  }
0x5c4: {  	s24 =	sadd.s32 $0x10, s24;
	v3 =	vor.u32 $0x1D, v0  }
0x5c5: {  	[tilespmem:s24+$0x0] =	vst v1  }
0x5c6: {  	v1 =	vld.idx.msk [tilespmem:v5+s14+$0x0], $0xffff  }
0x5c7: {  	v7 =	vor.u32 $0x1F, v0;
	v28 =	vld.idx.msk [tilespmem:v5+s15+$0x0], $0xffff  }
0x5c8: {  	v10 =	vor.u32 $0x18, v0;
	v11 =	vld.idx.msk [tilespmem:v5+s17+$0x0], $0xffff  }
0x5c9: {  	v29 =	vld.idx.msk [tilespmem:v3+s14+$0x0], $0xffff  }
0x5ca: {  	v15 =	vld.idx.msk [tilespmem:v3+s15+$0x0], $0xffff  }
0x5cb: {  	v12 =	vor.u32 $0x19, v0;
	v17 =	vld.idx.msk [tilespmem:v3+s17+$0x0], $0xffff  }
0x5cc: {  	v2 =	vld.idx.msk [tilespmem:v7+s14+$0x0], $0xffff  }
0x5cd: {  	v18 =	vld.idx.msk [tilespmem:v10+s14+$0x0], $0xffff  }
0x5ce: {  	v13 =	vor.u32 $0x1A, v0;
	v27 =	vld.idx.msk [tilespmem:v10+s15+$0x0], $0xffff  }
0x5cf: {  	v33 =	vld.idx.msk [tilespmem:v10+s17+$0x0], $0xffff  }
0x5d0: {  	v32 =	vld.idx.msk [tilespmem:v12+s14+$0x0], $0xffff  }
0x5d1: {  	v16 =	vor.u32 $0x1B, v0;
	v36 =	vld.idx.msk [tilespmem:v12+s15+$0x0], $0xffff  }
0x5d2: {  	v39 =	vld.idx.msk [tilespmem:v12+s17+$0x0], $0xffff  }
0x5d3: {  	v14 =	vld.idx.msk [tilespmem:v13+s14+$0x0], $0xffff  }
0x5d4: {  	v19 =	vor.u32 $0x14, v0;
	v20 =	vld.idx.msk [tilespmem:v13+s15+$0x0], $0xffff  }
0x5d5: {  	v24 =	vld.idx.msk [tilespmem:v13+s17+$0x0], $0xffff  }
0x5d6: {  	v10 =	vld.idx.msk [tilespmem:v16+s14+$0x0], $0xffff  }
0x5d7: {  	v12 =	vld.idx.msk [tilespmem:v16+s15+$0x0], $0xffff  }
0x5d8: {  	v26 =	vor.u32 $0x8, v0;
	v13 =	vld.idx.msk [tilespmem:v16+s17+$0x0], $0xffff  }
0x5d9: {  	v40 =	vld.idx.msk [tilespmem:v19+s14+$0x0], $0xffff  }
0x5da: {  	v43 =	vld.idx.msk [tilespmem:v19+s15+$0x0], $0xffff;
	v16 =	vor.u32 $0x16, v0  }
0x5db: {  	v45 =	vld.idx.msk [tilespmem:v19+s17+$0x0], $0xffff  }
0x5dc: {  	[tilespmem:$0x1F990] =	vst v2;
	v2 =	vld.idx.msk [tilespmem:v7+s15+$0x0], $0xffff  }
0x5dd: {  	v5 =	vld.idx.msk [tilespmem:v26+s14+$0x0], $0xffff  }
0x5de: {  	v19 =	vor.u32 $0x17, v0;
	v3 =	vld.idx.msk [tilespmem:v26+s15+$0x0], $0xffff  }
0x5df: {  	v30 =	vld.idx.msk [tilespmem:v16+s14+$0x0], $0xffff  }
0x5e0: {  	v38 =	vld.idx.msk [tilespmem:v16+s15+$0x0], $0xffff  }
0x5e1: {  	[tilespmem:$0x1F9A0] =	vst v2;
	v2 =	vld.idx.msk [tilespmem:v7+s17+$0x0], $0xffff  }
0x5e2: {  	v41 =	vld.idx.msk [tilespmem:v16+s17+$0x0], $0xffff  }
0x5e3: {  	v16 =	vld.idx.msk [tilespmem:v19+s14+$0x0], $0xffff  }
0x5e4: {  	v22 =	vld.idx.msk [tilespmem:v19+s15+$0x0], $0xffff  }
0x5e5: {  	v25 =	vld.idx.msk [tilespmem:v19+s17+$0x0], $0xffff  }
0x5e6: {  	v19 =	vor.u32 $0x12, v0;
	[tilespmem:$0x1F9B0] =	vst v2;
	v2 =	vld.idx.msk [tilespmem:v26+s17+$0x0], $0xffff  }
0x5e7: {  	v26 =	vmul.f32 v28, v1;
	v1 =	vld [tilespmem:$0x1FDF0];
	_ =	sdelay $0x2  }
0x5e8: {  	v4 =	vor.u32 $0x1E, v0  }
0x5e9: {  	v56 =	vld.idx.msk [tilespmem:v19+s14+$0x0], $0xffff  }
0x5ea: {  	v11 =	vmul.f32 v11, v1;
	v1 =	vld [tilespmem:$0x1FE00]  }
0x5eb: {  	v57 =	vld.idx.msk [tilespmem:v19+s15+$0x0], $0xffff  }
0x5ec: {  	v58 =	vld.idx.msk [tilespmem:v19+s17+$0x0], $0xffff;
	v19 =	vor.u32 $0xD, v0  }
0x5ed: {  	v49 =	vld.idx.msk [tilespmem:v4+s14+$0x0], $0xffff  }
0x5ee: {  	v35 =	vld.idx.msk [tilespmem:v4+s15+$0x0], $0xffff;
	v15 =	vmul.f32 v15, v29  }
0x5ef: {  	v11 =	vmul.f32 v11, v26;
	v17 =	vmul.f32 v17, v1  }
0x5f0: {  	v31 =	vld.idx.msk [tilespmem:v4+s17+$0x0], $0xffff  }
0x5f1: {  	v62 =	vld.idx.msk [tilespmem:v19+s14+$0x0], $0xffff;
	[tilespmem:$0x1F9E0] =	vst v11;
	v11 =	vmul.f32 v17, v15  }
0x5f2: {  	v63 =	vld.idx.msk [tilespmem:v19+s15+$0x0], $0xffff  }
0x5f3: {  	v4 =	vld.idx.msk [tilespmem:v19+s17+$0x0], $0xffff;
	v19 =	vor.u32 $0xA, v0;
	[tilespmem:$0x1F9F0] =	vst v11;
	v11 =	vmul.f32 v35, v49;
	_ =	sdelay $0x1  }
0x5f4: {  	[tilespmem:$0x1FA00] =	vst v11;
	v11 =	vld [tilespmem:$0x1FF00];
	_ =	sdelay $0x2  }
0x5f5: {  	v26 =	vld.idx.msk [tilespmem:v19+s14+$0x0], $0xffff  }
0x5f6: {  	v35 =	vld.idx.msk [tilespmem:v19+s17+$0x0], $0xffff  }
0x5f7: {  	v11 =	vmul.f32 v31, v11;
	v31 =	vld.idx.msk [tilespmem:v19+s15+$0x0], $0xffff  }
0x5f8: {  	v19 =	vld [tilespmem:$0x1FE40];
	_ =	sdelay $0x3  }
0x5f9: {  	v49 =	vld [tilespmem:$0x1F9A0]  }
0x5fa: {  	v19 =	vmul.f32 v39, v19;
	v39 =	vld [tilespmem:$0x1F990];
	_ =	sdelay $0x1  }
0x5fb: {  	v21 =	vor.u32 $0x15, v0;
	_ =	sdelay $0x1  }
0x5fc: {  	[tilespmem:$0x1FA60] =	vst v11;
	v11 =	vmul.f32 v27, v18;
	v18 =	vmul.f32 v36, v32;
	v36 =	vld [tilespmem:$0x1FF20]  }
0x5fd: {  	v1 =	vor.u32 $0xB, v0;
	v32 =	vmul.f32 v49, v39;
	v39 =	vld [tilespmem:$0x1F9B0];
	_ =	sdelay $0x1  }
0x5fe: {  	v44 =	vld.idx.msk [tilespmem:v21+s14+$0x0], $0xffff  }
0x5ff: {  	v17 =	vld [tilespmem:$0x1FE30]  }
0x600: {  	v46 =	vld.idx.msk [tilespmem:v21+s15+$0x0], $0xffff  }
0x601: {  	v23 =	vor.u32 $0x11, v0;
	v27 =	vld.idx.msk [tilespmem:v1+s14+$0x0], $0xffff;
	[tilespmem:$0x1FA10] =	vst v32;
	v32 =	vmul.f32 v39, v36  }
0x602: {  	v36 =	vld.idx.msk [tilespmem:v1+s17+$0x0], $0xffff  }
0x603: {  	[tilespmem:$0x1FA80] =	vst v32;
	v32 =	vld.idx.msk [tilespmem:v1+s15+$0x0], $0xffff;
	v1 =	vmul.f32 v20, v14  }
0x604: {  	v47 =	vld.idx.msk [tilespmem:v21+s17+$0x0], $0xffff;
	v21 =	vor.u32 $0x10, v0;
	v17 =	vmul.f32 v33, v17  }
0x605: {  	[tilespmem:$0x1FA40] =	vst v1;
	v1 =	vld [tilespmem:$0x1FF40]  }
0x606: {  	v53 =	vld.idx.msk [tilespmem:v23+s14+$0x0], $0xffff;
	v11 =	vmul.f32 v17, v11  }
0x607: {  	v54 =	vld.idx.msk [tilespmem:v23+s15+$0x0], $0xffff  }
0x608: {  	v55 =	vld.idx.msk [tilespmem:v23+s17+$0x0], $0xffff;
	v23 =	vor.u32 $0xC, v0;
	[tilespmem:$0x1FA20] =	vst v11;
	v11 =	vmul.f32 v19, v18  }
0x609: {  	v50 =	vld.idx.msk [tilespmem:v21+s14+$0x0], $0xffff  }
0x60a: {  	[tilespmem:$0x1FA30] =	vst v11;
	v11 =	vmul.f32 v24, v1;
	v1 =	vld [tilespmem:$0x1FE90]  }
0x60b: {  	v51 =	vld.idx.msk [tilespmem:v21+s15+$0x0], $0xffff  }
0x60c: {  	v52 =	vld.idx.msk [tilespmem:v21+s17+$0x0], $0xffff;
	v21 =	vor.u32 $0x13, v0  }
0x60d: {  	v59 =	vld.idx.msk [tilespmem:v23+s14+$0x0], $0xffff  }
0x60e: {  	v60 =	vld.idx.msk [tilespmem:v23+s15+$0x0], $0xffff  }
0x60f: {  	v18 =	vmul.f32 v45, v1;
	v1 =	vld [tilespmem:$0x1FEA0]  }
0x610: {  	v61 =	vld.idx.msk [tilespmem:v23+s17+$0x0], $0xffff  }
0x611: {  	v34 =	vor.u32 $0x9, v0;
	v37 =	vld.idx.msk [tilespmem:v21+s14+$0x0], $0xffff  }
0x612: {  	v23 =	vor.u32 $0xF, v0;
	v42 =	vld.idx.msk [tilespmem:v21+s15+$0x0], $0xffff  }
0x613: {  	v48 =	vld.idx.msk [tilespmem:v21+s17+$0x0], $0xffff;
	v21 =	vor.u32 $0xE, v0;
	v17 =	vmul.f32 v43, v40  }
0x614: {  	v24 =	vmul.f32 v47, v1;
	v1 =	vld [tilespmem:$0x1FF60]  }
0x615: {  	v10 =	vmul.f32 v12, v10;
	v12 =	vmul.f32 v18, v17;
	v18 =	vld [tilespmem:$0x1FEC0]  }
0x616: {  	v29 =	vld.idx.msk [tilespmem:v34+s15+$0x0], $0xffff  }
0x617: {  	v7 =	vld.idx.msk [tilespmem:v23+s14+$0x0], $0xffff;
	v15 =	vor.u32 $0x4, v0  }
0x618: {  	v9 =	vld.idx.msk [tilespmem:v21+s14+$0x0], $0xffff;
	v20 =	vmul.f32 v46, v44  }
0x619: {  	v8 =	vld.idx.msk [tilespmem:v21+s15+$0x0], $0xffff;
	v14 =	vmul.f32 v13, v1  }
0x61a: {  	v13 =	vmul.f32 v24, v20;
	v24 =	vmul.f32 v52, v18;
	v18 =	vld [tilespmem:$0x1FED0]  }
0x61b: {  	v6 =	vld.idx.msk [tilespmem:v21+s17+$0x0], $0xffff  }
0x61c: {  	v40 =	vld.idx.msk [tilespmem:v15+s15+$0x0], $0xffff  }
0x61d: {  	v43 =	vld.idx.msk [tilespmem:v15+s17+$0x0], $0xffff  }
0x61e: {  	v39 =	vld.idx.msk [tilespmem:v15+s14+$0x0], $0xffff;
	v15 =	vmul.f32 v38, v30  }
0x61f: {  	v21 =	vld.idx.msk [tilespmem:v23+s15+$0x0], $0xffff;
	v30 =	vmul.f32 v54, v53;
	v55 =	vmul.f32 v55, v18  }
0x620: {  	v23 =	vld.idx.msk [tilespmem:v23+s17+$0x0], $0xffff;
	v49 =	vor.u32 $0x5, v0  }
0x621: {  	v16 =	vmul.f32 v22, v16;
	v22 =	vmul.f32 v55, v30;
	v30 =	vld [tilespmem:$0x1FEE0]  }
0x622: {  	v28 =	vld.idx.msk [tilespmem:v34+s14+$0x0], $0xffff;
	v19 =	vor.u32 $0x6, v0  }
0x623: {  	v34 =	vld.idx.msk [tilespmem:v34+s17+$0x0], $0xffff  }
0x624: {  	v54 =	vld.idx.msk [tilespmem:v0+s15+$0x0], $0xffff;
	v1 =	vor.u32 $0x7, v0  }
0x625: {  	v44 =	vld.idx.msk [tilespmem:v49+s14+$0x0], $0xffff  }
0x626: {  	v61 =	vmul.f32 v61, v30;
	v30 =	vld [tilespmem:$0x1FEF0]  }
0x627: {  	v45 =	vld.idx.msk [tilespmem:v19+s14+$0x0], $0xffff  }
0x628: {  	v17 =	vld [tilespmem:$0x1FD90]  }
0x629: {  	v20 =	vmul.f32 v51, v50;
	v51 =	vld.idx.msk [tilespmem:v1+s14+$0x0], $0xffff  }
0x62a: {  	v52 =	vld.idx.msk [tilespmem:v1+s15+$0x0], $0xffff  }
0x62b: {  	v53 =	vld.idx.msk [tilespmem:v1+s17+$0x0], $0xffff;
	v1 =	vmul.f32 v63, v62;
	v4 =	vmul.f32 v4, v30  }
0x62c: {  	v47 =	vld.idx.msk [tilespmem:v19+s15+$0x0], $0xffff  }
0x62d: {  	v38 =	vmul.f32 v4, v1;
	v1 =	vld [tilespmem:$0x1FFD0]  }
0x62e: {  	v50 =	vld.idx.msk [tilespmem:v19+s17+$0x0], $0xffff  }
0x62f: {  	v18 =	vld [tilespmem:$0x1FF90]  }
0x630: {  	v19 =	vld [tilespmem:$0x1FDA0]  }
0x631: {  	v20 =	vmul.f32 v24, v20;
	v24 =	vmul.f32 v57, v56;
	v57 =	vor.u32 $0x1, v0;
	v63 =	vld [tilespmem:$0x1FDB0]  }
0x632: {  	p0 =	sne.s32 s25, $0x170;
	v30 =	vmul.f32 v42, v37;
	v42 =	vmul.f32 v6, v1;
	v1 =	vld [tilespmem:$0x1FFE0]  }
.Ltmp2:
0x633: {  	v46 =	vld.idx.msk [tilespmem:v49+s15+$0x0], $0xffff;
	v17 =	vmul.f32 v41, v17;
	(pc) =	sbr.rel @p0 .LBB2_6-.Ltmp2, $4  }
0x634: {  	v49 =	vld.idx.msk [tilespmem:v49+s17+$0x0], $0xffff;
	v41 =	vmul.f32 v8, v9;
	v18 =	vmul.f32 v25, v18  }
0x635: {  	v55 =	vld.idx.msk [tilespmem:v0+s17+$0x0], $0xffff;
	v25 =	vmul.f32 v58, v19;
	v19 =	vmul.f32 v60, v59  }
0x636: {  	v56 =	vld.idx.msk [tilespmem:v57+s14+$0x0], $0xffff;
	v33 =	vmul.f32 v48, v63;
	v59 =	vmul.f32 v3, v5  }
0x637: {  	s25 =	sadd.s32 $0x10, s25;
	v48 =	vld.idx.msk [tilespmem:v0+s14+$0x0], $0xffff;
	v58 =	vor.u32 $0x2, v0;
	v37 =	vmul.f32 v61, v19;
	v60 =	vmul.f32 v2, v1  }
0x638: {  	v5 =	vld [tilespmem:$0x1FD60];
	_ =	sdelay $0x3  }
0x639: {  	v1 =	vmul.f32 v29, v28;
	v29 =	vld [tilespmem:$0x1FCB0]  }
0x63a: {  	v5 =	vmul.f32 v23, v5;
	v23 =	vld [tilespmem:$0x1FC90]  }
0x63b: {  	v2 =	vld [tilespmem:$0x1FC60];
	_ =	sdelay $0x1  }
0x63c: {  	v3 =	vld.idx.msk [tilespmem:v57+s15+$0x0], $0xffff;
	v4 =	vmul.f32 v21, v7  }
0x63d: {  	v6 =	vld.idx.msk [tilespmem:v57+s17+$0x0], $0xffff;
	v21 =	vmul.f32 v40, v39;
	v28 =	vmul.f32 v46, v44  }
0x63e: {  	v0 =	vor.u32 $0x3, v0;
	v19 =	vld.idx.msk [tilespmem:v58+s15+$0x0], $0xffff;
	v29 =	vmul.f32 v49, v29;
	v23 =	vmul.f32 v43, v23  }
0x63f: {  	v8 =	vmul.f32 v31, v26;
	v26 =	vld.idx.msk [tilespmem:v58+s17+$0x0], $0xffff;
	v2 =	vmul.f32 v34, v2  }
0x640: {  	v21 =	vmul.f32 v23, v21;
	v23 =	vmul.f32 v29, v28;
	v29 =	vld [tilespmem:$0x1FD10]  }
0x641: {  	v1 =	vmul.f32 v2, v1;
	v2 =	vld.idx.msk [tilespmem:v58+s14+$0x0], $0xffff  }
0x642: {  	v46 =	vld [tilespmem:$0x1FD50]  }
0x643: {  	v31 =	vld.idx.msk [tilespmem:v0+s14+$0x0], $0xffff  }
0x644: {  	v49 =	vld.idx.msk [tilespmem:v0+s15+$0x0], $0xffff  }
0x645: {  	v29 =	vmul.f32 v50, v29;
	v50 =	vmul.f32 v52, v51;
	v51 =	vld [tilespmem:$0x1FD30]  }
0x646: {  	v2 =	vmul.f32 v19, v2;
	v19 =	vld [tilespmem:$0x1FD00]  }
0x647: {  	v9 =	vld [tilespmem:$0x1FD40]  }
0x648: {  	v0 =	vld.idx.msk [tilespmem:v0+s17+$0x0], $0xffff  }
0x649: {  	v27 =	vmul.f32 v32, v27;
	v52 =	vmul.f32 v54, v48;
	v54 =	vld [tilespmem:$0x1FCF0]  }
0x64a: {  	v32 =	vmul.f32 v36, v46;
	v36 =	vmul.f32 v53, v51;
	v53 =	vld [tilespmem:$0x1FCE0]  }
0x64b: {  	v19 =	vmul.f32 v26, v19;
	v26 =	vmul.f32 v49, v31;
	v31 =	vld [tilespmem:$0x1FD20];
	_ =	sdelay $0x1  }
0x64c: {  	v9 =	vmul.f32 v35, v9  }
0x64d: {  	v3 =	vmul.f32 v3, v56;
	v28 =	vmul.f32 v47, v45  }
0x64e: {  	v6 =	vmul.f32 v6, v54;
	v40 =	vmul.f32 v55, v53  }
0x64f: {  	v2 =	vmul.f32 v19, v2;
	v0 =	vmul.f32 v0, v31  }
0x650: {  	v3 =	vmul.f32 v6, v3;
	v31 =	vmul.f32 v40, v52  }
0x651: {  	v19 =	vmul.f32 v29, v28;
	v2 =	vadd.f32 $0.0e+00, v2;
	v0 =	vmul.f32 v0, v26  }
0x652: {  	v8 =	vmul.f32 v9, v8;
	v3 =	vadd.f32 $0.0e+00, v3;
	v6 =	vadd.f32 $0.0e+00, v31  }
0x653: {  	v2 =	vadd.f32 v19, v2;
	v26 =	vmul.f32 v36, v50;
	v0 =	vadd.f32 $0.0e+00, v0  }
0x654: {  	v7 =	vmul.f32 v60, v59;
	v3 =	vadd.f32 v23, v3;
	v6 =	vadd.f32 v21, v6  }
0x655: {  	v9 =	vmul.f32 v32, v27;
	v2 =	vadd.f32 v8, v2;
	v0 =	vadd.f32 v26, v0  }
0x656: {  	v1 =	vadd.f32 v1, v3;
	v3 =	vmul.f32 v42, v41;
	v6 =	vadd.f32 v7, v6  }
0x657: {  	v4 =	vmul.f32 v5, v4;
	v0 =	vadd.f32 v9, v0  }
0x658: {  	v2 =	vadd.f32 v3, v2;
	v5 =	vadd.f32 v37, v6;
	v6 =	vmul.f32 v25, v24;
	_ =	sdelay $0x1  }
0x659: {  	v0 =	vadd.f32 v4, v0;
	v3 =	vmul.f32 v33, v30;
	v2 =	vadd.f32 v6, v2;
	v6 =	vld [tilespmem:$0x1FA40];
	_ =	sdelay $0x1  }
0x65a: {  	v0 =	vadd.f32 v3, v0;
	v3 =	vmul.f32 v18, v16  }
0x65b: {  	v4 =	vadd.f32 v20, v5;
	v5 =	vmul.f32 v17, v15  }
0x65c: {  	v0 =	vadd.f32 v3, v0;
	v3 =	vmul.f32 v14, v10  }
0x65d: {  	v2 =	vadd.f32 v5, v2;
	v5 =	vld [tilespmem:$0x1FA20];
	v6 =	vmul.f32 v11, v6  }
0x65e: {  	v0 =	vadd.f32 v3, v0;
	v3 =	vld [tilespmem:$0x1FA10]  }
0x65f: {  	v2 =	vadd.f32 v6, v2;
	v6 =	vld [tilespmem:$0x1FA80]  }
0x660: {  	v4 =	vadd.f32 v12, v4  }
0x661: {  	v1 =	vadd.f32 v38, v1  }
0x662: {  	v4 =	vadd.f32 v5, v4;
	v5 =	vld [tilespmem:$0x1FA30]  }
0x663: {  	v1 =	vadd.f32 v22, v1  }
0x664: {  	v3 =	vmul.f32 v6, v3;
	v6 =	vld [tilespmem:$0x1F9E0]  }
0x665: {  	v1 =	vadd.f32 v13, v1  }
0x666: {  	v7 =	vld [tilespmem:$0x1FA60]  }
0x667: {  	v1 =	vadd.f32 v5, v1;
	v5 =	vld [tilespmem:$0x1FA00];
	_ =	sdelay $0x1  }
0x668: {  	v4 =	vadd.f32 v6, v4;
	v6 =	vld [tilespmem:$0x1F9F0];
	_ =	sdelay $0x2  }
0x669: {  	v5 =	vmul.f32 v7, v5  }
0x66a: {  	v0 =	vadd.f32 v3, v0  }
0x66b: {  	v2 =	vadd.f32 v5, v2;
	v1 =	vadd.f32 v6, v1;
	_ =	sdelay $0x1  }
0x66c: {  	v0 =	vadd.f32 v0, v2;
	v1 =	vadd.f32 v1, v4;
	_ =	sdelay $0x1  }
0x66d: {  	v0 =	vadd.f32 v0, v1  }
0x66e: {  	s24 =	sadd.s32 $0x10, s24  }
0x66f: {  	[tilespmem:s24+$0x0] =	vst v0  }
0x670: {  	_ =	swait.ge [sflag:s21], $0x1000  }
0x671: {  	[sflag:s21] =	ssyncset.done $0x0  }
0x672: {  	[sflag:s21] =	ssyncadd.s32 $0xFFFFF000  }
0x673: {  	_ =	swait.ge [sflag:s21], $0x1000  }
0x674: {  	v1 =	vld [tilespmem:$0x1FFF0];
	_ =	sdelay $0x1  }
0x675: {  	s25 =	simm.s32 $0x180  }
0x676: {  	v0 =	vmov s25  }
0x677: {  	v0 =	vshll.u32 v0, $0x5  }
0x678: {  	v0 =	vor.u32 v1, v0  }
0x679: {  	[sflag:s21] =	ssyncset.done $0x0;
	v1 =	vor.u32 $0x1C, v0  }
0x67a: {  	[sflag:s21] =	ssyncadd.s32 $0xFFFFF000  }
0x67b: {  	_ =	swait.ge [sflag:s21], $0x1000  }
0x67c: {  	[sflag:s21] =	ssyncset.done $0x0;
	v2 =	vor.u32 $0x1D, v0  }
0x67d: {  	[sflag:s21] =	ssyncadd.s32 $0xFFFFF000  }
0x67e: {  	v3 =	vld.idx.msk [tilespmem:v1+s14+$0x0], $0xffff  }
0x67f: {  	v5 =	vor.u32 $0x1E, v0;
	v4 =	vld.idx.msk [tilespmem:v1+s15+$0x0], $0xffff  }
0x680: {  	v1 =	vld.idx.msk [tilespmem:v1+s17+$0x0], $0xffff  }
0x681: {  	v6 =	vld.idx.msk [tilespmem:v2+s14+$0x0], $0xffff  }
0x682: {  	v8 =	vor.u32 $0x1F, v0;
	v7 =	vld.idx.msk [tilespmem:v2+s15+$0x0], $0xffff  }
0x683: {  	v2 =	vld.idx.msk [tilespmem:v2+s17+$0x0], $0xffff  }
0x684: {  	v9 =	vld.idx.msk [tilespmem:v5+s14+$0x0], $0xffff  }
0x685: {  	v10 =	vor.u32 $0x18, v0;
	v11 =	vld.idx.msk [tilespmem:v5+s15+$0x0], $0xffff  }
0x686: {  	v36 =	vld.idx.msk [tilespmem:v5+s17+$0x0], $0xffff  }
0x687: {  	v12 =	vld.idx.msk [tilespmem:v8+s14+$0x0], $0xffff  }
0x688: {  	v13 =	vor.u32 $0x19, v0;
	v14 =	vld.idx.msk [tilespmem:v8+s15+$0x0], $0xffff  }
0x689: {  	v8 =	vld.idx.msk [tilespmem:v8+s17+$0x0], $0xffff  }
0x68a: {  	v15 =	vld.idx.msk [tilespmem:v10+s14+$0x0], $0xffff  }
0x68b: {  	v17 =	vor.u32 $0x1A, v0;
	v16 =	vld.idx.msk [tilespmem:v10+s15+$0x0], $0xffff  }
0x68c: {  	v10 =	vld.idx.msk [tilespmem:v10+s17+$0x0], $0xffff  }
0x68d: {  	v18 =	vld.idx.msk [tilespmem:v13+s14+$0x0], $0xffff  }
0x68e: {  	v20 =	vor.u32 $0x1B, v0;
	v19 =	vld.idx.msk [tilespmem:v13+s15+$0x0], $0xffff  }
0x68f: {  	v13 =	vld.idx.msk [tilespmem:v13+s17+$0x0], $0xffff  }
0x690: {  	v21 =	vld.idx.msk [tilespmem:v17+s14+$0x0], $0xffff  }
0x691: {  	v22 =	vor.u32 $0x14, v0;
	v23 =	vld.idx.msk [tilespmem:v17+s15+$0x0], $0xffff  }
0x692: {  	v17 =	vld.idx.msk [tilespmem:v17+s17+$0x0], $0xffff  }
0x693: {  	v24 =	vld.idx.msk [tilespmem:v20+s14+$0x0], $0xffff  }
0x694: {  	v25 =	vor.u32 $0x15, v0;
	v26 =	vld.idx.msk [tilespmem:v20+s15+$0x0], $0xffff  }
0x695: {  	v20 =	vld.idx.msk [tilespmem:v20+s17+$0x0], $0xffff  }
0x696: {  	v27 =	vld.idx.msk [tilespmem:v22+s14+$0x0], $0xffff  }
0x697: {  	v29 =	vor.u32 $0x16, v0;
	v28 =	vld.idx.msk [tilespmem:v22+s15+$0x0], $0xffff  }
0x698: {  	v22 =	vld.idx.msk [tilespmem:v22+s17+$0x0], $0xffff  }
0x699: {  	v30 =	vld.idx.msk [tilespmem:v25+s14+$0x0], $0xffff  }
0x69a: {  	v55 =	vor.u32 $0x17, v0;
	v31 =	vld.idx.msk [tilespmem:v25+s15+$0x0], $0xffff  }
0x69b: {  	v25 =	vld.idx.msk [tilespmem:v25+s17+$0x0], $0xffff  }
0x69c: {  	v33 =	vld.idx.msk [tilespmem:v29+s14+$0x0], $0xffff  }
0x69d: {  	v56 =	vor.u32 $0x10, v0;
	v35 =	vld.idx.msk [tilespmem:v29+s15+$0x0], $0xffff  }
0x69e: {  	v29 =	vld.idx.msk [tilespmem:v29+s17+$0x0], $0xffff  }
0x69f: {  	v60 =	vld.idx.msk [tilespmem:v55+s14+$0x0], $0xffff  }
0x6a0: {  	v57 =	vor.u32 $0x11, v0;
	v38 =	vld.idx.msk [tilespmem:v55+s15+$0x0], $0xffff  }
0x6a1: {  	v32 =	vld.idx.msk [tilespmem:v55+s17+$0x0], $0xffff  }
0x6a2: {  	v39 =	vld.idx.msk [tilespmem:v56+s14+$0x0], $0xffff  }
0x6a3: {  	v58 =	vor.u32 $0x12, v0;
	v40 =	vld.idx.msk [tilespmem:v56+s15+$0x0], $0xffff  }
0x6a4: {  	v34 =	vld.idx.msk [tilespmem:v56+s17+$0x0], $0xffff  }
0x6a5: {  	v42 =	vld.idx.msk [tilespmem:v57+s14+$0x0], $0xffff  }
0x6a6: {  	v59 =	vor.u32 $0x13, v0;
	v43 =	vld.idx.msk [tilespmem:v57+s15+$0x0], $0xffff  }
0x6a7: {  	v37 =	vld.idx.msk [tilespmem:v57+s17+$0x0], $0xffff  }
0x6a8: {  	v45 =	vld.idx.msk [tilespmem:v58+s14+$0x0], $0xffff  }
0x6a9: {  	v61 =	vor.u32 $0xC, v0;
	v47 =	vld.idx.msk [tilespmem:v58+s15+$0x0], $0xffff  }
0x6aa: {  	v41 =	vld.idx.msk [tilespmem:v58+s17+$0x0], $0xffff  }
0x6ab: {  	v48 =	vld.idx.msk [tilespmem:v59+s14+$0x0], $0xffff  }
0x6ac: {  	v62 =	vor.u32 $0xD, v0;
	v50 =	vld.idx.msk [tilespmem:v59+s15+$0x0], $0xffff  }
0x6ad: {  	v44 =	vld.idx.msk [tilespmem:v59+s17+$0x0], $0xffff  }
0x6ae: {  	v51 =	vld.idx.msk [tilespmem:v61+s14+$0x0], $0xffff  }
0x6af: {  	v63 =	vor.u32 $0xE, v0;
	v52 =	vld.idx.msk [tilespmem:v61+s15+$0x0], $0xffff  }
0x6b0: {  	v46 =	vld.idx.msk [tilespmem:v61+s17+$0x0], $0xffff  }
0x6b1: {  	v54 =	vld.idx.msk [tilespmem:v62+s14+$0x0], $0xffff  }
0x6b2: {  	v55 =	vld.idx.msk [tilespmem:v62+s15+$0x0], $0xffff  }
0x6b3: {  	v56 =	vor.u32 $0xF, v0;
	v49 =	vld.idx.msk [tilespmem:v62+s17+$0x0], $0xffff  }
0x6b4: {  	v57 =	vld.idx.msk [tilespmem:v63+s14+$0x0], $0xffff  }
0x6b5: {  	v3 =	vmul.f32 v4, v3;
	v4 =	vld [tilespmem:$0x1FDF0]  }
0x6b6: {  	v58 =	vor.u32 $0x8, v0;
	v59 =	vld.idx.msk [tilespmem:v63+s15+$0x0], $0xffff  }
0x6b7: {  	v53 =	vld.idx.msk [tilespmem:v63+s17+$0x0], $0xffff  }
0x6b8: {  	v5 =	vld.idx.msk [tilespmem:v56+s14+$0x0], $0xffff  }
0x6b9: {  	v62 =	vld.idx.msk [tilespmem:v56+s15+$0x0], $0xffff  }
0x6ba: {  	v56 =	vld.idx.msk [tilespmem:v56+s17+$0x0], $0xffff;
	v1 =	vmul.f32 v1, v4  }
0x6bb: {  	v63 =	vld.idx.msk [tilespmem:v58+s14+$0x0], $0xffff  }
0x6bc: {  	v1 =	vmul.f32 v1, v3;
	v3 =	vmul.f32 v11, v9;
	v11 =	vld [tilespmem:$0x1FE30]  }
0x6bd: {  	v38 =	vmul.f32 v38, v60;
	v60 =	vld [tilespmem:$0x1FF90]  }
0x6be: {  	v48 =	vmul.f32 v50, v48;
	v50 =	vld.idx.msk [tilespmem:v0+s15+$0x0], $0xffff  }
0x6bf: {  	v6 =	vmul.f32 v7, v6;
	v7 =	vor.u32 $0xA, v0;
	[tilespmem:$0x1F880] =	vst v5;
	v5 =	vld.idx.msk [tilespmem:v58+s15+$0x0], $0xffff  }
0x6c0: {  	v61 =	vor.u32 $0x9, v0;
	v58 =	vld.idx.msk [tilespmem:v58+s17+$0x0], $0xffff  }
0x6c1: {  	v9 =	vmul.f32 v16, v15;
	v16 =	vmul.f32 v10, v11;
	v11 =	vld [tilespmem:$0x1FE40]  }
0x6c2: {  	v4 =	vld [tilespmem:$0x1FE00]  }
0x6c3: {  	v32 =	vmul.f32 v32, v60;
	v60 =	vmul.f32 v55, v54;
	v54 =	vld [tilespmem:$0x1FEF0]  }
0x6c4: {  	v15 =	vld.idx.msk [tilespmem:v7+s14+$0x0], $0xffff  }
0x6c5: {  	[tilespmem:$0x1F890] =	vst v1;
	v1 =	vld.idx.msk [tilespmem:v61+s15+$0x0], $0xffff  }
0x6c6: {  	v13 =	vmul.f32 v13, v11;
	v11 =	vld [tilespmem:$0x1FF00]  }
0x6c7: {  	v2 =	vmul.f32 v2, v4;
	v4 =	vld.idx.msk [tilespmem:v61+s14+$0x0], $0xffff  }
0x6c8: {  	v61 =	vld.idx.msk [tilespmem:v61+s17+$0x0], $0xffff  }
0x6c9: {  	v5 =	vmul.f32 v5, v63;
	v63 =	vld [tilespmem:$0x1FD60]  }
0x6ca: {  	v10 =	vmul.f32 v14, v12;
	v14 =	vld.idx.msk [tilespmem:v7+s15+$0x0], $0xffff  }
0x6cb: {  	v11 =	vmul.f32 v36, v11;
	v36 =	vld.idx.msk [tilespmem:v7+s17+$0x0], $0xffff  }
0x6cc: {  	v7 =	vmul.f32 v16, v9;
	v9 =	vld [tilespmem:$0x1FF20]  }
0x6cd: {  	v1 =	vmul.f32 v1, v4;
	v4 =	vld [tilespmem:$0x1FC60]  }
0x6ce: {  	v55 =	vld [tilespmem:$0x1FDB0];
	v2 =	vmul.f32 v2, v6;
	v6 =	vor.u32 $0xB, v0  }
0x6cf: {  	v56 =	vmul.f32 v56, v63;
	v63 =	vld [tilespmem:$0x1FCF0]  }
0x6d0: {  	v14 =	vmul.f32 v14, v15;
	v15 =	vld [tilespmem:$0x1FD40]  }
0x6d1: {  	v12 =	vmul.f32 v8, v9;
	v9 =	vmul.f32 v23, v21;
	v21 =	vld [tilespmem:$0x1FF40]  }
0x6d2: {  	v4 =	vmul.f32 v61, v4;
	v61 =	vld [tilespmem:$0x1F880]  }
0x6d3: {  	v18 =	vmul.f32 v19, v18;
	v16 =	vld.idx.msk [tilespmem:v6+s14+$0x0], $0xffff  }
0x6d4: {  	v19 =	vor.u32 $0x4, v0;
	v23 =	vld [tilespmem:$0x1FE90]  }
0x6d5: {  	v8 =	vmul.f32 v13, v18;
	v18 =	vld.idx.msk [tilespmem:v6+s15+$0x0], $0xffff  }
0x6d6: {  	v17 =	vmul.f32 v17, v21;
	v21 =	vmul.f32 v28, v27;
	v28 =	vld [tilespmem:$0x1FEA0]  }
0x6d7: {  	v6 =	vld.idx.msk [tilespmem:v6+s17+$0x0], $0xffff  }
0x6d8: {  	v27 =	vmul.f32 v31, v30;
	v30 =	vld [tilespmem:$0x1FF60]  }
0x6d9: {  	v13 =	vor.u32 $0x5, v0;
	v22 =	vmul.f32 v22, v23;
	v23 =	vld.idx.msk [tilespmem:v19+s14+$0x0], $0xffff  }
0x6da: {  	v16 =	vmul.f32 v18, v16;
	v18 =	vld [tilespmem:$0x1FD50]  }
0x6db: {  	v25 =	vmul.f32 v25, v28;
	v28 =	vld.idx.msk [tilespmem:v19+s15+$0x0], $0xffff  }
0x6dc: {  	v24 =	vmul.f32 v26, v24;
	v26 =	vor.u32 $0x6, v0;
	v19 =	vld.idx.msk [tilespmem:v19+s17+$0x0], $0xffff  }
0x6dd: {  	v20 =	vmul.f32 v20, v30;
	v30 =	vld [tilespmem:$0x1FD90]  }
0x6de: {  	v21 =	vmul.f32 v22, v21;
	v22 =	vmul.f32 v25, v27;
	v25 =	vld.idx.msk [tilespmem:v13+s14+$0x0], $0xffff  }
0x6df: {  	v27 =	vmul.f32 v35, v33;
	v33 =	vmul.f32 v40, v39;
	v40 =	vld [tilespmem:$0x1FEC0]  }
0x6e0: {  	v35 =	vmul.f32 v43, v42;
	v43 =	vld [tilespmem:$0x1FED0]  }
0x6e1: {  	v39 =	vld.idx.msk [tilespmem:v26+s14+$0x0], $0xffff  }
0x6e2: {  	v42 =	vmul.f32 v52, v51;
	v52 =	vld [tilespmem:$0x1FEE0]  }
0x6e3: {  	v51 =	vmul.f32 v59, v57;
	v59 =	vld [tilespmem:$0x1FFD0]  }
0x6e4: {  	v31 =	vor.u32 $0x7, v0;
	v29 =	vmul.f32 v29, v30;
	v30 =	vld.idx.msk [tilespmem:v13+s15+$0x0], $0xffff  }
0x6e5: {  	v13 =	vld.idx.msk [tilespmem:v13+s17+$0x0], $0xffff  }
0x6e6: {  	v23 =	vmul.f32 v28, v23;
	v28 =	vld [tilespmem:$0x1FC90]  }
0x6e7: {  	v34 =	vmul.f32 v34, v40;
	v40 =	vld.idx.msk [tilespmem:v26+s15+$0x0], $0xffff  }
0x6e8: {  	v37 =	vmul.f32 v37, v43;
	v26 =	vld.idx.msk [tilespmem:v26+s17+$0x0], $0xffff  }
0x6e9: {  	v43 =	vmul.f32 v46, v52;
	v46 =	vld.idx.msk [tilespmem:v31+s15+$0x0], $0xffff;
	v33 =	vmul.f32 v34, v33  }
0x6ea: {  	v34 =	vmul.f32 v37, v35;
	v35 =	vmul.f32 v47, v45;
	v47 =	vld [tilespmem:$0x1FDA0]  }
0x6eb: {  	v49 =	vmul.f32 v49, v54;
	v52 =	vmul.f32 v53, v59;
	v53 =	vld.idx.msk [tilespmem:v0+s17+$0x0], $0xffff  }
0x6ec: {  	v59 =	vld [tilespmem:$0x1FD30]  }
0x6ed: {  	v45 =	vor.u32 $0x1, v0;
	v42 =	vmul.f32 v43, v42;
	v43 =	vmul.f32 v49, v60;
	v60 =	vld [tilespmem:$0x1FFE0]  }
0x6ee: {  	v25 =	vmul.f32 v30, v25;
	v30 =	vld [tilespmem:$0x1FCB0]  }
0x6ef: {  	v37 =	vmul.f32 v41, v47;
	v41 =	vld.idx.msk [tilespmem:v31+s14+$0x0], $0xffff  }
0x6f0: {  	v49 =	vor.u32 $0x2, v0;
	v31 =	vld.idx.msk [tilespmem:v31+s17+$0x0], $0xffff  }
0x6f1: {  	v47 =	vld.idx.msk [tilespmem:v0+s14+$0x0], $0xffff;
	v0 =	vor.u32 $0x3, v0  }
0x6f2: {  	v44 =	vmul.f32 v44, v55;
	v55 =	vld.idx.msk [tilespmem:v45+s14+$0x0], $0xffff  }
0x6f3: {  	v57 =	vld.idx.msk [tilespmem:v45+s15+$0x0], $0xffff  }
0x6f4: {  	v45 =	vld.idx.msk [tilespmem:v45+s17+$0x0], $0xffff  }
0x6f5: {  	v1 =	vmul.f32 v4, v1;
	v4 =	vld.idx.msk [tilespmem:v49+s14+$0x0], $0xffff  }
0x6f6: {  	v13 =	vmul.f32 v13, v30;
	v30 =	vld.idx.msk [tilespmem:v0+s14+$0x0], $0xffff  }
0x6f7: {  	v6 =	vmul.f32 v6, v18;
	v54 =	vmul.f32 v58, v60;
	v18 =	vld.idx.msk [tilespmem:v0+s15+$0x0], $0xffff  }
0x6f8: {  	v19 =	vmul.f32 v19, v28;
	v28 =	vld.idx.msk [tilespmem:v49+s17+$0x0], $0xffff  }
0x6f9: {  	v5 =	vmul.f32 v54, v5;
	v54 =	vld.idx.msk [tilespmem:v49+s15+$0x0], $0xffff  }
0x6fa: {  	v49 =	vld [tilespmem:$0x1FD00]  }
0x6fb: {  	v15 =	vmul.f32 v36, v15;
	v19 =	vmul.f32 v19, v23;
	v0 =	vld.idx.msk [tilespmem:v0+s17+$0x0], $0xffff  }
0x6fc: {  	v23 =	vmul.f32 v40, v39;
	v18 =	vmul.f32 v18, v30;
	v30 =	vld [tilespmem:$0x1FD20]  }
0x6fd: {  	v58 =	vmul.f32 v62, v61;
	v13 =	vmul.f32 v13, v25;
	v25 =	vld [tilespmem:$0x1FD10]  }
0x6fe: {  	v31 =	vmul.f32 v31, v59;
	v60 =	vmul.f32 v50, v47  }
0x6ff: {  	v62 =	vmul.f32 v57, v55;
	v45 =	vmul.f32 v45, v63  }
0x700: {  	v61 =	vld [tilespmem:$0x1FCE0];
	v4 =	vmul.f32 v54, v4;
	v28 =	vmul.f32 v28, v49  }
0x701: {  	v50 =	vmul.f32 v45, v62;
	v0 =	vmul.f32 v0, v30  }
0x702: {  	v25 =	vmul.f32 v26, v25;
	v4 =	vmul.f32 v28, v4  }
0x703: {  	v26 =	vmul.f32 v46, v41;
	v0 =	vmul.f32 v0, v18  }
0x704: {  	v28 =	vadd.f32 $0.0e+00, v50;
	v23 =	vmul.f32 v25, v23;
	v4 =	vadd.f32 $0.0e+00, v4  }
0x705: {  	v40 =	vmul.f32 v53, v61;
	v25 =	vmul.f32 v31, v26;
	v0 =	vadd.f32 $0.0e+00, v0  }
0x706: {  	v14 =	vmul.f32 v15, v14;
	v13 =	vadd.f32 v13, v28;
	v4 =	vadd.f32 v23, v4  }
0x707: {  	v6 =	vmul.f32 v6, v16;
	v30 =	vmul.f32 v40, v60;
	v0 =	vadd.f32 v25, v0  }
0x708: {  	v1 =	vadd.f32 v1, v13;
	v13 =	vmul.f32 v52, v51;
	v4 =	vadd.f32 v14, v4  }
0x709: {  	v18 =	vadd.f32 $0.0e+00, v30;
	v0 =	vadd.f32 v6, v0;
	v6 =	vmul.f32 v56, v58  }
0x70a: {  	v14 =	vmul.f32 v37, v35;
	v4 =	vadd.f32 v13, v4  }
0x70b: {  	v18 =	vadd.f32 v19, v18;
	v0 =	vadd.f32 v6, v0;
	v6 =	vmul.f32 v44, v48  }
0x70c: {  	v1 =	vadd.f32 v43, v1;
	v13 =	vmul.f32 v29, v27;
	v4 =	vadd.f32 v14, v4  }
0x70d: {  	v5 =	vadd.f32 v5, v18;
	v0 =	vadd.f32 v6, v0;
	v6 =	vmul.f32 v32, v38  }
0x70e: {  	v9 =	vmul.f32 v17, v9;
	v1 =	vadd.f32 v34, v1;
	v4 =	vadd.f32 v13, v4  }
0x70f: {  	v5 =	vadd.f32 v42, v5;
	v0 =	vadd.f32 v6, v0;
	v6 =	vmul.f32 v20, v24  }
0x710: {  	v3 =	vmul.f32 v11, v3;
	v1 =	vadd.f32 v22, v1;
	v4 =	vadd.f32 v9, v4  }
0x711: {  	v5 =	vadd.f32 v33, v5;
	v0 =	vadd.f32 v6, v0;
	v6 =	vmul.f32 v12, v10  }
0x712: {  	v1 =	vadd.f32 v8, v1;
	v8 =	vld [tilespmem:$0x1F890];
	v3 =	vadd.f32 v3, v4  }
0x713: {  	v5 =	vadd.f32 v21, v5;
	v4 =	vadd.f32 v6, v0;
	v0 =	vld [tilespmem:$0x1FFF0];
	_ =	sdelay $0x1  }
0x714: {  	s25 =	simm.s32 $0x190;
	v5 =	vadd.f32 v7, v5  }
0x715: {  	v7 =	vmov s25  }
0x716: {  	v1 =	vadd.f32 v2, v1;
	v2 =	vshll.u32 v7, $0x5;
	v5 =	vadd.f32 v8, v5  }
0x717: {  	v0 =	vor.u32 v0, v2  }
0x718: {  	v1 =	vadd.f32 v1, v5;
	v3 =	vadd.f32 v4, v3;
	v5 =	vor.u32 $0x1E, v0;
	_ =	sdelay $0x1  }
0x719: {  	v1 =	vadd.f32 v3, v1  }
0x71a: {  	s24 =	simm.s32 $0xC7A0  }
0x71b: {  	[tilespmem:s24+$0x0] =	vst v1  }
0x71c: {  	v9 =	vld.idx.msk [tilespmem:v5+s14+$0x0], $0xffff  }
0x71d: {  	v23 =	vor.u32 $0x15, v0;
	v11 =	vld.idx.msk [tilespmem:v5+s15+$0x0], $0xffff  }
0x71e: {  	v8 =	vor.u32 $0x1F, v0;
	v5 =	vld.idx.msk [tilespmem:v5+s17+$0x0], $0xffff;
	_ =	sdelay $0x3  }
0x71f: {  	v38 =	vld.idx.msk [tilespmem:v23+s14+$0x0], $0xffff  }
0x720: {  	v17 =	vor.u32 $0x1A, v0;
	[tilespmem:$0x1F900] =	vst v5;
	v5 =	vld.idx.msk [tilespmem:v8+s17+$0x0], $0xffff  }
0x721: {  	v39 =	vld.idx.msk [tilespmem:v23+s15+$0x0], $0xffff  }
0x722: {  	v40 =	vld.idx.msk [tilespmem:v23+s17+$0x0], $0xffff;
	v23 =	vor.u32 $0x10, v0;
	_ =	sdelay $0x2  }
0x723: {  	v19 =	vor.u32 $0x1B, v0;
	[tilespmem:$0x1F920] =	vst v5;
	v5 =	vld.idx.msk [tilespmem:v17+s17+$0x0], $0xffff;
	_ =	sdelay $0x1  }
0x724: {  	v44 =	vld.idx.msk [tilespmem:v23+s14+$0x0], $0xffff  }
0x725: {  	v46 =	vld.idx.msk [tilespmem:v23+s15+$0x0], $0xffff  }
0x726: {  	v49 =	vld.idx.msk [tilespmem:v23+s17+$0x0], $0xffff  }
0x727: {  	v23 =	vor.u32 $0x13, v0;
	[tilespmem:$0x1F940] =	vst v5;
	v5 =	vld.idx.msk [tilespmem:v19+s17+$0x0], $0xffff;
	_ =	sdelay $0x4  }
0x728: {  	[tilespmem:$0x1F950] =	vst v5;
	v5 =	vld.idx.msk [tilespmem:v23+s14+$0x0], $0xffff;
	_ =	sdelay $0x3  }
0x729: {  	v47 =	vld.idx.msk [tilespmem:v23+s15+$0x0], $0xffff  }
0x72a: {  	[tilespmem:$0x1F960] =	vst v5;
	v5 =	vld.idx.msk [tilespmem:v23+s17+$0x0], $0xffff;
	v23 =	vor.u32 $0xE, v0;
	_ =	sdelay $0x1  }
0x72b: {  	v2 =	vor.u32 $0x1C, v0;
	_ =	sdelay $0x2  }
0x72c: {  	[tilespmem:$0x1F970] =	vst v5;
	v5 =	vld.idx.msk [tilespmem:v23+s17+$0x0], $0xffff;
	_ =	sdelay $0x1  }
0x72d: {  	v3 =	vor.u32 $0x1D, v0;
	v1 =	vld.idx.msk [tilespmem:v2+s14+$0x0], $0xffff  }
0x72e: {  	v4 =	vld.idx.msk [tilespmem:v2+s15+$0x0], $0xffff  }
0x72f: {  	v10 =	vor.u32 $0x18, v0;
	v2 =	vld.idx.msk [tilespmem:v2+s17+$0x0], $0xffff  }
0x730: {  	[tilespmem:$0x1F980] =	vst v5;
	v5 =	vld [tilespmem:$0x1FDF0];
	_ =	sdelay $0x1  }
0x731: {  	v6 =	vld.idx.msk [tilespmem:v3+s14+$0x0], $0xffff  }
0x732: {  	v29 =	vld.idx.msk [tilespmem:v3+s15+$0x0], $0xffff  }
0x733: {  	v13 =	vor.u32 $0x19, v0;
	v15 =	vld.idx.msk [tilespmem:v10+s14+$0x0], $0xffff  }
0x734: {  	v16 =	vld.idx.msk [tilespmem:v10+s15+$0x0], $0xffff;
	v1 =	vmul.f32 v4, v1;
	v2 =	vmul.f32 v2, v5  }
0x735: {  	v10 =	vld.idx.msk [tilespmem:v10+s17+$0x0], $0xffff  }
0x736: {  	v1 =	vmul.f32 v2, v1;
	v2 =	vld [tilespmem:$0x1FE30]  }
0x737: {  	v3 =	vld.idx.msk [tilespmem:v3+s17+$0x0], $0xffff  }
0x738: {  	v18 =	vld.idx.msk [tilespmem:v13+s14+$0x0], $0xffff  }
0x739: {  	v20 =	vld.idx.msk [tilespmem:v13+s15+$0x0], $0xffff  }
0x73a: {  	v13 =	vld.idx.msk [tilespmem:v13+s17+$0x0], $0xffff  }
0x73b: {  	v10 =	vmul.f32 v10, v2;
	v2 =	vld [tilespmem:$0x1FE40]  }
0x73c: {  	v12 =	vld.idx.msk [tilespmem:v8+s14+$0x0], $0xffff  }
0x73d: {  	v14 =	vld.idx.msk [tilespmem:v8+s15+$0x0], $0xffff  }
0x73e: {  	v5 =	vld [tilespmem:$0x1FE00];
	_ =	sdelay $0x1  }
0x73f: {  	v13 =	vmul.f32 v13, v2;
	v2 =	vmul.f32 v11, v9  }
0x740: {  	v4 =	vmul.f32 v29, v6  }
0x741: {  	v22 =	vor.u32 $0x14, v0;
	v21 =	vld.idx.msk [tilespmem:v17+s14+$0x0], $0xffff;
	v6 =	vmul.f32 v16, v15;
	[tilespmem:$0x1F8C0] =	vst v2;
	v2 =	vmul.f32 v14, v12  }
0x742: {  	v24 =	vld.idx.msk [tilespmem:v17+s15+$0x0], $0xffff;
	v3 =	vmul.f32 v3, v5  }
0x743: {  	v41 =	vld.idx.msk [tilespmem:v19+s15+$0x0], $0xffff;
	[tilespmem:$0x1F8D0] =	vst v2;
	v2 =	vmul.f32 v10, v6  }
0x744: {  	[tilespmem:$0x1F8A0] =	vst v1;
	v1 =	vmul.f32 v3, v4;
	v3 =	vld [tilespmem:$0x1F900]  }
0x745: {  	v27 =	vor.u32 $0x8, v0;
	[tilespmem:$0x1F8E0] =	vst v2;
	v2 =	vld [tilespmem:$0x1FF00]  }
0x746: {  	v33 =	vld.idx.msk [tilespmem:v22+s14+$0x0], $0xffff  }
0x747: {  	v36 =	vld.idx.msk [tilespmem:v22+s15+$0x0], $0xffff  }
0x748: {  	v37 =	vld.idx.msk [tilespmem:v22+s17+$0x0], $0xffff  }
0x749: {  	v8 =	vld.idx.msk [tilespmem:v19+s14+$0x0], $0xffff;
	v19 =	vor.u32 $0x16, v0  }
0x74a: {  	v59 =	vld.idx.msk [tilespmem:v27+s14+$0x0], $0xffff;
	v2 =	vmul.f32 v3, v2  }
0x74b: {  	v56 =	vld.idx.msk [tilespmem:v27+s15+$0x0], $0xffff  }
0x74c: {  	[tilespmem:$0x1F910] =	vst v2;
	v2 =	vld [tilespmem:$0x1FEC0]  }
0x74d: {  	v60 =	vld.idx.msk [tilespmem:v27+s17+$0x0], $0xffff  }
0x74e: {  	v28 =	vor.u32 $0x9, v0;
	v42 =	vld.idx.msk [tilespmem:v19+s14+$0x0], $0xffff  }
0x74f: {  	v43 =	vld.idx.msk [tilespmem:v19+s15+$0x0], $0xffff  }
0x750: {  	v22 =	vor.u32 $0x17, v0;
	v3 =	vld [tilespmem:$0x1F920]  }
0x751: {  	[tilespmem:$0x1F8B0] =	vst v1;
	v1 =	vmul.f32 v20, v18;
	v20 =	vmul.f32 v49, v2;
	v2 =	vld [tilespmem:$0x1FF20]  }
0x752: {  	v17 =	vld.idx.msk [tilespmem:v19+s17+$0x0], $0xffff;
	v19 =	vor.u32 $0x11, v0  }
0x753: {  	v27 =	vld.idx.msk [tilespmem:v28+s14+$0x0], $0xffff  }
0x754: {  	v34 =	vld.idx.msk [tilespmem:v28+s17+$0x0], $0xffff  }
0x755: {  	v45 =	vld.idx.msk [tilespmem:v22+s14+$0x0], $0xffff  }
0x756: {  	v29 =	vld.idx.msk [tilespmem:v28+s15+$0x0], $0xffff;
	v2 =	vmul.f32 v3, v2  }
0x757: {  	v53 =	vld.idx.msk [tilespmem:v19+s17+$0x0], $0xffff  }
0x758: {  	[tilespmem:$0x1F930] =	vst v2;
	v2 =	vld [tilespmem:$0x1FED0]  }
0x759: {  	v50 =	vld.idx.msk [tilespmem:v19+s14+$0x0], $0xffff;
	v5 =	vor.u32 $0xB, v0;
	v1 =	vmul.f32 v13, v1  }
0x75a: {  	v52 =	vld.idx.msk [tilespmem:v19+s15+$0x0], $0xffff  }
0x75b: {  	[tilespmem:$0x1F8F0] =	vst v1;
	v1 =	vld [tilespmem:$0x1FE90]  }
0x75c: {  	v3 =	vld [tilespmem:$0x1F940]  }
0x75d: {  	v53 =	vmul.f32 v53, v2;
	v2 =	vld [tilespmem:$0x1FF40]  }
0x75e: {  	v28 =	vld.idx.msk [tilespmem:v5+s14+$0x0], $0xffff  }
0x75f: {  	v11 =	vmul.f32 v36, v33;
	v33 =	vld.idx.msk [tilespmem:v5+s15+$0x0], $0xffff  }
0x760: {  	v36 =	vld.idx.msk [tilespmem:v5+s17+$0x0], $0xffff;
	v14 =	vor.u32 $0x5, v0;
	v5 =	vmul.f32 v37, v1  }
0x761: {  	v1 =	vld [tilespmem:$0x1FEA0]  }
0x762: {  	v12 =	vmul.f32 v5, v11;
	v11 =	vmul.f32 v3, v2;
	v2 =	vld [tilespmem:$0x1FF60]  }
0x763: {  	v3 =	vld [tilespmem:$0x1F950]  }
0x764: {  	v48 =	vld.idx.msk [tilespmem:v22+s15+$0x0], $0xffff  }
0x765: {  	v18 =	vmul.f32 v46, v44;
	v44 =	vld.idx.msk [tilespmem:v14+s14+$0x0], $0xffff  }
0x766: {  	v46 =	vld.idx.msk [tilespmem:v14+s15+$0x0], $0xffff;
	v15 =	vmul.f32 v40, v1  }
0x767: {  	v1 =	vmul.f32 v24, v21;
	v21 =	vmul.f32 v52, v50;
	v50 =	vld.idx.msk [tilespmem:v14+s17+$0x0], $0xffff  }
0x768: {  	v14 =	vmul.f32 v3, v2;
	v2 =	vld [tilespmem:$0x1FD90]  }
0x769: {  	v51 =	vld.idx.msk [tilespmem:v22+s17+$0x0], $0xffff;
	v22 =	vor.u32 $0x12, v0;
	_ =	sdelay $0x3  }
0x76a: {  	v17 =	vmul.f32 v17, v2;
	v2 =	vld [tilespmem:$0x1FF90]  }
0x76b: {  	v54 =	vld.idx.msk [tilespmem:v22+s14+$0x0], $0xffff  }
0x76c: {  	v26 =	vor.u32 $0xF, v0;
	v55 =	vld.idx.msk [tilespmem:v22+s15+$0x0], $0xffff  }
0x76d: {  	v25 =	vld.idx.msk [tilespmem:v22+s17+$0x0], $0xffff;
	v22 =	vor.u32 $0xD, v0  }
0x76e: {  	v19 =	vor.u32 $0xC, v0  }
0x76f: {  	v20 =	vmul.f32 v20, v18;
	v18 =	vmul.f32 v51, v2;
	v2 =	vld [tilespmem:$0x1FDA0];
	_ =	sdelay $0x1  }
0x770: {  	v7 =	vld.idx.msk [tilespmem:v26+s14+$0x0], $0xffff  }
0x771: {  	v63 =	vld.idx.msk [tilespmem:v22+s14+$0x0], $0xffff  }
0x772: {  	v62 =	vld.idx.msk [tilespmem:v19+s17+$0x0], $0xffff  }
0x773: {  	v25 =	vmul.f32 v25, v2;
	v2 =	vld [tilespmem:$0x1FEE0]  }
0x774: {  	v35 =	vor.u32 $0xA, v0;
	v30 =	vld.idx.msk [tilespmem:v22+s15+$0x0], $0xffff  }
0x775: {  	v32 =	vld.idx.msk [tilespmem:v22+s17+$0x0], $0xffff  }
0x776: {  	v57 =	vld.idx.msk [tilespmem:v19+s14+$0x0], $0xffff  }
0x777: {  	v61 =	vld.idx.msk [tilespmem:v19+s15+$0x0], $0xffff  }
0x778: {  	v62 =	vmul.f32 v62, v2;
	v2 =	vld [tilespmem:$0x1FEF0]  }
0x779: {  	v31 =	vld.idx.msk [tilespmem:v35+s15+$0x0], $0xffff  }
0x77a: {  	v22 =	vld.idx.msk [tilespmem:v26+s15+$0x0], $0xffff  }
0x77b: {  	v19 =	vld.idx.msk [tilespmem:v23+s14+$0x0], $0xffff  }
0x77c: {  	v58 =	vld.idx.msk [tilespmem:v23+s15+$0x0], $0xffff;
	v13 =	vmul.f32 v39, v38;
	v38 =	vmul.f32 v61, v57  }
0x77d: {  	v61 =	vmul.f32 v30, v63;
	v63 =	vmul.f32 v32, v2;
	v2 =	vld [tilespmem:$0x1F960]  }
0x77e: {  	v16 =	vor.u32 $0x4, v0;
	v23 =	vld.idx.msk [tilespmem:v26+s17+$0x0], $0xffff  }
0x77f: {  	v26 =	vld.idx.msk [tilespmem:v35+s14+$0x0], $0xffff  }
0x780: {  	v35 =	vld.idx.msk [tilespmem:v35+s17+$0x0], $0xffff;
	v57 =	vor.u32 $0x1, v0  }
0x781: {  	v37 =	vor.u32 $0x7, v0;
	v3 =	vld [tilespmem:$0x1F970]  }
0x782: {  	v30 =	vmul.f32 v47, v2;
	v2 =	vld [tilespmem:$0x1FDB0]  }
0x783: {  	v39 =	vld.idx.msk [tilespmem:v16+s14+$0x0], $0xffff  }
0x784: {  	v10 =	vmul.f32 v41, v8;
	v41 =	vld.idx.msk [tilespmem:v16+s15+$0x0], $0xffff  }
0x785: {  	v59 =	vmul.f32 v56, v59;
	v56 =	vld.idx.msk [tilespmem:v57+s14+$0x0], $0xffff  }
0x786: {  	v24 =	vor.u32 $0x6, v0;
	v52 =	vld.idx.msk [tilespmem:v37+s14+$0x0], $0xffff  }
0x787: {  	v32 =	vmul.f32 v3, v2;
	v2 =	vld [tilespmem:$0x1FFD0]  }
0x788: {  	v3 =	vld [tilespmem:$0x1F980]  }
0x789: {  	v13 =	vmul.f32 v15, v13;
	v15 =	vmul.f32 v43, v42;
	v43 =	vld.idx.msk [tilespmem:v16+s17+$0x0], $0xffff  }
0x78a: {  	v16 =	vmul.f32 v48, v45;
	v48 =	vld.idx.msk [tilespmem:v0+s17+$0x0], $0xffff  }
0x78b: {  	v45 =	vld.idx.msk [tilespmem:v24+s14+$0x0], $0xffff  }
0x78c: {  	v49 =	vld.idx.msk [tilespmem:v24+s15+$0x0], $0xffff  }
0x78d: {  	v42 =	vmul.f32 v3, v2;
	v2 =	vld [tilespmem:$0x1FFE0]  }
0x78e: {  	v21 =	vmul.f32 v53, v21;
	v53 =	vld.idx.msk [tilespmem:v37+s15+$0x0], $0xffff  }
0x78f: {  	v51 =	vld.idx.msk [tilespmem:v24+s17+$0x0], $0xffff  }
0x790: {  	v24 =	vmul.f32 v55, v54;
	v54 =	vld.idx.msk [tilespmem:v37+s17+$0x0], $0xffff  }
0x791: {  	v40 =	vmul.f32 v58, v19;
	v55 =	vld.idx.msk [tilespmem:v0+s15+$0x0], $0xffff;
	v37 =	vmul.f32 v62, v38  }
0x792: {  	s25 =	simm.s32 $0x1A0;
	v58 =	vor.u32 $0x2, v0;
	v38 =	vmul.f32 v63, v61;
	v47 =	vld.idx.msk [tilespmem:v0+s14+$0x0], $0xffff;
	v60 =	vmul.f32 v60, v2  }
.LBB2_8:
0x793: {  	v2 =	vld [tilespmem:$0x1FC60];
	_ =	sdelay $0x4  }
0x794: {  	v27 =	vmul.f32 v29, v27;
	v29 =	vmul.f32 v34, v2;
	v2 =	vld [tilespmem:$0x1FD60];
	_ =	sdelay $0x4  }
0x795: {  	v19 =	vmul.f32 v22, v7;
	v22 =	vmul.f32 v23, v2;
	v2 =	vld [tilespmem:$0x1FD40];
	_ =	sdelay $0x4  }
0x796: {  	v26 =	vmul.f32 v31, v26;
	v31 =	vmul.f32 v35, v2;
	v2 =	vld [tilespmem:$0x1FC90];
	_ =	sdelay $0x1  }
0x797: {  	v27 =	vmul.f32 v29, v27;
	v29 =	vld.idx.msk [tilespmem:v58+s15+$0x0], $0xffff  }
0x798: {  	v23 =	vld.idx.msk [tilespmem:v58+s14+$0x0], $0xffff  }
0x799: {  	v35 =	vld.idx.msk [tilespmem:v58+s17+$0x0], $0xffff  }
0x79a: {  	v58 =	vmul.f32 v43, v2;
	v2 =	vld [tilespmem:$0x1FCB0];
	_ =	sdelay $0x2  }
0x79b: {  	v61 =	vld.idx.msk [tilespmem:v57+s15+$0x0], $0xffff  }
0x79c: {  	v34 =	vld.idx.msk [tilespmem:v57+s17+$0x0], $0xffff  }
0x79d: {  	v57 =	vmul.f32 v60, v59;
	v59 =	vmul.f32 v50, v2;
	v2 =	vld [tilespmem:$0x1FD50];
	_ =	sdelay $0x4  }
0x79e: {  	v28 =	vmul.f32 v33, v28;
	v33 =	vmul.f32 v36, v2;
	v2 =	vld [tilespmem:$0x1FD10];
	_ =	sdelay $0x4  }
0x79f: {  	v63 =	vmul.f32 v51, v2;
	v2 =	vld [tilespmem:$0x1FD30];
	_ =	sdelay $0x2  }
0x7a0: {  	v39 =	vmul.f32 v41, v39;
	_ =	sdelay $0x1  }
0x7a1: {  	v36 =	vmul.f32 v58, v39;
	v58 =	vmul.f32 v54, v2;
	v2 =	vld [tilespmem:$0x1FCE0];
	_ =	sdelay $0x4  }
0x7a2: {  	v48 =	vmul.f32 v48, v2;
	v2 =	vld [tilespmem:$0x1FCF0];
	_ =	sdelay $0x4  }
0x7a3: {  	v34 =	vmul.f32 v34, v2;
	v2 =	vld [tilespmem:$0x1FD00];
	_ =	sdelay $0x1  }
0x7a4: {  	v44 =	vmul.f32 v46, v44  }
0x7a5: {  	v47 =	vmul.f32 v55, v47;
	v23 =	vmul.f32 v29, v23  }
0x7a6: {  	v39 =	vmul.f32 v59, v44;
	v59 =	vmul.f32 v61, v56  }
0x7a7: {  	v61 =	vmul.f32 v48, v47;
	v29 =	vmul.f32 v35, v2  }
0x7a8: {  	v0 =	vor.u32 $0x3, v0  }
0x7a9: {  	v23 =	vmul.f32 v29, v23;
	v29 =	vadd.f32 $0.0e+00, v61;
	_ =	sdelay $0x1  }
0x7aa: {  	v29 =	vadd.f32 v36, v29  }
0x7ab: {  	v9 =	vmul.f32 v11, v1;
	v1 =	vld [tilespmem:$0x1F8E0];
	v34 =	vmul.f32 v34, v59  }
0x7ac: {  	v60 =	vld.idx.msk [tilespmem:v0+s15+$0x0], $0xffff;
	v29 =	vadd.f32 v57, v29  }
0x7ad: {  	v62 =	vmul.f32 v49, v45;
	v43 =	vld.idx.msk [tilespmem:v0+s14+$0x0], $0xffff;
	v34 =	vadd.f32 $0.0e+00, v34  }
0x7ae: {  	v19 =	vmul.f32 v22, v19;
	v0 =	vld.idx.msk [tilespmem:v0+s17+$0x0], $0xffff;
	v22 =	vadd.f32 v37, v29  }
0x7af: {  	v62 =	vmul.f32 v63, v62;
	v2 =	vld [tilespmem:$0x1FD20];
	v34 =	vadd.f32 v39, v34;
	v23 =	vadd.f32 $0.0e+00, v23  }
0x7b0: {  	v20 =	vadd.f32 v20, v22  }
0x7b1: {  	v26 =	vmul.f32 v31, v26;
	v27 =	vadd.f32 v27, v34;
	v23 =	vadd.f32 v62, v23  }
0x7b2: {  	v12 =	vadd.f32 v12, v20  }
0x7b3: {  	v23 =	vadd.f32 v26, v23;
	v26 =	vadd.f32 v38, v27  }
0x7b4: {  	v60 =	vmul.f32 v60, v43;
	v0 =	vmul.f32 v0, v2;
	v6 =	vadd.f32 v1, v12;
	v1 =	vld [tilespmem:$0x1F8F0]  }
0x7b5: {  	v21 =	vadd.f32 v21, v26  }
0x7b6: {  	v53 =	vmul.f32 v53, v52;
	v0 =	vmul.f32 v0, v60  }
0x7b7: {  	v13 =	vadd.f32 v13, v21  }
0x7b8: {  	v63 =	vmul.f32 v58, v53;
	v2 =	vld [tilespmem:$0x1F910];
	v0 =	vadd.f32 $0.0e+00, v0  }
0x7b9: {  	v7 =	vadd.f32 v1, v13;
	v1 =	vld [tilespmem:$0x1F8C0]  }
0x7ba: {  	v28 =	vmul.f32 v33, v28;
	v0 =	vadd.f32 v63, v0;
	_ =	sdelay $0x1  }
0x7bb: {  	v0 =	vadd.f32 v28, v0;
	_ =	sdelay $0x1  }
0x7bc: {  	v0 =	vadd.f32 v19, v0;
	v19 =	vmul.f32 v32, v30;
	v3 =	vmul.f32 v2, v1;
	v1 =	vld [tilespmem:$0x1F8D0]  }
0x7bd: {  	v31 =	vmul.f32 v42, v40;
	v2 =	vld [tilespmem:$0x1F930]  }
0x7be: {  	v16 =	vmul.f32 v18, v16;
	v0 =	vadd.f32 v19, v0  }
0x7bf: {  	v24 =	vmul.f32 v25, v24;
	v23 =	vadd.f32 v31, v23  }
0x7c0: {  	v10 =	vmul.f32 v14, v10;
	v0 =	vadd.f32 v16, v0  }
0x7c1: {  	v15 =	vmul.f32 v17, v15;
	v17 =	vadd.f32 v24, v23  }
0x7c2: {  	v0 =	vadd.f32 v10, v0;
	v4 =	vmul.f32 v2, v1;
	v1 =	vld [tilespmem:$0x1F8A0]  }
0x7c3: {  	v11 =	vadd.f32 v15, v17;
	v2 =	vld [tilespmem:$0x1F8B0]  }
0x7c4: {  	v4 =	vadd.f32 v4, v0;
	v0 =	vld [tilespmem:$0x1FFF0]  }
0x7c5: {  	v5 =	vadd.f32 v9, v11;
	_ =	sdelay $0x1  }
0x7c6: {  	v8 =	vmov s25;
	v3 =	vadd.f32 v3, v5  }
0x7c7: {  	v1 =	vadd.f32 v1, v6;
	v2 =	vadd.f32 v2, v7;
	v6 =	vshll.u32 v8, $0x5  }
0x7c8: {  	v0 =	vor.u32 v0, v6  }
0x7c9: {  	v1 =	vadd.f32 v2, v1;
	v2 =	vadd.f32 v4, v3;
	v5 =	vor.u32 $0x1C, v0;
	_ =	sdelay $0x1  }
0x7ca: {  	v1 =	vadd.f32 v2, v1  }
0x7cb: {  	s24 =	sadd.s32 $0x10, s24;
	v3 =	vor.u32 $0x1D, v0  }
0x7cc: {  	[tilespmem:s24+$0x0] =	vst v1  }
0x7cd: {  	v1 =	vld.idx.msk [tilespmem:v5+s14+$0x0], $0xffff  }
0x7ce: {  	v7 =	vor.u32 $0x1F, v0;
	v27 =	vld.idx.msk [tilespmem:v5+s15+$0x0], $0xffff  }
0x7cf: {  	v10 =	vor.u32 $0x18, v0;
	v11 =	vld.idx.msk [tilespmem:v5+s17+$0x0], $0xffff  }
0x7d0: {  	v29 =	vld.idx.msk [tilespmem:v3+s14+$0x0], $0xffff  }
0x7d1: {  	v15 =	vld.idx.msk [tilespmem:v3+s15+$0x0], $0xffff  }
0x7d2: {  	v12 =	vor.u32 $0x19, v0;
	v17 =	vld.idx.msk [tilespmem:v3+s17+$0x0], $0xffff  }
0x7d3: {  	v2 =	vld.idx.msk [tilespmem:v7+s14+$0x0], $0xffff  }
0x7d4: {  	v18 =	vld.idx.msk [tilespmem:v10+s14+$0x0], $0xffff  }
0x7d5: {  	v13 =	vor.u32 $0x1A, v0;
	v28 =	vld.idx.msk [tilespmem:v10+s15+$0x0], $0xffff  }
0x7d6: {  	v33 =	vld.idx.msk [tilespmem:v10+s17+$0x0], $0xffff  }
0x7d7: {  	v32 =	vld.idx.msk [tilespmem:v12+s14+$0x0], $0xffff  }
0x7d8: {  	v16 =	vor.u32 $0x1B, v0;
	v36 =	vld.idx.msk [tilespmem:v12+s15+$0x0], $0xffff  }
0x7d9: {  	v39 =	vld.idx.msk [tilespmem:v12+s17+$0x0], $0xffff  }
0x7da: {  	v14 =	vld.idx.msk [tilespmem:v13+s14+$0x0], $0xffff  }
0x7db: {  	v19 =	vor.u32 $0x14, v0;
	v20 =	vld.idx.msk [tilespmem:v13+s15+$0x0], $0xffff  }
0x7dc: {  	v24 =	vld.idx.msk [tilespmem:v13+s17+$0x0], $0xffff  }
0x7dd: {  	v10 =	vld.idx.msk [tilespmem:v16+s14+$0x0], $0xffff  }
0x7de: {  	v21 =	vor.u32 $0x15, v0;
	v12 =	vld.idx.msk [tilespmem:v16+s15+$0x0], $0xffff  }
0x7df: {  	v13 =	vld.idx.msk [tilespmem:v16+s17+$0x0], $0xffff  }
0x7e0: {  	v40 =	vld.idx.msk [tilespmem:v19+s14+$0x0], $0xffff  }
0x7e1: {  	v41 =	vld.idx.msk [tilespmem:v19+s15+$0x0], $0xffff  }
0x7e2: {  	v26 =	vor.u32 $0x8, v0;
	v44 =	vld.idx.msk [tilespmem:v19+s17+$0x0], $0xffff  }
0x7e3: {  	v43 =	vld.idx.msk [tilespmem:v21+s14+$0x0], $0xffff  }
0x7e4: {  	v16 =	vor.u32 $0x16, v0;
	v45 =	vld.idx.msk [tilespmem:v21+s15+$0x0], $0xffff  }
0x7e5: {  	v46 =	vld.idx.msk [tilespmem:v21+s17+$0x0], $0xffff  }
0x7e6: {  	[tilespmem:$0x1F850] =	vst v2;
	v2 =	vld.idx.msk [tilespmem:v7+s15+$0x0], $0xffff  }
0x7e7: {  	v5 =	vld.idx.msk [tilespmem:v26+s14+$0x0], $0xffff  }
0x7e8: {  	v19 =	vor.u32 $0x17, v0;
	v3 =	vld.idx.msk [tilespmem:v26+s15+$0x0], $0xffff  }
0x7e9: {  	v30 =	vld.idx.msk [tilespmem:v16+s14+$0x0], $0xffff  }
0x7ea: {  	v38 =	vld.idx.msk [tilespmem:v16+s15+$0x0], $0xffff  }
0x7eb: {  	[tilespmem:$0x1F860] =	vst v2;
	v2 =	vld.idx.msk [tilespmem:v7+s17+$0x0], $0xffff  }
0x7ec: {  	v42 =	vld.idx.msk [tilespmem:v16+s17+$0x0], $0xffff  }
0x7ed: {  	v16 =	vld.idx.msk [tilespmem:v19+s14+$0x0], $0xffff  }
0x7ee: {  	v21 =	vld.idx.msk [tilespmem:v19+s15+$0x0], $0xffff  }
0x7ef: {  	v25 =	vld.idx.msk [tilespmem:v19+s17+$0x0], $0xffff  }
0x7f0: {  	v19 =	vor.u32 $0x12, v0;
	[tilespmem:$0x1F870] =	vst v2;
	v2 =	vld.idx.msk [tilespmem:v26+s17+$0x0], $0xffff  }
0x7f1: {  	v26 =	vmul.f32 v27, v1;
	v1 =	vld [tilespmem:$0x1FDF0];
	_ =	sdelay $0x2  }
0x7f2: {  	v4 =	vor.u32 $0x1E, v0  }
0x7f3: {  	v56 =	vld.idx.msk [tilespmem:v19+s14+$0x0], $0xffff  }
0x7f4: {  	v11 =	vmul.f32 v11, v1;
	v1 =	vld [tilespmem:$0x1FE00]  }
0x7f5: {  	v57 =	vld.idx.msk [tilespmem:v19+s15+$0x0], $0xffff  }
0x7f6: {  	v58 =	vld.idx.msk [tilespmem:v19+s17+$0x0], $0xffff;
	v19 =	vor.u32 $0xD, v0  }
0x7f7: {  	v50 =	vld.idx.msk [tilespmem:v4+s14+$0x0], $0xffff  }
0x7f8: {  	v35 =	vld.idx.msk [tilespmem:v4+s15+$0x0], $0xffff;
	v15 =	vmul.f32 v15, v29  }
0x7f9: {  	v22 =	vor.u32 $0x10, v0;
	v11 =	vmul.f32 v11, v26;
	v17 =	vmul.f32 v17, v1  }
0x7fa: {  	v31 =	vld.idx.msk [tilespmem:v4+s17+$0x0], $0xffff  }
0x7fb: {  	v62 =	vld.idx.msk [tilespmem:v19+s14+$0x0], $0xffff;
	[tilespmem:$0x1F8A0] =	vst v11;
	v11 =	vmul.f32 v17, v15  }
0x7fc: {  	v63 =	vld.idx.msk [tilespmem:v19+s15+$0x0], $0xffff  }
0x7fd: {  	v4 =	vld.idx.msk [tilespmem:v19+s17+$0x0], $0xffff;
	v19 =	vor.u32 $0xA, v0;
	[tilespmem:$0x1F8B0] =	vst v11;
	v11 =	vmul.f32 v35, v50  }
0x7fe: {  	v49 =	vld.idx.msk [tilespmem:v22+s14+$0x0], $0xffff  }
0x7ff: {  	[tilespmem:$0x1F8C0] =	vst v11;
	v11 =	vld [tilespmem:$0x1FF00]  }
0x800: {  	v51 =	vld.idx.msk [tilespmem:v22+s15+$0x0], $0xffff  }
0x801: {  	v23 =	vor.u32 $0x11, v0;
	v52 =	vld.idx.msk [tilespmem:v22+s17+$0x0], $0xffff  }
0x802: {  	v26 =	vld.idx.msk [tilespmem:v19+s14+$0x0], $0xffff  }
0x803: {  	v35 =	vld.idx.msk [tilespmem:v19+s17+$0x0], $0xffff  }
0x804: {  	v11 =	vmul.f32 v31, v11;
	v31 =	vld.idx.msk [tilespmem:v19+s15+$0x0], $0xffff  }
0x805: {  	v19 =	vld [tilespmem:$0x1FE40]  }
0x806: {  	v53 =	vld.idx.msk [tilespmem:v23+s14+$0x0], $0xffff;
	v22 =	vor.u32 $0x13, v0  }
0x807: {  	v54 =	vld.idx.msk [tilespmem:v23+s15+$0x0], $0xffff  }
0x808: {  	v55 =	vld.idx.msk [tilespmem:v23+s17+$0x0], $0xffff  }
0x809: {  	v50 =	vld [tilespmem:$0x1F860]  }
0x80a: {  	v19 =	vmul.f32 v39, v19;
	v39 =	vld [tilespmem:$0x1F850]  }
0x80b: {  	v37 =	vld.idx.msk [tilespmem:v22+s14+$0x0], $0xffff  }
0x80c: {  	v23 =	vor.u32 $0xC, v0;
	v47 =	vld.idx.msk [tilespmem:v22+s15+$0x0], $0xffff  }
0x80d: {  	v1 =	vor.u32 $0xB, v0;
	v17 =	vld [tilespmem:$0x1FE30]  }
0x80e: {  	[tilespmem:$0x1F910] =	vst v11;
	v11 =	vmul.f32 v28, v18;
	v18 =	vmul.f32 v36, v32;
	v36 =	vld [tilespmem:$0x1FF20]  }
0x80f: {  	v32 =	vmul.f32 v50, v39;
	v39 =	vld [tilespmem:$0x1F870]  }
0x810: {  	v48 =	vld.idx.msk [tilespmem:v22+s17+$0x0], $0xffff  }
0x811: {  	v59 =	vld.idx.msk [tilespmem:v23+s14+$0x0], $0xffff  }
0x812: {  	v17 =	vmul.f32 v33, v17;
	v33 =	vld.idx.msk [tilespmem:v1+s15+$0x0], $0xffff  }
0x813: {  	v34 =	vor.u32 $0x9, v0;
	v28 =	vld.idx.msk [tilespmem:v1+s14+$0x0], $0xffff  }
0x814: {  	[tilespmem:$0x1F8D0] =	vst v32;
	v32 =	vmul.f32 v39, v36;
	v36 =	vld.idx.msk [tilespmem:v1+s17+$0x0], $0xffff  }
0x815: {  	v11 =	vmul.f32 v17, v11;
	v1 =	vmul.f32 v20, v14;
	v14 =	vld [tilespmem:$0x1FE90]  }
0x816: {  	v60 =	vld.idx.msk [tilespmem:v23+s15+$0x0], $0xffff  }
0x817: {  	v22 =	vor.u32 $0xE, v0;
	v61 =	vld.idx.msk [tilespmem:v23+s17+$0x0], $0xffff;
	[tilespmem:$0x1F8E0] =	vst v11;
	v11 =	vmul.f32 v19, v18  }
0x818: {  	v29 =	vld.idx.msk [tilespmem:v34+s15+$0x0], $0xffff  }
0x819: {  	[tilespmem:$0x1F8F0] =	vst v11;
	v11 =	vld [tilespmem:$0x1FF40]  }
0x81a: {  	v23 =	vor.u32 $0xF, v0;
	v18 =	vmul.f32 v44, v14;
	v14 =	vld [tilespmem:$0x1FEA0]  }
0x81b: {  	v10 =	vmul.f32 v12, v10;
	v12 =	vld [tilespmem:$0x1FF60]  }
0x81c: {  	v9 =	vld.idx.msk [tilespmem:v22+s14+$0x0], $0xffff  }
0x81d: {  	v8 =	vld.idx.msk [tilespmem:v22+s15+$0x0], $0xffff  }
0x81e: {  	v6 =	vld.idx.msk [tilespmem:v22+s17+$0x0], $0xffff;
	v17 =	vmul.f32 v41, v40  }
0x81f: {  	v7 =	vld.idx.msk [tilespmem:v23+s14+$0x0], $0xffff;
	v11 =	vmul.f32 v24, v11;
	v24 =	vmul.f32 v46, v14  }
0x820: {  	v14 =	vmul.f32 v13, v12;
	v12 =	vmul.f32 v18, v17;
	v18 =	vld [tilespmem:$0x1FEC0]  }
0x821: {  	v22 =	vld.idx.msk [tilespmem:v23+s15+$0x0], $0xffff  }
0x822: {  	v23 =	vld.idx.msk [tilespmem:v23+s17+$0x0], $0xffff;
	v15 =	vor.u32 $0x4, v0  }
0x823: {  	v27 =	vld.idx.msk [tilespmem:v34+s14+$0x0], $0xffff;
	v20 =	vmul.f32 v45, v43  }
0x824: {  	v34 =	vld.idx.msk [tilespmem:v34+s17+$0x0], $0xffff  }
0x825: {  	v19 =	vor.u32 $0x6, v0;
	v13 =	vmul.f32 v24, v20;
	v24 =	vmul.f32 v52, v18;
	v18 =	vld [tilespmem:$0x1FED0]  }
0x826: {  	v62 =	vmul.f32 v63, v62;
	v63 =	vld [tilespmem:$0x1FDB0];
	v40 =	vor.u32 $0x7, v0  }
0x827: {  	v41 =	vld.idx.msk [tilespmem:v15+s15+$0x0], $0xffff  }
0x828: {  	v39 =	vld.idx.msk [tilespmem:v15+s14+$0x0], $0xffff  }
0x829: {  	v43 =	vld.idx.msk [tilespmem:v15+s17+$0x0], $0xffff;
	v15 =	vmul.f32 v38, v30  }
0x82a: {  	v45 =	vld.idx.msk [tilespmem:v19+s14+$0x0], $0xffff;
	v30 =	vmul.f32 v54, v53;
	v55 =	vmul.f32 v55, v18  }
0x82b: {  	v53 =	vld.idx.msk [tilespmem:v40+s15+$0x0], $0xffff  }
0x82c: {  	v16 =	vmul.f32 v21, v16;
	v21 =	vmul.f32 v55, v30;
	v30 =	vld [tilespmem:$0x1FEE0]  }
0x82d: {  	v20 =	vmul.f32 v51, v49;
	v49 =	vld.idx.msk [tilespmem:v19+s15+$0x0], $0xffff  }
0x82e: {  	v51 =	vld.idx.msk [tilespmem:v19+s17+$0x0], $0xffff  }
0x82f: {  	v50 =	vor.u32 $0x5, v0;
	v19 =	vld [tilespmem:$0x1FDA0]  }
0x830: {  	v18 =	vld [tilespmem:$0x1FF90]  }
0x831: {  	v61 =	vmul.f32 v61, v30;
	v30 =	vld [tilespmem:$0x1FEF0]  }
0x832: {  	v54 =	vld.idx.msk [tilespmem:v40+s17+$0x0], $0xffff  }
0x833: {  	[tilespmem:$0x1F930] =	vst v32;
	v32 =	vmul.f32 v48, v63;
	v48 =	vld.idx.msk [tilespmem:v0+s17+$0x0], $0xffff  }
0x834: {  	v44 =	vld.idx.msk [tilespmem:v50+s14+$0x0], $0xffff;
	v20 =	vmul.f32 v24, v20  }
0x835: {  	v46 =	vld.idx.msk [tilespmem:v50+s15+$0x0], $0xffff;
	v24 =	vmul.f32 v57, v56;
	v18 =	vmul.f32 v25, v18  }
0x836: {  	v17 =	vld [tilespmem:$0x1FD90];
	v25 =	vmul.f32 v58, v19;
	v4 =	vmul.f32 v4, v30  }
0x837: {  	v57 =	vor.u32 $0x1, v0;
	v19 =	vmul.f32 v60, v59;
	v59 =	vmul.f32 v3, v5;
	v3 =	vld [tilespmem:$0x1FFE0]  }
0x838: {  	p0 =	sne.s32 s25, $0x1F0;
	v38 =	vmul.f32 v4, v62;
	v4 =	vld [tilespmem:$0x1FFD0]  }
.Ltmp3:
0x839: {  	v50 =	vld.idx.msk [tilespmem:v50+s17+$0x0], $0xffff;
	(pc) =	sbr.rel @p0 .LBB2_8-.Ltmp3, $4  }
0x83a: {  	v52 =	vld.idx.msk [tilespmem:v40+s14+$0x0], $0xffff  }
0x83b: {  	v17 =	vmul.f32 v42, v17;
	v40 =	vmul.f32 v8, v9;
	v55 =	vld.idx.msk [tilespmem:v0+s15+$0x0], $0xffff  }
0x83c: {  	v56 =	vld.idx.msk [tilespmem:v57+s14+$0x0], $0xffff;
	v60 =	vmul.f32 v2, v3;
	v30 =	vmul.f32 v47, v37  }
0x83d: {  	s25 =	sadd.s32 $0x10, s25;
	v58 =	vor.u32 $0x2, v0;
	v47 =	vld.idx.msk [tilespmem:v0+s14+$0x0], $0xffff;
	v37 =	vmul.f32 v61, v19;
	v42 =	vmul.f32 v6, v4  }
0x83e: {  	_ =	sdelay $0x1  }
0x83f: {  	v3 =	vld [tilespmem:$0x1FC60]  }
0x840: {  	v5 =	vld [tilespmem:$0x1FD60]  }
0x841: {  	v6 =	vld.idx.msk [tilespmem:v57+s15+$0x0], $0xffff  }
0x842: {  	v62 =	vld [tilespmem:$0x1FC90]  }
0x843: {  	v9 =	vld [tilespmem:$0x1FD40]  }
0x844: {  	v0 =	vor.u32 $0x3, v0;
	v19 =	vld.idx.msk [tilespmem:v58+s14+$0x0], $0xffff  }
0x845: {  	v63 =	vld.idx.msk [tilespmem:v58+s15+$0x0], $0xffff  }
0x846: {  	v8 =	vmul.f32 v31, v26;
	v31 =	vld.idx.msk [tilespmem:v58+s17+$0x0], $0xffff;
	v5 =	vmul.f32 v23, v5  }
0x847: {  	v23 =	vmul.f32 v43, v62;
	v43 =	vmul.f32 v46, v44;
	v44 =	vld [tilespmem:$0x1FCB0]  }
0x848: {  	v46 =	vld [tilespmem:$0x1FD50]  }
0x849: {  	v3 =	vmul.f32 v34, v3;
	v34 =	vld.idx.msk [tilespmem:v0+s14+$0x0], $0xffff  }
0x84a: {  	v2 =	vmul.f32 v29, v27;
	v27 =	vld.idx.msk [tilespmem:v0+s15+$0x0], $0xffff  }
0x84b: {  	v4 =	vmul.f32 v22, v7;
	v7 =	vmul.f32 v60, v59;
	v62 =	vld [tilespmem:$0x1FCF0]  }
0x84c: {  	v61 =	vmul.f32 v41, v39;
	v19 =	vmul.f32 v63, v19;
	v63 =	vld [tilespmem:$0x1FD00]  }
0x84d: {  	v28 =	vmul.f32 v33, v28;
	v2 =	vmul.f32 v3, v2;
	v3 =	vld.idx.msk [tilespmem:v57+s17+$0x0], $0xffff  }
0x84e: {  	v58 =	vmul.f32 v53, v52;
	v60 =	vmul.f32 v55, v47;
	v57 =	vld [tilespmem:$0x1FD10]  }
0x84f: {  	v9 =	vmul.f32 v35, v9;
	v6 =	vmul.f32 v6, v56  }
0x850: {  	v22 =	vmul.f32 v23, v61;
	v61 =	vld [tilespmem:$0x1FCE0];
	v29 =	vmul.f32 v50, v44  }
0x851: {  	v0 =	vld.idx.msk [tilespmem:v0+s17+$0x0], $0xffff;
	v33 =	vmul.f32 v36, v46;
	v50 =	vmul.f32 v49, v45  }
0x852: {  	v26 =	vmul.f32 v31, v63;
	v44 =	vld [tilespmem:$0x1FD20];
	v3 =	vmul.f32 v3, v62  }
0x853: {  	v27 =	vmul.f32 v27, v34;
	v35 =	vmul.f32 v51, v57  }
0x854: {  	v59 =	vld [tilespmem:$0x1FD30];
	v46 =	vmul.f32 v26, v19;
	v3 =	vmul.f32 v3, v6  }
0x855: {  	v23 =	vmul.f32 v29, v43;
	v43 =	vmul.f32 v48, v61  }
0x856: {  	v47 =	vmul.f32 v35, v50;
	v6 =	vadd.f32 $0.0e+00, v46;
	v3 =	vadd.f32 $0.0e+00, v3  }
0x857: {  	v45 =	vmul.f32 v43, v60;
	v0 =	vmul.f32 v0, v44  }
0x858: {  	v8 =	vmul.f32 v9, v8;
	v6 =	vadd.f32 v47, v6;
	v3 =	vadd.f32 v23, v3  }
0x859: {  	v39 =	vmul.f32 v54, v59;
	v48 =	vadd.f32 $0.0e+00, v45;
	v0 =	vmul.f32 v0, v27  }
0x85a: {  	v6 =	vadd.f32 v8, v6;
	v2 =	vadd.f32 v2, v3;
	v3 =	vmul.f32 v42, v40  }
0x85b: {  	v49 =	vmul.f32 v39, v58;
	v22 =	vadd.f32 v22, v48;
	v0 =	vadd.f32 $0.0e+00, v0  }
0x85c: {  	v52 =	vmul.f32 v25, v24;
	v59 =	vld [tilespmem:$0x1F8C0];
	v3 =	vadd.f32 v3, v6  }
0x85d: {  	v58 =	vld [tilespmem:$0x1F8F0];
	v50 =	vmul.f32 v33, v28;
	v7 =	vadd.f32 v7, v22;
	v0 =	vadd.f32 v49, v0  }
0x85e: {  	v54 =	vmul.f32 v17, v15;
	v63 =	vld [tilespmem:$0x1F8B0];
	v3 =	vadd.f32 v52, v3  }
0x85f: {  	v4 =	vmul.f32 v5, v4;
	v57 =	vld [tilespmem:$0x1F8E0];
	v51 =	vadd.f32 v37, v7;
	v0 =	vadd.f32 v50, v0  }
0x860: {  	v1 =	vmul.f32 v11, v1;
	v61 =	vld [tilespmem:$0x1F930];
	v2 =	vadd.f32 v38, v2;
	v3 =	vadd.f32 v54, v3  }
0x861: {  	v53 =	vmul.f32 v32, v30;
	v60 =	vld [tilespmem:$0x1F910];
	v5 =	vadd.f32 v20, v51;
	v0 =	vadd.f32 v4, v0  }
0x862: {  	v2 =	vadd.f32 v21, v2;
	v1 =	vadd.f32 v1, v3;
	v3 =	vld [tilespmem:$0x1F8D0]  }
0x863: {  	v55 =	vmul.f32 v18, v16;
	v62 =	vld [tilespmem:$0x1F8A0];
	v0 =	vadd.f32 v53, v0  }
0x864: {  	v5 =	vadd.f32 v12, v5;
	v2 =	vadd.f32 v13, v2  }
0x865: {  	v56 =	vmul.f32 v14, v10;
	v0 =	vadd.f32 v55, v0  }
0x866: {  	v5 =	vadd.f32 v57, v5;
	v2 =	vadd.f32 v58, v2  }
0x867: {  	v6 =	vmul.f32 v60, v59;
	v0 =	vadd.f32 v56, v0;
	v3 =	vmul.f32 v61, v3  }
0x868: {  	v4 =	vadd.f32 v62, v5;
	v2 =	vadd.f32 v63, v2  }
0x869: {  	v1 =	vadd.f32 v6, v1;
	v0 =	vadd.f32 v3, v0;
	_ =	sdelay $0x1  }
0x86a: {  	v2 =	vadd.f32 v2, v4;
	v0 =	vadd.f32 v0, v1;
	_ =	sdelay $0x1  }
0x86b: {  	s23 =	sadd.s32 $0x1, s23;
	v0 =	vadd.f32 v0, v2  }
0x86c: {  	s24 =	sadd.s32 $0x10, s24;
	p0 =	sne.s32 s23, s9  }
.Ltmp4:
0x86d: {  	[tilespmem:s24+$0x0] =	vst v0;
	(pc) =	sbr.rel @p0 .LBB2_1-.Ltmp4, $4  }
0x86e: {  	[hbm4b:s8+s3] =	stream.linear.scatter [tilespmem:s22], [sflag:$0x5], $0x200, $0x38;
	[tilespmem:$0xC820] =	vst v63  }
0x86f: {  	_ =	swait.ge [sflag:s12], $0x200  }
0x870: {  	[sflag:s12] =	ssyncset.done $0x0  }
0x871: {  	v1 =	vld [tilespmem:$0x1FFF0];
	[sflag:s12] =	ssyncadd.s32 $0xFFFFFE00  }
0x872: {  	_ =	sfence.sel $0x180000  }
0x873: {  	[bflag:$0x0] =	sbarrier.arrive $0xFFFF  }
0x874: {  	_ =	strace $0x90000047  }
0x875: {  	s0 =	stileid.u32;
	[bflag:$0x2] =	sbarrier.arrive $0xFFFF  }
0x876: {  	p0 =	sne.s32 s0, $0x0;
	s0 =	rddreg [dreg:$0x3]  }
0x877: {  	s0 =	sadd.s32 @!p0 $0x100000, s0  }
0x878: {  	[sflag:s0] =	ssyncadd.tile.s32 @!p0 $0x1;
	_ =	shalt  }
.Lfunc_end2:
_tile_overlayer_lowered:
.L_overlay_start_2:
0x879: {  	(tag) =	ssettag $0x2  }
0x87a: {  	s0 =	rddreg [dreg:$0x0];
	s2 =	stileid.u32  }
0x87b: {  	s1 =	rddreg [dreg:$0x1];
	p0 =	sne.s32 s2, $0x0  }
0x87c: {  	s3 =	rddreg [dreg:$0x2];
	[bflag:$0x3] =	sbarrier.arrive $0xFFFF;
	s2 =	simm.s32 @!p0 $0x1C05  }
0x87d: {  	[timem:s3], [sflag:s2] =	dma.local @!p0 [hbm:s0], s1  }
0x87e: {  	s0 =	simm.s32 @!p0 $0x5  }
0x87f: {  	_ =	swait.ge @!p0 [sflag:s0], s1  }
0x880: {  	s1 =	ssub.s32 @!p0 $0x0, s1;
	[sflag:s0] =	ssyncset.done @!p0 $0x0  }
0x881: {  	[sflag:s0] =	ssyncadd.s32 @!p0 s1  }
0x882: {  	[bflag:$0x3] =	sbarrier.arrive $0xFFFF  }
0x883: {  	_ =	shalt  }

</sc_bundles>
